<compile_context>
chip_gen: v7x
topology: tpu7x:2x2x1
jax: 0.10.2.dev20260603
libtpu: 0.0.44.dev20260713+nightly
codegen_flags: <defaults>
</compile_context>

<pallas_src>
import functools

import jax
import jax.numpy as jnp
from jax import lax
from jax.experimental import pallas as pl
from jax.experimental.pallas import tpu as pltpu
from jax.experimental.pallas import tpu_sc as plsc

N = 50000
E = 1600000
R = 16
NB = 30
H = 16
C = 8

NC = 2
NS = 16
NW = NC * NS
RH = R // NC
EPW = E // NW
EPT = E // NS
CH = 400
CHC = 2000
NROW = 3128
NROW_L = N - (NS - 1) * NROW

_MESH = plsc.VectorSubcoreMesh(core_axis_name="c", subcore_axis_name="s",
                               num_cores=NC, num_subcores=NS)
_SC_PARAMS = pltpu.CompilerParams(needs_layout_passes=False,
                                  use_tc_tiling_on_sc=False)


def _w1_body(b3_ref, m2_ref, out_ref):
    out_ref[...] = lax.dot_general(
        b3_ref[...], m2_ref[...],
        ((((0,), (1,)), ((), ()))),
        preferred_element_type=jnp.float32)


def _w1_call(b3, m2):
    blk = 1280
    grid = (N + blk - 1) // blk
    return pl.pallas_call(
        _w1_body,
        grid=(grid,),
        in_specs=[pl.BlockSpec((NB * H, blk), lambda i: (0, i)),
                  pl.BlockSpec((R * H, NB * H), lambda i: (0, 0))],
        out_specs=pl.BlockSpec((blk, R * H), lambda i: (i, 0)),
        out_shape=jax.ShapeDtypeStruct((N, R * H), jnp.float32),
    )(b3, m2)


@functools.partial(
    pl.kernel,
    out_type=jax.ShapeDtypeStruct((NC * N * RH,), jnp.float32),
    mesh=_MESH,
    compiler_params=_SC_PARAMS,
    scratch_types=[
        pltpu.VMEM((CHC,), jnp.int32),
        pltpu.VMEM((CHC,), jnp.int32),
        pltpu.VMEM((CHC,), jnp.int32),
        pltpu.VMEM((CHC,), jnp.float32),
        pltpu.SemaphoreType.DMA,
        pltpu.SemaphoreType.DMA,
        pltpu.VMEM((25600,), jnp.float32),
        pltpu.VMEM_SHARED((N * RH,), jnp.float32),
    ],
)
def _count_kernel(dst_hbm, typ_hbm, out_hbm,
                  dst_v, typ_v, idx_v, ones_v, semA, semB, cbuf, cnt_sh):
    cid = lax.axis_index("c")
    sid = lax.axis_index("s")
    base = sid * EPT
    zsl = (N * RH) // NS

    def zero_body(j, carry):
        cbuf[pl.ds(j * 16, 16)] = jnp.zeros((16,), jnp.float32)
        return carry
    lax.fori_loop(0, 25600 // 16, zero_body, 0)

    def fill_body(j, carry):
        ones_v[pl.ds(j * 16, 16)] = jnp.full((16,), 1.0, jnp.float32)
        return carry
    lax.fori_loop(0, CHC // 16, fill_body, 0)
    pltpu.sync_copy(cbuf.at[pl.ds(0, zsl)], cnt_sh.at[pl.ds(sid * zsl, zsl)])
    plsc.subcore_barrier()

    tlo = cid * RH

    def chunk_body(k, carry):
        off = base + k * CHC
        cpa = pltpu.async_copy(dst_hbm.at[pl.ds(off, CHC)], dst_v, semA)
        cpb = pltpu.async_copy(typ_hbm.at[pl.ds(off, CHC)], typ_v, semB)
        cpa.wait()
        cpb.wait()

        def vec_body(j, c2):
            d = dst_v[pl.ds(j * 16, 16)]
            t = typ_v[pl.ds(j * 16, 16)] - tlo
            ok = (t >= 0) & (t < RH)
            idx_v[pl.ds(j * 16, 16)] = jnp.where(ok, d * RH + t, -1)
            return c2
        lax.fori_loop(0, CHC // 16, vec_body, 0)
        pltpu.sync_copy(
            ones_v,
            cnt_sh.at[plsc.Indices(idx_v, ignored_value=-1)],
            add=True)
        return carry
    lax.fori_loop(0, EPT // CHC, chunk_body, 0)
    plsc.subcore_barrier()
    pltpu.sync_copy(cnt_sh.at[pl.ds(sid * zsl, zsl)], cbuf.at[pl.ds(0, zsl)])
    pltpu.sync_copy(cbuf.at[pl.ds(0, zsl)],
                    out_hbm.at[pl.ds(cid * N * RH + sid * zsl, zsl)])


def _invn_body(cnt_ref, out_ref):
    lo = 1.0 / jnp.maximum(cnt_ref[0], 1.0)
    hi = 1.0 / jnp.maximum(cnt_ref[1], 1.0)
    out_ref[...] = jnp.concatenate([lo, hi], axis=1)


def _invn_call(cnt3):
    blk = 5000
    return pl.pallas_call(
        _invn_body,
        grid=(N // blk,),
        in_specs=[pl.BlockSpec((NC, blk, RH), lambda i: (0, i, 0))],
        out_specs=pl.BlockSpec((blk, R), lambda i: (i, 0)),
        out_shape=jax.ShapeDtypeStruct((N, R), jnp.float32),
    )(cnt3)


_NCH1 = EPW // CH


@functools.partial(
    pl.kernel,
    out_type=(jax.ShapeDtypeStruct((NC, N, H), jnp.float32),
              jax.ShapeDtypeStruct((E,), jnp.float32)),
    mesh=_MESH,
    compiler_params=_SC_PARAMS,
    scratch_types=(
        [pltpu.VMEM((CH,), jnp.int32)] * 8 +
        [pltpu.VMEM((CH, H), jnp.float32)] * 2 +
        [pltpu.VMEM((CH, R), jnp.float32)] * 2 +
        [pltpu.VMEM((CH,), jnp.float32)] * 2 +
        [pltpu.VMEM((NROW, H), jnp.float32),
         pltpu.VMEM_SHARED((N, H), jnp.float32)] +
        [pltpu.SemaphoreType.DMA] * 6
    ),
)
def _agg1_kernel(src_hbm, dst_hbm, typ_hbm, w1_hbm, invn_hbm,
                 agg_out, inve_out,
                 src0, src1, dst0, dst1, typ0, typ1, idx0, idx1,
                 rows0, rows1, invr0, invr1, inve0, inve1,
                 obuf, agg_sh, semL0, semL1, semI0, semI1, semW0, semW1):
    cid = lax.axis_index("c")
    sid = lax.axis_index("s")
    wid = sid * NC + cid
    base = wid * EPW
    st = sid * NROW
    srcs = [src0, src1]
    dsts = [dst0, dst1]
    typs = [typ0, typ1]
    idxs = [idx0, idx1]
    rows = [rows0, rows1]
    invr = [invr0, invr1]
    inve = [inve0, inve1]
    semL = [semL0, semL1]
    semI = [semI0, semI1]
    semW = [semW0, semW1]

    def zrow_body(r, carry):
        obuf[r, :] = jnp.zeros((16,), jnp.float32)
        return carry
    lax.fori_loop(0, NROW, zrow_body, 0)

    @pl.when(sid < NS - 1)
    def _():
        pltpu.sync_copy(obuf, agg_sh.at[pl.ds(st, NROW)])

    @pl.when(sid == NS - 1)
    def _():
        pltpu.sync_copy(obuf.at[pl.ds(0, NROW_L)],
                        agg_sh.at[pl.ds(st, NROW_L)])
    plsc.subcore_barrier()

    def issue_linear(b, k):
        off = base + k * CH
        pltpu.async_copy(src_hbm.at[pl.ds(off, CH)], srcs[b], semL[b])
        pltpu.async_copy(dst_hbm.at[pl.ds(off, CH)], dsts[b], semL[b])
        pltpu.async_copy(typ_hbm.at[pl.ds(off, CH)], typs[b], semL[b])

    def prep_idx(b, k):
        off = base + k * CH
        pltpu.make_async_copy(src_hbm.at[pl.ds(off, CH)], srcs[b],
                              semL[b]).wait()
        pltpu.make_async_copy(dst_hbm.at[pl.ds(off, CH)], dsts[b],
                              semL[b]).wait()
        pltpu.make_async_copy(typ_hbm.at[pl.ds(off, CH)], typs[b],
                              semL[b]).wait()

        def idx_body(jj, c2):
            s = srcs[b][pl.ds(jj * 16, 16)]
            t = typs[b][pl.ds(jj * 16, 16)]
            idxs[b][pl.ds(jj * 16, 16)] = s * R + t
            return c2
        lax.fori_loop(0, CH // 16, idx_body, 0)

    def issue_gathers(b):
        pltpu.async_copy(invn_hbm.at[dsts[b]], invr[b], semI[b])
        pltpu.async_copy(w1_hbm.at[idxs[b]], rows[b], semW[b])

    def finish(b, k):
        off = base + k * CH
        pltpu.make_async_copy(invn_hbm.at[dsts[b]], invr[b], semI[b]).wait()

        def ext_body(jj, c2):
            t = typs[b][pl.ds(jj * 16, 16)]
            r = jnp.arange(16, dtype=jnp.int32) + jj * 16
            inve[b][pl.ds(jj * 16, 16)] = plsc.load_gather(invr[b], [r, t])
            return c2
        lax.fori_loop(0, CH // 16, ext_body, 0)
        pltpu.make_async_copy(w1_hbm.at[idxs[b]], rows[b], semW[b]).wait()

        def scale_body(g, c2):
            iv = inve[b][pl.ds(g * 16, 16)]
            for l in range(16):
                e = g * 16 + l
                rows[b][e, :] = rows[b][e, :] * iv[l]
            return c2
        lax.fori_loop(0, CH // 16, scale_body, 0)
        return off

    def sub(b, k):
        prep_idx(1 - b, k + 1)
        off = finish(b, k)
        issue_gathers(1 - b)
        pltpu.sync_copy(rows[b], agg_sh.at[dsts[b]], add=True)
        pltpu.sync_copy(inve[b], inve_out.at[pl.ds(off, CH)])

        @pl.when(k + 2 < _NCH1)
        def _():
            issue_linear(b, k + 2)

    issue_linear(0, 0)
    prep_idx(0, 0)
    issue_gathers(0)
    issue_linear(1, 1)

    def pair_body(p, carry):
        sub(0, p * 2)
        sub(1, p * 2 + 1)
        return carry
    lax.fori_loop(0, (_NCH1 - 1) // 2, pair_body, 0)
    offl = finish(0, _NCH1 - 1)
    pltpu.sync_copy(rows[0], agg_sh.at[dsts[0]], add=True)
    pltpu.sync_copy(inve[0], inve_out.at[pl.ds(offl, CH)])
    plsc.subcore_barrier()

    @pl.when(sid < NS - 1)
    def _():
        pltpu.sync_copy(agg_sh.at[pl.ds(st, NROW)], obuf)
        pltpu.sync_copy(obuf, agg_out.at[cid, pl.ds(st, NROW)])

    @pl.when(sid == NS - 1)
    def _():
        pltpu.sync_copy(agg_sh.at[pl.ds(st, NROW_L)],
                        obuf.at[pl.ds(0, NROW_L)])
        pltpu.sync_copy(obuf.at[pl.ds(0, NROW_L)],
                        agg_out.at[cid, pl.ds(st, NROW_L)])


def _mid_body(aggp_ref, root_ref, bias_ref, basis2t_ref, m_ref,
              h_ref, xw_ref):
    h = jnp.maximum(
        aggp_ref[0] + aggp_ref[1] + root_ref[...] + bias_ref[...], 0.0)
    h_ref[...] = h
    hb = jnp.dot(h, basis2t_ref[...], preferred_element_type=jnp.float32)
    xw_ref[...] = jnp.dot(hb, m_ref[...], preferred_element_type=jnp.float32)


def _mid_call(agg1_p, root1, bias1_2d, basis2_t, m_mat):
    blk = 2000
    return pl.pallas_call(
        _mid_body,
        grid=(N // blk,),
        in_specs=[pl.BlockSpec((NC, blk, H), lambda i: (0, i, 0)),
                  pl.BlockSpec((blk, H), lambda i: (i, 0)),
                  pl.BlockSpec((1, H), lambda i: (0, 0)),
                  pl.BlockSpec((H, NB * C), lambda i: (0, 0)),
                  pl.BlockSpec((NB * C, R * C), lambda i: (0, 0))],
        out_specs=(pl.BlockSpec((blk, H), lambda i: (i, 0)),
                   pl.BlockSpec((blk, R * C), lambda i: (i, 0))),
        out_shape=(jax.ShapeDtypeStruct((N, H), jnp.float32),
                   jax.ShapeDtypeStruct((N, R * C), jnp.float32)),
    )(agg1_p, root1, bias1_2d, basis2_t, m_mat)


_NCH2 = EPW // CH


@functools.partial(
    pl.kernel,
    out_type=jax.ShapeDtypeStruct((NC, N, C), jnp.float32),
    mesh=_MESH,
    compiler_params=_SC_PARAMS,
    scratch_types=(
        [pltpu.VMEM((CH,), jnp.int32)] * 8 +
        [pltpu.VMEM((CH,), jnp.float32)] * 2 +
        [pltpu.VMEM((CH, C), jnp.float32)] * 2 +
        [pltpu.VMEM((NROW, C), jnp.float32),
         pltpu.VMEM_SHARED((N, C), jnp.float32)] +
        [pltpu.SemaphoreType.DMA] * 4
    ),
)
def _agg2_kernel(src_hbm, dst_hbm, typ_hbm, xw_hbm, inve_hbm,
                 agg_out,
                 src0, src1, dst0, dst1, typ0, typ1, idx0, idx1,
                 inv0, inv1, rows0, rows1, obuf, agg_sh,
                 semL0, semL1, semG0, semG1):
    cid = lax.axis_index("c")
    sid = lax.axis_index("s")
    wid = sid * NC + cid
    base = wid * EPW
    st = sid * NROW
    lane = jnp.arange(16, dtype=jnp.int32)
    colq = lane & 7
    rowq = lane >> 3
    srcs = [src0, src1]
    dsts = [dst0, dst1]
    typs = [typ0, typ1]
    idxs = [idx0, idx1]
    invs = [inv0, inv1]
    rows = [rows0, rows1]
    semL = [semL0, semL1]
    semG = [semG0, semG1]

    def zrow_body(g, carry):
        rid = g * 2 + rowq
        plsc.store_scatter(obuf, [rid, colq], jnp.zeros((16,), jnp.float32))
        return carry
    lax.fori_loop(0, NROW // 2, zrow_body, 0)

    @pl.when(sid < NS - 1)
    def _():
        pltpu.sync_copy(obuf, agg_sh.at[pl.ds(st, NROW)])

    @pl.when(sid == NS - 1)
    def _():
        pltpu.sync_copy(obuf.at[pl.ds(0, NROW_L)],
                        agg_sh.at[pl.ds(st, NROW_L)])
    plsc.subcore_barrier()

    def issue_linear(b, k):
        off = base + k * CH
        pltpu.async_copy(src_hbm.at[pl.ds(off, CH)], srcs[b], semL[b])
        pltpu.async_copy(dst_hbm.at[pl.ds(off, CH)], dsts[b], semL[b])
        pltpu.async_copy(typ_hbm.at[pl.ds(off, CH)], typs[b], semL[b])
        pltpu.async_copy(inve_hbm.at[pl.ds(off, CH)], invs[b], semL[b])

    def prep_idx(b, k):
        off = base + k * CH
        pltpu.make_async_copy(src_hbm.at[pl.ds(off, CH)], srcs[b],
                              semL[b]).wait()
        pltpu.make_async_copy(dst_hbm.at[pl.ds(off, CH)], dsts[b],
                              semL[b]).wait()
        pltpu.make_async_copy(typ_hbm.at[pl.ds(off, CH)], typs[b],
                              semL[b]).wait()
        pltpu.make_async_copy(inve_hbm.at[pl.ds(off, CH)], invs[b],
                              semL[b]).wait()

        def idx_body(j, c2):
            s = srcs[b][pl.ds(j * 16, 16)]
            t = typs[b][pl.ds(j * 16, 16)]
            idxs[b][pl.ds(j * 16, 16)] = s * R + t
            return c2
        lax.fori_loop(0, CH // 16, idx_body, 0)

    def scale_rows(b):
        def scale_body(g, c2):
            rid = g * 2 + rowq
            iv = plsc.load_gather(invs[b], [rid])
            val = plsc.load_gather(rows[b], [rid, colq])
            plsc.store_scatter(rows[b], [rid, colq], val * iv)
            return c2
        lax.fori_loop(0, CH // 2, scale_body, 0)

    def sub(b, k):
        prep_idx(1 - b, k + 1)
        pltpu.make_async_copy(xw_hbm.at[idxs[b]], rows[b], semG[b]).wait()
        scale_rows(b)
        pltpu.async_copy(xw_hbm.at[idxs[1 - b]], rows[1 - b], semG[1 - b])
        pltpu.sync_copy(rows[b], agg_sh.at[dsts[b]], add=True)

        @pl.when(k + 2 < _NCH2)
        def _():
            issue_linear(b, k + 2)

    issue_linear(0, 0)
    prep_idx(0, 0)
    pltpu.async_copy(xw_hbm.at[idxs[0]], rows[0], semG[0])
    issue_linear(1, 1)

    def pair_body(p, carry):
        sub(0, p * 2)
        sub(1, p * 2 + 1)
        return carry
    lax.fori_loop(0, (_NCH2 - 1) // 2, pair_body, 0)
    pltpu.make_async_copy(xw_hbm.at[idxs[0]], rows[0], semG[0]).wait()
    scale_rows(0)
    pltpu.sync_copy(rows[0], agg_sh.at[dsts[0]], add=True)
    plsc.subcore_barrier()

    @pl.when(sid < NS - 1)
    def _():
        pltpu.sync_copy(agg_sh.at[pl.ds(st, NROW)], obuf)
        pltpu.sync_copy(obuf, agg_out.at[cid, pl.ds(st, NROW)])

    @pl.when(sid == NS - 1)
    def _():
        pltpu.sync_copy(agg_sh.at[pl.ds(st, NROW_L)],
                        obuf.at[pl.ds(0, NROW_L)])
        pltpu.sync_copy(obuf.at[pl.ds(0, NROW_L)],
                        agg_out.at[cid, pl.ds(st, NROW_L)])


def _final_body(aggp_ref, h_ref, root2_ref, bias_ref, out_ref):
    a = (aggp_ref[0] + aggp_ref[1] + bias_ref[...]
         + jnp.dot(h_ref[...], root2_ref[...],
                   preferred_element_type=jnp.float32))
    m = jnp.max(a, axis=1, keepdims=True)
    ex = jnp.exp(a - m)
    lse = jnp.log(jnp.sum(ex, axis=1, keepdims=True))
    out_ref[...] = a - m - lse


def _final_call(agg2_p, h, root2, bias2_2d):
    blk = 2000
    return pl.pallas_call(
        _final_body,
        grid=(N // blk,),
        in_specs=[pl.BlockSpec((NC, blk, C), lambda i: (0, i, 0)),
                  pl.BlockSpec((blk, H), lambda i: (i, 0)),
                  pl.BlockSpec((H, C), lambda i: (0, 0)),
                  pl.BlockSpec((1, C), lambda i: (0, 0))],
        out_specs=pl.BlockSpec((blk, C), lambda i: (i, 0)),
        out_shape=jax.ShapeDtypeStruct((N, C), jnp.float32),
    )(agg2_p, h, root2, bias2_2d)


@jax.jit
def kernel(edge_index, edge_type, basis1, comp1, root1, bias1,
           basis2, comp2, root2, bias2):
    src = edge_index[0].astype(jnp.int32)
    dst = edge_index[1].astype(jnp.int32)
    typ = edge_type.astype(jnp.int32)

    b3 = basis1.transpose(0, 2, 1).reshape(NB * H, N)
    m2 = jnp.kron(comp1, jnp.eye(H, dtype=jnp.float32))
    w1_rows = _w1_call(b3, m2).reshape(N * R, H)
    cnt_p = _count_kernel(dst, typ)
    invn = _invn_call(cnt_p.reshape(NC, N, RH))
    agg1_p, inve = _agg1_kernel(src, dst, typ, w1_rows, invn)

    basis2_t = basis2.transpose(1, 0, 2).reshape(H, NB * C)
    m_mat = jnp.kron(comp2.T, jnp.eye(C, dtype=jnp.float32))
    h, xw = _mid_call(agg1_p, root1, bias1.reshape(1, H), basis2_t, m_mat)
    xw_rows = xw.reshape(N * R, C)

    agg2_p = _agg2_kernel(src, dst, typ, xw_rows, inve)
    return _final_call(agg2_p, h, root2, bias2.reshape(1, C))

# --- scband reference (transcript-rebuilt; emitter-appended) ---
"""Pipeline reference for scband-rgcn-80470507258384 (READ-ONLY COPY).

The authoritative reference and input builder live on the scoring server;
editing this copy changes nothing except your own understanding.
"""

import jax, jax.numpy as jnp
import numpy as np

N = 50000      # n_nodes == in_channels (x is None -> featureless node-id embedding)
E = 1600000    # n_edges
R = 16         # num_relations
NB = 30        # num_bases (hard-coded in RGCN module)
H = 16         # hidden dim of conv1 (hard-coded)
C = 8          # out_channels (num classes)


def setup_inputs(seed: int = 0) -> dict:
    key = jax.random.key(seed)
    ks = jax.random.split(key, 10)
    edge_index = jax.random.randint(ks[0], (2, E), 0, N)
    edge_type = jax.random.randint(ks[1], (E,), 0, R)
    # FastRGCNConv(in_channels=N, 16, R, num_bases=30) parameters
    basis1 = jax.random.normal(ks[2], (NB, N, H), dtype=jnp.float32) * 0.05
    comp1 = jax.random.normal(ks[3], (R, NB), dtype=jnp.float32) * 0.05
    root1 = jax.random.normal(ks[4], (N, H), dtype=jnp.float32) * 0.05
    bias1 = jnp.zeros((H,), jnp.float32)
    # FastRGCNConv(16, C, R, num_bases=30) parameters
    basis2 = jax.random.normal(ks[5], (NB, H, C), dtype=jnp.float32) * 0.05
    comp2 = jax.random.normal(ks[6], (R, NB), dtype=jnp.float32) * 0.05
    root2 = jax.random.normal(ks[7], (H, C), dtype=jnp.float32) * 0.05
    bias2 = jnp.zeros((C,), jnp.float32)
    return {"edge_index": edge_index, "edge_type": edge_type,
            "basis1": basis1, "comp1": comp1, "root1": root1, "bias1": bias1,
            "basis2": basis2, "comp2": comp2, "root2": root2, "bias2": bias2}


def _rgcn_forward(edge_index, edge_type, basis1, comp1, root1, bias1,
                  basis2, comp2, root2, bias2):
    src = edge_index[0]  # x_j (messages flow source -> target)
    dst = edge_index[1]  # aggregation index
    # FastRGCNConv aggr='mean': normalize per (dst, relation) pair: 1/|N_r(i)|
    oh = jax.nn.one_hot(edge_type, R, dtype=jnp.float32)          # [E, R]
    cnt = jax.ops.segment_sum(oh, dst, num_segments=N)            # [N, R]
    norm = jnp.maximum(cnt[dst, edge_type], 1.0)                  # [E]
    # ---- layer 1: x is None -> weight[edge_type, src] is an embedding gather ----
    w1 = jnp.einsum('rb,bio->rio', comp1, basis1)                 # [R, N, H]
    msg1 = w1[edge_type, src] / norm[:, None]                     # [E, H]
    agg1 = jax.ops.segment_sum(msg1, dst, num_segments=N)         # [N, H]
    # root weight with x=None: root[node_id] == root itself
    h = jax.nn.relu(agg1 + root1 + bias1)                         # [N, H]
    # ---- layer 2: standard basis-decomposed relational conv ----
    w2 = jnp.einsum('rb,bio->rio', comp2, basis2)                 # [R, H, C]
    xw = jnp.einsum('ni,rio->nro', h, w2)                         # [N, R, C] (== x_j @ W[edge_type] per edge)
    msg2 = xw[src, edge_type] / norm[:, None]                     # [E, C]
    agg2 = jax.ops.segment_sum(msg2, dst, num_segments=N)         # [N, C]
    out = agg2 + h @ root2 + bias2                                # [N, C]
    return jax.nn.log_softmax(out, axis=1)


def reference(edge_index, edge_type, basis1, comp1, root1, bias1,
              basis2, comp2, root2, bias2):
    return _rgcn_forward(edge_index, edge_type, basis1, comp1, root1, bias1,
                         basis2, comp2, root2, bias2)

if __name__ == "__main__":
    import jax
    _d = setup_inputs()
    print(jax.jit(kernel)(*tuple(_d.values())))

</pallas_src>

<mosaic_0001>
#map = affine_map<(d0, d1) -> (0)>
module attributes {stable_mosaic.version = 14 : i64} {
  func.func @_count_kernel(%arg0: i32, %arg1: i32, %arg2: memref<1600000xi32, #tpu.memory_space<hbm>>, %arg3: memref<1600000xi32, #tpu.memory_space<hbm>>, %arg4: memref<800000xf32, #tpu.memory_space<hbm>>, %arg5: memref<2000xi32, #tpu.memory_space<vmem>>, %arg6: memref<2000xi32, #tpu.memory_space<vmem>>, %arg7: memref<2000xi32, #tpu.memory_space<vmem>>, %arg8: memref<2000xf32, #tpu.memory_space<vmem>>, %arg9: memref<!tpu.dma_semaphore, #tpu.memory_space<semaphore_mem>>, %arg10: memref<!tpu.dma_semaphore, #tpu.memory_space<semaphore_mem>>, %arg11: memref<25600xf32, #tpu.memory_space<vmem>>, %arg12: memref<400000xf32, #tpu.memory_space<vmem_shared>>) attributes {dimension_semantics = [#tpu.dimension_semantics<core_parallel>, #tpu.dimension_semantics<subcore_parallel>], iteration_bounds = array<i64: 2, 16>, scalar_prefetch = 0 : i64, scratch_operands = 8 : i64, tpu.core_type = #tpu.core_type<sc_vector_subcore>, window_params = [{transform_indices = #map}, {transform_indices = #map}, {transform_indices = #map}]} {
    %mul3A = arith.constant 100000 : i32
    %mul3A_0 = arith.muli %arg1, %mul3A : i32
    %scan3A = arith.constant 0 : i32
    %scan3A_1 = arith.constant 0 : i32
    %scan3A_2 = arith.constant 1600 : i32
    %scan3A_3 = arith.addi %scan3A_1, %scan3A_2 : i32
    %scan3A_4 = arith.constant 1 : i32
    scf.for %scan3A_31 = %scan3A_1 to %scan3A_3 step %scan3A_4  : i32 {
      %broadcast_in_dim3A = arith.constant 0.000000e+00 : f32
      %broadcast_in_dim3A_32 = vector.broadcast %broadcast_in_dim3A : f32 to vector<16xf32>
      %mul3A_33 = arith.constant 16 : i32
      %mul3A_34 = arith.muli %scan3A_31, %mul3A_33 : i32
      %swap3A = arith.index_cast %mul3A_34 : i32 to index
      %swap3A_35 = tpu.vector_load %arg11[%swap3A] {strides = array<i32>} : memref<25600xf32, #tpu.memory_space<vmem>>, vector<16xf32>,
      tpu.vector_store %arg11[%swap3A], %broadcast_in_dim3A_32 {strides = array<i32>} : memref<25600xf32, #tpu.memory_space<vmem>>, vector<16xf32>,
    }
    %scan3A_5 = arith.constant 1600 : i32
    %scan3A_6 = arith.constant 0 : i32
    %scan3A_7 = arith.constant 0 : i32
    %scan3A_8 = arith.constant 125 : i32
    %scan3A_9 = arith.addi %scan3A_7, %scan3A_8 : i32
    %scan3A_10 = arith.constant 1 : i32
    scf.for %scan3A_31 = %scan3A_7 to %scan3A_9 step %scan3A_10  : i32 {
      %broadcast_in_dim3A = arith.constant 1.000000e+00 : f32
      %broadcast_in_dim3A_32 = vector.broadcast %broadcast_in_dim3A : f32 to vector<16xf32>
      %mul3A_33 = arith.constant 16 : i32
      %mul3A_34 = arith.muli %scan3A_31, %mul3A_33 : i32
      %swap3A = arith.index_cast %mul3A_34 : i32 to index
      %swap3A_35 = tpu.vector_load %arg8[%swap3A] {strides = array<i32>} : memref<2000xf32, #tpu.memory_space<vmem>>, vector<16xf32>,
      tpu.vector_store %arg8[%swap3A], %broadcast_in_dim3A_32 {strides = array<i32>} : memref<2000xf32, #tpu.memory_space<vmem>>, vector<16xf32>,
    }
    %scan3A_11 = arith.constant 125 : i32
    %mul3A_12 = arith.constant 25000 : i32
    %mul3A_13 = arith.muli %arg1, %mul3A_12 : i32
    "tpu.region"() ({
      %run_scoped3A = tpu.sem_alloc : memref<!tpu.dma_semaphore, #tpu.memory_space<semaphore_mem>>
      %dma_start3A = arith.constant 0 : i32
      %dma_start3A_31 = tpu.memref_slice %arg11[%dma_start3A] : memref<25600xf32, #tpu.memory_space<vmem>> -> memref<25000xf32, #tpu.memory_space<vmem>>
      %dma_start3A_32 = tpu.memref_slice %arg12[%mul3A_13] : memref<400000xf32, #tpu.memory_space<vmem_shared>> -> memref<25000xf32, #tpu.memory_space<vmem_shared>>
      %dma_start3A_33 = tpu.memref_slice %arg12[%mul3A_13] : memref<400000xf32, #tpu.memory_space<vmem_shared>> -> memref<25000xf32, #tpu.memory_space<vmem_shared>>
      %dma_start3A_34 = arith.constant 0 : i32
      %dma_start3A_35 = tpu.memref_slice %arg11[%dma_start3A_34] : memref<25600xf32, #tpu.memory_space<vmem>> -> memref<25000xf32, #tpu.memory_space<vmem>>
      tpu.enqueue_dma source(%dma_start3A_35 : memref<25000xf32, #tpu.memory_space<vmem>>) target(%dma_start3A_33 : memref<25000xf32, #tpu.memory_space<vmem_shared>>) target_semaphore(%run_scoped3A : memref<!tpu.dma_semaphore, #tpu.memory_space<semaphore_mem>>)
      %dma_wait3A = arith.constant 0 : i32
      %dma_wait3A_36 = tpu.memref_slice %arg11[%dma_wait3A] : memref<25600xf32, #tpu.memory_space<vmem>> -> memref<25000xf32, #tpu.memory_space<vmem>>
      %dma_wait3A_37 = tpu.memref_slice %arg12[%mul3A_13] : memref<400000xf32, #tpu.memory_space<vmem_shared>> -> memref<25000xf32, #tpu.memory_space<vmem_shared>>
      %dma_wait3A_38 = tpu.memref_slice %arg12[%mul3A_13] : memref<400000xf32, #tpu.memory_space<vmem_shared>> -> memref<25000xf32, #tpu.memory_space<vmem_shared>>
      %dma_wait3A_39 = arith.constant 0 : i32
      %dma_wait3A_40 = tpu.memref_slice %arg11[%dma_wait3A_39] : memref<25600xf32, #tpu.memory_space<vmem>> -> memref<25000xf32, #tpu.memory_space<vmem>>
      tpu.wait_dma2 semaphore(%run_scoped3A : memref<!tpu.dma_semaphore, #tpu.memory_space<semaphore_mem>>) src(%dma_wait3A_40 : memref<25000xf32, #tpu.memory_space<vmem>>) dst(%dma_wait3A_38 : memref<25000xf32, #tpu.memory_space<vmem_shared>>)
      tpu.yield
    }) : () -> ()
    %barrier3A = arith.constant 0 : index
    tpu.barrier barrier_id(%barrier3A)
    %mul3A_14 = arith.constant 8 : i32
    %mul3A_15 = arith.muli %arg0, %mul3A_14 : i32
    %scan3A_16 = arith.constant 0 : i32
    %scan3A_17 = arith.constant 0 : i32
    %scan3A_18 = arith.constant 50 : i32
    %scan3A_19 = arith.addi %scan3A_17, %scan3A_18 : i32
    %scan3A_20 = arith.constant 1 : i32
    scf.for %scan3A_31 = %scan3A_17 to %scan3A_19 step %scan3A_20  : i32 {
      %mul3A_32 = arith.constant 2000 : i32
      %mul3A_33 = arith.muli %scan3A_31, %mul3A_32 : i32
      %add3A_34 = arith.addi %mul3A_0, %mul3A_33 : i32
      %dma_start3A = tpu.memref_slice %arg2[%add3A_34] : memref<1600000xi32, #tpu.memory_space<hbm>> -> memref<2000xi32, #tpu.memory_space<hbm>>
      %dma_start3A_35 = tpu.memref_slice %arg2[%add3A_34] : memref<1600000xi32, #tpu.memory_space<hbm>> -> memref<2000xi32, #tpu.memory_space<hbm>>
      tpu.enqueue_dma source(%dma_start3A_35 : memref<2000xi32, #tpu.memory_space<hbm>>) target(%arg5 : memref<2000xi32, #tpu.memory_space<vmem>>) target_semaphore(%arg9 : memref<!tpu.dma_semaphore, #tpu.memory_space<semaphore_mem>>)
      %dma_start3A_36 = tpu.memref_slice %arg3[%add3A_34] : memref<1600000xi32, #tpu.memory_space<hbm>> -> memref<2000xi32, #tpu.memory_space<hbm>>
      %dma_start3A_37 = tpu.memref_slice %arg3[%add3A_34] : memref<1600000xi32, #tpu.memory_space<hbm>> -> memref<2000xi32, #tpu.memory_space<hbm>>
      tpu.enqueue_dma source(%dma_start3A_37 : memref<2000xi32, #tpu.memory_space<hbm>>) target(%arg6 : memref<2000xi32, #tpu.memory_space<vmem>>) target_semaphore(%arg10 : memref<!tpu.dma_semaphore, #tpu.memory_space<semaphore_mem>>)
      %dma_wait3A = tpu.memref_slice %arg2[%add3A_34] : memref<1600000xi32, #tpu.memory_space<hbm>> -> memref<2000xi32, #tpu.memory_space<hbm>>
      %dma_wait3A_38 = tpu.memref_slice %arg2[%add3A_34] : memref<1600000xi32, #tpu.memory_space<hbm>> -> memref<2000xi32, #tpu.memory_space<hbm>>
      tpu.wait_dma2 semaphore(%arg9 : memref<!tpu.dma_semaphore, #tpu.memory_space<semaphore_mem>>) src(%dma_wait3A_38 : memref<2000xi32, #tpu.memory_space<hbm>>) dst(%arg5 : memref<2000xi32, #tpu.memory_space<vmem>>)
      %dma_wait3A_39 = tpu.memref_slice %arg3[%add3A_34] : memref<1600000xi32, #tpu.memory_space<hbm>> -> memref<2000xi32, #tpu.memory_space<hbm>>
      %dma_wait3A_40 = tpu.memref_slice %arg3[%add3A_34] : memref<1600000xi32, #tpu.memory_space<hbm>> -> memref<2000xi32, #tpu.memory_space<hbm>>
      tpu.wait_dma2 semaphore(%arg10 : memref<!tpu.dma_semaphore, #tpu.memory_space<semaphore_mem>>) src(%dma_wait3A_40 : memref<2000xi32, #tpu.memory_space<hbm>>) dst(%arg6 : memref<2000xi32, #tpu.memory_space<vmem>>)
      %scan3A_41 = arith.constant 0 : i32
      %scan3A_42 = arith.constant 0 : i32
      %scan3A_43 = arith.constant 125 : i32
      %scan3A_44 = arith.addi %scan3A_42, %scan3A_43 : i32
      %scan3A_45 = arith.constant 1 : i32
      scf.for %scan3A_47 = %scan3A_42 to %scan3A_44 step %scan3A_45  : i32 {
        %mul3A_48 = arith.constant 16 : i32
        %mul3A_49 = arith.muli %scan3A_47, %mul3A_48 : i32
        %get3A = arith.index_cast %mul3A_49 : i32 to index
        %get3A_50 = tpu.vector_load %arg5[%get3A] {strides = array<i32>} : memref<2000xi32, #tpu.memory_space<vmem>>, vector<16xi32>,
        %mul3A_51 = arith.constant 16 : i32
        %mul3A_52 = arith.muli %scan3A_47, %mul3A_51 : i32
        %get3A_53 = arith.index_cast %mul3A_52 : i32 to index
        %get3A_54 = tpu.vector_load %arg6[%get3A_53] {strides = array<i32>} : memref<2000xi32, #tpu.memory_space<vmem>>, vector<16xi32>,
        %sub3A = vector.broadcast %mul3A_15 : i32 to vector<16xi32>
        %sub3A_55 = arith.subi %get3A_54, %sub3A : vector<16xi32>
        %ge3A = arith.constant 0 : i32
        %ge3A_56 = vector.broadcast %ge3A : i32 to vector<16xi32>
        %ge3A_57 = arith.cmpi sge, %sub3A_55, %ge3A_56 : vector<16xi32>
        %lt3A = arith.constant 8 : i32
        %lt3A_58 = vector.broadcast %lt3A : i32 to vector<16xi32>
        %lt3A_59 = arith.cmpi slt, %sub3A_55, %lt3A_58 : vector<16xi32>
        %and3A = arith.andi %ge3A_57, %lt3A_59 : vector<16xi1>
        %mul3A_60 = arith.constant 8 : i32
        %mul3A_61 = vector.broadcast %mul3A_60 : i32 to vector<16xi32>
        %mul3A_62 = arith.muli %get3A_50, %mul3A_61 : vector<16xi32>
        %add3A_63 = arith.addi %mul3A_62, %sub3A_55 : vector<16xi32>
        %jit3A = arith.constant -1 : i32
        %broadcast_in_dim3A = vector.broadcast %jit3A : i32 to vector<16xi32>
        %select_n3A = arith.select %and3A, %add3A_63, %broadcast_in_dim3A : vector<16xi1>, vector<16xi32>
        %mul3A_64 = arith.constant 16 : i32
        %mul3A_65 = arith.muli %scan3A_47, %mul3A_64 : i32
        %swap3A = arith.index_cast %mul3A_65 : i32 to index
        %swap3A_66 = tpu.vector_load %arg7[%swap3A] {strides = array<i32>} : memref<2000xi32, #tpu.memory_space<vmem>>, vector<16xi32>,
        tpu.vector_store %arg7[%swap3A], %select_n3A {strides = array<i32>} : memref<2000xi32, #tpu.memory_space<vmem>>, vector<16xi32>,
      }
      %scan3A_46 = arith.constant 125 : i32
      "tpu.region"() ({
        %run_scoped3A = tpu.sem_alloc : memref<!tpu.dma_semaphore, #tpu.memory_space<semaphore_mem>>
        %dma_start3A_47 = arith.constant 0 : i32
        %dma_start3A_48 = tpu.memref_slice %arg12[%dma_start3A_47] : memref<400000xf32, #tpu.memory_space<vmem_shared>> -> memref<400000xf32, #tpu.memory_space<vmem_shared>>
        %dma_start3A_49 = arith.constant -1 : i32
        tpu.enqueue_indirect_dma source(%arg8 : memref<2000xf32, #tpu.memory_space<vmem>>) target(%dma_start3A_48 : memref<400000xf32, #tpu.memory_space<vmem_shared>>) offsets(%arg7 : memref<2000xi32, #tpu.memory_space<vmem>>) offset_filter(%dma_start3A_49) semaphore(%run_scoped3A : memref<!tpu.dma_semaphore, #tpu.memory_space<semaphore_mem>>) {add = true}
        %dma_wait3A_50 = arith.constant 0 : i32
        %dma_wait3A_51 = tpu.memref_slice %arg12[%dma_wait3A_50] : memref<400000xf32, #tpu.memory_space<vmem_shared>> -> memref<400000xf32, #tpu.memory_space<vmem_shared>>
        tpu.wait_indirect_dma semaphore(%run_scoped3A : memref<!tpu.dma_semaphore, #tpu.memory_space<semaphore_mem>>) src(%arg8 : memref<2000xf32, #tpu.memory_space<vmem>>) dst(%dma_wait3A_51 : memref<400000xf32, #tpu.memory_space<vmem_shared>>)
        tpu.yield
      }) : () -> ()
    }
    %scan3A_21 = arith.constant 50 : i32
    %barrier3A_22 = arith.constant 0 : index
    tpu.barrier barrier_id(%barrier3A_22)
    %mul3A_23 = arith.constant 25000 : i32
    %mul3A_24 = arith.muli %arg1, %mul3A_23 : i32
    "tpu.region"() ({
      %run_scoped3A = tpu.sem_alloc : memref<!tpu.dma_semaphore, #tpu.memory_space<semaphore_mem>>
      %dma_start3A = arith.constant 0 : i32
      %dma_start3A_31 = tpu.memref_slice %arg11[%dma_start3A] : memref<25600xf32, #tpu.memory_space<vmem>> -> memref<25000xf32, #tpu.memory_space<vmem>>
      %dma_start3A_32 = tpu.memref_slice %arg12[%mul3A_24] : memref<400000xf32, #tpu.memory_space<vmem_shared>> -> memref<25000xf32, #tpu.memory_space<vmem_shared>>
      %dma_start3A_33 = arith.constant 0 : i32
      %dma_start3A_34 = tpu.memref_slice %arg11[%dma_start3A_33] : memref<25600xf32, #tpu.memory_space<vmem>> -> memref<25000xf32, #tpu.memory_space<vmem>>
      %dma_start3A_35 = tpu.memref_slice %arg12[%mul3A_24] : memref<400000xf32, #tpu.memory_space<vmem_shared>> -> memref<25000xf32, #tpu.memory_space<vmem_shared>>
      tpu.enqueue_dma source(%dma_start3A_35 : memref<25000xf32, #tpu.memory_space<vmem_shared>>) target(%dma_start3A_34 : memref<25000xf32, #tpu.memory_space<vmem>>) target_semaphore(%run_scoped3A : memref<!tpu.dma_semaphore, #tpu.memory_space<semaphore_mem>>)
      %dma_wait3A = arith.constant 0 : i32
      %dma_wait3A_36 = tpu.memref_slice %arg11[%dma_wait3A] : memref<25600xf32, #tpu.memory_space<vmem>> -> memref<25000xf32, #tpu.memory_space<vmem>>
      %dma_wait3A_37 = tpu.memref_slice %arg12[%mul3A_24] : memref<400000xf32, #tpu.memory_space<vmem_shared>> -> memref<25000xf32, #tpu.memory_space<vmem_shared>>
      %dma_wait3A_38 = arith.constant 0 : i32
      %dma_wait3A_39 = tpu.memref_slice %arg11[%dma_wait3A_38] : memref<25600xf32, #tpu.memory_space<vmem>> -> memref<25000xf32, #tpu.memory_space<vmem>>
      %dma_wait3A_40 = tpu.memref_slice %arg12[%mul3A_24] : memref<400000xf32, #tpu.memory_space<vmem_shared>> -> memref<25000xf32, #tpu.memory_space<vmem_shared>>
      tpu.wait_dma2 semaphore(%run_scoped3A : memref<!tpu.dma_semaphore, #tpu.memory_space<semaphore_mem>>) src(%dma_wait3A_40 : memref<25000xf32, #tpu.memory_space<vmem_shared>>) dst(%dma_wait3A_39 : memref<25000xf32, #tpu.memory_space<vmem>>)
      tpu.yield
    }) : () -> ()
    %mul3A_25 = arith.constant 50000 : i32
    %mul3A_26 = arith.muli %arg0, %mul3A_25 : i32
    %mul3A_27 = arith.constant 8 : i32
    %mul3A_28 = arith.muli %mul3A_26, %mul3A_27 : i32
    %mul3A_29 = arith.constant 25000 : i32
    %mul3A_30 = arith.muli %arg1, %mul3A_29 : i32
    %add3A = arith.addi %mul3A_28, %mul3A_30 : i32
    "tpu.region"() ({
      %run_scoped3A = tpu.sem_alloc : memref<!tpu.dma_semaphore, #tpu.memory_space<semaphore_mem>>
      %dma_start3A = arith.constant 0 : i32
      %dma_start3A_31 = tpu.memref_slice %arg11[%dma_start3A] : memref<25600xf32, #tpu.memory_space<vmem>> -> memref<25000xf32, #tpu.memory_space<vmem>>
      %dma_start3A_32 = tpu.memref_slice %arg4[%add3A] : memref<800000xf32, #tpu.memory_space<hbm>> -> memref<25000xf32, #tpu.memory_space<hbm>>
      %dma_start3A_33 = tpu.memref_slice %arg4[%add3A] : memref<800000xf32, #tpu.memory_space<hbm>> -> memref<25000xf32, #tpu.memory_space<hbm>>
      %dma_start3A_34 = arith.constant 0 : i32
      %dma_start3A_35 = tpu.memref_slice %arg11[%dma_start3A_34] : memref<25600xf32, #tpu.memory_space<vmem>> -> memref<25000xf32, #tpu.memory_space<vmem>>
      tpu.enqueue_dma source(%dma_start3A_35 : memref<25000xf32, #tpu.memory_space<vmem>>) target(%dma_start3A_33 : memref<25000xf32, #tpu.memory_space<hbm>>) target_semaphore(%run_scoped3A : memref<!tpu.dma_semaphore, #tpu.memory_space<semaphore_mem>>)
      %dma_wait3A = arith.constant 0 : i32
      %dma_wait3A_36 = tpu.memref_slice %arg11[%dma_wait3A] : memref<25600xf32, #tpu.memory_space<vmem>> -> memref<25000xf32, #tpu.memory_space<vmem>>
      %dma_wait3A_37 = tpu.memref_slice %arg4[%add3A] : memref<800000xf32, #tpu.memory_space<hbm>> -> memref<25000xf32, #tpu.memory_space<hbm>>
      %dma_wait3A_38 = tpu.memref_slice %arg4[%add3A] : memref<800000xf32, #tpu.memory_space<hbm>> -> memref<25000xf32, #tpu.memory_space<hbm>>
      %dma_wait3A_39 = arith.constant 0 : i32
      %dma_wait3A_40 = tpu.memref_slice %arg11[%dma_wait3A_39] : memref<25600xf32, #tpu.memory_space<vmem>> -> memref<25000xf32, #tpu.memory_space<vmem>>
      tpu.wait_dma2 semaphore(%run_scoped3A : memref<!tpu.dma_semaphore, #tpu.memory_space<semaphore_mem>>) src(%dma_wait3A_40 : memref<25000xf32, #tpu.memory_space<vmem>>) dst(%dma_wait3A_38 : memref<25000xf32, #tpu.memory_space<hbm>>)
      tpu.yield
    }) : () -> ()
    return
  }
}

#map = affine_map<(d0, d1) -> (0)>
#map1 = affine_map<(d0, d1) -> (0, 0)>
#map2 = affine_map<(d0, d1) -> (0, 0, 0)>
module attributes {stable_mosaic.version = 14 : i64} {
  func.func @_agg1_kernel(%arg0: i32, %arg1: i32, %arg2: memref<1600000xi32, #tpu.memory_space<hbm>>, %arg3: memref<1600000xi32, #tpu.memory_space<hbm>>, %arg4: memref<1600000xi32, #tpu.memory_space<hbm>>, %arg5: memref<800000x16xf32, #tpu.memory_space<hbm>>, %arg6: memref<50000x16xf32, #tpu.memory_space<hbm>>, %arg7: memref<2x50000x16xf32, #tpu.memory_space<hbm>>, %arg8: memref<1600000xf32, #tpu.memory_space<hbm>>, %arg9: memref<400xi32, #tpu.memory_space<vmem>>, %arg10: memref<400xi32, #tpu.memory_space<vmem>>, %arg11: memref<400xi32, #tpu.memory_space<vmem>>, %arg12: memref<400xi32, #tpu.memory_space<vmem>>, %arg13: memref<400xi32, #tpu.memory_space<vmem>>, %arg14: memref<400xi32, #tpu.memory_space<vmem>>, %arg15: memref<400xi32, #tpu.memory_space<vmem>>, %arg16: memref<400xi32, #tpu.memory_space<vmem>>, %arg17: memref<400x16xf32, #tpu.memory_space<vmem>>, %arg18: memref<400x16xf32, #tpu.memory_space<vmem>>, %arg19: memref<400x16xf32, #tpu.memory_space<vmem>>, %arg20: memref<400x16xf32, #tpu.memory_space<vmem>>, %arg21: memref<400xf32, #tpu.memory_space<vmem>>, %arg22: memref<400xf32, #tpu.memory_space<vmem>>, %arg23: memref<3128x16xf32, #tpu.memory_space<vmem>>, %arg24: memref<50000x16xf32, #tpu.memory_space<vmem_shared>>, %arg25: memref<!tpu.dma_semaphore, #tpu.memory_space<semaphore_mem>>, %arg26: memref<!tpu.dma_semaphore, #tpu.memory_space<semaphore_mem>>, %arg27: memref<!tpu.dma_semaphore, #tpu.memory_space<semaphore_mem>>, %arg28: memref<!tpu.dma_semaphore, #tpu.memory_space<semaphore_mem>>, %arg29: memref<!tpu.dma_semaphore, #tpu.memory_space<semaphore_mem>>, %arg30: memref<!tpu.dma_semaphore, #tpu.memory_space<semaphore_mem>>) attributes {dimension_semantics = [#tpu.dimension_semantics<core_parallel>, #tpu.dimension_semantics<subcore_parallel>], iteration_bounds = array<i64: 2, 16>, scalar_prefetch = 0 : i64, scratch_operands = 22 : i64, tpu.core_type = #tpu.core_type<sc_vector_subcore>, window_params = [{transform_indices = #map}, {transform_indices = #map}, {transform_indices = #map}, {transform_indices = #map1}, {transform_indices = #map1}, {transform_indices = #map2}, {transform_indices = #map}]} {
    %mul3A = arith.constant 2 : i32
    %mul3A_0 = arith.muli %arg1, %mul3A : i32
    %add3A = arith.addi %mul3A_0, %arg0 : i32
    %mul3A_1 = arith.constant 50000 : i32
    %mul3A_2 = arith.muli %add3A, %mul3A_1 : i32
    %mul3A_3 = arith.constant 3128 : i32
    %mul3A_4 = arith.muli %arg1, %mul3A_3 : i32
    %scan3A = arith.constant 0 : i32
    %scan3A_5 = arith.constant 0 : i32
    %scan3A_6 = arith.constant 3128 : i32
    %scan3A_7 = arith.addi %scan3A_5, %scan3A_6 : i32
    %scan3A_8 = arith.constant 1 : i32
    scf.for %scan3A_87 = %scan3A_5 to %scan3A_7 step %scan3A_8  : i32 {
      %broadcast_in_dim3A = arith.constant 0.000000e+00 : f32
      %broadcast_in_dim3A_88 = vector.broadcast %broadcast_in_dim3A : f32 to vector<16xf32>
      %swap3A = arith.index_cast %scan3A_87 : i32 to index
      %swap3A_89 = arith.constant 0 : index
      %swap3A_90 = tpu.vector_load %arg23[%swap3A, %swap3A_89] {strides = array<i32>} : memref<3128x16xf32, #tpu.memory_space<vmem>>, vector<16xf32>,
      tpu.vector_store %arg23[%swap3A, %swap3A_89], %broadcast_in_dim3A_88 {strides = array<i32>} : memref<3128x16xf32, #tpu.memory_space<vmem>>, vector<16xf32>,
    }
    %scan3A_9 = arith.constant 3128 : i32
    %lt3A = arith.constant 15 : i32
    %lt3A_10 = arith.cmpi slt, %arg1, %lt3A : i32
    %convert_element_type3A = arith.extui %lt3A_10 : i1 to i32
    %cond3A = arith.constant 0 : i32
    %cond3A_11 = arith.cmpi ne, %convert_element_type3A, %cond3A : i32
    scf.if %cond3A_11 {
      "tpu.region"() ({
        %run_scoped3A = tpu.sem_alloc : memref<!tpu.dma_semaphore, #tpu.memory_space<semaphore_mem>>
        %dma_start3A_87 = arith.constant 0 : i32
        %dma_start3A_88 = tpu.memref_slice %arg24[%mul3A_4, %dma_start3A_87] : memref<50000x16xf32, #tpu.memory_space<vmem_shared>> -> memref<3128x16xf32, #tpu.memory_space<vmem_shared>>
        %dma_start3A_89 = arith.constant 0 : i32
        %dma_start3A_90 = tpu.memref_slice %arg24[%mul3A_4, %dma_start3A_89] : memref<50000x16xf32, #tpu.memory_space<vmem_shared>> -> memref<3128x16xf32, #tpu.memory_space<vmem_shared>>
        tpu.enqueue_dma source(%arg23 : memref<3128x16xf32, #tpu.memory_space<vmem>>) target(%dma_start3A_90 : memref<3128x16xf32, #tpu.memory_space<vmem_shared>>) target_semaphore(%run_scoped3A : memref<!tpu.dma_semaphore, #tpu.memory_space<semaphore_mem>>)
        %dma_wait3A_91 = arith.constant 0 : i32
        %dma_wait3A_92 = tpu.memref_slice %arg24[%mul3A_4, %dma_wait3A_91] : memref<50000x16xf32, #tpu.memory_space<vmem_shared>> -> memref<3128x16xf32, #tpu.memory_space<vmem_shared>>
        %dma_wait3A_93 = arith.constant 0 : i32
        %dma_wait3A_94 = tpu.memref_slice %arg24[%mul3A_4, %dma_wait3A_93] : memref<50000x16xf32, #tpu.memory_space<vmem_shared>> -> memref<3128x16xf32, #tpu.memory_space<vmem_shared>>
        tpu.wait_dma2 semaphore(%run_scoped3A : memref<!tpu.dma_semaphore, #tpu.memory_space<semaphore_mem>>) src(%arg23 : memref<3128x16xf32, #tpu.memory_space<vmem>>) dst(%dma_wait3A_94 : memref<3128x16xf32, #tpu.memory_space<vmem_shared>>)
        tpu.yield
      }) : () -> ()
    } else {
    }
    %eq3A = arith.constant 15 : i32
    %eq3A_12 = arith.cmpi eq, %arg1, %eq3A : i32
    %convert_element_type3A_13 = arith.extui %eq3A_12 : i1 to i32
    %cond3A_14 = arith.constant 0 : i32
    %cond3A_15 = arith.cmpi ne, %convert_element_type3A_13, %cond3A_14 : i32
    scf.if %cond3A_15 {
      "tpu.region"() ({
        %run_scoped3A = tpu.sem_alloc : memref<!tpu.dma_semaphore, #tpu.memory_space<semaphore_mem>>
        %dma_start3A_87 = arith.constant 0 : i32
        %dma_start3A_88 = arith.constant 0 : i32
        %dma_start3A_89 = tpu.memref_slice %arg23[%dma_start3A_87, %dma_start3A_88] : memref<3128x16xf32, #tpu.memory_space<vmem>> -> memref<3080x16xf32, #tpu.memory_space<vmem>>
        %dma_start3A_90 = arith.constant 0 : i32
        %dma_start3A_91 = tpu.memref_slice %arg24[%mul3A_4, %dma_start3A_90] : memref<50000x16xf32, #tpu.memory_space<vmem_shared>> -> memref<3080x16xf32, #tpu.memory_space<vmem_shared>>
        %dma_start3A_92 = arith.constant 0 : i32
        %dma_start3A_93 = tpu.memref_slice %arg24[%mul3A_4, %dma_start3A_92] : memref<50000x16xf32, #tpu.memory_space<vmem_shared>> -> memref<3080x16xf32, #tpu.memory_space<vmem_shared>>
        %dma_start3A_94 = arith.constant 0 : i32
        %dma_start3A_95 = arith.constant 0 : i32
        %dma_start3A_96 = tpu.memref_slice %arg23[%dma_start3A_94, %dma_start3A_95] : memref<3128x16xf32, #tpu.memory_space<vmem>> -> memref<3080x16xf32, #tpu.memory_space<vmem>>
        tpu.enqueue_dma source(%dma_start3A_96 : memref<3080x16xf32, #tpu.memory_space<vmem>>) target(%dma_start3A_93 : memref<3080x16xf32, #tpu.memory_space<vmem_shared>>) target_semaphore(%run_scoped3A : memref<!tpu.dma_semaphore, #tpu.memory_space<semaphore_mem>>)
        %dma_wait3A_97 = arith.constant 0 : i32
        %dma_wait3A_98 = arith.constant 0 : i32
        %dma_wait3A_99 = tpu.memref_slice %arg23[%dma_wait3A_97, %dma_wait3A_98] : memref<3128x16xf32, #tpu.memory_space<vmem>> -> memref<3080x16xf32, #tpu.memory_space<vmem>>
        %dma_wait3A_100 = arith.constant 0 : i32
        %dma_wait3A_101 = tpu.memref_slice %arg24[%mul3A_4, %dma_wait3A_100] : memref<50000x16xf32, #tpu.memory_space<vmem_shared>> -> memref<3080x16xf32, #tpu.memory_space<vmem_shared>>
        %dma_wait3A_102 = arith.constant 0 : i32
        %dma_wait3A_103 = tpu.memref_slice %arg24[%mul3A_4, %dma_wait3A_102] : memref<50000x16xf32, #tpu.memory_space<vmem_shared>> -> memref<3080x16xf32, #tpu.memory_space<vmem_shared>>
        %dma_wait3A_104 = arith.constant 0 : i32
        %dma_wait3A_105 = arith.constant 0 : i32
        %dma_wait3A_106 = tpu.memref_slice %arg23[%dma_wait3A_104, %dma_wait3A_105] : memref<3128x16xf32, #tpu.memory_space<vmem>> -> memref<3080x16xf32, #tpu.memory_space<vmem>>
        tpu.wait_dma2 semaphore(%run_scoped3A : memref<!tpu.dma_semaphore, #tpu.memory_space<semaphore_mem>>) src(%dma_wait3A_106 : memref<3080x16xf32, #tpu.memory_space<vmem>>) dst(%dma_wait3A_103 : memref<3080x16xf32, #tpu.memory_space<vmem_shared>>)
        tpu.yield
      }) : () -> ()
    } else {
    }
    %barrier3A = arith.constant 0 : index
    tpu.barrier barrier_id(%barrier3A)
    %add3A_16 = arith.constant 0 : i32
    %add3A_17 = arith.addi %mul3A_2, %add3A_16 : i32
    %dma_start3A = tpu.memref_slice %arg2[%add3A_17] : memref<1600000xi32, #tpu.memory_space<hbm>> -> memref<400xi32, #tpu.memory_space<hbm>>
    %dma_start3A_18 = tpu.memref_slice %arg2[%add3A_17] : memref<1600000xi32, #tpu.memory_space<hbm>> -> memref<400xi32, #tpu.memory_space<hbm>>
    tpu.enqueue_dma source(%dma_start3A_18 : memref<400xi32, #tpu.memory_space<hbm>>) target(%arg9 : memref<400xi32, #tpu.memory_space<vmem>>) target_semaphore(%arg25 : memref<!tpu.dma_semaphore, #tpu.memory_space<semaphore_mem>>)
    %dma_start3A_19 = tpu.memref_slice %arg3[%add3A_17] : memref<1600000xi32, #tpu.memory_space<hbm>> -> memref<400xi32, #tpu.memory_space<hbm>>
    %dma_start3A_20 = tpu.memref_slice %arg3[%add3A_17] : memref<1600000xi32, #tpu.memory_space<hbm>> -> memref<400xi32, #tpu.memory_space<hbm>>
    tpu.enqueue_dma source(%dma_start3A_20 : memref<400xi32, #tpu.memory_space<hbm>>) target(%arg11 : memref<400xi32, #tpu.memory_space<vmem>>) target_semaphore(%arg25 : memref<!tpu.dma_semaphore, #tpu.memory_space<semaphore_mem>>)
    %dma_start3A_21 = tpu.memref_slice %arg4[%add3A_17] : memref<1600000xi32, #tpu.memory_space<hbm>> -> memref<400xi32, #tpu.memory_space<hbm>>
    %dma_start3A_22 = tpu.memref_slice %arg4[%add3A_17] : memref<1600000xi32, #tpu.memory_space<hbm>> -> memref<400xi32, #tpu.memory_space<hbm>>
    tpu.enqueue_dma source(%dma_start3A_22 : memref<400xi32, #tpu.memory_space<hbm>>) target(%arg13 : memref<400xi32, #tpu.memory_space<vmem>>) target_semaphore(%arg25 : memref<!tpu.dma_semaphore, #tpu.memory_space<semaphore_mem>>)
    %add3A_23 = arith.constant 0 : i32
    %add3A_24 = arith.addi %mul3A_2, %add3A_23 : i32
    %dma_wait3A = tpu.memref_slice %arg2[%add3A_24] : memref<1600000xi32, #tpu.memory_space<hbm>> -> memref<400xi32, #tpu.memory_space<hbm>>
    %dma_wait3A_25 = tpu.memref_slice %arg2[%add3A_24] : memref<1600000xi32, #tpu.memory_space<hbm>> -> memref<400xi32, #tpu.memory_space<hbm>>
    tpu.wait_dma2 semaphore(%arg25 : memref<!tpu.dma_semaphore, #tpu.memory_space<semaphore_mem>>) src(%dma_wait3A_25 : memref<400xi32, #tpu.memory_space<hbm>>) dst(%arg9 : memref<400xi32, #tpu.memory_space<vmem>>)
    %dma_wait3A_26 = tpu.memref_slice %arg3[%add3A_24] : memref<1600000xi32, #tpu.memory_space<hbm>> -> memref<400xi32, #tpu.memory_space<hbm>>
    %dma_wait3A_27 = tpu.memref_slice %arg3[%add3A_24] : memref<1600000xi32, #tpu.memory_space<hbm>> -> memref<400xi32, #tpu.memory_space<hbm>>
    tpu.wait_dma2 semaphore(%arg25 : memref<!tpu.dma_semaphore, #tpu.memory_space<semaphore_mem>>) src(%dma_wait3A_27 : memref<400xi32, #tpu.memory_space<hbm>>) dst(%arg11 : memref<400xi32, #tpu.memory_space<vmem>>)
    %dma_wait3A_28 = tpu.memref_slice %arg4[%add3A_24] : memref<1600000xi32, #tpu.memory_space<hbm>> -> memref<400xi32, #tpu.memory_space<hbm>>
    %dma_wait3A_29 = tpu.memref_slice %arg4[%add3A_24] : memref<1600000xi32, #tpu.memory_space<hbm>> -> memref<400xi32, #tpu.memory_space<hbm>>
    tpu.wait_dma2 semaphore(%arg25 : memref<!tpu.dma_semaphore, #tpu.memory_space<semaphore_mem>>) src(%dma_wait3A_29 : memref<400xi32, #tpu.memory_space<hbm>>) dst(%arg13 : memref<400xi32, #tpu.memory_space<vmem>>)
    %scan3A_30 = arith.constant 0 : i32
    %scan3A_31 = arith.constant 0 : i32
    %scan3A_32 = arith.constant 25 : i32
    %scan3A_33 = arith.addi %scan3A_31, %scan3A_32 : i32
    %scan3A_34 = arith.constant 1 : i32
    scf.for %scan3A_87 = %scan3A_31 to %scan3A_33 step %scan3A_34  : i32 {
      %mul3A_88 = arith.constant 16 : i32
      %mul3A_89 = arith.muli %scan3A_87, %mul3A_88 : i32
      %get3A = arith.index_cast %mul3A_89 : i32 to index
      %get3A_90 = tpu.vector_load %arg9[%get3A] {strides = array<i32>} : memref<400xi32, #tpu.memory_space<vmem>>, vector<16xi32>,
      %mul3A_91 = arith.constant 16 : i32
      %mul3A_92 = arith.muli %scan3A_87, %mul3A_91 : i32
      %get3A_93 = arith.index_cast %mul3A_92 : i32 to index
      %get3A_94 = tpu.vector_load %arg13[%get3A_93] {strides = array<i32>} : memref<400xi32, #tpu.memory_space<vmem>>, vector<16xi32>,
      %mul3A_95 = arith.constant 16 : i32
      %mul3A_96 = vector.broadcast %mul3A_95 : i32 to vector<16xi32>
      %mul3A_97 = arith.muli %get3A_90, %mul3A_96 : vector<16xi32>
      %add3A_98 = arith.addi %mul3A_97, %get3A_94 : vector<16xi32>
      %mul3A_99 = arith.constant 16 : i32
      %mul3A_100 = arith.muli %scan3A_87, %mul3A_99 : i32
      %swap3A = arith.index_cast %mul3A_100 : i32 to index
      %swap3A_101 = tpu.vector_load %arg15[%swap3A] {strides = array<i32>} : memref<400xi32, #tpu.memory_space<vmem>>, vector<16xi32>,
      tpu.vector_store %arg15[%swap3A], %add3A_98 {strides = array<i32>} : memref<400xi32, #tpu.memory_space<vmem>>, vector<16xi32>,
    }
    %scan3A_35 = arith.constant 25 : i32
    %dma_start3A_36 = arith.constant 0 : i32
    %dma_start3A_37 = arith.constant 0 : i32
    %dma_start3A_38 = tpu.memref_slice %arg6[%dma_start3A_36, %dma_start3A_37] : memref<50000x16xf32, #tpu.memory_space<hbm>> -> memref<50000x16xf32, #tpu.memory_space<hbm>>
    tpu.enqueue_indirect_dma source(%dma_start3A_38 : memref<50000x16xf32, #tpu.memory_space<hbm>>) target(%arg19 : memref<400x16xf32, #tpu.memory_space<vmem>>) offsets(%arg11 : memref<400xi32, #tpu.memory_space<vmem>>) semaphore(%arg27 : memref<!tpu.dma_semaphore, #tpu.memory_space<semaphore_mem>>)
    %dma_start3A_39 = arith.constant 0 : i32
    %dma_start3A_40 = arith.constant 0 : i32
    %dma_start3A_41 = tpu.memref_slice %arg5[%dma_start3A_39, %dma_start3A_40] : memref<800000x16xf32, #tpu.memory_space<hbm>> -> memref<800000x16xf32, #tpu.memory_space<hbm>>
    tpu.enqueue_indirect_dma source(%dma_start3A_41 : memref<800000x16xf32, #tpu.memory_space<hbm>>) target(%arg17 : memref<400x16xf32, #tpu.memory_space<vmem>>) offsets(%arg15 : memref<400xi32, #tpu.memory_space<vmem>>) semaphore(%arg29 : memref<!tpu.dma_semaphore, #tpu.memory_space<semaphore_mem>>)
    %add3A_42 = arith.constant 400 : i32
    %add3A_43 = arith.addi %mul3A_2, %add3A_42 : i32
    %dma_start3A_44 = tpu.memref_slice %arg2[%add3A_43] : memref<1600000xi32, #tpu.memory_space<hbm>> -> memref<400xi32, #tpu.memory_space<hbm>>
    %dma_start3A_45 = tpu.memref_slice %arg2[%add3A_43] : memref<1600000xi32, #tpu.memory_space<hbm>> -> memref<400xi32, #tpu.memory_space<hbm>>
    tpu.enqueue_dma source(%dma_start3A_45 : memref<400xi32, #tpu.memory_space<hbm>>) target(%arg10 : memref<400xi32, #tpu.memory_space<vmem>>) target_semaphore(%arg26 : memref<!tpu.dma_semaphore, #tpu.memory_space<semaphore_mem>>)
    %dma_start3A_46 = tpu.memref_slice %arg3[%add3A_43] : memref<1600000xi32, #tpu.memory_space<hbm>> -> memref<400xi32, #tpu.memory_space<hbm>>
    %dma_start3A_47 = tpu.memref_slice %arg3[%add3A_43] : memref<1600000xi32, #tpu.memory_space<hbm>> -> memref<400xi32, #tpu.memory_space<hbm>>
    tpu.enqueue_dma source(%dma_start3A_47 : memref<400xi32, #tpu.memory_space<hbm>>) target(%arg12 : memref<400xi32, #tpu.memory_space<vmem>>) target_semaphore(%arg26 : memref<!tpu.dma_semaphore, #tpu.memory_space<semaphore_mem>>)
    %dma_start3A_48 = tpu.memref_slice %arg4[%add3A_43] : memref<1600000xi32, #tpu.memory_space<hbm>> -> memref<400xi32, #tpu.memory_space<hbm>>
    %dma_start3A_49 = tpu.memref_slice %arg4[%add3A_43] : memref<1600000xi32, #tpu.memory_space<hbm>> -> memref<400xi32, #tpu.memory_space<hbm>>
    tpu.enqueue_dma source(%dma_start3A_49 : memref<400xi32, #tpu.memory_space<hbm>>) target(%arg14 : memref<400xi32, #tpu.memory_space<vmem>>) target_semaphore(%arg26 : memref<!tpu.dma_semaphore, #tpu.memory_space<semaphore_mem>>)
    %scan3A_50 = arith.constant 0 : i32
    %scan3A_51 = arith.constant 0 : i32
    %scan3A_52 = arith.constant 62 : i32
    %scan3A_53 = arith.addi %scan3A_51, %scan3A_52 : i32
    %scan3A_54 = arith.constant 1 : i32
    scf.for %scan3A_87 = %scan3A_51 to %scan3A_53 step %scan3A_54  : i32 {
      %mul3A_88 = arith.constant 2 : i32
      %mul3A_89 = arith.muli %scan3A_87, %mul3A_88 : i32
      %add3A_90 = arith.constant 1 : i32
      %add3A_91 = arith.addi %mul3A_89, %add3A_90 : i32
      %mul3A_92 = arith.constant 400 : i32
      %mul3A_93 = arith.muli %add3A_91, %mul3A_92 : i32
      %add3A_94 = arith.addi %mul3A_2, %mul3A_93 : i32
      %dma_wait3A_95 = tpu.memref_slice %arg2[%add3A_94] : memref<1600000xi32, #tpu.memory_space<hbm>> -> memref<400xi32, #tpu.memory_space<hbm>>
      %dma_wait3A_96 = tpu.memref_slice %arg2[%add3A_94] : memref<1600000xi32, #tpu.memory_space<hbm>> -> memref<400xi32, #tpu.memory_space<hbm>>
      tpu.wait_dma2 semaphore(%arg26 : memref<!tpu.dma_semaphore, #tpu.memory_space<semaphore_mem>>) src(%dma_wait3A_96 : memref<400xi32, #tpu.memory_space<hbm>>) dst(%arg10 : memref<400xi32, #tpu.memory_space<vmem>>)
      %dma_wait3A_97 = tpu.memref_slice %arg3[%add3A_94] : memref<1600000xi32, #tpu.memory_space<hbm>> -> memref<400xi32, #tpu.memory_space<hbm>>
      %dma_wait3A_98 = tpu.memref_slice %arg3[%add3A_94] : memref<1600000xi32, #tpu.memory_space<hbm>> -> memref<400xi32, #tpu.memory_space<hbm>>
      tpu.wait_dma2 semaphore(%arg26 : memref<!tpu.dma_semaphore, #tpu.memory_space<semaphore_mem>>) src(%dma_wait3A_98 : memref<400xi32, #tpu.memory_space<hbm>>) dst(%arg12 : memref<400xi32, #tpu.memory_space<vmem>>)
      %dma_wait3A_99 = tpu.memref_slice %arg4[%add3A_94] : memref<1600000xi32, #tpu.memory_space<hbm>> -> memref<400xi32, #tpu.memory_space<hbm>>
      %dma_wait3A_100 = tpu.memref_slice %arg4[%add3A_94] : memref<1600000xi32, #tpu.memory_space<hbm>> -> memref<400xi32, #tpu.memory_space<hbm>>
      tpu.wait_dma2 semaphore(%arg26 : memref<!tpu.dma_semaphore, #tpu.memory_space<semaphore_mem>>) src(%dma_wait3A_100 : memref<400xi32, #tpu.memory_space<hbm>>) dst(%arg14 : memref<400xi32, #tpu.memory_space<vmem>>)
      %scan3A_101 = arith.constant 0 : i32
      %scan3A_102 = arith.constant 0 : i32
      %scan3A_103 = arith.constant 25 : i32
      %scan3A_104 = arith.addi %scan3A_102, %scan3A_103 : i32
      %scan3A_105 = arith.constant 1 : i32
      scf.for %scan3A_196 = %scan3A_102 to %scan3A_104 step %scan3A_105  : i32 {
        %mul3A_197 = arith.constant 16 : i32
        %mul3A_198 = arith.muli %scan3A_196, %mul3A_197 : i32
        %get3A = arith.index_cast %mul3A_198 : i32 to index
        %get3A_199 = tpu.vector_load %arg10[%get3A] {strides = array<i32>} : memref<400xi32, #tpu.memory_space<vmem>>, vector<16xi32>,
        %mul3A_200 = arith.constant 16 : i32
        %mul3A_201 = arith.muli %scan3A_196, %mul3A_200 : i32
        %get3A_202 = arith.index_cast %mul3A_201 : i32 to index
        %get3A_203 = tpu.vector_load %arg14[%get3A_202] {strides = array<i32>} : memref<400xi32, #tpu.memory_space<vmem>>, vector<16xi32>,
        %mul3A_204 = arith.constant 16 : i32
        %mul3A_205 = vector.broadcast %mul3A_204 : i32 to vector<16xi32>
        %mul3A_206 = arith.muli %get3A_199, %mul3A_205 : vector<16xi32>
        %add3A_207 = arith.addi %mul3A_206, %get3A_203 : vector<16xi32>
        %mul3A_208 = arith.constant 16 : i32
        %mul3A_209 = arith.muli %scan3A_196, %mul3A_208 : i32
        %swap3A = arith.index_cast %mul3A_209 : i32 to index
        %swap3A_210 = tpu.vector_load %arg16[%swap3A] {strides = array<i32>} : memref<400xi32, #tpu.memory_space<vmem>>, vector<16xi32>,
        tpu.vector_store %arg16[%swap3A], %add3A_207 {strides = array<i32>} : memref<400xi32, #tpu.memory_space<vmem>>, vector<16xi32>,
      }
      %scan3A_106 = arith.constant 25 : i32
      %mul3A_107 = arith.constant 400 : i32
      %mul3A_108 = arith.muli %mul3A_89, %mul3A_107 : i32
      %add3A_109 = arith.addi %mul3A_2, %mul3A_108 : i32
      %dma_wait3A_110 = arith.constant 0 : i32
      %dma_wait3A_111 = arith.constant 0 : i32
      %dma_wait3A_112 = tpu.memref_slice %arg6[%dma_wait3A_110, %dma_wait3A_111] : memref<50000x16xf32, #tpu.memory_space<hbm>> -> memref<50000x16xf32, #tpu.memory_space<hbm>>
      tpu.wait_indirect_dma semaphore(%arg27 : memref<!tpu.dma_semaphore, #tpu.memory_space<semaphore_mem>>) src(%dma_wait3A_112 : memref<50000x16xf32, #tpu.memory_space<hbm>>) dst(%arg19 : memref<400x16xf32, #tpu.memory_space<vmem>>)
      %scan3A_113 = arith.constant 0 : i32
      %scan3A_114 = arith.constant 0 : i32
      %scan3A_115 = arith.constant 25 : i32
      %scan3A_116 = arith.addi %scan3A_114, %scan3A_115 : i32
      %scan3A_117 = arith.constant 1 : i32
      scf.for %scan3A_196 = %scan3A_114 to %scan3A_116 step %scan3A_117  : i32 {
        %mul3A_197 = arith.constant 16 : i32
        %mul3A_198 = arith.muli %scan3A_196, %mul3A_197 : i32
        %get3A = arith.index_cast %mul3A_198 : i32 to index
        %get3A_199 = tpu.vector_load %arg13[%get3A] {strides = array<i32>} : memref<400xi32, #tpu.memory_space<vmem>>, vector<16xi32>,
        %iota3A = tpu.iota {dimensions = array<i32: 0>} : vector<16xi32>
        %mul3A_200 = arith.constant 16 : i32
        %mul3A_201 = arith.muli %scan3A_196, %mul3A_200 : i32
        %add3A_202 = vector.broadcast %mul3A_201 : i32 to vector<16xi32>
        %add3A_203 = arith.addi %iota3A, %add3A_202 : vector<16xi32>
        %gather3A = tpu.vector_load_idx %arg19[%add3A_203, %get3A_199] : memref<400x16xf32, #tpu.memory_space<vmem>>[vector<16xi32>, vector<16xi32>], vector<16xf32>,
        %mul3A_204 = arith.constant 16 : i32
        %mul3A_205 = arith.muli %scan3A_196, %mul3A_204 : i32
        %swap3A = arith.index_cast %mul3A_205 : i32 to index
        %swap3A_206 = tpu.vector_load %arg21[%swap3A] {strides = array<i32>} : memref<400xf32, #tpu.memory_space<vmem>>, vector<16xf32>,
        tpu.vector_store %arg21[%swap3A], %gather3A {strides = array<i32>} : memref<400xf32, #tpu.memory_space<vmem>>, vector<16xf32>,
      }
      %scan3A_118 = arith.constant 25 : i32
      %dma_wait3A_119 = arith.constant 0 : i32
      %dma_wait3A_120 = arith.constant 0 : i32
      %dma_wait3A_121 = tpu.memref_slice %arg5[%dma_wait3A_119, %dma_wait3A_120] : memref<800000x16xf32, #tpu.memory_space<hbm>> -> memref<800000x16xf32, #tpu.memory_space<hbm>>
      tpu.wait_indirect_dma semaphore(%arg29 : memref<!tpu.dma_semaphore, #tpu.memory_space<semaphore_mem>>) src(%dma_wait3A_121 : memref<800000x16xf32, #tpu.memory_space<hbm>>) dst(%arg17 : memref<400x16xf32, #tpu.memory_space<vmem>>)
      %scan3A_122 = arith.constant 0 : i32
      %scan3A_123 = arith.constant 0 : i32
      %scan3A_124 = arith.constant 25 : i32
      %scan3A_125 = arith.addi %scan3A_123, %scan3A_124 : i32
      %scan3A_126 = arith.constant 1 : i32
      scf.for %scan3A_196 = %scan3A_123 to %scan3A_125 step %scan3A_126  : i32 {
        %mul3A_197 = arith.constant 16 : i32
        %mul3A_198 = arith.muli %scan3A_196, %mul3A_197 : i32
        %get3A = arith.index_cast %mul3A_198 : i32 to index
        %get3A_199 = tpu.vector_load %arg21[%get3A] {strides = array<i32>} : memref<400xf32, #tpu.memory_space<vmem>>, vector<16xf32>,
        %mul3A_200 = arith.constant 16 : i32
        %mul3A_201 = arith.muli %scan3A_196, %mul3A_200 : i32
        %add3A_202 = arith.constant 0 : i32
        %add3A_203 = arith.addi %mul3A_201, %add3A_202 : i32
        %get3A_204 = arith.index_cast %add3A_203 : i32 to index
        %get3A_205 = arith.constant 0 : index
        %get3A_206 = tpu.vector_load %arg17[%get3A_204, %get3A_205] {strides = array<i32>} : memref<400x16xf32, #tpu.memory_space<vmem>>, vector<16xf32>,
        %slice3A = vector.extract_strided_slice %get3A_199 {offsets = [0], sizes = [1], strides = [1]} : vector<16xf32> to vector<1xf32>
        %squeeze3A = vector.extract %slice3A[0] : f32 from vector<1xf32>
        %mul3A_207 = vector.broadcast %squeeze3A : f32 to vector<16xf32>
        %mul3A_208 = arith.mulf %get3A_206, %mul3A_207 : vector<16xf32>
        %swap3A = arith.index_cast %add3A_203 : i32 to index
        %swap3A_209 = arith.constant 0 : index
        %swap3A_210 = tpu.vector_load %arg17[%swap3A, %swap3A_209] {strides = array<i32>} : memref<400x16xf32, #tpu.memory_space<vmem>>, vector<16xf32>,
        tpu.vector_store %arg17[%swap3A, %swap3A_209], %mul3A_208 {strides = array<i32>} : memref<400x16xf32, #tpu.memory_space<vmem>>, vector<16xf32>,
        %mul3A_211 = arith.constant 16 : i32
        %mul3A_212 = arith.muli %scan3A_196, %mul3A_211 : i32
        %add3A_213 = arith.constant 1 : i32
        %add3A_214 = arith.addi %mul3A_212, %add3A_213 : i32
        %get3A_215 = arith.index_cast %add3A_214 : i32 to index
        %get3A_216 = arith.constant 0 : index
        %get3A_217 = tpu.vector_load %arg17[%get3A_215, %get3A_216] {strides = array<i32>} : memref<400x16xf32, #tpu.memory_space<vmem>>, vector<16xf32>,
        %slice3A_218 = vector.extract_strided_slice %get3A_199 {offsets = [1], sizes = [1], strides = [1]} : vector<16xf32> to vector<1xf32>
        %squeeze3A_219 = vector.extract %slice3A_218[0] : f32 from vector<1xf32>
        %mul3A_220 = vector.broadcast %squeeze3A_219 : f32 to vector<16xf32>
        %mul3A_221 = arith.mulf %get3A_217, %mul3A_220 : vector<16xf32>
        %swap3A_222 = arith.index_cast %add3A_214 : i32 to index
        %swap3A_223 = arith.constant 0 : index
        %swap3A_224 = tpu.vector_load %arg17[%swap3A_222, %swap3A_223] {strides = array<i32>} : memref<400x16xf32, #tpu.memory_space<vmem>>, vector<16xf32>,
        tpu.vector_store %arg17[%swap3A_222, %swap3A_223], %mul3A_221 {strides = array<i32>} : memref<400x16xf32, #tpu.memory_space<vmem>>, vector<16xf32>,
        %mul3A_225 = arith.constant 16 : i32
        %mul3A_226 = arith.muli %scan3A_196, %mul3A_225 : i32
        %add3A_227 = arith.constant 2 : i32
        %add3A_228 = arith.addi %mul3A_226, %add3A_227 : i32
        %get3A_229 = arith.index_cast %add3A_228 : i32 to index
        %get3A_230 = arith.constant 0 : index
        %get3A_231 = tpu.vector_load %arg17[%get3A_229, %get3A_230] {strides = array<i32>} : memref<400x16xf32, #tpu.memory_space<vmem>>, vector<16xf32>,
        %slice3A_232 = vector.extract_strided_slice %get3A_199 {offsets = [2], sizes = [1], strides = [1]} : vector<16xf32> to vector<1xf32>
        %squeeze3A_233 = vector.extract %slice3A_232[0] : f32 from vector<1xf32>
        %mul3A_234 = vector.broadcast %squeeze3A_233 : f32 to vector<16xf32>
        %mul3A_235 = arith.mulf %get3A_231, %mul3A_234 : vector<16xf32>
        %swap3A_236 = arith.index_cast %add3A_228 : i32 to index
        %swap3A_237 = arith.constant 0 : index
        %swap3A_238 = tpu.vector_load %arg17[%swap3A_236, %swap3A_237] {strides = array<i32>} : memref<400x16xf32, #tpu.memory_space<vmem>>, vector<16xf32>,
        tpu.vector_store %arg17[%swap3A_236, %swap3A_237], %mul3A_235 {strides = array<i32>} : memref<400x16xf32, #tpu.memory_space<vmem>>, vector<16xf32>,
        %mul3A_239 = arith.constant 16 : i32
        %mul3A_240 = arith.muli %scan3A_196, %mul3A_239 : i32
        %add3A_241 = arith.constant 3 : i32
        %add3A_242 = arith.addi %mul3A_240, %add3A_241 : i32
        %get3A_243 = arith.index_cast %add3A_242 : i32 to index
        %get3A_244 = arith.constant 0 : index
        %get3A_245 = tpu.vector_load %arg17[%get3A_243, %get3A_244] {strides = array<i32>} : memref<400x16xf32, #tpu.memory_space<vmem>>, vector<16xf32>,
        %slice3A_246 = vector.extract_strided_slice %get3A_199 {offsets = [3], sizes = [1], strides = [1]} : vector<16xf32> to vector<1xf32>
        %squeeze3A_247 = vector.extract %slice3A_246[0] : f32 from vector<1xf32>
        %mul3A_248 = vector.broadcast %squeeze3A_247 : f32 to vector<16xf32>
        %mul3A_249 = arith.mulf %get3A_245, %mul3A_248 : vector<16xf32>
        %swap3A_250 = arith.index_cast %add3A_242 : i32 to index
        %swap3A_251 = arith.constant 0 : index
        %swap3A_252 = tpu.vector_load %arg17[%swap3A_250, %swap3A_251] {strides = array<i32>} : memref<400x16xf32, #tpu.memory_space<vmem>>, vector<16xf32>,
        tpu.vector_store %arg17[%swap3A_250, %swap3A_251], %mul3A_249 {strides = array<i32>} : memref<400x16xf32, #tpu.memory_space<vmem>>, vector<16xf32>,
        %mul3A_253 = arith.constant 16 : i32
        %mul3A_254 = arith.muli %scan3A_196, %mul3A_253 : i32
        %add3A_255 = arith.constant 4 : i32
        %add3A_256 = arith.addi %mul3A_254, %add3A_255 : i32
        %get3A_257 = arith.index_cast %add3A_256 : i32 to index
        %get3A_258 = arith.constant 0 : index
        %get3A_259 = tpu.vector_load %arg17[%get3A_257, %get3A_258] {strides = array<i32>} : memref<400x16xf32, #tpu.memory_space<vmem>>, vector<16xf32>,
        %slice3A_260 = vector.extract_strided_slice %get3A_199 {offsets = [4], sizes = [1], strides = [1]} : vector<16xf32> to vector<1xf32>
        %squeeze3A_261 = vector.extract %slice3A_260[0] : f32 from vector<1xf32>
        %mul3A_262 = vector.broadcast %squeeze3A_261 : f32 to vector<16xf32>
        %mul3A_263 = arith.mulf %get3A_259, %mul3A_262 : vector<16xf32>
        %swap3A_264 = arith.index_cast %add3A_256 : i32 to index
        %swap3A_265 = arith.constant 0 : index
        %swap3A_266 = tpu.vector_load %arg17[%swap3A_264, %swap3A_265] {strides = array<i32>} : memref<400x16xf32, #tpu.memory_space<vmem>>, vector<16xf32>,
        tpu.vector_store %arg17[%swap3A_264, %swap3A_265], %mul3A_263 {strides = array<i32>} : memref<400x16xf32, #tpu.memory_space<vmem>>, vector<16xf32>,
        %mul3A_267 = arith.constant 16 : i32
        %mul3A_268 = arith.muli %scan3A_196, %mul3A_267 : i32
        %add3A_269 = arith.constant 5 : i32
        %add3A_270 = arith.addi %mul3A_268, %add3A_269 : i32
        %get3A_271 = arith.index_cast %add3A_270 : i32 to index
        %get3A_272 = arith.constant 0 : index
        %get3A_273 = tpu.vector_load %arg17[%get3A_271, %get3A_272] {strides = array<i32>} : memref<400x16xf32, #tpu.memory_space<vmem>>, vector<16xf32>,
        %slice3A_274 = vector.extract_strided_slice %get3A_199 {offsets = [5], sizes = [1], strides = [1]} : vector<16xf32> to vector<1xf32>
        %squeeze3A_275 = vector.extract %slice3A_274[0] : f32 from vector<1xf32>
        %mul3A_276 = vector.broadcast %squeeze3A_275 : f32 to vector<16xf32>
        %mul3A_277 = arith.mulf %get3A_273, %mul3A_276 : vector<16xf32>
        %swap3A_278 = arith.index_cast %add3A_270 : i32 to index
        %swap3A_279 = arith.constant 0 : index
        %swap3A_280 = tpu.vector_load %arg17[%swap3A_278, %swap3A_279] {strides = array<i32>} : memref<400x16xf32, #tpu.memory_space<vmem>>, vector<16xf32>,
        tpu.vector_store %arg17[%swap3A_278, %swap3A_279], %mul3A_277 {strides = array<i32>} : memref<400x16xf32, #tpu.memory_space<vmem>>, vector<16xf32>,
        %mul3A_281 = arith.constant 16 : i32
        %mul3A_282 = arith.muli %scan3A_196, %mul3A_281 : i32
        %add3A_283 = arith.constant 6 : i32
        %add3A_284 = arith.addi %mul3A_282, %add3A_283 : i32
        %get3A_285 = arith.index_cast %add3A_284 : i32 to index
        %get3A_286 = arith.constant 0 : index
        %get3A_287 = tpu.vector_load %arg17[%get3A_285, %get3A_286] {strides = array<i32>} : memref<400x16xf32, #tpu.memory_space<vmem>>, vector<16xf32>,
        %slice3A_288 = vector.extract_strided_slice %get3A_199 {offsets = [6], sizes = [1], strides = [1]} : vector<16xf32> to vector<1xf32>
        %squeeze3A_289 = vector.extract %slice3A_288[0] : f32 from vector<1xf32>
        %mul3A_290 = vector.broadcast %squeeze3A_289 : f32 to vector<16xf32>
        %mul3A_291 = arith.mulf %get3A_287, %mul3A_290 : vector<16xf32>
        %swap3A_292 = arith.index_cast %add3A_284 : i32 to index
        %swap3A_293 = arith.constant 0 : index
        %swap3A_294 = tpu.vector_load %arg17[%swap3A_292, %swap3A_293] {strides = array<i32>} : memref<400x16xf32, #tpu.memory_space<vmem>>, vector<16xf32>,
        tpu.vector_store %arg17[%swap3A_292, %swap3A_293], %mul3A_291 {strides = array<i32>} : memref<400x16xf32, #tpu.memory_space<vmem>>, vector<16xf32>,
        %mul3A_295 = arith.constant 16 : i32
        %mul3A_296 = arith.muli %scan3A_196, %mul3A_295 : i32
        %add3A_297 = arith.constant 7 : i32
        %add3A_298 = arith.addi %mul3A_296, %add3A_297 : i32
        %get3A_299 = arith.index_cast %add3A_298 : i32 to index
        %get3A_300 = arith.constant 0 : index
        %get3A_301 = tpu.vector_load %arg17[%get3A_299, %get3A_300] {strides = array<i32>} : memref<400x16xf32, #tpu.memory_space<vmem>>, vector<16xf32>,
        %slice3A_302 = vector.extract_strided_slice %get3A_199 {offsets = [7], sizes = [1], strides = [1]} : vector<16xf32> to vector<1xf32>
        %squeeze3A_303 = vector.extract %slice3A_302[0] : f32 from vector<1xf32>
        %mul3A_304 = vector.broadcast %squeeze3A_303 : f32 to vector<16xf32>
        %mul3A_305 = arith.mulf %get3A_301, %mul3A_304 : vector<16xf32>
        %swap3A_306 = arith.index_cast %add3A_298 : i32 to index
        %swap3A_307 = arith.constant 0 : index
        %swap3A_308 = tpu.vector_load %arg17[%swap3A_306, %swap3A_307] {strides = array<i32>} : memref<400x16xf32, #tpu.memory_space<vmem>>, vector<16xf32>,
        tpu.vector_store %arg17[%swap3A_306, %swap3A_307], %mul3A_305 {strides = array<i32>} : memref<400x16xf32, #tpu.memory_space<vmem>>, vector<16xf32>,
        %mul3A_309 = arith.constant 16 : i32
        %mul3A_310 = arith.muli %scan3A_196, %mul3A_309 : i32
        %add3A_311 = arith.constant 8 : i32
        %add3A_312 = arith.addi %mul3A_310, %add3A_311 : i32
        %get3A_313 = arith.index_cast %add3A_312 : i32 to index
        %get3A_314 = arith.constant 0 : index
        %get3A_315 = tpu.vector_load %arg17[%get3A_313, %get3A_314] {strides = array<i32>} : memref<400x16xf32, #tpu.memory_space<vmem>>, vector<16xf32>,
        %slice3A_316 = vector.extract_strided_slice %get3A_199 {offsets = [8], sizes = [1], strides = [1]} : vector<16xf32> to vector<1xf32>
        %squeeze3A_317 = vector.extract %slice3A_316[0] : f32 from vector<1xf32>
        %mul3A_318 = vector.broadcast %squeeze3A_317 : f32 to vector<16xf32>
        %mul3A_319 = arith.mulf %get3A_315, %mul3A_318 : vector<16xf32>
        %swap3A_320 = arith.index_cast %add3A_312 : i32 to index
        %swap3A_321 = arith.constant 0 : index
        %swap3A_322 = tpu.vector_load %arg17[%swap3A_320, %swap3A_321] {strides = array<i32>} : memref<400x16xf32, #tpu.memory_space<vmem>>, vector<16xf32>,
        tpu.vector_store %arg17[%swap3A_320, %swap3A_321], %mul3A_319 {strides = array<i32>} : memref<400x16xf32, #tpu.memory_space<vmem>>, vector<16xf32>,
        %mul3A_323 = arith.constant 16 : i32
        %mul3A_324 = arith.muli %scan3A_196, %mul3A_323 : i32
        %add3A_325 = arith.constant 9 : i32
        %add3A_326 = arith.addi %mul3A_324, %add3A_325 : i32
        %get3A_327 = arith.index_cast %add3A_326 : i32 to index
        %get3A_328 = arith.constant 0 : index
        %get3A_329 = tpu.vector_load %arg17[%get3A_327, %get3A_328] {strides = array<i32>} : memref<400x16xf32, #tpu.memory_space<vmem>>, vector<16xf32>,
        %slice3A_330 = vector.extract_strided_slice %get3A_199 {offsets = [9], sizes = [1], strides = [1]} : vector<16xf32> to vector<1xf32>
        %squeeze3A_331 = vector.extract %slice3A_330[0] : f32 from vector<1xf32>
        %mul3A_332 = vector.broadcast %squeeze3A_331 : f32 to vector<16xf32>
        %mul3A_333 = arith.mulf %get3A_329, %mul3A_332 : vector<16xf32>
        %swap3A_334 = arith.index_cast %add3A_326 : i32 to index
        %swap3A_335 = arith.constant 0 : index
        %swap3A_336 = tpu.vector_load %arg17[%swap3A_334, %swap3A_335] {strides = array<i32>} : memref<400x16xf32, #tpu.memory_space<vmem>>, vector<16xf32>,
        tpu.vector_store %arg17[%swap3A_334, %swap3A_335], %mul3A_333 {strides = array<i32>} : memref<400x16xf32, #tpu.memory_space<vmem>>, vector<16xf32>,
        %mul3A_337 = arith.constant 16 : i32
        %mul3A_338 = arith.muli %scan3A_196, %mul3A_337 : i32
        %add3A_339 = arith.constant 10 : i32
        %add3A_340 = arith.addi %mul3A_338, %add3A_339 : i32
        %get3A_341 = arith.index_cast %add3A_340 : i32 to index
        %get3A_342 = arith.constant 0 : index
        %get3A_343 = tpu.vector_load %arg17[%get3A_341, %get3A_342] {strides = array<i32>} : memref<400x16xf32, #tpu.memory_space<vmem>>, vector<16xf32>,
        %slice3A_344 = vector.extract_strided_slice %get3A_199 {offsets = [10], sizes = [1], strides = [1]} : vector<16xf32> to vector<1xf32>
        %squeeze3A_345 = vector.extract %slice3A_344[0] : f32 from vector<1xf32>
        %mul3A_346 = vector.broadcast %squeeze3A_345 : f32 to vector<16xf32>
        %mul3A_347 = arith.mulf %get3A_343, %mul3A_346 : vector<16xf32>
        %swap3A_348 = arith.index_cast %add3A_340 : i32 to index
        %swap3A_349 = arith.constant 0 : index
        %swap3A_350 = tpu.vector_load %arg17[%swap3A_348, %swap3A_349] {strides = array<i32>} : memref<400x16xf32, #tpu.memory_space<vmem>>, vector<16xf32>,
        tpu.vector_store %arg17[%swap3A_348, %swap3A_349], %mul3A_347 {strides = array<i32>} : memref<400x16xf32, #tpu.memory_space<vmem>>, vector<16xf32>,
        %mul3A_351 = arith.constant 16 : i32
        %mul3A_352 = arith.muli %scan3A_196, %mul3A_351 : i32
        %add3A_353 = arith.constant 11 : i32
        %add3A_354 = arith.addi %mul3A_352, %add3A_353 : i32
        %get3A_355 = arith.index_cast %add3A_354 : i32 to index
        %get3A_356 = arith.constant 0 : index
        %get3A_357 = tpu.vector_load %arg17[%get3A_355, %get3A_356] {strides = array<i32>} : memref<400x16xf32, #tpu.memory_space<vmem>>, vector<16xf32>,
        %slice3A_358 = vector.extract_strided_slice %get3A_199 {offsets = [11], sizes = [1], strides = [1]} : vector<16xf32> to vector<1xf32>
        %squeeze3A_359 = vector.extract %slice3A_358[0] : f32 from vector<1xf32>
        %mul3A_360 = vector.broadcast %squeeze3A_359 : f32 to vector<16xf32>
        %mul3A_361 = arith.mulf %get3A_357, %mul3A_360 : vector<16xf32>
        %swap3A_362 = arith.index_cast %add3A_354 : i32 to index
        %swap3A_363 = arith.constant 0 : index
        %swap3A_364 = tpu.vector_load %arg17[%swap3A_362, %swap3A_363] {strides = array<i32>} : memref<400x16xf32, #tpu.memory_space<vmem>>, vector<16xf32>,
        tpu.vector_store %arg17[%swap3A_362, %swap3A_363], %mul3A_361 {strides = array<i32>} : memref<400x16xf32, #tpu.memory_space<vmem>>, vector<16xf32>,
        %mul3A_365 = arith.constant 16 : i32
        %mul3A_366 = arith.muli %scan3A_196, %mul3A_365 : i32
        %add3A_367 = arith.constant 12 : i32
        %add3A_368 = arith.addi %mul3A_366, %add3A_367 : i32
        %get3A_369 = arith.index_cast %add3A_368 : i32 to index
        %get3A_370 = arith.constant 0 : index
        %get3A_371 = tpu.vector_load %arg17[%get3A_369, %get3A_370] {strides = array<i32>} : memref<400x16xf32, #tpu.memory_space<vmem>>, vector<16xf32>,
        %slice3A_372 = vector.extract_strided_slice %get3A_199 {offsets = [12], sizes = [1], strides = [1]} : vector<16xf32> to vector<1xf32>
        %squeeze3A_373 = vector.extract %slice3A_372[0] : f32 from vector<1xf32>
        %mul3A_374 = vector.broadcast %squeeze3A_373 : f32 to vector<16xf32>
        %mul3A_375 = arith.mulf %get3A_371, %mul3A_374 : vector<16xf32>
        %swap3A_376 = arith.index_cast %add3A_368 : i32 to index
        %swap3A_377 = arith.constant 0 : index
        %swap3A_378 = tpu.vector_load %arg17[%swap3A_376, %swap3A_377] {strides = array<i32>} : memref<400x16xf32, #tpu.memory_space<vmem>>, vector<16xf32>,
        tpu.vector_store %arg17[%swap3A_376, %swap3A_377], %mul3A_375 {strides = array<i32>} : memref<400x16xf32, #tpu.memory_space<vmem>>, vector<16xf32>,
        %mul3A_379 = arith.constant 16 : i32
        %mul3A_380 = arith.muli %scan3A_196, %mul3A_379 : i32
        %add3A_381 = arith.constant 13 : i32
        %add3A_382 = arith.addi %mul3A_380, %add3A_381 : i32
        %get3A_383 = arith.index_cast %add3A_382 : i32 to index
        %get3A_384 = arith.constant 0 : index
        %get3A_385 = tpu.vector_load %arg17[%get3A_383, %get3A_384] {strides = array<i32>} : memref<400x16xf32, #tpu.memory_space<vmem>>, vector<16xf32>,
        %slice3A_386 = vector.extract_strided_slice %get3A_199 {offsets = [13], sizes = [1], strides = [1]} : vector<16xf32> to vector<1xf32>
        %squeeze3A_387 = vector.extract %slice3A_386[0] : f32 from vector<1xf32>
        %mul3A_388 = vector.broadcast %squeeze3A_387 : f32 to vector<16xf32>
        %mul3A_389 = arith.mulf %get3A_385, %mul3A_388 : vector<16xf32>
        %swap3A_390 = arith.index_cast %add3A_382 : i32 to index
        %swap3A_391 = arith.constant 0 : index
        %swap3A_392 = tpu.vector_load %arg17[%swap3A_390, %swap3A_391] {strides = array<i32>} : memref<400x16xf32, #tpu.memory_space<vmem>>, vector<16xf32>,
        tpu.vector_store %arg17[%swap3A_390, %swap3A_391], %mul3A_389 {strides = array<i32>} : memref<400x16xf32, #tpu.memory_space<vmem>>, vector<16xf32>,
        %mul3A_393 = arith.constant 16 : i32
        %mul3A_394 = arith.muli %scan3A_196, %mul3A_393 : i32
        %add3A_395 = arith.constant 14 : i32
        %add3A_396 = arith.addi %mul3A_394, %add3A_395 : i32
        %get3A_397 = arith.index_cast %add3A_396 : i32 to index
        %get3A_398 = arith.constant 0 : index
        %get3A_399 = tpu.vector_load %arg17[%get3A_397, %get3A_398] {strides = array<i32>} : memref<400x16xf32, #tpu.memory_space<vmem>>, vector<16xf32>,
        %slice3A_400 = vector.extract_strided_slice %get3A_199 {offsets = [14], sizes = [1], strides = [1]} : vector<16xf32> to vector<1xf32>
        %squeeze3A_401 = vector.extract %slice3A_400[0] : f32 from vector<1xf32>
        %mul3A_402 = vector.broadcast %squeeze3A_401 : f32 to vector<16xf32>
        %mul3A_403 = arith.mulf %get3A_399, %mul3A_402 : vector<16xf32>
        %swap3A_404 = arith.index_cast %add3A_396 : i32 to index
        %swap3A_405 = arith.constant 0 : index
        %swap3A_406 = tpu.vector_load %arg17[%swap3A_404, %swap3A_405] {strides = array<i32>} : memref<400x16xf32, #tpu.memory_space<vmem>>, vector<16xf32>,
        tpu.vector_store %arg17[%swap3A_404, %swap3A_405], %mul3A_403 {strides = array<i32>} : memref<400x16xf32, #tpu.memory_space<vmem>>, vector<16xf32>,
        %mul3A_407 = arith.constant 16 : i32
        %mul3A_408 = arith.muli %scan3A_196, %mul3A_407 : i32
        %add3A_409 = arith.constant 15 : i32
        %add3A_410 = arith.addi %mul3A_408, %add3A_409 : i32
        %get3A_411 = arith.index_cast %add3A_410 : i32 to index
        %get3A_412 = arith.constant 0 : index
        %get3A_413 = tpu.vector_load %arg17[%get3A_411, %get3A_412] {strides = array<i32>} : memref<400x16xf32, #tpu.memory_space<vmem>>, vector<16xf32>,
        %slice3A_414 = vector.extract_strided_slice %get3A_199 {offsets = [15], sizes = [1], strides = [1]} : vector<16xf32> to vector<1xf32>
        %squeeze3A_415 = vector.extract %slice3A_414[0] : f32 from vector<1xf32>
        %mul3A_416 = vector.broadcast %squeeze3A_415 : f32 to vector<16xf32>
        %mul3A_417 = arith.mulf %get3A_413, %mul3A_416 : vector<16xf32>
        %swap3A_418 = arith.index_cast %add3A_410 : i32 to index
        %swap3A_419 = arith.constant 0 : index
        %swap3A_420 = tpu.vector_load %arg17[%swap3A_418, %swap3A_419] {strides = array<i32>} : memref<400x16xf32, #tpu.memory_space<vmem>>, vector<16xf32>,
        tpu.vector_store %arg17[%swap3A_418, %swap3A_419], %mul3A_417 {strides = array<i32>} : memref<400x16xf32, #tpu.memory_space<vmem>>, vector<16xf32>,
      }
      %scan3A_127 = arith.constant 25 : i32
      %dma_start3A_128 = arith.constant 0 : i32
      %dma_start3A_129 = arith.constant 0 : i32
      %dma_start3A_130 = tpu.memref_slice %arg6[%dma_start3A_128, %dma_start3A_129] : memref<50000x16xf32, #tpu.memory_space<hbm>> -> memref<50000x16xf32, #tpu.memory_space<hbm>>
      tpu.enqueue_indirect_dma source(%dma_start3A_130 : memref<50000x16xf32, #tpu.memory_space<hbm>>) target(%arg20 : memref<400x16xf32, #tpu.memory_space<vmem>>) offsets(%arg12 : memref<400xi32, #tpu.memory_space<vmem>>) semaphore(%arg28 : memref<!tpu.dma_semaphore, #tpu.memory_space<semaphore_mem>>)
      %dma_start3A_131 = arith.constant 0 : i32
      %dma_start3A_132 = arith.constant 0 : i32
      %dma_start3A_133 = tpu.memref_slice %arg5[%dma_start3A_131, %dma_start3A_132] : memref<800000x16xf32, #tpu.memory_space<hbm>> -> memref<800000x16xf32, #tpu.memory_space<hbm>>
      tpu.enqueue_indirect_dma source(%dma_start3A_133 : memref<800000x16xf32, #tpu.memory_space<hbm>>) target(%arg18 : memref<400x16xf32, #tpu.memory_space<vmem>>) offsets(%arg16 : memref<400xi32, #tpu.memory_space<vmem>>) semaphore(%arg30 : memref<!tpu.dma_semaphore, #tpu.memory_space<semaphore_mem>>)
      "tpu.region"() ({
        %run_scoped3A = tpu.sem_alloc : memref<!tpu.dma_semaphore, #tpu.memory_space<semaphore_mem>>
        %dma_start3A_196 = arith.constant 0 : i32
        %dma_start3A_197 = arith.constant 0 : i32
        %dma_start3A_198 = tpu.memref_slice %arg24[%dma_start3A_196, %dma_start3A_197] : memref<50000x16xf32, #tpu.memory_space<vmem_shared>> -> memref<50000x16xf32, #tpu.memory_space<vmem_shared>>
        tpu.enqueue_indirect_dma source(%arg17 : memref<400x16xf32, #tpu.memory_space<vmem>>) target(%dma_start3A_198 : memref<50000x16xf32, #tpu.memory_space<vmem_shared>>) offsets(%arg11 : memref<400xi32, #tpu.memory_space<vmem>>) semaphore(%run_scoped3A : memref<!tpu.dma_semaphore, #tpu.memory_space<semaphore_mem>>) {add = true}
        %dma_wait3A_199 = arith.constant 0 : i32
        %dma_wait3A_200 = arith.constant 0 : i32
        %dma_wait3A_201 = tpu.memref_slice %arg24[%dma_wait3A_199, %dma_wait3A_200] : memref<50000x16xf32, #tpu.memory_space<vmem_shared>> -> memref<50000x16xf32, #tpu.memory_space<vmem_shared>>
        tpu.wait_indirect_dma semaphore(%run_scoped3A : memref<!tpu.dma_semaphore, #tpu.memory_space<semaphore_mem>>) src(%arg17 : memref<400x16xf32, #tpu.memory_space<vmem>>) dst(%dma_wait3A_201 : memref<50000x16xf32, #tpu.memory_space<vmem_shared>>)
        tpu.yield
      }) : () -> ()
      "tpu.region"() ({
        %run_scoped3A = tpu.sem_alloc : memref<!tpu.dma_semaphore, #tpu.memory_space<semaphore_mem>>
        %dma_start3A_196 = tpu.memref_slice %arg8[%add3A_109] : memref<1600000xf32, #tpu.memory_space<hbm>> -> memref<400xf32, #tpu.memory_space<hbm>>
        %dma_start3A_197 = tpu.memref_slice %arg8[%add3A_109] : memref<1600000xf32, #tpu.memory_space<hbm>> -> memref<400xf32, #tpu.memory_space<hbm>>
        tpu.enqueue_dma source(%arg21 : memref<400xf32, #tpu.memory_space<vmem>>) target(%dma_start3A_197 : memref<400xf32, #tpu.memory_space<hbm>>) target_semaphore(%run_scoped3A : memref<!tpu.dma_semaphore, #tpu.memory_space<semaphore_mem>>)
        %dma_wait3A_198 = tpu.memref_slice %arg8[%add3A_109] : memref<1600000xf32, #tpu.memory_space<hbm>> -> memref<400xf32, #tpu.memory_space<hbm>>
        %dma_wait3A_199 = tpu.memref_slice %arg8[%add3A_109] : memref<1600000xf32, #tpu.memory_space<hbm>> -> memref<400xf32, #tpu.memory_space<hbm>>
        tpu.wait_dma2 semaphore(%run_scoped3A : memref<!tpu.dma_semaphore, #tpu.memory_space<semaphore_mem>>) src(%arg21 : memref<400xf32, #tpu.memory_space<vmem>>) dst(%dma_wait3A_199 : memref<400xf32, #tpu.memory_space<hbm>>)
        tpu.yield
      }) : () -> ()
      %add3A_134 = arith.constant 2 : i32
      %add3A_135 = arith.addi %mul3A_89, %add3A_134 : i32
      %lt3A_136 = arith.constant 125 : i32
      %lt3A_137 = arith.cmpi slt, %add3A_135, %lt3A_136 : i32
      %convert_element_type3A_138 = arith.extui %lt3A_137 : i1 to i32
      %cond3A_139 = arith.constant 0 : i32
      %cond3A_140 = arith.cmpi ne, %convert_element_type3A_138, %cond3A_139 : i32
      scf.if %cond3A_140 {
        %add3A_196 = arith.constant 2 : i32
        %add3A_197 = arith.addi %mul3A_89, %add3A_196 : i32
        %mul3A_198 = arith.constant 400 : i32
        %mul3A_199 = arith.muli %add3A_197, %mul3A_198 : i32
        %add3A_200 = arith.addi %mul3A_2, %mul3A_199 : i32
        %dma_start3A_201 = tpu.memref_slice %arg2[%add3A_200] : memref<1600000xi32, #tpu.memory_space<hbm>> -> memref<400xi32, #tpu.memory_space<hbm>>
        %dma_start3A_202 = tpu.memref_slice %arg2[%add3A_200] : memref<1600000xi32, #tpu.memory_space<hbm>> -> memref<400xi32, #tpu.memory_space<hbm>>
        tpu.enqueue_dma source(%dma_start3A_202 : memref<400xi32, #tpu.memory_space<hbm>>) target(%arg9 : memref<400xi32, #tpu.memory_space<vmem>>) target_semaphore(%arg25 : memref<!tpu.dma_semaphore, #tpu.memory_space<semaphore_mem>>)
        %dma_start3A_203 = tpu.memref_slice %arg3[%add3A_200] : memref<1600000xi32, #tpu.memory_space<hbm>> -> memref<400xi32, #tpu.memory_space<hbm>>
        %dma_start3A_204 = tpu.memref_slice %arg3[%add3A_200] : memref<1600000xi32, #tpu.memory_space<hbm>> -> memref<400xi32, #tpu.memory_space<hbm>>
        tpu.enqueue_dma source(%dma_start3A_204 : memref<400xi32, #tpu.memory_space<hbm>>) target(%arg11 : memref<400xi32, #tpu.memory_space<vmem>>) target_semaphore(%arg25 : memref<!tpu.dma_semaphore, #tpu.memory_space<semaphore_mem>>)
        %dma_start3A_205 = tpu.memref_slice %arg4[%add3A_200] : memref<1600000xi32, #tpu.memory_space<hbm>> -> memref<400xi32, #tpu.memory_space<hbm>>
        %dma_start3A_206 = tpu.memref_slice %arg4[%add3A_200] : memref<1600000xi32, #tpu.memory_space<hbm>> -> memref<400xi32, #tpu.memory_space<hbm>>
        tpu.enqueue_dma source(%dma_start3A_206 : memref<400xi32, #tpu.memory_space<hbm>>) target(%arg13 : memref<400xi32, #tpu.memory_space<vmem>>) target_semaphore(%arg25 : memref<!tpu.dma_semaphore, #tpu.memory_space<semaphore_mem>>)
      } else {
      }
      %mul3A_141 = arith.constant 2 : i32
      %mul3A_142 = arith.muli %scan3A_87, %mul3A_141 : i32
      %add3A_143 = arith.constant 1 : i32
      %add3A_144 = arith.addi %mul3A_142, %add3A_143 : i32
      %add3A_145 = arith.constant 1 : i32
      %add3A_146 = arith.addi %add3A_144, %add3A_145 : i32
      %mul3A_147 = arith.constant 400 : i32
      %mul3A_148 = arith.muli %add3A_146, %mul3A_147 : i32
      %add3A_149 = arith.addi %mul3A_2, %mul3A_148 : i32
      %dma_wait3A_150 = tpu.memref_slice %arg2[%add3A_149] : memref<1600000xi32, #tpu.memory_space<hbm>> -> memref<400xi32, #tpu.memory_space<hbm>>
      %dma_wait3A_151 = tpu.memref_slice %arg2[%add3A_149] : memref<1600000xi32, #tpu.memory_space<hbm>> -> memref<400xi32, #tpu.memory_space<hbm>>
      tpu.wait_dma2 semaphore(%arg25 : memref<!tpu.dma_semaphore, #tpu.memory_space<semaphore_mem>>) src(%dma_wait3A_151 : memref<400xi32, #tpu.memory_space<hbm>>) dst(%arg9 : memref<400xi32, #tpu.memory_space<vmem>>)
      %dma_wait3A_152 = tpu.memref_slice %arg3[%add3A_149] : memref<1600000xi32, #tpu.memory_space<hbm>> -> memref<400xi32, #tpu.memory_space<hbm>>
      %dma_wait3A_153 = tpu.memref_slice %arg3[%add3A_149] : memref<1600000xi32, #tpu.memory_space<hbm>> -> memref<400xi32, #tpu.memory_space<hbm>>
      tpu.wait_dma2 semaphore(%arg25 : memref<!tpu.dma_semaphore, #tpu.memory_space<semaphore_mem>>) src(%dma_wait3A_153 : memref<400xi32, #tpu.memory_space<hbm>>) dst(%arg11 : memref<400xi32, #tpu.memory_space<vmem>>)
      %dma_wait3A_154 = tpu.memref_slice %arg4[%add3A_149] : memref<1600000xi32, #tpu.memory_space<hbm>> -> memref<400xi32, #tpu.memory_space<hbm>>
      %dma_wait3A_155 = tpu.memref_slice %arg4[%add3A_149] : memref<1600000xi32, #tpu.memory_space<hbm>> -> memref<400xi32, #tpu.memory_space<hbm>>
      tpu.wait_dma2 semaphore(%arg25 : memref<!tpu.dma_semaphore, #tpu.memory_space<semaphore_mem>>) src(%dma_wait3A_155 : memref<400xi32, #tpu.memory_space<hbm>>) dst(%arg13 : memref<400xi32, #tpu.memory_space<vmem>>)
      %scan3A_156 = arith.constant 0 : i32
      %scan3A_157 = arith.constant 0 : i32
      %scan3A_158 = arith.constant 25 : i32
      %scan3A_159 = arith.addi %scan3A_157, %scan3A_158 : i32
      %scan3A_160 = arith.constant 1 : i32
      scf.for %scan3A_196 = %scan3A_157 to %scan3A_159 step %scan3A_160  : i32 {
        %mul3A_197 = arith.constant 16 : i32
        %mul3A_198 = arith.muli %scan3A_196, %mul3A_197 : i32
        %get3A = arith.index_cast %mul3A_198 : i32 to index
        %get3A_199 = tpu.vector_load %arg9[%get3A] {strides = array<i32>} : memref<400xi32, #tpu.memory_space<vmem>>, vector<16xi32>,
        %mul3A_200 = arith.constant 16 : i32
        %mul3A_201 = arith.muli %scan3A_196, %mul3A_200 : i32
        %get3A_202 = arith.index_cast %mul3A_201 : i32 to index
        %get3A_203 = tpu.vector_load %arg13[%get3A_202] {strides = array<i32>} : memref<400xi32, #tpu.memory_space<vmem>>, vector<16xi32>,
        %mul3A_204 = arith.constant 16 : i32
        %mul3A_205 = vector.broadcast %mul3A_204 : i32 to vector<16xi32>
        %mul3A_206 = arith.muli %get3A_199, %mul3A_205 : vector<16xi32>
        %add3A_207 = arith.addi %mul3A_206, %get3A_203 : vector<16xi32>
        %mul3A_208 = arith.constant 16 : i32
        %mul3A_209 = arith.muli %scan3A_196, %mul3A_208 : i32
        %swap3A = arith.index_cast %mul3A_209 : i32 to index
        %swap3A_210 = tpu.vector_load %arg15[%swap3A] {strides = array<i32>} : memref<400xi32, #tpu.memory_space<vmem>>, vector<16xi32>,
        tpu.vector_store %arg15[%swap3A], %add3A_207 {strides = array<i32>} : memref<400xi32, #tpu.memory_space<vmem>>, vector<16xi32>,
      }
      %scan3A_161 = arith.constant 25 : i32
      %mul3A_162 = arith.constant 400 : i32
      %mul3A_163 = arith.muli %add3A_144, %mul3A_162 : i32
      %add3A_164 = arith.addi %mul3A_2, %mul3A_163 : i32
      %dma_wait3A_165 = arith.constant 0 : i32
      %dma_wait3A_166 = arith.constant 0 : i32
      %dma_wait3A_167 = tpu.memref_slice %arg6[%dma_wait3A_165, %dma_wait3A_166] : memref<50000x16xf32, #tpu.memory_space<hbm>> -> memref<50000x16xf32, #tpu.memory_space<hbm>>
      tpu.wait_indirect_dma semaphore(%arg28 : memref<!tpu.dma_semaphore, #tpu.memory_space<semaphore_mem>>) src(%dma_wait3A_167 : memref<50000x16xf32, #tpu.memory_space<hbm>>) dst(%arg20 : memref<400x16xf32, #tpu.memory_space<vmem>>)
      %scan3A_168 = arith.constant 0 : i32
      %scan3A_169 = arith.constant 0 : i32
      %scan3A_170 = arith.constant 25 : i32
      %scan3A_171 = arith.addi %scan3A_169, %scan3A_170 : i32
      %scan3A_172 = arith.constant 1 : i32
      scf.for %scan3A_196 = %scan3A_169 to %scan3A_171 step %scan3A_172  : i32 {
        %mul3A_197 = arith.constant 16 : i32
        %mul3A_198 = arith.muli %scan3A_196, %mul3A_197 : i32
        %get3A = arith.index_cast %mul3A_198 : i32 to index
        %get3A_199 = tpu.vector_load %arg14[%get3A] {strides = array<i32>} : memref<400xi32, #tpu.memory_space<vmem>>, vector<16xi32>,
        %iota3A = tpu.iota {dimensions = array<i32: 0>} : vector<16xi32>
        %mul3A_200 = arith.constant 16 : i32
        %mul3A_201 = arith.muli %scan3A_196, %mul3A_200 : i32
        %add3A_202 = vector.broadcast %mul3A_201 : i32 to vector<16xi32>
        %add3A_203 = arith.addi %iota3A, %add3A_202 : vector<16xi32>
        %gather3A = tpu.vector_load_idx %arg20[%add3A_203, %get3A_199] : memref<400x16xf32, #tpu.memory_space<vmem>>[vector<16xi32>, vector<16xi32>], vector<16xf32>,
        %mul3A_204 = arith.constant 16 : i32
        %mul3A_205 = arith.muli %scan3A_196, %mul3A_204 : i32
        %swap3A = arith.index_cast %mul3A_205 : i32 to index
        %swap3A_206 = tpu.vector_load %arg22[%swap3A] {strides = array<i32>} : memref<400xf32, #tpu.memory_space<vmem>>, vector<16xf32>,
        tpu.vector_store %arg22[%swap3A], %gather3A {strides = array<i32>} : memref<400xf32, #tpu.memory_space<vmem>>, vector<16xf32>,
      }
      %scan3A_173 = arith.constant 25 : i32
      %dma_wait3A_174 = arith.constant 0 : i32
      %dma_wait3A_175 = arith.constant 0 : i32
      %dma_wait3A_176 = tpu.memref_slice %arg5[%dma_wait3A_174, %dma_wait3A_175] : memref<800000x16xf32, #tpu.memory_space<hbm>> -> memref<800000x16xf32, #tpu.memory_space<hbm>>
      tpu.wait_indirect_dma semaphore(%arg30 : memref<!tpu.dma_semaphore, #tpu.memory_space<semaphore_mem>>) src(%dma_wait3A_176 : memref<800000x16xf32, #tpu.memory_space<hbm>>) dst(%arg18 : memref<400x16xf32, #tpu.memory_space<vmem>>)
      %scan3A_177 = arith.constant 0 : i32
      %scan3A_178 = arith.constant 0 : i32
      %scan3A_179 = arith.constant 25 : i32
      %scan3A_180 = arith.addi %scan3A_178, %scan3A_179 : i32
      %scan3A_181 = arith.constant 1 : i32
      scf.for %scan3A_196 = %scan3A_178 to %scan3A_180 step %scan3A_181  : i32 {
        %mul3A_197 = arith.constant 16 : i32
        %mul3A_198 = arith.muli %scan3A_196, %mul3A_197 : i32
        %get3A = arith.index_cast %mul3A_198 : i32 to index
        %get3A_199 = tpu.vector_load %arg22[%get3A] {strides = array<i32>} : memref<400xf32, #tpu.memory_space<vmem>>, vector<16xf32>,
        %mul3A_200 = arith.constant 16 : i32
        %mul3A_201 = arith.muli %scan3A_196, %mul3A_200 : i32
        %add3A_202 = arith.constant 0 : i32
        %add3A_203 = arith.addi %mul3A_201, %add3A_202 : i32
        %get3A_204 = arith.index_cast %add3A_203 : i32 to index
        %get3A_205 = arith.constant 0 : index
        %get3A_206 = tpu.vector_load %arg18[%get3A_204, %get3A_205] {strides = array<i32>} : memref<400x16xf32, #tpu.memory_space<vmem>>, vector<16xf32>,
        %slice3A = vector.extract_strided_slice %get3A_199 {offsets = [0], sizes = [1], strides = [1]} : vector<16xf32> to vector<1xf32>
        %squeeze3A = vector.extract %slice3A[0] : f32 from vector<1xf32>
        %mul3A_207 = vector.broadcast %squeeze3A : f32 to vector<16xf32>
        %mul3A_208 = arith.mulf %get3A_206, %mul3A_207 : vector<16xf32>
        %swap3A = arith.index_cast %add3A_203 : i32 to index
        %swap3A_209 = arith.constant 0 : index
        %swap3A_210 = tpu.vector_load %arg18[%swap3A, %swap3A_209] {strides = array<i32>} : memref<400x16xf32, #tpu.memory_space<vmem>>, vector<16xf32>,
        tpu.vector_store %arg18[%swap3A, %swap3A_209], %mul3A_208 {strides = array<i32>} : memref<400x16xf32, #tpu.memory_space<vmem>>, vector<16xf32>,
        %mul3A_211 = arith.constant 16 : i32
        %mul3A_212 = arith.muli %scan3A_196, %mul3A_211 : i32
        %add3A_213 = arith.constant 1 : i32
        %add3A_214 = arith.addi %mul3A_212, %add3A_213 : i32
        %get3A_215 = arith.index_cast %add3A_214 : i32 to index
        %get3A_216 = arith.constant 0 : index
        %get3A_217 = tpu.vector_load %arg18[%get3A_215, %get3A_216] {strides = array<i32>} : memref<400x16xf32, #tpu.memory_space<vmem>>, vector<16xf32>,
        %slice3A_218 = vector.extract_strided_slice %get3A_199 {offsets = [1], sizes = [1], strides = [1]} : vector<16xf32> to vector<1xf32>
        %squeeze3A_219 = vector.extract %slice3A_218[0] : f32 from vector<1xf32>
        %mul3A_220 = vector.broadcast %squeeze3A_219 : f32 to vector<16xf32>
        %mul3A_221 = arith.mulf %get3A_217, %mul3A_220 : vector<16xf32>
        %swap3A_222 = arith.index_cast %add3A_214 : i32 to index
        %swap3A_223 = arith.constant 0 : index
        %swap3A_224 = tpu.vector_load %arg18[%swap3A_222, %swap3A_223] {strides = array<i32>} : memref<400x16xf32, #tpu.memory_space<vmem>>, vector<16xf32>,
        tpu.vector_store %arg18[%swap3A_222, %swap3A_223], %mul3A_221 {strides = array<i32>} : memref<400x16xf32, #tpu.memory_space<vmem>>, vector<16xf32>,
        %mul3A_225 = arith.constant 16 : i32
        %mul3A_226 = arith.muli %scan3A_196, %mul3A_225 : i32
        %add3A_227 = arith.constant 2 : i32
        %add3A_228 = arith.addi %mul3A_226, %add3A_227 : i32
        %get3A_229 = arith.index_cast %add3A_228 : i32 to index
        %get3A_230 = arith.constant 0 : index
        %get3A_231 = tpu.vector_load %arg18[%get3A_229, %get3A_230] {strides = array<i32>} : memref<400x16xf32, #tpu.memory_space<vmem>>, vector<16xf32>,
        %slice3A_232 = vector.extract_strided_slice %get3A_199 {offsets = [2], sizes = [1], strides = [1]} : vector<16xf32> to vector<1xf32>
        %squeeze3A_233 = vector.extract %slice3A_232[0] : f32 from vector<1xf32>
        %mul3A_234 = vector.broadcast %squeeze3A_233 : f32 to vector<16xf32>
        %mul3A_235 = arith.mulf %get3A_231, %mul3A_234 : vector<16xf32>
        %swap3A_236 = arith.index_cast %add3A_228 : i32 to index
        %swap3A_237 = arith.constant 0 : index
        %swap3A_238 = tpu.vector_load %arg18[%swap3A_236, %swap3A_237] {strides = array<i32>} : memref<400x16xf32, #tpu.memory_space<vmem>>, vector<16xf32>,
        tpu.vector_store %arg18[%swap3A_236, %swap3A_237], %mul3A_235 {strides = array<i32>} : memref<400x16xf32, #tpu.memory_space<vmem>>, vector<16xf32>,
        %mul3A_239 = arith.constant 16 : i32
        %mul3A_240 = arith.muli %scan3A_196, %mul3A_239 : i32
        %add3A_241 = arith.constant 3 : i32
        %add3A_242 = arith.addi %mul3A_240, %add3A_241 : i32
        %get3A_243 = arith.index_cast %add3A_242 : i32 to index
        %get3A_244 = arith.constant 0 : index
        %get3A_245 = tpu.vector_load %arg18[%get3A_243, %get3A_244] {strides = array<i32>} : memref<400x16xf32, #tpu.memory_space<vmem>>, vector<16xf32>,
        %slice3A_246 = vector.extract_strided_slice %get3A_199 {offsets = [3], sizes = [1], strides = [1]} : vector<16xf32> to vector<1xf32>
        %squeeze3A_247 = vector.extract %slice3A_246[0] : f32 from vector<1xf32>
        %mul3A_248 = vector.broadcast %squeeze3A_247 : f32 to vector<16xf32>
        %mul3A_249 = arith.mulf %get3A_245, %mul3A_248 : vector<16xf32>
        %swap3A_250 = arith.index_cast %add3A_242 : i32 to index
        %swap3A_251 = arith.constant 0 : index
        %swap3A_252 = tpu.vector_load %arg18[%swap3A_250, %swap3A_251] {strides = array<i32>} : memref<400x16xf32, #tpu.memory_space<vmem>>, vector<16xf32>,
        tpu.vector_store %arg18[%swap3A_250, %swap3A_251], %mul3A_249 {strides = array<i32>} : memref<400x16xf32, #tpu.memory_space<vmem>>, vector<16xf32>,
        %mul3A_253 = arith.constant 16 : i32
        %mul3A_254 = arith.muli %scan3A_196, %mul3A_253 : i32
        %add3A_255 = arith.constant 4 : i32
        %add3A_256 = arith.addi %mul3A_254, %add3A_255 : i32
        %get3A_257 = arith.index_cast %add3A_256 : i32 to index
        %get3A_258 = arith.constant 0 : index
        %get3A_259 = tpu.vector_load %arg18[%get3A_257, %get3A_258] {strides = array<i32>} : memref<400x16xf32, #tpu.memory_space<vmem>>, vector<16xf32>,
        %slice3A_260 = vector.extract_strided_slice %get3A_199 {offsets = [4], sizes = [1], strides = [1]} : vector<16xf32> to vector<1xf32>
        %squeeze3A_261 = vector.extract %slice3A_260[0] : f32 from vector<1xf32>
        %mul3A_262 = vector.broadcast %squeeze3A_261 : f32 to vector<16xf32>
        %mul3A_263 = arith.mulf %get3A_259, %mul3A_262 : vector<16xf32>
        %swap3A_264 = arith.index_cast %add3A_256 : i32 to index
        %swap3A_265 = arith.constant 0 : index
        %swap3A_266 = tpu.vector_load %arg18[%swap3A_264, %swap3A_265] {strides = array<i32>} : memref<400x16xf32, #tpu.memory_space<vmem>>, vector<16xf32>,
        tpu.vector_store %arg18[%swap3A_264, %swap3A_265], %mul3A_263 {strides = array<i32>} : memref<400x16xf32, #tpu.memory_space<vmem>>, vector<16xf32>,
        %mul3A_267 = arith.constant 16 : i32
        %mul3A_268 = arith.muli %scan3A_196, %mul3A_267 : i32
        %add3A_269 = arith.constant 5 : i32
        %add3A_270 = arith.addi %mul3A_268, %add3A_269 : i32
        %get3A_271 = arith.index_cast %add3A_270 : i32 to index
        %get3A_272 = arith.constant 0 : index
        %get3A_273 = tpu.vector_load %arg18[%get3A_271, %get3A_272] {strides = array<i32>} : memref<400x16xf32, #tpu.memory_space<vmem>>, vector<16xf32>,
        %slice3A_274 = vector.extract_strided_slice %get3A_199 {offsets = [5], sizes = [1], strides = [1]} : vector<16xf32> to vector<1xf32>
        %squeeze3A_275 = vector.extract %slice3A_274[0] : f32 from vector<1xf32>
        %mul3A_276 = vector.broadcast %squeeze3A_275 : f32 to vector<16xf32>
        %mul3A_277 = arith.mulf %get3A_273, %mul3A_276 : vector<16xf32>
        %swap3A_278 = arith.index_cast %add3A_270 : i32 to index
        %swap3A_279 = arith.constant 0 : index
        %swap3A_280 = tpu.vector_load %arg18[%swap3A_278, %swap3A_279] {strides = array<i32>} : memref<400x16xf32, #tpu.memory_space<vmem>>, vector<16xf32>,
        tpu.vector_store %arg18[%swap3A_278, %swap3A_279], %mul3A_277 {strides = array<i32>} : memref<400x16xf32, #tpu.memory_space<vmem>>, vector<16xf32>,
        %mul3A_281 = arith.constant 16 : i32
        %mul3A_282 = arith.muli %scan3A_196, %mul3A_281 : i32
        %add3A_283 = arith.constant 6 : i32
        %add3A_284 = arith.addi %mul3A_282, %add3A_283 : i32
        %get3A_285 = arith.index_cast %add3A_284 : i32 to index
        %get3A_286 = arith.constant 0 : index
        %get3A_287 = tpu.vector_load %arg18[%get3A_285, %get3A_286] {strides = array<i32>} : memref<400x16xf32, #tpu.memory_space<vmem>>, vector<16xf32>,
        %slice3A_288 = vector.extract_strided_slice %get3A_199 {offsets = [6], sizes = [1], strides = [1]} : vector<16xf32> to vector<1xf32>
        %squeeze3A_289 = vector.extract %slice3A_288[0] : f32 from vector<1xf32>
        %mul3A_290 = vector.broadcast %squeeze3A_289 : f32 to vector<16xf32>
        %mul3A_291 = arith.mulf %get3A_287, %mul3A_290 : vector<16xf32>
        %swap3A_292 = arith.index_cast %add3A_284 : i32 to index
        %swap3A_293 = arith.constant 0 : index
        %swap3A_294 = tpu.vector_load %arg18[%swap3A_292, %swap3A_293] {strides = array<i32>} : memref<400x16xf32, #tpu.memory_space<vmem>>, vector<16xf32>,
        tpu.vector_store %arg18[%swap3A_292, %swap3A_293], %mul3A_291 {strides = array<i32>} : memref<400x16xf32, #tpu.memory_space<vmem>>, vector<16xf32>,
        %mul3A_295 = arith.constant 16 : i32
        %mul3A_296 = arith.muli %scan3A_196, %mul3A_295 : i32
        %add3A_297 = arith.constant 7 : i32
        %add3A_298 = arith.addi %mul3A_296, %add3A_297 : i32
        %get3A_299 = arith.index_cast %add3A_298 : i32 to index
        %get3A_300 = arith.constant 0 : index
        %get3A_301 = tpu.vector_load %arg18[%get3A_299, %get3A_300] {strides = array<i32>} : memref<400x16xf32, #tpu.memory_space<vmem>>, vector<16xf32>,
        %slice3A_302 = vector.extract_strided_slice %get3A_199 {offsets = [7], sizes = [1], strides = [1]} : vector<16xf32> to vector<1xf32>
        %squeeze3A_303 = vector.extract %slice3A_302[0] : f32 from vector<1xf32>
        %mul3A_304 = vector.broadcast %squeeze3A_303 : f32 to vector<16xf32>
        %mul3A_305 = arith.mulf %get3A_301, %mul3A_304 : vector<16xf32>
        %swap3A_306 = arith.index_cast %add3A_298 : i32 to index
        %swap3A_307 = arith.constant 0 : index
        %swap3A_308 = tpu.vector_load %arg18[%swap3A_306, %swap3A_307] {strides = array<i32>} : memref<400x16xf32, #tpu.memory_space<vmem>>, vector<16xf32>,
        tpu.vector_store %arg18[%swap3A_306, %swap3A_307], %mul3A_305 {strides = array<i32>} : memref<400x16xf32, #tpu.memory_space<vmem>>, vector<16xf32>,
        %mul3A_309 = arith.constant 16 : i32
        %mul3A_310 = arith.muli %scan3A_196, %mul3A_309 : i32
        %add3A_311 = arith.constant 8 : i32
        %add3A_312 = arith.addi %mul3A_310, %add3A_311 : i32
        %get3A_313 = arith.index_cast %add3A_312 : i32 to index
        %get3A_314 = arith.constant 0 : index
        %get3A_315 = tpu.vector_load %arg18[%get3A_313, %get3A_314] {strides = array<i32>} : memref<400x16xf32, #tpu.memory_space<vmem>>, vector<16xf32>,
        %slice3A_316 = vector.extract_strided_slice %get3A_199 {offsets = [8], sizes = [1], strides = [1]} : vector<16xf32> to vector<1xf32>
        %squeeze3A_317 = vector.extract %slice3A_316[0] : f32 from vector<1xf32>
        %mul3A_318 = vector.broadcast %squeeze3A_317 : f32 to vector<16xf32>
        %mul3A_319 = arith.mulf %get3A_315, %mul3A_318 : vector<16xf32>
        %swap3A_320 = arith.index_cast %add3A_312 : i32 to index
        %swap3A_321 = arith.constant 0 : index
        %swap3A_322 = tpu.vector_load %arg18[%swap3A_320, %swap3A_321] {strides = array<i32>} : memref<400x16xf32, #tpu.memory_space<vmem>>, vector<16xf32>,
        tpu.vector_store %arg18[%swap3A_320, %swap3A_321], %mul3A_319 {strides = array<i32>} : memref<400x16xf32, #tpu.memory_space<vmem>>, vector<16xf32>,
        %mul3A_323 = arith.constant 16 : i32
        %mul3A_324 = arith.muli %scan3A_196, %mul3A_323 : i32
        %add3A_325 = arith.constant 9 : i32
        %add3A_326 = arith.addi %mul3A_324, %add3A_325 : i32
        %get3A_327 = arith.index_cast %add3A_326 : i32 to index
        %get3A_328 = arith.constant 0 : index
        %get3A_329 = tpu.vector_load %arg18[%get3A_327, %get3A_328] {strides = array<i32>} : memref<400x16xf32, #tpu.memory_space<vmem>>, vector<16xf32>,
        %slice3A_330 = vector.extract_strided_slice %get3A_199 {offsets = [9], sizes = [1], strides = [1]} : vector<16xf32> to vector<1xf32>
        %squeeze3A_331 = vector.extract %slice3A_330[0] : f32 from vector<1xf32>
        %mul3A_332 = vector.broadcast %squeeze3A_331 : f32 to vector<16xf32>
        %mul3A_333 = arith.mulf %get3A_329, %mul3A_332 : vector<16xf32>
        %swap3A_334 = arith.index_cast %add3A_326 : i32 to index
        %swap3A_335 = arith.constant 0 : index
        %swap3A_336 = tpu.vector_load %arg18[%swap3A_334, %swap3A_335] {strides = array<i32>} : memref<400x16xf32, #tpu.memory_space<vmem>>, vector<16xf32>,
        tpu.vector_store %arg18[%swap3A_334, %swap3A_335], %mul3A_333 {strides = array<i32>} : memref<400x16xf32, #tpu.memory_space<vmem>>, vector<16xf32>,
        %mul3A_337 = arith.constant 16 : i32
        %mul3A_338 = arith.muli %scan3A_196, %mul3A_337 : i32
        %add3A_339 = arith.constant 10 : i32
        %add3A_340 = arith.addi %mul3A_338, %add3A_339 : i32
        %get3A_341 = arith.index_cast %add3A_340 : i32 to index
        %get3A_342 = arith.constant 0 : index
        %get3A_343 = tpu.vector_load %arg18[%get3A_341, %get3A_342] {strides = array<i32>} : memref<400x16xf32, #tpu.memory_space<vmem>>, vector<16xf32>,
        %slice3A_344 = vector.extract_strided_slice %get3A_199 {offsets = [10], sizes = [1], strides = [1]} : vector<16xf32> to vector<1xf32>
        %squeeze3A_345 = vector.extract %slice3A_344[0] : f32 from vector<1xf32>
        %mul3A_346 = vector.broadcast %squeeze3A_345 : f32 to vector<16xf32>
        %mul3A_347 = arith.mulf %get3A_343, %mul3A_346 : vector<16xf32>
        %swap3A_348 = arith.index_cast %add3A_340 : i32 to index
        %swap3A_349 = arith.constant 0 : index
        %swap3A_350 = tpu.vector_load %arg18[%swap3A_348, %swap3A_349] {strides = array<i32>} : memref<400x16xf32, #tpu.memory_space<vmem>>, vector<16xf32>,
        tpu.vector_store %arg18[%swap3A_348, %swap3A_349], %mul3A_347 {strides = array<i32>} : memref<400x16xf32, #tpu.memory_space<vmem>>, vector<16xf32>,
        %mul3A_351 = arith.constant 16 : i32
        %mul3A_352 = arith.muli %scan3A_196, %mul3A_351 : i32
        %add3A_353 = arith.constant 11 : i32
        %add3A_354 = arith.addi %mul3A_352, %add3A_353 : i32
        %get3A_355 = arith.index_cast %add3A_354 : i32 to index
        %get3A_356 = arith.constant 0 : index
        %get3A_357 = tpu.vector_load %arg18[%get3A_355, %get3A_356] {strides = array<i32>} : memref<400x16xf32, #tpu.memory_space<vmem>>, vector<16xf32>,
        %slice3A_358 = vector.extract_strided_slice %get3A_199 {offsets = [11], sizes = [1], strides = [1]} : vector<16xf32> to vector<1xf32>
        %squeeze3A_359 = vector.extract %slice3A_358[0] : f32 from vector<1xf32>
        %mul3A_360 = vector.broadcast %squeeze3A_359 : f32 to vector<16xf32>
        %mul3A_361 = arith.mulf %get3A_357, %mul3A_360 : vector<16xf32>
        %swap3A_362 = arith.index_cast %add3A_354 : i32 to index
        %swap3A_363 = arith.constant 0 : index
        %swap3A_364 = tpu.vector_load %arg18[%swap3A_362, %swap3A_363] {strides = array<i32>} : memref<400x16xf32, #tpu.memory_space<vmem>>, vector<16xf32>,
        tpu.vector_store %arg18[%swap3A_362, %swap3A_363], %mul3A_361 {strides = array<i32>} : memref<400x16xf32, #tpu.memory_space<vmem>>, vector<16xf32>,
        %mul3A_365 = arith.constant 16 : i32
        %mul3A_366 = arith.muli %scan3A_196, %mul3A_365 : i32
        %add3A_367 = arith.constant 12 : i32
        %add3A_368 = arith.addi %mul3A_366, %add3A_367 : i32
        %get3A_369 = arith.index_cast %add3A_368 : i32 to index
        %get3A_370 = arith.constant 0 : index
        %get3A_371 = tpu.vector_load %arg18[%get3A_369, %get3A_370] {strides = array<i32>} : memref<400x16xf32, #tpu.memory_space<vmem>>, vector<16xf32>,
        %slice3A_372 = vector.extract_strided_slice %get3A_199 {offsets = [12], sizes = [1], strides = [1]} : vector<16xf32> to vector<1xf32>
        %squeeze3A_373 = vector.extract %slice3A_372[0] : f32 from vector<1xf32>
        %mul3A_374 = vector.broadcast %squeeze3A_373 : f32 to vector<16xf32>
        %mul3A_375 = arith.mulf %get3A_371, %mul3A_374 : vector<16xf32>
        %swap3A_376 = arith.index_cast %add3A_368 : i32 to index
        %swap3A_377 = arith.constant 0 : index
        %swap3A_378 = tpu.vector_load %arg18[%swap3A_376, %swap3A_377] {strides = array<i32>} : memref<400x16xf32, #tpu.memory_space<vmem>>, vector<16xf32>,
        tpu.vector_store %arg18[%swap3A_376, %swap3A_377], %mul3A_375 {strides = array<i32>} : memref<400x16xf32, #tpu.memory_space<vmem>>, vector<16xf32>,
        %mul3A_379 = arith.constant 16 : i32
        %mul3A_380 = arith.muli %scan3A_196, %mul3A_379 : i32
        %add3A_381 = arith.constant 13 : i32
        %add3A_382 = arith.addi %mul3A_380, %add3A_381 : i32
        %get3A_383 = arith.index_cast %add3A_382 : i32 to index
        %get3A_384 = arith.constant 0 : index
        %get3A_385 = tpu.vector_load %arg18[%get3A_383, %get3A_384] {strides = array<i32>} : memref<400x16xf32, #tpu.memory_space<vmem>>, vector<16xf32>,
        %slice3A_386 = vector.extract_strided_slice %get3A_199 {offsets = [13], sizes = [1], strides = [1]} : vector<16xf32> to vector<1xf32>
        %squeeze3A_387 = vector.extract %slice3A_386[0] : f32 from vector<1xf32>
        %mul3A_388 = vector.broadcast %squeeze3A_387 : f32 to vector<16xf32>
        %mul3A_389 = arith.mulf %get3A_385, %mul3A_388 : vector<16xf32>
        %swap3A_390 = arith.index_cast %add3A_382 : i32 to index
        %swap3A_391 = arith.constant 0 : index
        %swap3A_392 = tpu.vector_load %arg18[%swap3A_390, %swap3A_391] {strides = array<i32>} : memref<400x16xf32, #tpu.memory_space<vmem>>, vector<16xf32>,
        tpu.vector_store %arg18[%swap3A_390, %swap3A_391], %mul3A_389 {strides = array<i32>} : memref<400x16xf32, #tpu.memory_space<vmem>>, vector<16xf32>,
        %mul3A_393 = arith.constant 16 : i32
        %mul3A_394 = arith.muli %scan3A_196, %mul3A_393 : i32
        %add3A_395 = arith.constant 14 : i32
        %add3A_396 = arith.addi %mul3A_394, %add3A_395 : i32
        %get3A_397 = arith.index_cast %add3A_396 : i32 to index
        %get3A_398 = arith.constant 0 : index
        %get3A_399 = tpu.vector_load %arg18[%get3A_397, %get3A_398] {strides = array<i32>} : memref<400x16xf32, #tpu.memory_space<vmem>>, vector<16xf32>,
        %slice3A_400 = vector.extract_strided_slice %get3A_199 {offsets = [14], sizes = [1], strides = [1]} : vector<16xf32> to vector<1xf32>
        %squeeze3A_401 = vector.extract %slice3A_400[0] : f32 from vector<1xf32>
        %mul3A_402 = vector.broadcast %squeeze3A_401 : f32 to vector<16xf32>
        %mul3A_403 = arith.mulf %get3A_399, %mul3A_402 : vector<16xf32>
        %swap3A_404 = arith.index_cast %add3A_396 : i32 to index
        %swap3A_405 = arith.constant 0 : index
        %swap3A_406 = tpu.vector_load %arg18[%swap3A_404, %swap3A_405] {strides = array<i32>} : memref<400x16xf32, #tpu.memory_space<vmem>>, vector<16xf32>,
        tpu.vector_store %arg18[%swap3A_404, %swap3A_405], %mul3A_403 {strides = array<i32>} : memref<400x16xf32, #tpu.memory_space<vmem>>, vector<16xf32>,
        %mul3A_407 = arith.constant 16 : i32
        %mul3A_408 = arith.muli %scan3A_196, %mul3A_407 : i32
        %add3A_409 = arith.constant 15 : i32
        %add3A_410 = arith.addi %mul3A_408, %add3A_409 : i32
        %get3A_411 = arith.index_cast %add3A_410 : i32 to index
        %get3A_412 = arith.constant 0 : index
        %get3A_413 = tpu.vector_load %arg18[%get3A_411, %get3A_412] {strides = array<i32>} : memref<400x16xf32, #tpu.memory_space<vmem>>, vector<16xf32>,
        %slice3A_414 = vector.extract_strided_slice %get3A_199 {offsets = [15], sizes = [1], strides = [1]} : vector<16xf32> to vector<1xf32>
        %squeeze3A_415 = vector.extract %slice3A_414[0] : f32 from vector<1xf32>
        %mul3A_416 = vector.broadcast %squeeze3A_415 : f32 to vector<16xf32>
        %mul3A_417 = arith.mulf %get3A_413, %mul3A_416 : vector<16xf32>
        %swap3A_418 = arith.index_cast %add3A_410 : i32 to index
        %swap3A_419 = arith.constant 0 : index
        %swap3A_420 = tpu.vector_load %arg18[%swap3A_418, %swap3A_419] {strides = array<i32>} : memref<400x16xf32, #tpu.memory_space<vmem>>, vector<16xf32>,
        tpu.vector_store %arg18[%swap3A_418, %swap3A_419], %mul3A_417 {strides = array<i32>} : memref<400x16xf32, #tpu.memory_space<vmem>>, vector<16xf32>,
      }
      %scan3A_182 = arith.constant 25 : i32
      %dma_start3A_183 = arith.constant 0 : i32
      %dma_start3A_184 = arith.constant 0 : i32
      %dma_start3A_185 = tpu.memref_slice %arg6[%dma_start3A_183, %dma_start3A_184] : memref<50000x16xf32, #tpu.memory_space<hbm>> -> memref<50000x16xf32, #tpu.memory_space<hbm>>
      tpu.enqueue_indirect_dma source(%dma_start3A_185 : memref<50000x16xf32, #tpu.memory_space<hbm>>) target(%arg19 : memref<400x16xf32, #tpu.memory_space<vmem>>) offsets(%arg11 : memref<400xi32, #tpu.memory_space<vmem>>) semaphore(%arg27 : memref<!tpu.dma_semaphore, #tpu.memory_space<semaphore_mem>>)
      %dma_start3A_186 = arith.constant 0 : i32
      %dma_start3A_187 = arith.constant 0 : i32
      %dma_start3A_188 = tpu.memref_slice %arg5[%dma_start3A_186, %dma_start3A_187] : memref<800000x16xf32, #tpu.memory_space<hbm>> -> memref<800000x16xf32, #tpu.memory_space<hbm>>
      tpu.enqueue_indirect_dma source(%dma_start3A_188 : memref<800000x16xf32, #tpu.memory_space<hbm>>) target(%arg17 : memref<400x16xf32, #tpu.memory_space<vmem>>) offsets(%arg15 : memref<400xi32, #tpu.memory_space<vmem>>) semaphore(%arg29 : memref<!tpu.dma_semaphore, #tpu.memory_space<semaphore_mem>>)
      "tpu.region"() ({
        %run_scoped3A = tpu.sem_alloc : memref<!tpu.dma_semaphore, #tpu.memory_space<semaphore_mem>>
        %dma_start3A_196 = arith.constant 0 : i32
        %dma_start3A_197 = arith.constant 0 : i32
        %dma_start3A_198 = tpu.memref_slice %arg24[%dma_start3A_196, %dma_start3A_197] : memref<50000x16xf32, #tpu.memory_space<vmem_shared>> -> memref<50000x16xf32, #tpu.memory_space<vmem_shared>>
        tpu.enqueue_indirect_dma source(%arg18 : memref<400x16xf32, #tpu.memory_space<vmem>>) target(%dma_start3A_198 : memref<50000x16xf32, #tpu.memory_space<vmem_shared>>) offsets(%arg12 : memref<400xi32, #tpu.memory_space<vmem>>) semaphore(%run_scoped3A : memref<!tpu.dma_semaphore, #tpu.memory_space<semaphore_mem>>) {add = true}
        %dma_wait3A_199 = arith.constant 0 : i32
        %dma_wait3A_200 = arith.constant 0 : i32
        %dma_wait3A_201 = tpu.memref_slice %arg24[%dma_wait3A_199, %dma_wait3A_200] : memref<50000x16xf32, #tpu.memory_space<vmem_shared>> -> memref<50000x16xf32, #tpu.memory_space<vmem_shared>>
        tpu.wait_indirect_dma semaphore(%run_scoped3A : memref<!tpu.dma_semaphore, #tpu.memory_space<semaphore_mem>>) src(%arg18 : memref<400x16xf32, #tpu.memory_space<vmem>>) dst(%dma_wait3A_201 : memref<50000x16xf32, #tpu.memory_space<vmem_shared>>)
        tpu.yield
      }) : () -> ()
      "tpu.region"() ({
        %run_scoped3A = tpu.sem_alloc : memref<!tpu.dma_semaphore, #tpu.memory_space<semaphore_mem>>
        %dma_start3A_196 = tpu.memref_slice %arg8[%add3A_164] : memref<1600000xf32, #tpu.memory_space<hbm>> -> memref<400xf32, #tpu.memory_space<hbm>>
        %dma_start3A_197 = tpu.memref_slice %arg8[%add3A_164] : memref<1600000xf32, #tpu.memory_space<hbm>> -> memref<400xf32, #tpu.memory_space<hbm>>
        tpu.enqueue_dma source(%arg22 : memref<400xf32, #tpu.memory_space<vmem>>) target(%dma_start3A_197 : memref<400xf32, #tpu.memory_space<hbm>>) target_semaphore(%run_scoped3A : memref<!tpu.dma_semaphore, #tpu.memory_space<semaphore_mem>>)
        %dma_wait3A_198 = tpu.memref_slice %arg8[%add3A_164] : memref<1600000xf32, #tpu.memory_space<hbm>> -> memref<400xf32, #tpu.memory_space<hbm>>
        %dma_wait3A_199 = tpu.memref_slice %arg8[%add3A_164] : memref<1600000xf32, #tpu.memory_space<hbm>> -> memref<400xf32, #tpu.memory_space<hbm>>
        tpu.wait_dma2 semaphore(%run_scoped3A : memref<!tpu.dma_semaphore, #tpu.memory_space<semaphore_mem>>) src(%arg22 : memref<400xf32, #tpu.memory_space<vmem>>) dst(%dma_wait3A_199 : memref<400xf32, #tpu.memory_space<hbm>>)
        tpu.yield
      }) : () -> ()
      %add3A_189 = arith.constant 2 : i32
      %add3A_190 = arith.addi %add3A_144, %add3A_189 : i32
      %lt3A_191 = arith.constant 125 : i32
      %lt3A_192 = arith.cmpi slt, %add3A_190, %lt3A_191 : i32
      %convert_element_type3A_193 = arith.extui %lt3A_192 : i1 to i32
      %cond3A_194 = arith.constant 0 : i32
      %cond3A_195 = arith.cmpi ne, %convert_element_type3A_193, %cond3A_194 : i32
      scf.if %cond3A_195 {
        %add3A_196 = arith.constant 2 : i32
        %add3A_197 = arith.addi %add3A_144, %add3A_196 : i32
        %mul3A_198 = arith.constant 400 : i32
        %mul3A_199 = arith.muli %add3A_197, %mul3A_198 : i32
        %add3A_200 = arith.addi %mul3A_2, %mul3A_199 : i32
        %dma_start3A_201 = tpu.memref_slice %arg2[%add3A_200] : memref<1600000xi32, #tpu.memory_space<hbm>> -> memref<400xi32, #tpu.memory_space<hbm>>
        %dma_start3A_202 = tpu.memref_slice %arg2[%add3A_200] : memref<1600000xi32, #tpu.memory_space<hbm>> -> memref<400xi32, #tpu.memory_space<hbm>>
        tpu.enqueue_dma source(%dma_start3A_202 : memref<400xi32, #tpu.memory_space<hbm>>) target(%arg10 : memref<400xi32, #tpu.memory_space<vmem>>) target_semaphore(%arg26 : memref<!tpu.dma_semaphore, #tpu.memory_space<semaphore_mem>>)
        %dma_start3A_203 = tpu.memref_slice %arg3[%add3A_200] : memref<1600000xi32, #tpu.memory_space<hbm>> -> memref<400xi32, #tpu.memory_space<hbm>>
        %dma_start3A_204 = tpu.memref_slice %arg3[%add3A_200] : memref<1600000xi32, #tpu.memory_space<hbm>> -> memref<400xi32, #tpu.memory_space<hbm>>
        tpu.enqueue_dma source(%dma_start3A_204 : memref<400xi32, #tpu.memory_space<hbm>>) target(%arg12 : memref<400xi32, #tpu.memory_space<vmem>>) target_semaphore(%arg26 : memref<!tpu.dma_semaphore, #tpu.memory_space<semaphore_mem>>)
        %dma_start3A_205 = tpu.memref_slice %arg4[%add3A_200] : memref<1600000xi32, #tpu.memory_space<hbm>> -> memref<400xi32, #tpu.memory_space<hbm>>
        %dma_start3A_206 = tpu.memref_slice %arg4[%add3A_200] : memref<1600000xi32, #tpu.memory_space<hbm>> -> memref<400xi32, #tpu.memory_space<hbm>>
        tpu.enqueue_dma source(%dma_start3A_206 : memref<400xi32, #tpu.memory_space<hbm>>) target(%arg14 : memref<400xi32, #tpu.memory_space<vmem>>) target_semaphore(%arg26 : memref<!tpu.dma_semaphore, #tpu.memory_space<semaphore_mem>>)
      } else {
      }
    }
    %scan3A_55 = arith.constant 62 : i32
    %add3A_56 = arith.constant 49600 : i32
    %add3A_57 = arith.addi %mul3A_2, %add3A_56 : i32
    %dma_wait3A_58 = arith.constant 0 : i32
    %dma_wait3A_59 = arith.constant 0 : i32
    %dma_wait3A_60 = tpu.memref_slice %arg6[%dma_wait3A_58, %dma_wait3A_59] : memref<50000x16xf32, #tpu.memory_space<hbm>> -> memref<50000x16xf32, #tpu.memory_space<hbm>>
    tpu.wait_indirect_dma semaphore(%arg27 : memref<!tpu.dma_semaphore, #tpu.memory_space<semaphore_mem>>) src(%dma_wait3A_60 : memref<50000x16xf32, #tpu.memory_space<hbm>>) dst(%arg19 : memref<400x16xf32, #tpu.memory_space<vmem>>)
    %scan3A_61 = arith.constant 0 : i32
    %scan3A_62 = arith.constant 0 : i32
    %scan3A_63 = arith.constant 25 : i32
    %scan3A_64 = arith.addi %scan3A_62, %scan3A_63 : i32
    %scan3A_65 = arith.constant 1 : i32
    scf.for %scan3A_87 = %scan3A_62 to %scan3A_64 step %scan3A_65  : i32 {
      %mul3A_88 = arith.constant 16 : i32
      %mul3A_89 = arith.muli %scan3A_87, %mul3A_88 : i32
      %get3A = arith.index_cast %mul3A_89 : i32 to index
      %get3A_90 = tpu.vector_load %arg13[%get3A] {strides = array<i32>} : memref<400xi32, #tpu.memory_space<vmem>>, vector<16xi32>,
      %iota3A = tpu.iota {dimensions = array<i32: 0>} : vector<16xi32>
      %mul3A_91 = arith.constant 16 : i32
      %mul3A_92 = arith.muli %scan3A_87, %mul3A_91 : i32
      %add3A_93 = vector.broadcast %mul3A_92 : i32 to vector<16xi32>
      %add3A_94 = arith.addi %iota3A, %add3A_93 : vector<16xi32>
      %gather3A = tpu.vector_load_idx %arg19[%add3A_94, %get3A_90] : memref<400x16xf32, #tpu.memory_space<vmem>>[vector<16xi32>, vector<16xi32>], vector<16xf32>,
      %mul3A_95 = arith.constant 16 : i32
      %mul3A_96 = arith.muli %scan3A_87, %mul3A_95 : i32
      %swap3A = arith.index_cast %mul3A_96 : i32 to index
      %swap3A_97 = tpu.vector_load %arg21[%swap3A] {strides = array<i32>} : memref<400xf32, #tpu.memory_space<vmem>>, vector<16xf32>,
      tpu.vector_store %arg21[%swap3A], %gather3A {strides = array<i32>} : memref<400xf32, #tpu.memory_space<vmem>>, vector<16xf32>,
    }
    %scan3A_66 = arith.constant 25 : i32
    %dma_wait3A_67 = arith.constant 0 : i32
    %dma_wait3A_68 = arith.constant 0 : i32
    %dma_wait3A_69 = tpu.memref_slice %arg5[%dma_wait3A_67, %dma_wait3A_68] : memref<800000x16xf32, #tpu.memory_space<hbm>> -> memref<800000x16xf32, #tpu.memory_space<hbm>>
    tpu.wait_indirect_dma semaphore(%arg29 : memref<!tpu.dma_semaphore, #tpu.memory_space<semaphore_mem>>) src(%dma_wait3A_69 : memref<800000x16xf32, #tpu.memory_space<hbm>>) dst(%arg17 : memref<400x16xf32, #tpu.memory_space<vmem>>)
    %scan3A_70 = arith.constant 0 : i32
    %scan3A_71 = arith.constant 0 : i32
    %scan3A_72 = arith.constant 25 : i32
    %scan3A_73 = arith.addi %scan3A_71, %scan3A_72 : i32
    %scan3A_74 = arith.constant 1 : i32
    scf.for %scan3A_87 = %scan3A_71 to %scan3A_73 step %scan3A_74  : i32 {
      %mul3A_88 = arith.constant 16 : i32
      %mul3A_89 = arith.muli %scan3A_87, %mul3A_88 : i32
      %get3A = arith.index_cast %mul3A_89 : i32 to index
      %get3A_90 = tpu.vector_load %arg21[%get3A] {strides = array<i32>} : memref<400xf32, #tpu.memory_space<vmem>>, vector<16xf32>,
      %mul3A_91 = arith.constant 16 : i32
      %mul3A_92 = arith.muli %scan3A_87, %mul3A_91 : i32
      %add3A_93 = arith.constant 0 : i32
      %add3A_94 = arith.addi %mul3A_92, %add3A_93 : i32
      %get3A_95 = arith.index_cast %add3A_94 : i32 to index
      %get3A_96 = arith.constant 0 : index
      %get3A_97 = tpu.vector_load %arg17[%get3A_95, %get3A_96] {strides = array<i32>} : memref<400x16xf32, #tpu.memory_space<vmem>>, vector<16xf32>,
      %slice3A = vector.extract_strided_slice %get3A_90 {offsets = [0], sizes = [1], strides = [1]} : vector<16xf32> to vector<1xf32>
      %squeeze3A = vector.extract %slice3A[0] : f32 from vector<1xf32>
      %mul3A_98 = vector.broadcast %squeeze3A : f32 to vector<16xf32>
      %mul3A_99 = arith.mulf %get3A_97, %mul3A_98 : vector<16xf32>
      %swap3A = arith.index_cast %add3A_94 : i32 to index
      %swap3A_100 = arith.constant 0 : index
      %swap3A_101 = tpu.vector_load %arg17[%swap3A, %swap3A_100] {strides = array<i32>} : memref<400x16xf32, #tpu.memory_space<vmem>>, vector<16xf32>,
      tpu.vector_store %arg17[%swap3A, %swap3A_100], %mul3A_99 {strides = array<i32>} : memref<400x16xf32, #tpu.memory_space<vmem>>, vector<16xf32>,
      %mul3A_102 = arith.constant 16 : i32
      %mul3A_103 = arith.muli %scan3A_87, %mul3A_102 : i32
      %add3A_104 = arith.constant 1 : i32
      %add3A_105 = arith.addi %mul3A_103, %add3A_104 : i32
      %get3A_106 = arith.index_cast %add3A_105 : i32 to index
      %get3A_107 = arith.constant 0 : index
      %get3A_108 = tpu.vector_load %arg17[%get3A_106, %get3A_107] {strides = array<i32>} : memref<400x16xf32, #tpu.memory_space<vmem>>, vector<16xf32>,
      %slice3A_109 = vector.extract_strided_slice %get3A_90 {offsets = [1], sizes = [1], strides = [1]} : vector<16xf32> to vector<1xf32>
      %squeeze3A_110 = vector.extract %slice3A_109[0] : f32 from vector<1xf32>
      %mul3A_111 = vector.broadcast %squeeze3A_110 : f32 to vector<16xf32>
      %mul3A_112 = arith.mulf %get3A_108, %mul3A_111 : vector<16xf32>
      %swap3A_113 = arith.index_cast %add3A_105 : i32 to index
      %swap3A_114 = arith.constant 0 : index
      %swap3A_115 = tpu.vector_load %arg17[%swap3A_113, %swap3A_114] {strides = array<i32>} : memref<400x16xf32, #tpu.memory_space<vmem>>, vector<16xf32>,
      tpu.vector_store %arg17[%swap3A_113, %swap3A_114], %mul3A_112 {strides = array<i32>} : memref<400x16xf32, #tpu.memory_space<vmem>>, vector<16xf32>,
      %mul3A_116 = arith.constant 16 : i32
      %mul3A_117 = arith.muli %scan3A_87, %mul3A_116 : i32
      %add3A_118 = arith.constant 2 : i32
      %add3A_119 = arith.addi %mul3A_117, %add3A_118 : i32
      %get3A_120 = arith.index_cast %add3A_119 : i32 to index
      %get3A_121 = arith.constant 0 : index
      %get3A_122 = tpu.vector_load %arg17[%get3A_120, %get3A_121] {strides = array<i32>} : memref<400x16xf32, #tpu.memory_space<vmem>>, vector<16xf32>,
      %slice3A_123 = vector.extract_strided_slice %get3A_90 {offsets = [2], sizes = [1], strides = [1]} : vector<16xf32> to vector<1xf32>
      %squeeze3A_124 = vector.extract %slice3A_123[0] : f32 from vector<1xf32>
      %mul3A_125 = vector.broadcast %squeeze3A_124 : f32 to vector<16xf32>
      %mul3A_126 = arith.mulf %get3A_122, %mul3A_125 : vector<16xf32>
      %swap3A_127 = arith.index_cast %add3A_119 : i32 to index
      %swap3A_128 = arith.constant 0 : index
      %swap3A_129 = tpu.vector_load %arg17[%swap3A_127, %swap3A_128] {strides = array<i32>} : memref<400x16xf32, #tpu.memory_space<vmem>>, vector<16xf32>,
      tpu.vector_store %arg17[%swap3A_127, %swap3A_128], %mul3A_126 {strides = array<i32>} : memref<400x16xf32, #tpu.memory_space<vmem>>, vector<16xf32>,
      %mul3A_130 = arith.constant 16 : i32
      %mul3A_131 = arith.muli %scan3A_87, %mul3A_130 : i32
      %add3A_132 = arith.constant 3 : i32
      %add3A_133 = arith.addi %mul3A_131, %add3A_132 : i32
      %get3A_134 = arith.index_cast %add3A_133 : i32 to index
      %get3A_135 = arith.constant 0 : index
      %get3A_136 = tpu.vector_load %arg17[%get3A_134, %get3A_135] {strides = array<i32>} : memref<400x16xf32, #tpu.memory_space<vmem>>, vector<16xf32>,
      %slice3A_137 = vector.extract_strided_slice %get3A_90 {offsets = [3], sizes = [1], strides = [1]} : vector<16xf32> to vector<1xf32>
      %squeeze3A_138 = vector.extract %slice3A_137[0] : f32 from vector<1xf32>
      %mul3A_139 = vector.broadcast %squeeze3A_138 : f32 to vector<16xf32>
      %mul3A_140 = arith.mulf %get3A_136, %mul3A_139 : vector<16xf32>
      %swap3A_141 = arith.index_cast %add3A_133 : i32 to index
      %swap3A_142 = arith.constant 0 : index
      %swap3A_143 = tpu.vector_load %arg17[%swap3A_141, %swap3A_142] {strides = array<i32>} : memref<400x16xf32, #tpu.memory_space<vmem>>, vector<16xf32>,
      tpu.vector_store %arg17[%swap3A_141, %swap3A_142], %mul3A_140 {strides = array<i32>} : memref<400x16xf32, #tpu.memory_space<vmem>>, vector<16xf32>,
      %mul3A_144 = arith.constant 16 : i32
      %mul3A_145 = arith.muli %scan3A_87, %mul3A_144 : i32
      %add3A_146 = arith.constant 4 : i32
      %add3A_147 = arith.addi %mul3A_145, %add3A_146 : i32
      %get3A_148 = arith.index_cast %add3A_147 : i32 to index
      %get3A_149 = arith.constant 0 : index
      %get3A_150 = tpu.vector_load %arg17[%get3A_148, %get3A_149] {strides = array<i32>} : memref<400x16xf32, #tpu.memory_space<vmem>>, vector<16xf32>,
      %slice3A_151 = vector.extract_strided_slice %get3A_90 {offsets = [4], sizes = [1], strides = [1]} : vector<16xf32> to vector<1xf32>
      %squeeze3A_152 = vector.extract %slice3A_151[0] : f32 from vector<1xf32>
      %mul3A_153 = vector.broadcast %squeeze3A_152 : f32 to vector<16xf32>
      %mul3A_154 = arith.mulf %get3A_150, %mul3A_153 : vector<16xf32>
      %swap3A_155 = arith.index_cast %add3A_147 : i32 to index
      %swap3A_156 = arith.constant 0 : index
      %swap3A_157 = tpu.vector_load %arg17[%swap3A_155, %swap3A_156] {strides = array<i32>} : memref<400x16xf32, #tpu.memory_space<vmem>>, vector<16xf32>,
      tpu.vector_store %arg17[%swap3A_155, %swap3A_156], %mul3A_154 {strides = array<i32>} : memref<400x16xf32, #tpu.memory_space<vmem>>, vector<16xf32>,
      %mul3A_158 = arith.constant 16 : i32
      %mul3A_159 = arith.muli %scan3A_87, %mul3A_158 : i32
      %add3A_160 = arith.constant 5 : i32
      %add3A_161 = arith.addi %mul3A_159, %add3A_160 : i32
      %get3A_162 = arith.index_cast %add3A_161 : i32 to index
      %get3A_163 = arith.constant 0 : index
      %get3A_164 = tpu.vector_load %arg17[%get3A_162, %get3A_163] {strides = array<i32>} : memref<400x16xf32, #tpu.memory_space<vmem>>, vector<16xf32>,
      %slice3A_165 = vector.extract_strided_slice %get3A_90 {offsets = [5], sizes = [1], strides = [1]} : vector<16xf32> to vector<1xf32>
      %squeeze3A_166 = vector.extract %slice3A_165[0] : f32 from vector<1xf32>
      %mul3A_167 = vector.broadcast %squeeze3A_166 : f32 to vector<16xf32>
      %mul3A_168 = arith.mulf %get3A_164, %mul3A_167 : vector<16xf32>
      %swap3A_169 = arith.index_cast %add3A_161 : i32 to index
      %swap3A_170 = arith.constant 0 : index
      %swap3A_171 = tpu.vector_load %arg17[%swap3A_169, %swap3A_170] {strides = array<i32>} : memref<400x16xf32, #tpu.memory_space<vmem>>, vector<16xf32>,
      tpu.vector_store %arg17[%swap3A_169, %swap3A_170], %mul3A_168 {strides = array<i32>} : memref<400x16xf32, #tpu.memory_space<vmem>>, vector<16xf32>,
      %mul3A_172 = arith.constant 16 : i32
      %mul3A_173 = arith.muli %scan3A_87, %mul3A_172 : i32
      %add3A_174 = arith.constant 6 : i32
      %add3A_175 = arith.addi %mul3A_173, %add3A_174 : i32
      %get3A_176 = arith.index_cast %add3A_175 : i32 to index
      %get3A_177 = arith.constant 0 : index
      %get3A_178 = tpu.vector_load %arg17[%get3A_176, %get3A_177] {strides = array<i32>} : memref<400x16xf32, #tpu.memory_space<vmem>>, vector<16xf32>,
      %slice3A_179 = vector.extract_strided_slice %get3A_90 {offsets = [6], sizes = [1], strides = [1]} : vector<16xf32> to vector<1xf32>
      %squeeze3A_180 = vector.extract %slice3A_179[0] : f32 from vector<1xf32>
      %mul3A_181 = vector.broadcast %squeeze3A_180 : f32 to vector<16xf32>
      %mul3A_182 = arith.mulf %get3A_178, %mul3A_181 : vector<16xf32>
      %swap3A_183 = arith.index_cast %add3A_175 : i32 to index
      %swap3A_184 = arith.constant 0 : index
      %swap3A_185 = tpu.vector_load %arg17[%swap3A_183, %swap3A_184] {strides = array<i32>} : memref<400x16xf32, #tpu.memory_space<vmem>>, vector<16xf32>,
      tpu.vector_store %arg17[%swap3A_183, %swap3A_184], %mul3A_182 {strides = array<i32>} : memref<400x16xf32, #tpu.memory_space<vmem>>, vector<16xf32>,
      %mul3A_186 = arith.constant 16 : i32
      %mul3A_187 = arith.muli %scan3A_87, %mul3A_186 : i32
      %add3A_188 = arith.constant 7 : i32
      %add3A_189 = arith.addi %mul3A_187, %add3A_188 : i32
      %get3A_190 = arith.index_cast %add3A_189 : i32 to index
      %get3A_191 = arith.constant 0 : index
      %get3A_192 = tpu.vector_load %arg17[%get3A_190, %get3A_191] {strides = array<i32>} : memref<400x16xf32, #tpu.memory_space<vmem>>, vector<16xf32>,
      %slice3A_193 = vector.extract_strided_slice %get3A_90 {offsets = [7], sizes = [1], strides = [1]} : vector<16xf32> to vector<1xf32>
      %squeeze3A_194 = vector.extract %slice3A_193[0] : f32 from vector<1xf32>
      %mul3A_195 = vector.broadcast %squeeze3A_194 : f32 to vector<16xf32>
      %mul3A_196 = arith.mulf %get3A_192, %mul3A_195 : vector<16xf32>
      %swap3A_197 = arith.index_cast %add3A_189 : i32 to index
      %swap3A_198 = arith.constant 0 : index
      %swap3A_199 = tpu.vector_load %arg17[%swap3A_197, %swap3A_198] {strides = array<i32>} : memref<400x16xf32, #tpu.memory_space<vmem>>, vector<16xf32>,
      tpu.vector_store %arg17[%swap3A_197, %swap3A_198], %mul3A_196 {strides = array<i32>} : memref<400x16xf32, #tpu.memory_space<vmem>>, vector<16xf32>,
      %mul3A_200 = arith.constant 16 : i32
      %mul3A_201 = arith.muli %scan3A_87, %mul3A_200 : i32
      %add3A_202 = arith.constant 8 : i32
      %add3A_203 = arith.addi %mul3A_201, %add3A_202 : i32
      %get3A_204 = arith.index_cast %add3A_203 : i32 to index
      %get3A_205 = arith.constant 0 : index
      %get3A_206 = tpu.vector_load %arg17[%get3A_204, %get3A_205] {strides = array<i32>} : memref<400x16xf32, #tpu.memory_space<vmem>>, vector<16xf32>,
      %slice3A_207 = vector.extract_strided_slice %get3A_90 {offsets = [8], sizes = [1], strides = [1]} : vector<16xf32> to vector<1xf32>
      %squeeze3A_208 = vector.extract %slice3A_207[0] : f32 from vector<1xf32>
      %mul3A_209 = vector.broadcast %squeeze3A_208 : f32 to vector<16xf32>
      %mul3A_210 = arith.mulf %get3A_206, %mul3A_209 : vector<16xf32>
      %swap3A_211 = arith.index_cast %add3A_203 : i32 to index
      %swap3A_212 = arith.constant 0 : index
      %swap3A_213 = tpu.vector_load %arg17[%swap3A_211, %swap3A_212] {strides = array<i32>} : memref<400x16xf32, #tpu.memory_space<vmem>>, vector<16xf32>,
      tpu.vector_store %arg17[%swap3A_211, %swap3A_212], %mul3A_210 {strides = array<i32>} : memref<400x16xf32, #tpu.memory_space<vmem>>, vector<16xf32>,
      %mul3A_214 = arith.constant 16 : i32
      %mul3A_215 = arith.muli %scan3A_87, %mul3A_214 : i32
      %add3A_216 = arith.constant 9 : i32
      %add3A_217 = arith.addi %mul3A_215, %add3A_216 : i32
      %get3A_218 = arith.index_cast %add3A_217 : i32 to index
      %get3A_219 = arith.constant 0 : index
      %get3A_220 = tpu.vector_load %arg17[%get3A_218, %get3A_219] {strides = array<i32>} : memref<400x16xf32, #tpu.memory_space<vmem>>, vector<16xf32>,
      %slice3A_221 = vector.extract_strided_slice %get3A_90 {offsets = [9], sizes = [1], strides = [1]} : vector<16xf32> to vector<1xf32>
      %squeeze3A_222 = vector.extract %slice3A_221[0] : f32 from vector<1xf32>
      %mul3A_223 = vector.broadcast %squeeze3A_222 : f32 to vector<16xf32>
      %mul3A_224 = arith.mulf %get3A_220, %mul3A_223 : vector<16xf32>
      %swap3A_225 = arith.index_cast %add3A_217 : i32 to index
      %swap3A_226 = arith.constant 0 : index
      %swap3A_227 = tpu.vector_load %arg17[%swap3A_225, %swap3A_226] {strides = array<i32>} : memref<400x16xf32, #tpu.memory_space<vmem>>, vector<16xf32>,
      tpu.vector_store %arg17[%swap3A_225, %swap3A_226], %mul3A_224 {strides = array<i32>} : memref<400x16xf32, #tpu.memory_space<vmem>>, vector<16xf32>,
      %mul3A_228 = arith.constant 16 : i32
      %mul3A_229 = arith.muli %scan3A_87, %mul3A_228 : i32
      %add3A_230 = arith.constant 10 : i32
      %add3A_231 = arith.addi %mul3A_229, %add3A_230 : i32
      %get3A_232 = arith.index_cast %add3A_231 : i32 to index
      %get3A_233 = arith.constant 0 : index
      %get3A_234 = tpu.vector_load %arg17[%get3A_232, %get3A_233] {strides = array<i32>} : memref<400x16xf32, #tpu.memory_space<vmem>>, vector<16xf32>,
      %slice3A_235 = vector.extract_strided_slice %get3A_90 {offsets = [10], sizes = [1], strides = [1]} : vector<16xf32> to vector<1xf32>
      %squeeze3A_236 = vector.extract %slice3A_235[0] : f32 from vector<1xf32>
      %mul3A_237 = vector.broadcast %squeeze3A_236 : f32 to vector<16xf32>
      %mul3A_238 = arith.mulf %get3A_234, %mul3A_237 : vector<16xf32>
      %swap3A_239 = arith.index_cast %add3A_231 : i32 to index
      %swap3A_240 = arith.constant 0 : index
      %swap3A_241 = tpu.vector_load %arg17[%swap3A_239, %swap3A_240] {strides = array<i32>} : memref<400x16xf32, #tpu.memory_space<vmem>>, vector<16xf32>,
      tpu.vector_store %arg17[%swap3A_239, %swap3A_240], %mul3A_238 {strides = array<i32>} : memref<400x16xf32, #tpu.memory_space<vmem>>, vector<16xf32>,
      %mul3A_242 = arith.constant 16 : i32
      %mul3A_243 = arith.muli %scan3A_87, %mul3A_242 : i32
      %add3A_244 = arith.constant 11 : i32
      %add3A_245 = arith.addi %mul3A_243, %add3A_244 : i32
      %get3A_246 = arith.index_cast %add3A_245 : i32 to index
      %get3A_247 = arith.constant 0 : index
      %get3A_248 = tpu.vector_load %arg17[%get3A_246, %get3A_247] {strides = array<i32>} : memref<400x16xf32, #tpu.memory_space<vmem>>, vector<16xf32>,
      %slice3A_249 = vector.extract_strided_slice %get3A_90 {offsets = [11], sizes = [1], strides = [1]} : vector<16xf32> to vector<1xf32>
      %squeeze3A_250 = vector.extract %slice3A_249[0] : f32 from vector<1xf32>
      %mul3A_251 = vector.broadcast %squeeze3A_250 : f32 to vector<16xf32>
      %mul3A_252 = arith.mulf %get3A_248, %mul3A_251 : vector<16xf32>
      %swap3A_253 = arith.index_cast %add3A_245 : i32 to index
      %swap3A_254 = arith.constant 0 : index
      %swap3A_255 = tpu.vector_load %arg17[%swap3A_253, %swap3A_254] {strides = array<i32>} : memref<400x16xf32, #tpu.memory_space<vmem>>, vector<16xf32>,
      tpu.vector_store %arg17[%swap3A_253, %swap3A_254], %mul3A_252 {strides = array<i32>} : memref<400x16xf32, #tpu.memory_space<vmem>>, vector<16xf32>,
      %mul3A_256 = arith.constant 16 : i32
      %mul3A_257 = arith.muli %scan3A_87, %mul3A_256 : i32
      %add3A_258 = arith.constant 12 : i32
      %add3A_259 = arith.addi %mul3A_257, %add3A_258 : i32
      %get3A_260 = arith.index_cast %add3A_259 : i32 to index
      %get3A_261 = arith.constant 0 : index
      %get3A_262 = tpu.vector_load %arg17[%get3A_260, %get3A_261] {strides = array<i32>} : memref<400x16xf32, #tpu.memory_space<vmem>>, vector<16xf32>,
      %slice3A_263 = vector.extract_strided_slice %get3A_90 {offsets = [12], sizes = [1], strides = [1]} : vector<16xf32> to vector<1xf32>
      %squeeze3A_264 = vector.extract %slice3A_263[0] : f32 from vector<1xf32>
      %mul3A_265 = vector.broadcast %squeeze3A_264 : f32 to vector<16xf32>
      %mul3A_266 = arith.mulf %get3A_262, %mul3A_265 : vector<16xf32>
      %swap3A_267 = arith.index_cast %add3A_259 : i32 to index
      %swap3A_268 = arith.constant 0 : index
      %swap3A_269 = tpu.vector_load %arg17[%swap3A_267, %swap3A_268] {strides = array<i32>} : memref<400x16xf32, #tpu.memory_space<vmem>>, vector<16xf32>,
      tpu.vector_store %arg17[%swap3A_267, %swap3A_268], %mul3A_266 {strides = array<i32>} : memref<400x16xf32, #tpu.memory_space<vmem>>, vector<16xf32>,
      %mul3A_270 = arith.constant 16 : i32
      %mul3A_271 = arith.muli %scan3A_87, %mul3A_270 : i32
      %add3A_272 = arith.constant 13 : i32
      %add3A_273 = arith.addi %mul3A_271, %add3A_272 : i32
      %get3A_274 = arith.index_cast %add3A_273 : i32 to index
      %get3A_275 = arith.constant 0 : index
      %get3A_276 = tpu.vector_load %arg17[%get3A_274, %get3A_275] {strides = array<i32>} : memref<400x16xf32, #tpu.memory_space<vmem>>, vector<16xf32>,
      %slice3A_277 = vector.extract_strided_slice %get3A_90 {offsets = [13], sizes = [1], strides = [1]} : vector<16xf32> to vector<1xf32>
      %squeeze3A_278 = vector.extract %slice3A_277[0] : f32 from vector<1xf32>
      %mul3A_279 = vector.broadcast %squeeze3A_278 : f32 to vector<16xf32>
      %mul3A_280 = arith.mulf %get3A_276, %mul3A_279 : vector<16xf32>
      %swap3A_281 = arith.index_cast %add3A_273 : i32 to index
      %swap3A_282 = arith.constant 0 : index
      %swap3A_283 = tpu.vector_load %arg17[%swap3A_281, %swap3A_282] {strides = array<i32>} : memref<400x16xf32, #tpu.memory_space<vmem>>, vector<16xf32>,
      tpu.vector_store %arg17[%swap3A_281, %swap3A_282], %mul3A_280 {strides = array<i32>} : memref<400x16xf32, #tpu.memory_space<vmem>>, vector<16xf32>,
      %mul3A_284 = arith.constant 16 : i32
      %mul3A_285 = arith.muli %scan3A_87, %mul3A_284 : i32
      %add3A_286 = arith.constant 14 : i32
      %add3A_287 = arith.addi %mul3A_285, %add3A_286 : i32
      %get3A_288 = arith.index_cast %add3A_287 : i32 to index
      %get3A_289 = arith.constant 0 : index
      %get3A_290 = tpu.vector_load %arg17[%get3A_288, %get3A_289] {strides = array<i32>} : memref<400x16xf32, #tpu.memory_space<vmem>>, vector<16xf32>,
      %slice3A_291 = vector.extract_strided_slice %get3A_90 {offsets = [14], sizes = [1], strides = [1]} : vector<16xf32> to vector<1xf32>
      %squeeze3A_292 = vector.extract %slice3A_291[0] : f32 from vector<1xf32>
      %mul3A_293 = vector.broadcast %squeeze3A_292 : f32 to vector<16xf32>
      %mul3A_294 = arith.mulf %get3A_290, %mul3A_293 : vector<16xf32>
      %swap3A_295 = arith.index_cast %add3A_287 : i32 to index
      %swap3A_296 = arith.constant 0 : index
      %swap3A_297 = tpu.vector_load %arg17[%swap3A_295, %swap3A_296] {strides = array<i32>} : memref<400x16xf32, #tpu.memory_space<vmem>>, vector<16xf32>,
      tpu.vector_store %arg17[%swap3A_295, %swap3A_296], %mul3A_294 {strides = array<i32>} : memref<400x16xf32, #tpu.memory_space<vmem>>, vector<16xf32>,
      %mul3A_298 = arith.constant 16 : i32
      %mul3A_299 = arith.muli %scan3A_87, %mul3A_298 : i32
      %add3A_300 = arith.constant 15 : i32
      %add3A_301 = arith.addi %mul3A_299, %add3A_300 : i32
      %get3A_302 = arith.index_cast %add3A_301 : i32 to index
      %get3A_303 = arith.constant 0 : index
      %get3A_304 = tpu.vector_load %arg17[%get3A_302, %get3A_303] {strides = array<i32>} : memref<400x16xf32, #tpu.memory_space<vmem>>, vector<16xf32>,
      %slice3A_305 = vector.extract_strided_slice %get3A_90 {offsets = [15], sizes = [1], strides = [1]} : vector<16xf32> to vector<1xf32>
      %squeeze3A_306 = vector.extract %slice3A_305[0] : f32 from vector<1xf32>
      %mul3A_307 = vector.broadcast %squeeze3A_306 : f32 to vector<16xf32>
      %mul3A_308 = arith.mulf %get3A_304, %mul3A_307 : vector<16xf32>
      %swap3A_309 = arith.index_cast %add3A_301 : i32 to index
      %swap3A_310 = arith.constant 0 : index
      %swap3A_311 = tpu.vector_load %arg17[%swap3A_309, %swap3A_310] {strides = array<i32>} : memref<400x16xf32, #tpu.memory_space<vmem>>, vector<16xf32>,
      tpu.vector_store %arg17[%swap3A_309, %swap3A_310], %mul3A_308 {strides = array<i32>} : memref<400x16xf32, #tpu.memory_space<vmem>>, vector<16xf32>,
    }
    %scan3A_75 = arith.constant 25 : i32
    "tpu.region"() ({
      %run_scoped3A = tpu.sem_alloc : memref<!tpu.dma_semaphore, #tpu.memory_space<semaphore_mem>>
      %dma_start3A_87 = arith.constant 0 : i32
      %dma_start3A_88 = arith.constant 0 : i32
      %dma_start3A_89 = tpu.memref_slice %arg24[%dma_start3A_87, %dma_start3A_88] : memref<50000x16xf32, #tpu.memory_space<vmem_shared>> -> memref<50000x16xf32, #tpu.memory_space<vmem_shared>>
      tpu.enqueue_indirect_dma source(%arg17 : memref<400x16xf32, #tpu.memory_space<vmem>>) target(%dma_start3A_89 : memref<50000x16xf32, #tpu.memory_space<vmem_shared>>) offsets(%arg11 : memref<400xi32, #tpu.memory_space<vmem>>) semaphore(%run_scoped3A : memref<!tpu.dma_semaphore, #tpu.memory_space<semaphore_mem>>) {add = true}
      %dma_wait3A_90 = arith.constant 0 : i32
      %dma_wait3A_91 = arith.constant 0 : i32
      %dma_wait3A_92 = tpu.memref_slice %arg24[%dma_wait3A_90, %dma_wait3A_91] : memref<50000x16xf32, #tpu.memory_space<vmem_shared>> -> memref<50000x16xf32, #tpu.memory_space<vmem_shared>>
      tpu.wait_indirect_dma semaphore(%run_scoped3A : memref<!tpu.dma_semaphore, #tpu.memory_space<semaphore_mem>>) src(%arg17 : memref<400x16xf32, #tpu.memory_space<vmem>>) dst(%dma_wait3A_92 : memref<50000x16xf32, #tpu.memory_space<vmem_shared>>)
      tpu.yield
    }) : () -> ()
    "tpu.region"() ({
      %run_scoped3A = tpu.sem_alloc : memref<!tpu.dma_semaphore, #tpu.memory_space<semaphore_mem>>
      %dma_start3A_87 = tpu.memref_slice %arg8[%add3A_57] : memref<1600000xf32, #tpu.memory_space<hbm>> -> memref<400xf32, #tpu.memory_space<hbm>>
      %dma_start3A_88 = tpu.memref_slice %arg8[%add3A_57] : memref<1600000xf32, #tpu.memory_space<hbm>> -> memref<400xf32, #tpu.memory_space<hbm>>
      tpu.enqueue_dma source(%arg21 : memref<400xf32, #tpu.memory_space<vmem>>) target(%dma_start3A_88 : memref<400xf32, #tpu.memory_space<hbm>>) target_semaphore(%run_scoped3A : memref<!tpu.dma_semaphore, #tpu.memory_space<semaphore_mem>>)
      %dma_wait3A_89 = tpu.memref_slice %arg8[%add3A_57] : memref<1600000xf32, #tpu.memory_space<hbm>> -> memref<400xf32, #tpu.memory_space<hbm>>
      %dma_wait3A_90 = tpu.memref_slice %arg8[%add3A_57] : memref<1600000xf32, #tpu.memory_space<hbm>> -> memref<400xf32, #tpu.memory_space<hbm>>
      tpu.wait_dma2 semaphore(%run_scoped3A : memref<!tpu.dma_semaphore, #tpu.memory_space<semaphore_mem>>) src(%arg21 : memref<400xf32, #tpu.memory_space<vmem>>) dst(%dma_wait3A_90 : memref<400xf32, #tpu.memory_space<hbm>>)
      tpu.yield
    }) : () -> ()
    %barrier3A_76 = arith.constant 0 : index
    tpu.barrier barrier_id(%barrier3A_76)
    %lt3A_77 = arith.constant 15 : i32
    %lt3A_78 = arith.cmpi slt, %arg1, %lt3A_77 : i32
    %convert_element_type3A_79 = arith.extui %lt3A_78 : i1 to i32
    %cond3A_80 = arith.constant 0 : i32
    %cond3A_81 = arith.cmpi ne, %convert_element_type3A_79, %cond3A_80 : i32
    scf.if %cond3A_81 {
      "tpu.region"() ({
        %run_scoped3A = tpu.sem_alloc : memref<!tpu.dma_semaphore, #tpu.memory_space<semaphore_mem>>
        %dma_start3A_87 = arith.constant 0 : i32
        %dma_start3A_88 = tpu.memref_slice %arg24[%mul3A_4, %dma_start3A_87] : memref<50000x16xf32, #tpu.memory_space<vmem_shared>> -> memref<3128x16xf32, #tpu.memory_space<vmem_shared>>
        %dma_start3A_89 = arith.constant 0 : i32
        %dma_start3A_90 = tpu.memref_slice %arg24[%mul3A_4, %dma_start3A_89] : memref<50000x16xf32, #tpu.memory_space<vmem_shared>> -> memref<3128x16xf32, #tpu.memory_space<vmem_shared>>
        tpu.enqueue_dma source(%dma_start3A_90 : memref<3128x16xf32, #tpu.memory_space<vmem_shared>>) target(%arg23 : memref<3128x16xf32, #tpu.memory_space<vmem>>) target_semaphore(%run_scoped3A : memref<!tpu.dma_semaphore, #tpu.memory_space<semaphore_mem>>)
        %dma_wait3A_91 = arith.constant 0 : i32
        %dma_wait3A_92 = tpu.memref_slice %arg24[%mul3A_4, %dma_wait3A_91] : memref<50000x16xf32, #tpu.memory_space<vmem_shared>> -> memref<3128x16xf32, #tpu.memory_space<vmem_shared>>
        %dma_wait3A_93 = arith.constant 0 : i32
        %dma_wait3A_94 = tpu.memref_slice %arg24[%mul3A_4, %dma_wait3A_93] : memref<50000x16xf32, #tpu.memory_space<vmem_shared>> -> memref<3128x16xf32, #tpu.memory_space<vmem_shared>>
        tpu.wait_dma2 semaphore(%run_scoped3A : memref<!tpu.dma_semaphore, #tpu.memory_space<semaphore_mem>>) src(%dma_wait3A_94 : memref<3128x16xf32, #tpu.memory_space<vmem_shared>>) dst(%arg23 : memref<3128x16xf32, #tpu.memory_space<vmem>>)
        tpu.yield
      }) : () -> ()
      "tpu.region"() ({
        %run_scoped3A = tpu.sem_alloc : memref<!tpu.dma_semaphore, #tpu.memory_space<semaphore_mem>>
        %dma_start3A_87 = arith.constant 0 : i32
        %dma_start3A_88 = tpu.memref_slice %arg7[%arg0, %mul3A_4, %dma_start3A_87] : memref<2x50000x16xf32, #tpu.memory_space<hbm>> -> memref<1x3128x16xf32, #tpu.memory_space<hbm>>
        %dma_start3A_89 = tpu.memref_squeeze %dma_start3A_88 : memref<1x3128x16xf32, #tpu.memory_space<hbm>> -> memref<3128x16xf32, #tpu.memory_space<hbm>>
        %dma_start3A_90 = arith.constant 0 : i32
        %dma_start3A_91 = tpu.memref_slice %arg7[%arg0, %mul3A_4, %dma_start3A_90] : memref<2x50000x16xf32, #tpu.memory_space<hbm>> -> memref<1x3128x16xf32, #tpu.memory_space<hbm>>
        %dma_start3A_92 = tpu.memref_squeeze %dma_start3A_91 : memref<1x3128x16xf32, #tpu.memory_space<hbm>> -> memref<3128x16xf32, #tpu.memory_space<hbm>>
        tpu.enqueue_dma source(%arg23 : memref<3128x16xf32, #tpu.memory_space<vmem>>) target(%dma_start3A_92 : memref<3128x16xf32, #tpu.memory_space<hbm>>) target_semaphore(%run_scoped3A : memref<!tpu.dma_semaphore, #tpu.memory_space<semaphore_mem>>)
        %dma_wait3A_93 = arith.constant 0 : i32
        %dma_wait3A_94 = tpu.memref_slice %arg7[%arg0, %mul3A_4, %dma_wait3A_93] : memref<2x50000x16xf32, #tpu.memory_space<hbm>> -> memref<1x3128x16xf32, #tpu.memory_space<hbm>>
        %dma_wait3A_95 = tpu.memref_squeeze %dma_wait3A_94 : memref<1x3128x16xf32, #tpu.memory_space<hbm>> -> memref<3128x16xf32, #tpu.memory_space<hbm>>
        %dma_wait3A_96 = arith.constant 0 : i32
        %dma_wait3A_97 = tpu.memref_slice %arg7[%arg0, %mul3A_4, %dma_wait3A_96] : memref<2x50000x16xf32, #tpu.memory_space<hbm>> -> memref<1x3128x16xf32, #tpu.memory_space<hbm>>
        %dma_wait3A_98 = tpu.memref_squeeze %dma_wait3A_97 : memref<1x3128x16xf32, #tpu.memory_space<hbm>> -> memref<3128x16xf32, #tpu.memory_space<hbm>>
        tpu.wait_dma2 semaphore(%run_scoped3A : memref<!tpu.dma_semaphore, #tpu.memory_space<semaphore_mem>>) src(%arg23 : memref<3128x16xf32, #tpu.memory_space<vmem>>) dst(%dma_wait3A_98 : memref<3128x16xf32, #tpu.memory_space<hbm>>)
        tpu.yield
      }) : () -> ()
    } else {
    }
    %eq3A_82 = arith.constant 15 : i32
    %eq3A_83 = arith.cmpi eq, %arg1, %eq3A_82 : i32
    %convert_element_type3A_84 = arith.extui %eq3A_83 : i1 to i32
    %cond3A_85 = arith.constant 0 : i32
    %cond3A_86 = arith.cmpi ne, %convert_element_type3A_84, %cond3A_85 : i32
    scf.if %cond3A_86 {
      "tpu.region"() ({
        %run_scoped3A = tpu.sem_alloc : memref<!tpu.dma_semaphore, #tpu.memory_space<semaphore_mem>>
        %dma_start3A_87 = arith.constant 0 : i32
        %dma_start3A_88 = arith.constant 0 : i32
        %dma_start3A_89 = tpu.memref_slice %arg23[%dma_start3A_87, %dma_start3A_88] : memref<3128x16xf32, #tpu.memory_space<vmem>> -> memref<3080x16xf32, #tpu.memory_space<vmem>>
        %dma_start3A_90 = arith.constant 0 : i32
        %dma_start3A_91 = tpu.memref_slice %arg24[%mul3A_4, %dma_start3A_90] : memref<50000x16xf32, #tpu.memory_space<vmem_shared>> -> memref<3080x16xf32, #tpu.memory_space<vmem_shared>>
        %dma_start3A_92 = arith.constant 0 : i32
        %dma_start3A_93 = arith.constant 0 : i32
        %dma_start3A_94 = tpu.memref_slice %arg23[%dma_start3A_92, %dma_start3A_93] : memref<3128x16xf32, #tpu.memory_space<vmem>> -> memref<3080x16xf32, #tpu.memory_space<vmem>>
        %dma_start3A_95 = arith.constant 0 : i32
        %dma_start3A_96 = tpu.memref_slice %arg24[%mul3A_4, %dma_start3A_95] : memref<50000x16xf32, #tpu.memory_space<vmem_shared>> -> memref<3080x16xf32, #tpu.memory_space<vmem_shared>>
        tpu.enqueue_dma source(%dma_start3A_96 : memref<3080x16xf32, #tpu.memory_space<vmem_shared>>) target(%dma_start3A_94 : memref<3080x16xf32, #tpu.memory_space<vmem>>) target_semaphore(%run_scoped3A : memref<!tpu.dma_semaphore, #tpu.memory_space<semaphore_mem>>)
        %dma_wait3A_97 = arith.constant 0 : i32
        %dma_wait3A_98 = arith.constant 0 : i32
        %dma_wait3A_99 = tpu.memref_slice %arg23[%dma_wait3A_97, %dma_wait3A_98] : memref<3128x16xf32, #tpu.memory_space<vmem>> -> memref<3080x16xf32, #tpu.memory_space<vmem>>
        %dma_wait3A_100 = arith.constant 0 : i32
        %dma_wait3A_101 = tpu.memref_slice %arg24[%mul3A_4, %dma_wait3A_100] : memref<50000x16xf32, #tpu.memory_space<vmem_shared>> -> memref<3080x16xf32, #tpu.memory_space<vmem_shared>>
        %dma_wait3A_102 = arith.constant 0 : i32
        %dma_wait3A_103 = arith.constant 0 : i32
        %dma_wait3A_104 = tpu.memref_slice %arg23[%dma_wait3A_102, %dma_wait3A_103] : memref<3128x16xf32, #tpu.memory_space<vmem>> -> memref<3080x16xf32, #tpu.memory_space<vmem>>
        %dma_wait3A_105 = arith.constant 0 : i32
        %dma_wait3A_106 = tpu.memref_slice %arg24[%mul3A_4, %dma_wait3A_105] : memref<50000x16xf32, #tpu.memory_space<vmem_shared>> -> memref<3080x16xf32, #tpu.memory_space<vmem_shared>>
        tpu.wait_dma2 semaphore(%run_scoped3A : memref<!tpu.dma_semaphore, #tpu.memory_space<semaphore_mem>>) src(%dma_wait3A_106 : memref<3080x16xf32, #tpu.memory_space<vmem_shared>>) dst(%dma_wait3A_104 : memref<3080x16xf32, #tpu.memory_space<vmem>>)
        tpu.yield
      }) : () -> ()
      "tpu.region"() ({
        %run_scoped3A = tpu.sem_alloc : memref<!tpu.dma_semaphore, #tpu.memory_space<semaphore_mem>>
        %dma_start3A_87 = arith.constant 0 : i32
        %dma_start3A_88 = arith.constant 0 : i32
        %dma_start3A_89 = tpu.memref_slice %arg23[%dma_start3A_87, %dma_start3A_88] : memref<3128x16xf32, #tpu.memory_space<vmem>> -> memref<3080x16xf32, #tpu.memory_space<vmem>>
        %dma_start3A_90 = arith.constant 0 : i32
        %dma_start3A_91 = tpu.memref_slice %arg7[%arg0, %mul3A_4, %dma_start3A_90] : memref<2x50000x16xf32, #tpu.memory_space<hbm>> -> memref<1x3080x16xf32, #tpu.memory_space<hbm>>
        %dma_start3A_92 = tpu.memref_squeeze %dma_start3A_91 : memref<1x3080x16xf32, #tpu.memory_space<hbm>> -> memref<3080x16xf32, #tpu.memory_space<hbm>>
        %dma_start3A_93 = arith.constant 0 : i32
        %dma_start3A_94 = tpu.memref_slice %arg7[%arg0, %mul3A_4, %dma_start3A_93] : memref<2x50000x16xf32, #tpu.memory_space<hbm>> -> memref<1x3080x16xf32, #tpu.memory_space<hbm>>
        %dma_start3A_95 = tpu.memref_squeeze %dma_start3A_94 : memref<1x3080x16xf32, #tpu.memory_space<hbm>> -> memref<3080x16xf32, #tpu.memory_space<hbm>>
        %dma_start3A_96 = arith.constant 0 : i32
        %dma_start3A_97 = arith.constant 0 : i32
        %dma_start3A_98 = tpu.memref_slice %arg23[%dma_start3A_96, %dma_start3A_97] : memref<3128x16xf32, #tpu.memory_space<vmem>> -> memref<3080x16xf32, #tpu.memory_space<vmem>>
        tpu.enqueue_dma source(%dma_start3A_98 : memref<3080x16xf32, #tpu.memory_space<vmem>>) target(%dma_start3A_95 : memref<3080x16xf32, #tpu.memory_space<hbm>>) target_semaphore(%run_scoped3A : memref<!tpu.dma_semaphore, #tpu.memory_space<semaphore_mem>>)
        %dma_wait3A_99 = arith.constant 0 : i32
        %dma_wait3A_100 = arith.constant 0 : i32
        %dma_wait3A_101 = tpu.memref_slice %arg23[%dma_wait3A_99, %dma_wait3A_100] : memref<3128x16xf32, #tpu.memory_space<vmem>> -> memref<3080x16xf32, #tpu.memory_space<vmem>>
        %dma_wait3A_102 = arith.constant 0 : i32
        %dma_wait3A_103 = tpu.memref_slice %arg7[%arg0, %mul3A_4, %dma_wait3A_102] : memref<2x50000x16xf32, #tpu.memory_space<hbm>> -> memref<1x3080x16xf32, #tpu.memory_space<hbm>>
        %dma_wait3A_104 = tpu.memref_squeeze %dma_wait3A_103 : memref<1x3080x16xf32, #tpu.memory_space<hbm>> -> memref<3080x16xf32, #tpu.memory_space<hbm>>
        %dma_wait3A_105 = arith.constant 0 : i32
        %dma_wait3A_106 = tpu.memref_slice %arg7[%arg0, %mul3A_4, %dma_wait3A_105] : memref<2x50000x16xf32, #tpu.memory_space<hbm>> -> memref<1x3080x16xf32, #tpu.memory_space<hbm>>
        %dma_wait3A_107 = tpu.memref_squeeze %dma_wait3A_106 : memref<1x3080x16xf32, #tpu.memory_space<hbm>> -> memref<3080x16xf32, #tpu.memory_space<hbm>>
        %dma_wait3A_108 = arith.constant 0 : i32
        %dma_wait3A_109 = arith.constant 0 : i32
        %dma_wait3A_110 = tpu.memref_slice %arg23[%dma_wait3A_108, %dma_wait3A_109] : memref<3128x16xf32, #tpu.memory_space<vmem>> -> memref<3080x16xf32, #tpu.memory_space<vmem>>
        tpu.wait_dma2 semaphore(%run_scoped3A : memref<!tpu.dma_semaphore, #tpu.memory_space<semaphore_mem>>) src(%dma_wait3A_110 : memref<3080x16xf32, #tpu.memory_space<vmem>>) dst(%dma_wait3A_107 : memref<3080x16xf32, #tpu.memory_space<hbm>>)
        tpu.yield
      }) : () -> ()
    } else {
    }
    return
  }
}

#map = affine_map<(d0, d1) -> (0)>
#map1 = affine_map<(d0, d1) -> (0, 0)>
#map2 = affine_map<(d0, d1) -> (0, 0, 0)>
module attributes {stable_mosaic.version = 14 : i64} {
  func.func @_agg2_kernel(%arg0: i32, %arg1: i32, %arg2: memref<1600000xi32, #tpu.memory_space<hbm>>, %arg3: memref<1600000xi32, #tpu.memory_space<hbm>>, %arg4: memref<1600000xi32, #tpu.memory_space<hbm>>, %arg5: memref<800000x8xf32, #tpu.memory_space<hbm>>, %arg6: memref<1600000xf32, #tpu.memory_space<hbm>>, %arg7: memref<2x50000x8xf32, #tpu.memory_space<hbm>>, %arg8: memref<400xi32, #tpu.memory_space<vmem>>, %arg9: memref<400xi32, #tpu.memory_space<vmem>>, %arg10: memref<400xi32, #tpu.memory_space<vmem>>, %arg11: memref<400xi32, #tpu.memory_space<vmem>>, %arg12: memref<400xi32, #tpu.memory_space<vmem>>, %arg13: memref<400xi32, #tpu.memory_space<vmem>>, %arg14: memref<400xi32, #tpu.memory_space<vmem>>, %arg15: memref<400xi32, #tpu.memory_space<vmem>>, %arg16: memref<400xf32, #tpu.memory_space<vmem>>, %arg17: memref<400xf32, #tpu.memory_space<vmem>>, %arg18: memref<400x8xf32, #tpu.memory_space<vmem>>, %arg19: memref<400x8xf32, #tpu.memory_space<vmem>>, %arg20: memref<3128x8xf32, #tpu.memory_space<vmem>>, %arg21: memref<50000x8xf32, #tpu.memory_space<vmem_shared>>, %arg22: memref<!tpu.dma_semaphore, #tpu.memory_space<semaphore_mem>>, %arg23: memref<!tpu.dma_semaphore, #tpu.memory_space<semaphore_mem>>, %arg24: memref<!tpu.dma_semaphore, #tpu.memory_space<semaphore_mem>>, %arg25: memref<!tpu.dma_semaphore, #tpu.memory_space<semaphore_mem>>) attributes {dimension_semantics = [#tpu.dimension_semantics<core_parallel>, #tpu.dimension_semantics<subcore_parallel>], iteration_bounds = array<i64: 2, 16>, scalar_prefetch = 0 : i64, scratch_operands = 18 : i64, tpu.core_type = #tpu.core_type<sc_vector_subcore>, window_params = [{transform_indices = #map}, {transform_indices = #map}, {transform_indices = #map}, {transform_indices = #map1}, {transform_indices = #map}, {transform_indices = #map2}]} {
    %mul3A = arith.constant 2 : i32
    %mul3A_0 = arith.muli %arg1, %mul3A : i32
    %add3A = arith.addi %mul3A_0, %arg0 : i32
    %mul3A_1 = arith.constant 50000 : i32
    %mul3A_2 = arith.muli %add3A, %mul3A_1 : i32
    %mul3A_3 = arith.constant 3128 : i32
    %mul3A_4 = arith.muli %arg1, %mul3A_3 : i32
    %iota3A = tpu.iota {dimensions = array<i32: 0>} : vector<16xi32>
    %and3A = arith.constant 7 : i32
    %and3A_5 = vector.broadcast %and3A : i32 to vector<16xi32>
    %and3A_6 = arith.andi %iota3A, %and3A_5 : vector<16xi32>
    %shift_right_arithmetic3A = arith.constant 3 : i32
    %shift_right_arithmetic3A_7 = vector.broadcast %shift_right_arithmetic3A : i32 to vector<16xi32>
    %shift_right_arithmetic3A_8 = arith.shrsi %iota3A, %shift_right_arithmetic3A_7 : vector<16xi32>
    %scan3A = arith.constant 0 : i32
    %scan3A_9 = arith.constant 0 : i32
    %scan3A_10 = arith.constant 1564 : i32
    %scan3A_11 = arith.addi %scan3A_9, %scan3A_10 : i32
    %scan3A_12 = arith.constant 1 : i32
    scf.for %scan3A_83 = %scan3A_9 to %scan3A_11 step %scan3A_12  : i32 {
      %mul3A_84 = arith.constant 2 : i32
      %mul3A_85 = arith.muli %scan3A_83, %mul3A_84 : i32
      %add3A_86 = vector.broadcast %mul3A_85 : i32 to vector<16xi32>
      %add3A_87 = arith.addi %add3A_86, %shift_right_arithmetic3A_8 : vector<16xi32>
      %broadcast_in_dim3A = arith.constant 0.000000e+00 : f32
      %broadcast_in_dim3A_88 = vector.broadcast %broadcast_in_dim3A : f32 to vector<16xf32>
      tpu.vector_store_idx %arg20[%add3A_87, %and3A_6], %broadcast_in_dim3A_88 : memref<3128x8xf32, #tpu.memory_space<vmem>>[vector<16xi32>, vector<16xi32>], vector<16xf32>,
    }
    %scan3A_13 = arith.constant 1564 : i32
    %lt3A = arith.constant 15 : i32
    %lt3A_14 = arith.cmpi slt, %arg1, %lt3A : i32
    %convert_element_type3A = arith.extui %lt3A_14 : i1 to i32
    %cond3A = arith.constant 0 : i32
    %cond3A_15 = arith.cmpi ne, %convert_element_type3A, %cond3A : i32
    scf.if %cond3A_15 {
      "tpu.region"() ({
        %run_scoped3A = tpu.sem_alloc : memref<!tpu.dma_semaphore, #tpu.memory_space<semaphore_mem>>
        %dma_start3A_83 = arith.constant 0 : i32
        %dma_start3A_84 = tpu.memref_slice %arg21[%mul3A_4, %dma_start3A_83] : memref<50000x8xf32, #tpu.memory_space<vmem_shared>> -> memref<3128x8xf32, #tpu.memory_space<vmem_shared>>
        %dma_start3A_85 = arith.constant 0 : i32
        %dma_start3A_86 = tpu.memref_slice %arg21[%mul3A_4, %dma_start3A_85] : memref<50000x8xf32, #tpu.memory_space<vmem_shared>> -> memref<3128x8xf32, #tpu.memory_space<vmem_shared>>
        tpu.enqueue_dma source(%arg20 : memref<3128x8xf32, #tpu.memory_space<vmem>>) target(%dma_start3A_86 : memref<3128x8xf32, #tpu.memory_space<vmem_shared>>) target_semaphore(%run_scoped3A : memref<!tpu.dma_semaphore, #tpu.memory_space<semaphore_mem>>)
        %dma_wait3A_87 = arith.constant 0 : i32
        %dma_wait3A_88 = tpu.memref_slice %arg21[%mul3A_4, %dma_wait3A_87] : memref<50000x8xf32, #tpu.memory_space<vmem_shared>> -> memref<3128x8xf32, #tpu.memory_space<vmem_shared>>
        %dma_wait3A_89 = arith.constant 0 : i32
        %dma_wait3A_90 = tpu.memref_slice %arg21[%mul3A_4, %dma_wait3A_89] : memref<50000x8xf32, #tpu.memory_space<vmem_shared>> -> memref<3128x8xf32, #tpu.memory_space<vmem_shared>>
        tpu.wait_dma2 semaphore(%run_scoped3A : memref<!tpu.dma_semaphore, #tpu.memory_space<semaphore_mem>>) src(%arg20 : memref<3128x8xf32, #tpu.memory_space<vmem>>) dst(%dma_wait3A_90 : memref<3128x8xf32, #tpu.memory_space<vmem_shared>>)
        tpu.yield
      }) : () -> ()
    } else {
    }
    %eq3A = arith.constant 15 : i32
    %eq3A_16 = arith.cmpi eq, %arg1, %eq3A : i32
    %convert_element_type3A_17 = arith.extui %eq3A_16 : i1 to i32
    %cond3A_18 = arith.constant 0 : i32
    %cond3A_19 = arith.cmpi ne, %convert_element_type3A_17, %cond3A_18 : i32
    scf.if %cond3A_19 {
      "tpu.region"() ({
        %run_scoped3A = tpu.sem_alloc : memref<!tpu.dma_semaphore, #tpu.memory_space<semaphore_mem>>
        %dma_start3A_83 = arith.constant 0 : i32
        %dma_start3A_84 = arith.constant 0 : i32
        %dma_start3A_85 = tpu.memref_slice %arg20[%dma_start3A_83, %dma_start3A_84] : memref<3128x8xf32, #tpu.memory_space<vmem>> -> memref<3080x8xf32, #tpu.memory_space<vmem>>
        %dma_start3A_86 = arith.constant 0 : i32
        %dma_start3A_87 = tpu.memref_slice %arg21[%mul3A_4, %dma_start3A_86] : memref<50000x8xf32, #tpu.memory_space<vmem_shared>> -> memref<3080x8xf32, #tpu.memory_space<vmem_shared>>
        %dma_start3A_88 = arith.constant 0 : i32
        %dma_start3A_89 = tpu.memref_slice %arg21[%mul3A_4, %dma_start3A_88] : memref<50000x8xf32, #tpu.memory_space<vmem_shared>> -> memref<3080x8xf32, #tpu.memory_space<vmem_shared>>
        %dma_start3A_90 = arith.constant 0 : i32
        %dma_start3A_91 = arith.constant 0 : i32
        %dma_start3A_92 = tpu.memref_slice %arg20[%dma_start3A_90, %dma_start3A_91] : memref<3128x8xf32, #tpu.memory_space<vmem>> -> memref<3080x8xf32, #tpu.memory_space<vmem>>
        tpu.enqueue_dma source(%dma_start3A_92 : memref<3080x8xf32, #tpu.memory_space<vmem>>) target(%dma_start3A_89 : memref<3080x8xf32, #tpu.memory_space<vmem_shared>>) target_semaphore(%run_scoped3A : memref<!tpu.dma_semaphore, #tpu.memory_space<semaphore_mem>>)
        %dma_wait3A_93 = arith.constant 0 : i32
        %dma_wait3A_94 = arith.constant 0 : i32
        %dma_wait3A_95 = tpu.memref_slice %arg20[%dma_wait3A_93, %dma_wait3A_94] : memref<3128x8xf32, #tpu.memory_space<vmem>> -> memref<3080x8xf32, #tpu.memory_space<vmem>>
        %dma_wait3A_96 = arith.constant 0 : i32
        %dma_wait3A_97 = tpu.memref_slice %arg21[%mul3A_4, %dma_wait3A_96] : memref<50000x8xf32, #tpu.memory_space<vmem_shared>> -> memref<3080x8xf32, #tpu.memory_space<vmem_shared>>
        %dma_wait3A_98 = arith.constant 0 : i32
        %dma_wait3A_99 = tpu.memref_slice %arg21[%mul3A_4, %dma_wait3A_98] : memref<50000x8xf32, #tpu.memory_space<vmem_shared>> -> memref<3080x8xf32, #tpu.memory_space<vmem_shared>>
        %dma_wait3A_100 = arith.constant 0 : i32
        %dma_wait3A_101 = arith.constant 0 : i32
        %dma_wait3A_102 = tpu.memref_slice %arg20[%dma_wait3A_100, %dma_wait3A_101] : memref<3128x8xf32, #tpu.memory_space<vmem>> -> memref<3080x8xf32, #tpu.memory_space<vmem>>
        tpu.wait_dma2 semaphore(%run_scoped3A : memref<!tpu.dma_semaphore, #tpu.memory_space<semaphore_mem>>) src(%dma_wait3A_102 : memref<3080x8xf32, #tpu.memory_space<vmem>>) dst(%dma_wait3A_99 : memref<3080x8xf32, #tpu.memory_space<vmem_shared>>)
        tpu.yield
      }) : () -> ()
    } else {
    }
    %barrier3A = arith.constant 0 : index
    tpu.barrier barrier_id(%barrier3A)
    %add3A_20 = arith.constant 0 : i32
    %add3A_21 = arith.addi %mul3A_2, %add3A_20 : i32
    %dma_start3A = tpu.memref_slice %arg2[%add3A_21] : memref<1600000xi32, #tpu.memory_space<hbm>> -> memref<400xi32, #tpu.memory_space<hbm>>
    %dma_start3A_22 = tpu.memref_slice %arg2[%add3A_21] : memref<1600000xi32, #tpu.memory_space<hbm>> -> memref<400xi32, #tpu.memory_space<hbm>>
    tpu.enqueue_dma source(%dma_start3A_22 : memref<400xi32, #tpu.memory_space<hbm>>) target(%arg8 : memref<400xi32, #tpu.memory_space<vmem>>) target_semaphore(%arg22 : memref<!tpu.dma_semaphore, #tpu.memory_space<semaphore_mem>>)
    %dma_start3A_23 = tpu.memref_slice %arg3[%add3A_21] : memref<1600000xi32, #tpu.memory_space<hbm>> -> memref<400xi32, #tpu.memory_space<hbm>>
    %dma_start3A_24 = tpu.memref_slice %arg3[%add3A_21] : memref<1600000xi32, #tpu.memory_space<hbm>> -> memref<400xi32, #tpu.memory_space<hbm>>
    tpu.enqueue_dma source(%dma_start3A_24 : memref<400xi32, #tpu.memory_space<hbm>>) target(%arg10 : memref<400xi32, #tpu.memory_space<vmem>>) target_semaphore(%arg22 : memref<!tpu.dma_semaphore, #tpu.memory_space<semaphore_mem>>)
    %dma_start3A_25 = tpu.memref_slice %arg4[%add3A_21] : memref<1600000xi32, #tpu.memory_space<hbm>> -> memref<400xi32, #tpu.memory_space<hbm>>
    %dma_start3A_26 = tpu.memref_slice %arg4[%add3A_21] : memref<1600000xi32, #tpu.memory_space<hbm>> -> memref<400xi32, #tpu.memory_space<hbm>>
    tpu.enqueue_dma source(%dma_start3A_26 : memref<400xi32, #tpu.memory_space<hbm>>) target(%arg12 : memref<400xi32, #tpu.memory_space<vmem>>) target_semaphore(%arg22 : memref<!tpu.dma_semaphore, #tpu.memory_space<semaphore_mem>>)
    %dma_start3A_27 = tpu.memref_slice %arg6[%add3A_21] : memref<1600000xf32, #tpu.memory_space<hbm>> -> memref<400xf32, #tpu.memory_space<hbm>>
    %dma_start3A_28 = tpu.memref_slice %arg6[%add3A_21] : memref<1600000xf32, #tpu.memory_space<hbm>> -> memref<400xf32, #tpu.memory_space<hbm>>
    tpu.enqueue_dma source(%dma_start3A_28 : memref<400xf32, #tpu.memory_space<hbm>>) target(%arg16 : memref<400xf32, #tpu.memory_space<vmem>>) target_semaphore(%arg22 : memref<!tpu.dma_semaphore, #tpu.memory_space<semaphore_mem>>)
    %add3A_29 = arith.constant 0 : i32
    %add3A_30 = arith.addi %mul3A_2, %add3A_29 : i32
    %dma_wait3A = tpu.memref_slice %arg2[%add3A_30] : memref<1600000xi32, #tpu.memory_space<hbm>> -> memref<400xi32, #tpu.memory_space<hbm>>
    %dma_wait3A_31 = tpu.memref_slice %arg2[%add3A_30] : memref<1600000xi32, #tpu.memory_space<hbm>> -> memref<400xi32, #tpu.memory_space<hbm>>
    tpu.wait_dma2 semaphore(%arg22 : memref<!tpu.dma_semaphore, #tpu.memory_space<semaphore_mem>>) src(%dma_wait3A_31 : memref<400xi32, #tpu.memory_space<hbm>>) dst(%arg8 : memref<400xi32, #tpu.memory_space<vmem>>)
    %dma_wait3A_32 = tpu.memref_slice %arg3[%add3A_30] : memref<1600000xi32, #tpu.memory_space<hbm>> -> memref<400xi32, #tpu.memory_space<hbm>>
    %dma_wait3A_33 = tpu.memref_slice %arg3[%add3A_30] : memref<1600000xi32, #tpu.memory_space<hbm>> -> memref<400xi32, #tpu.memory_space<hbm>>
    tpu.wait_dma2 semaphore(%arg22 : memref<!tpu.dma_semaphore, #tpu.memory_space<semaphore_mem>>) src(%dma_wait3A_33 : memref<400xi32, #tpu.memory_space<hbm>>) dst(%arg10 : memref<400xi32, #tpu.memory_space<vmem>>)
    %dma_wait3A_34 = tpu.memref_slice %arg4[%add3A_30] : memref<1600000xi32, #tpu.memory_space<hbm>> -> memref<400xi32, #tpu.memory_space<hbm>>
    %dma_wait3A_35 = tpu.memref_slice %arg4[%add3A_30] : memref<1600000xi32, #tpu.memory_space<hbm>> -> memref<400xi32, #tpu.memory_space<hbm>>
    tpu.wait_dma2 semaphore(%arg22 : memref<!tpu.dma_semaphore, #tpu.memory_space<semaphore_mem>>) src(%dma_wait3A_35 : memref<400xi32, #tpu.memory_space<hbm>>) dst(%arg12 : memref<400xi32, #tpu.memory_space<vmem>>)
    %dma_wait3A_36 = tpu.memref_slice %arg6[%add3A_30] : memref<1600000xf32, #tpu.memory_space<hbm>> -> memref<400xf32, #tpu.memory_space<hbm>>
    %dma_wait3A_37 = tpu.memref_slice %arg6[%add3A_30] : memref<1600000xf32, #tpu.memory_space<hbm>> -> memref<400xf32, #tpu.memory_space<hbm>>
    tpu.wait_dma2 semaphore(%arg22 : memref<!tpu.dma_semaphore, #tpu.memory_space<semaphore_mem>>) src(%dma_wait3A_37 : memref<400xf32, #tpu.memory_space<hbm>>) dst(%arg16 : memref<400xf32, #tpu.memory_space<vmem>>)
    %scan3A_38 = arith.constant 0 : i32
    %scan3A_39 = arith.constant 0 : i32
    %scan3A_40 = arith.constant 25 : i32
    %scan3A_41 = arith.addi %scan3A_39, %scan3A_40 : i32
    %scan3A_42 = arith.constant 1 : i32
    scf.for %scan3A_83 = %scan3A_39 to %scan3A_41 step %scan3A_42  : i32 {
      %mul3A_84 = arith.constant 16 : i32
      %mul3A_85 = arith.muli %scan3A_83, %mul3A_84 : i32
      %get3A = arith.index_cast %mul3A_85 : i32 to index
      %get3A_86 = tpu.vector_load %arg8[%get3A] {strides = array<i32>} : memref<400xi32, #tpu.memory_space<vmem>>, vector<16xi32>,
      %mul3A_87 = arith.constant 16 : i32
      %mul3A_88 = arith.muli %scan3A_83, %mul3A_87 : i32
      %get3A_89 = arith.index_cast %mul3A_88 : i32 to index
      %get3A_90 = tpu.vector_load %arg12[%get3A_89] {strides = array<i32>} : memref<400xi32, #tpu.memory_space<vmem>>, vector<16xi32>,
      %mul3A_91 = arith.constant 16 : i32
      %mul3A_92 = vector.broadcast %mul3A_91 : i32 to vector<16xi32>
      %mul3A_93 = arith.muli %get3A_86, %mul3A_92 : vector<16xi32>
      %add3A_94 = arith.addi %mul3A_93, %get3A_90 : vector<16xi32>
      %mul3A_95 = arith.constant 16 : i32
      %mul3A_96 = arith.muli %scan3A_83, %mul3A_95 : i32
      %swap3A = arith.index_cast %mul3A_96 : i32 to index
      %swap3A_97 = tpu.vector_load %arg14[%swap3A] {strides = array<i32>} : memref<400xi32, #tpu.memory_space<vmem>>, vector<16xi32>,
      tpu.vector_store %arg14[%swap3A], %add3A_94 {strides = array<i32>} : memref<400xi32, #tpu.memory_space<vmem>>, vector<16xi32>,
    }
    %scan3A_43 = arith.constant 25 : i32
    %dma_start3A_44 = arith.constant 0 : i32
    %dma_start3A_45 = arith.constant 0 : i32
    %dma_start3A_46 = tpu.memref_slice %arg5[%dma_start3A_44, %dma_start3A_45] : memref<800000x8xf32, #tpu.memory_space<hbm>> -> memref<800000x8xf32, #tpu.memory_space<hbm>>
    tpu.enqueue_indirect_dma source(%dma_start3A_46 : memref<800000x8xf32, #tpu.memory_space<hbm>>) target(%arg18 : memref<400x8xf32, #tpu.memory_space<vmem>>) offsets(%arg14 : memref<400xi32, #tpu.memory_space<vmem>>) semaphore(%arg24 : memref<!tpu.dma_semaphore, #tpu.memory_space<semaphore_mem>>)
    %add3A_47 = arith.constant 400 : i32
    %add3A_48 = arith.addi %mul3A_2, %add3A_47 : i32
    %dma_start3A_49 = tpu.memref_slice %arg2[%add3A_48] : memref<1600000xi32, #tpu.memory_space<hbm>> -> memref<400xi32, #tpu.memory_space<hbm>>
    %dma_start3A_50 = tpu.memref_slice %arg2[%add3A_48] : memref<1600000xi32, #tpu.memory_space<hbm>> -> memref<400xi32, #tpu.memory_space<hbm>>
    tpu.enqueue_dma source(%dma_start3A_50 : memref<400xi32, #tpu.memory_space<hbm>>) target(%arg9 : memref<400xi32, #tpu.memory_space<vmem>>) target_semaphore(%arg23 : memref<!tpu.dma_semaphore, #tpu.memory_space<semaphore_mem>>)
    %dma_start3A_51 = tpu.memref_slice %arg3[%add3A_48] : memref<1600000xi32, #tpu.memory_space<hbm>> -> memref<400xi32, #tpu.memory_space<hbm>>
    %dma_start3A_52 = tpu.memref_slice %arg3[%add3A_48] : memref<1600000xi32, #tpu.memory_space<hbm>> -> memref<400xi32, #tpu.memory_space<hbm>>
    tpu.enqueue_dma source(%dma_start3A_52 : memref<400xi32, #tpu.memory_space<hbm>>) target(%arg11 : memref<400xi32, #tpu.memory_space<vmem>>) target_semaphore(%arg23 : memref<!tpu.dma_semaphore, #tpu.memory_space<semaphore_mem>>)
    %dma_start3A_53 = tpu.memref_slice %arg4[%add3A_48] : memref<1600000xi32, #tpu.memory_space<hbm>> -> memref<400xi32, #tpu.memory_space<hbm>>
    %dma_start3A_54 = tpu.memref_slice %arg4[%add3A_48] : memref<1600000xi32, #tpu.memory_space<hbm>> -> memref<400xi32, #tpu.memory_space<hbm>>
    tpu.enqueue_dma source(%dma_start3A_54 : memref<400xi32, #tpu.memory_space<hbm>>) target(%arg13 : memref<400xi32, #tpu.memory_space<vmem>>) target_semaphore(%arg23 : memref<!tpu.dma_semaphore, #tpu.memory_space<semaphore_mem>>)
    %dma_start3A_55 = tpu.memref_slice %arg6[%add3A_48] : memref<1600000xf32, #tpu.memory_space<hbm>> -> memref<400xf32, #tpu.memory_space<hbm>>
    %dma_start3A_56 = tpu.memref_slice %arg6[%add3A_48] : memref<1600000xf32, #tpu.memory_space<hbm>> -> memref<400xf32, #tpu.memory_space<hbm>>
    tpu.enqueue_dma source(%dma_start3A_56 : memref<400xf32, #tpu.memory_space<hbm>>) target(%arg17 : memref<400xf32, #tpu.memory_space<vmem>>) target_semaphore(%arg23 : memref<!tpu.dma_semaphore, #tpu.memory_space<semaphore_mem>>)
    %scan3A_57 = arith.constant 0 : i32
    %scan3A_58 = arith.constant 0 : i32
    %scan3A_59 = arith.constant 62 : i32
    %scan3A_60 = arith.addi %scan3A_58, %scan3A_59 : i32
    %scan3A_61 = arith.constant 1 : i32
    scf.for %scan3A_83 = %scan3A_58 to %scan3A_60 step %scan3A_61  : i32 {
      %mul3A_84 = arith.constant 2 : i32
      %mul3A_85 = arith.muli %scan3A_83, %mul3A_84 : i32
      %add3A_86 = arith.constant 1 : i32
      %add3A_87 = arith.addi %mul3A_85, %add3A_86 : i32
      %mul3A_88 = arith.constant 400 : i32
      %mul3A_89 = arith.muli %add3A_87, %mul3A_88 : i32
      %add3A_90 = arith.addi %mul3A_2, %mul3A_89 : i32
      %dma_wait3A_91 = tpu.memref_slice %arg2[%add3A_90] : memref<1600000xi32, #tpu.memory_space<hbm>> -> memref<400xi32, #tpu.memory_space<hbm>>
      %dma_wait3A_92 = tpu.memref_slice %arg2[%add3A_90] : memref<1600000xi32, #tpu.memory_space<hbm>> -> memref<400xi32, #tpu.memory_space<hbm>>
      tpu.wait_dma2 semaphore(%arg23 : memref<!tpu.dma_semaphore, #tpu.memory_space<semaphore_mem>>) src(%dma_wait3A_92 : memref<400xi32, #tpu.memory_space<hbm>>) dst(%arg9 : memref<400xi32, #tpu.memory_space<vmem>>)
      %dma_wait3A_93 = tpu.memref_slice %arg3[%add3A_90] : memref<1600000xi32, #tpu.memory_space<hbm>> -> memref<400xi32, #tpu.memory_space<hbm>>
      %dma_wait3A_94 = tpu.memref_slice %arg3[%add3A_90] : memref<1600000xi32, #tpu.memory_space<hbm>> -> memref<400xi32, #tpu.memory_space<hbm>>
      tpu.wait_dma2 semaphore(%arg23 : memref<!tpu.dma_semaphore, #tpu.memory_space<semaphore_mem>>) src(%dma_wait3A_94 : memref<400xi32, #tpu.memory_space<hbm>>) dst(%arg11 : memref<400xi32, #tpu.memory_space<vmem>>)
      %dma_wait3A_95 = tpu.memref_slice %arg4[%add3A_90] : memref<1600000xi32, #tpu.memory_space<hbm>> -> memref<400xi32, #tpu.memory_space<hbm>>
      %dma_wait3A_96 = tpu.memref_slice %arg4[%add3A_90] : memref<1600000xi32, #tpu.memory_space<hbm>> -> memref<400xi32, #tpu.memory_space<hbm>>
      tpu.wait_dma2 semaphore(%arg23 : memref<!tpu.dma_semaphore, #tpu.memory_space<semaphore_mem>>) src(%dma_wait3A_96 : memref<400xi32, #tpu.memory_space<hbm>>) dst(%arg13 : memref<400xi32, #tpu.memory_space<vmem>>)
      %dma_wait3A_97 = tpu.memref_slice %arg6[%add3A_90] : memref<1600000xf32, #tpu.memory_space<hbm>> -> memref<400xf32, #tpu.memory_space<hbm>>
      %dma_wait3A_98 = tpu.memref_slice %arg6[%add3A_90] : memref<1600000xf32, #tpu.memory_space<hbm>> -> memref<400xf32, #tpu.memory_space<hbm>>
      tpu.wait_dma2 semaphore(%arg23 : memref<!tpu.dma_semaphore, #tpu.memory_space<semaphore_mem>>) src(%dma_wait3A_98 : memref<400xf32, #tpu.memory_space<hbm>>) dst(%arg17 : memref<400xf32, #tpu.memory_space<vmem>>)
      %scan3A_99 = arith.constant 0 : i32
      %scan3A_100 = arith.constant 0 : i32
      %scan3A_101 = arith.constant 25 : i32
      %scan3A_102 = arith.addi %scan3A_100, %scan3A_101 : i32
      %scan3A_103 = arith.constant 1 : i32
      scf.for %scan3A_166 = %scan3A_100 to %scan3A_102 step %scan3A_103  : i32 {
        %mul3A_167 = arith.constant 16 : i32
        %mul3A_168 = arith.muli %scan3A_166, %mul3A_167 : i32
        %get3A = arith.index_cast %mul3A_168 : i32 to index
        %get3A_169 = tpu.vector_load %arg9[%get3A] {strides = array<i32>} : memref<400xi32, #tpu.memory_space<vmem>>, vector<16xi32>,
        %mul3A_170 = arith.constant 16 : i32
        %mul3A_171 = arith.muli %scan3A_166, %mul3A_170 : i32
        %get3A_172 = arith.index_cast %mul3A_171 : i32 to index
        %get3A_173 = tpu.vector_load %arg13[%get3A_172] {strides = array<i32>} : memref<400xi32, #tpu.memory_space<vmem>>, vector<16xi32>,
        %mul3A_174 = arith.constant 16 : i32
        %mul3A_175 = vector.broadcast %mul3A_174 : i32 to vector<16xi32>
        %mul3A_176 = arith.muli %get3A_169, %mul3A_175 : vector<16xi32>
        %add3A_177 = arith.addi %mul3A_176, %get3A_173 : vector<16xi32>
        %mul3A_178 = arith.constant 16 : i32
        %mul3A_179 = arith.muli %scan3A_166, %mul3A_178 : i32
        %swap3A = arith.index_cast %mul3A_179 : i32 to index
        %swap3A_180 = tpu.vector_load %arg15[%swap3A] {strides = array<i32>} : memref<400xi32, #tpu.memory_space<vmem>>, vector<16xi32>,
        tpu.vector_store %arg15[%swap3A], %add3A_177 {strides = array<i32>} : memref<400xi32, #tpu.memory_space<vmem>>, vector<16xi32>,
      }
      %scan3A_104 = arith.constant 25 : i32
      %dma_wait3A_105 = arith.constant 0 : i32
      %dma_wait3A_106 = arith.constant 0 : i32
      %dma_wait3A_107 = tpu.memref_slice %arg5[%dma_wait3A_105, %dma_wait3A_106] : memref<800000x8xf32, #tpu.memory_space<hbm>> -> memref<800000x8xf32, #tpu.memory_space<hbm>>
      tpu.wait_indirect_dma semaphore(%arg24 : memref<!tpu.dma_semaphore, #tpu.memory_space<semaphore_mem>>) src(%dma_wait3A_107 : memref<800000x8xf32, #tpu.memory_space<hbm>>) dst(%arg18 : memref<400x8xf32, #tpu.memory_space<vmem>>)
      %scan3A_108 = arith.constant 0 : i32
      %scan3A_109 = arith.constant 0 : i32
      %scan3A_110 = arith.constant 200 : i32
      %scan3A_111 = arith.addi %scan3A_109, %scan3A_110 : i32
      %scan3A_112 = arith.constant 1 : i32
      scf.for %scan3A_166 = %scan3A_109 to %scan3A_111 step %scan3A_112  : i32 {
        %mul3A_167 = arith.constant 2 : i32
        %mul3A_168 = arith.muli %scan3A_166, %mul3A_167 : i32
        %add3A_169 = vector.broadcast %mul3A_168 : i32 to vector<16xi32>
        %add3A_170 = arith.addi %add3A_169, %shift_right_arithmetic3A_8 : vector<16xi32>
        %gather3A = tpu.vector_load_idx %arg16[%add3A_170] : memref<400xf32, #tpu.memory_space<vmem>>[vector<16xi32>], vector<16xf32>,
        %gather3A_171 = tpu.vector_load_idx %arg18[%add3A_170, %and3A_6] : memref<400x8xf32, #tpu.memory_space<vmem>>[vector<16xi32>, vector<16xi32>], vector<16xf32>,
        %mul3A_172 = arith.mulf %gather3A_171, %gather3A : vector<16xf32>
        tpu.vector_store_idx %arg18[%add3A_170, %and3A_6], %mul3A_172 : memref<400x8xf32, #tpu.memory_space<vmem>>[vector<16xi32>, vector<16xi32>], vector<16xf32>,
      }
      %scan3A_113 = arith.constant 200 : i32
      %dma_start3A_114 = arith.constant 0 : i32
      %dma_start3A_115 = arith.constant 0 : i32
      %dma_start3A_116 = tpu.memref_slice %arg5[%dma_start3A_114, %dma_start3A_115] : memref<800000x8xf32, #tpu.memory_space<hbm>> -> memref<800000x8xf32, #tpu.memory_space<hbm>>
      tpu.enqueue_indirect_dma source(%dma_start3A_116 : memref<800000x8xf32, #tpu.memory_space<hbm>>) target(%arg19 : memref<400x8xf32, #tpu.memory_space<vmem>>) offsets(%arg15 : memref<400xi32, #tpu.memory_space<vmem>>) semaphore(%arg25 : memref<!tpu.dma_semaphore, #tpu.memory_space<semaphore_mem>>)
      "tpu.region"() ({
        %run_scoped3A = tpu.sem_alloc : memref<!tpu.dma_semaphore, #tpu.memory_space<semaphore_mem>>
        %dma_start3A_166 = arith.constant 0 : i32
        %dma_start3A_167 = arith.constant 0 : i32
        %dma_start3A_168 = tpu.memref_slice %arg21[%dma_start3A_166, %dma_start3A_167] : memref<50000x8xf32, #tpu.memory_space<vmem_shared>> -> memref<50000x8xf32, #tpu.memory_space<vmem_shared>>
        tpu.enqueue_indirect_dma source(%arg18 : memref<400x8xf32, #tpu.memory_space<vmem>>) target(%dma_start3A_168 : memref<50000x8xf32, #tpu.memory_space<vmem_shared>>) offsets(%arg10 : memref<400xi32, #tpu.memory_space<vmem>>) semaphore(%run_scoped3A : memref<!tpu.dma_semaphore, #tpu.memory_space<semaphore_mem>>) {add = true}
        %dma_wait3A_169 = arith.constant 0 : i32
        %dma_wait3A_170 = arith.constant 0 : i32
        %dma_wait3A_171 = tpu.memref_slice %arg21[%dma_wait3A_169, %dma_wait3A_170] : memref<50000x8xf32, #tpu.memory_space<vmem_shared>> -> memref<50000x8xf32, #tpu.memory_space<vmem_shared>>
        tpu.wait_indirect_dma semaphore(%run_scoped3A : memref<!tpu.dma_semaphore, #tpu.memory_space<semaphore_mem>>) src(%arg18 : memref<400x8xf32, #tpu.memory_space<vmem>>) dst(%dma_wait3A_171 : memref<50000x8xf32, #tpu.memory_space<vmem_shared>>)
        tpu.yield
      }) : () -> ()
      %add3A_117 = arith.constant 2 : i32
      %add3A_118 = arith.addi %mul3A_85, %add3A_117 : i32
      %lt3A_119 = arith.constant 125 : i32
      %lt3A_120 = arith.cmpi slt, %add3A_118, %lt3A_119 : i32
      %convert_element_type3A_121 = arith.extui %lt3A_120 : i1 to i32
      %cond3A_122 = arith.constant 0 : i32
      %cond3A_123 = arith.cmpi ne, %convert_element_type3A_121, %cond3A_122 : i32
      scf.if %cond3A_123 {
        %add3A_166 = arith.constant 2 : i32
        %add3A_167 = arith.addi %mul3A_85, %add3A_166 : i32
        %mul3A_168 = arith.constant 400 : i32
        %mul3A_169 = arith.muli %add3A_167, %mul3A_168 : i32
        %add3A_170 = arith.addi %mul3A_2, %mul3A_169 : i32
        %dma_start3A_171 = tpu.memref_slice %arg2[%add3A_170] : memref<1600000xi32, #tpu.memory_space<hbm>> -> memref<400xi32, #tpu.memory_space<hbm>>
        %dma_start3A_172 = tpu.memref_slice %arg2[%add3A_170] : memref<1600000xi32, #tpu.memory_space<hbm>> -> memref<400xi32, #tpu.memory_space<hbm>>
        tpu.enqueue_dma source(%dma_start3A_172 : memref<400xi32, #tpu.memory_space<hbm>>) target(%arg8 : memref<400xi32, #tpu.memory_space<vmem>>) target_semaphore(%arg22 : memref<!tpu.dma_semaphore, #tpu.memory_space<semaphore_mem>>)
        %dma_start3A_173 = tpu.memref_slice %arg3[%add3A_170] : memref<1600000xi32, #tpu.memory_space<hbm>> -> memref<400xi32, #tpu.memory_space<hbm>>
        %dma_start3A_174 = tpu.memref_slice %arg3[%add3A_170] : memref<1600000xi32, #tpu.memory_space<hbm>> -> memref<400xi32, #tpu.memory_space<hbm>>
        tpu.enqueue_dma source(%dma_start3A_174 : memref<400xi32, #tpu.memory_space<hbm>>) target(%arg10 : memref<400xi32, #tpu.memory_space<vmem>>) target_semaphore(%arg22 : memref<!tpu.dma_semaphore, #tpu.memory_space<semaphore_mem>>)
        %dma_start3A_175 = tpu.memref_slice %arg4[%add3A_170] : memref<1600000xi32, #tpu.memory_space<hbm>> -> memref<400xi32, #tpu.memory_space<hbm>>
        %dma_start3A_176 = tpu.memref_slice %arg4[%add3A_170] : memref<1600000xi32, #tpu.memory_space<hbm>> -> memref<400xi32, #tpu.memory_space<hbm>>
        tpu.enqueue_dma source(%dma_start3A_176 : memref<400xi32, #tpu.memory_space<hbm>>) target(%arg12 : memref<400xi32, #tpu.memory_space<vmem>>) target_semaphore(%arg22 : memref<!tpu.dma_semaphore, #tpu.memory_space<semaphore_mem>>)
        %dma_start3A_177 = tpu.memref_slice %arg6[%add3A_170] : memref<1600000xf32, #tpu.memory_space<hbm>> -> memref<400xf32, #tpu.memory_space<hbm>>
        %dma_start3A_178 = tpu.memref_slice %arg6[%add3A_170] : memref<1600000xf32, #tpu.memory_space<hbm>> -> memref<400xf32, #tpu.memory_space<hbm>>
        tpu.enqueue_dma source(%dma_start3A_178 : memref<400xf32, #tpu.memory_space<hbm>>) target(%arg16 : memref<400xf32, #tpu.memory_space<vmem>>) target_semaphore(%arg22 : memref<!tpu.dma_semaphore, #tpu.memory_space<semaphore_mem>>)
      } else {
      }
      %mul3A_124 = arith.constant 2 : i32
      %mul3A_125 = arith.muli %scan3A_83, %mul3A_124 : i32
      %add3A_126 = arith.constant 1 : i32
      %add3A_127 = arith.addi %mul3A_125, %add3A_126 : i32
      %add3A_128 = arith.constant 1 : i32
      %add3A_129 = arith.addi %add3A_127, %add3A_128 : i32
      %mul3A_130 = arith.constant 400 : i32
      %mul3A_131 = arith.muli %add3A_129, %mul3A_130 : i32
      %add3A_132 = arith.addi %mul3A_2, %mul3A_131 : i32
      %dma_wait3A_133 = tpu.memref_slice %arg2[%add3A_132] : memref<1600000xi32, #tpu.memory_space<hbm>> -> memref<400xi32, #tpu.memory_space<hbm>>
      %dma_wait3A_134 = tpu.memref_slice %arg2[%add3A_132] : memref<1600000xi32, #tpu.memory_space<hbm>> -> memref<400xi32, #tpu.memory_space<hbm>>
      tpu.wait_dma2 semaphore(%arg22 : memref<!tpu.dma_semaphore, #tpu.memory_space<semaphore_mem>>) src(%dma_wait3A_134 : memref<400xi32, #tpu.memory_space<hbm>>) dst(%arg8 : memref<400xi32, #tpu.memory_space<vmem>>)
      %dma_wait3A_135 = tpu.memref_slice %arg3[%add3A_132] : memref<1600000xi32, #tpu.memory_space<hbm>> -> memref<400xi32, #tpu.memory_space<hbm>>
      %dma_wait3A_136 = tpu.memref_slice %arg3[%add3A_132] : memref<1600000xi32, #tpu.memory_space<hbm>> -> memref<400xi32, #tpu.memory_space<hbm>>
      tpu.wait_dma2 semaphore(%arg22 : memref<!tpu.dma_semaphore, #tpu.memory_space<semaphore_mem>>) src(%dma_wait3A_136 : memref<400xi32, #tpu.memory_space<hbm>>) dst(%arg10 : memref<400xi32, #tpu.memory_space<vmem>>)
      %dma_wait3A_137 = tpu.memref_slice %arg4[%add3A_132] : memref<1600000xi32, #tpu.memory_space<hbm>> -> memref<400xi32, #tpu.memory_space<hbm>>
      %dma_wait3A_138 = tpu.memref_slice %arg4[%add3A_132] : memref<1600000xi32, #tpu.memory_space<hbm>> -> memref<400xi32, #tpu.memory_space<hbm>>
      tpu.wait_dma2 semaphore(%arg22 : memref<!tpu.dma_semaphore, #tpu.memory_space<semaphore_mem>>) src(%dma_wait3A_138 : memref<400xi32, #tpu.memory_space<hbm>>) dst(%arg12 : memref<400xi32, #tpu.memory_space<vmem>>)
      %dma_wait3A_139 = tpu.memref_slice %arg6[%add3A_132] : memref<1600000xf32, #tpu.memory_space<hbm>> -> memref<400xf32, #tpu.memory_space<hbm>>
      %dma_wait3A_140 = tpu.memref_slice %arg6[%add3A_132] : memref<1600000xf32, #tpu.memory_space<hbm>> -> memref<400xf32, #tpu.memory_space<hbm>>
      tpu.wait_dma2 semaphore(%arg22 : memref<!tpu.dma_semaphore, #tpu.memory_space<semaphore_mem>>) src(%dma_wait3A_140 : memref<400xf32, #tpu.memory_space<hbm>>) dst(%arg16 : memref<400xf32, #tpu.memory_space<vmem>>)
      %scan3A_141 = arith.constant 0 : i32
      %scan3A_142 = arith.constant 0 : i32
      %scan3A_143 = arith.constant 25 : i32
      %scan3A_144 = arith.addi %scan3A_142, %scan3A_143 : i32
      %scan3A_145 = arith.constant 1 : i32
      scf.for %scan3A_166 = %scan3A_142 to %scan3A_144 step %scan3A_145  : i32 {
        %mul3A_167 = arith.constant 16 : i32
        %mul3A_168 = arith.muli %scan3A_166, %mul3A_167 : i32
        %get3A = arith.index_cast %mul3A_168 : i32 to index
        %get3A_169 = tpu.vector_load %arg8[%get3A] {strides = array<i32>} : memref<400xi32, #tpu.memory_space<vmem>>, vector<16xi32>,
        %mul3A_170 = arith.constant 16 : i32
        %mul3A_171 = arith.muli %scan3A_166, %mul3A_170 : i32
        %get3A_172 = arith.index_cast %mul3A_171 : i32 to index
        %get3A_173 = tpu.vector_load %arg12[%get3A_172] {strides = array<i32>} : memref<400xi32, #tpu.memory_space<vmem>>, vector<16xi32>,
        %mul3A_174 = arith.constant 16 : i32
        %mul3A_175 = vector.broadcast %mul3A_174 : i32 to vector<16xi32>
        %mul3A_176 = arith.muli %get3A_169, %mul3A_175 : vector<16xi32>
        %add3A_177 = arith.addi %mul3A_176, %get3A_173 : vector<16xi32>
        %mul3A_178 = arith.constant 16 : i32
        %mul3A_179 = arith.muli %scan3A_166, %mul3A_178 : i32
        %swap3A = arith.index_cast %mul3A_179 : i32 to index
        %swap3A_180 = tpu.vector_load %arg14[%swap3A] {strides = array<i32>} : memref<400xi32, #tpu.memory_space<vmem>>, vector<16xi32>,
        tpu.vector_store %arg14[%swap3A], %add3A_177 {strides = array<i32>} : memref<400xi32, #tpu.memory_space<vmem>>, vector<16xi32>,
      }
      %scan3A_146 = arith.constant 25 : i32
      %dma_wait3A_147 = arith.constant 0 : i32
      %dma_wait3A_148 = arith.constant 0 : i32
      %dma_wait3A_149 = tpu.memref_slice %arg5[%dma_wait3A_147, %dma_wait3A_148] : memref<800000x8xf32, #tpu.memory_space<hbm>> -> memref<800000x8xf32, #tpu.memory_space<hbm>>
      tpu.wait_indirect_dma semaphore(%arg25 : memref<!tpu.dma_semaphore, #tpu.memory_space<semaphore_mem>>) src(%dma_wait3A_149 : memref<800000x8xf32, #tpu.memory_space<hbm>>) dst(%arg19 : memref<400x8xf32, #tpu.memory_space<vmem>>)
      %scan3A_150 = arith.constant 0 : i32
      %scan3A_151 = arith.constant 0 : i32
      %scan3A_152 = arith.constant 200 : i32
      %scan3A_153 = arith.addi %scan3A_151, %scan3A_152 : i32
      %scan3A_154 = arith.constant 1 : i32
      scf.for %scan3A_166 = %scan3A_151 to %scan3A_153 step %scan3A_154  : i32 {
        %mul3A_167 = arith.constant 2 : i32
        %mul3A_168 = arith.muli %scan3A_166, %mul3A_167 : i32
        %add3A_169 = vector.broadcast %mul3A_168 : i32 to vector<16xi32>
        %add3A_170 = arith.addi %add3A_169, %shift_right_arithmetic3A_8 : vector<16xi32>
        %gather3A = tpu.vector_load_idx %arg17[%add3A_170] : memref<400xf32, #tpu.memory_space<vmem>>[vector<16xi32>], vector<16xf32>,
        %gather3A_171 = tpu.vector_load_idx %arg19[%add3A_170, %and3A_6] : memref<400x8xf32, #tpu.memory_space<vmem>>[vector<16xi32>, vector<16xi32>], vector<16xf32>,
        %mul3A_172 = arith.mulf %gather3A_171, %gather3A : vector<16xf32>
        tpu.vector_store_idx %arg19[%add3A_170, %and3A_6], %mul3A_172 : memref<400x8xf32, #tpu.memory_space<vmem>>[vector<16xi32>, vector<16xi32>], vector<16xf32>,
      }
      %scan3A_155 = arith.constant 200 : i32
      %dma_start3A_156 = arith.constant 0 : i32
      %dma_start3A_157 = arith.constant 0 : i32
      %dma_start3A_158 = tpu.memref_slice %arg5[%dma_start3A_156, %dma_start3A_157] : memref<800000x8xf32, #tpu.memory_space<hbm>> -> memref<800000x8xf32, #tpu.memory_space<hbm>>
      tpu.enqueue_indirect_dma source(%dma_start3A_158 : memref<800000x8xf32, #tpu.memory_space<hbm>>) target(%arg18 : memref<400x8xf32, #tpu.memory_space<vmem>>) offsets(%arg14 : memref<400xi32, #tpu.memory_space<vmem>>) semaphore(%arg24 : memref<!tpu.dma_semaphore, #tpu.memory_space<semaphore_mem>>)
      "tpu.region"() ({
        %run_scoped3A = tpu.sem_alloc : memref<!tpu.dma_semaphore, #tpu.memory_space<semaphore_mem>>
        %dma_start3A_166 = arith.constant 0 : i32
        %dma_start3A_167 = arith.constant 0 : i32
        %dma_start3A_168 = tpu.memref_slice %arg21[%dma_start3A_166, %dma_start3A_167] : memref<50000x8xf32, #tpu.memory_space<vmem_shared>> -> memref<50000x8xf32, #tpu.memory_space<vmem_shared>>
        tpu.enqueue_indirect_dma source(%arg19 : memref<400x8xf32, #tpu.memory_space<vmem>>) target(%dma_start3A_168 : memref<50000x8xf32, #tpu.memory_space<vmem_shared>>) offsets(%arg11 : memref<400xi32, #tpu.memory_space<vmem>>) semaphore(%run_scoped3A : memref<!tpu.dma_semaphore, #tpu.memory_space<semaphore_mem>>) {add = true}
        %dma_wait3A_169 = arith.constant 0 : i32
        %dma_wait3A_170 = arith.constant 0 : i32
        %dma_wait3A_171 = tpu.memref_slice %arg21[%dma_wait3A_169, %dma_wait3A_170] : memref<50000x8xf32, #tpu.memory_space<vmem_shared>> -> memref<50000x8xf32, #tpu.memory_space<vmem_shared>>
        tpu.wait_indirect_dma semaphore(%run_scoped3A : memref<!tpu.dma_semaphore, #tpu.memory_space<semaphore_mem>>) src(%arg19 : memref<400x8xf32, #tpu.memory_space<vmem>>) dst(%dma_wait3A_171 : memref<50000x8xf32, #tpu.memory_space<vmem_shared>>)
        tpu.yield
      }) : () -> ()
      %add3A_159 = arith.constant 2 : i32
      %add3A_160 = arith.addi %add3A_127, %add3A_159 : i32
      %lt3A_161 = arith.constant 125 : i32
      %lt3A_162 = arith.cmpi slt, %add3A_160, %lt3A_161 : i32
      %convert_element_type3A_163 = arith.extui %lt3A_162 : i1 to i32
      %cond3A_164 = arith.constant 0 : i32
      %cond3A_165 = arith.cmpi ne, %convert_element_type3A_163, %cond3A_164 : i32
      scf.if %cond3A_165 {
        %add3A_166 = arith.constant 2 : i32
        %add3A_167 = arith.addi %add3A_127, %add3A_166 : i32
        %mul3A_168 = arith.constant 400 : i32
        %mul3A_169 = arith.muli %add3A_167, %mul3A_168 : i32
        %add3A_170 = arith.addi %mul3A_2, %mul3A_169 : i32
        %dma_start3A_171 = tpu.memref_slice %arg2[%add3A_170] : memref<1600000xi32, #tpu.memory_space<hbm>> -> memref<400xi32, #tpu.memory_space<hbm>>
        %dma_start3A_172 = tpu.memref_slice %arg2[%add3A_170] : memref<1600000xi32, #tpu.memory_space<hbm>> -> memref<400xi32, #tpu.memory_space<hbm>>
        tpu.enqueue_dma source(%dma_start3A_172 : memref<400xi32, #tpu.memory_space<hbm>>) target(%arg9 : memref<400xi32, #tpu.memory_space<vmem>>) target_semaphore(%arg23 : memref<!tpu.dma_semaphore, #tpu.memory_space<semaphore_mem>>)
        %dma_start3A_173 = tpu.memref_slice %arg3[%add3A_170] : memref<1600000xi32, #tpu.memory_space<hbm>> -> memref<400xi32, #tpu.memory_space<hbm>>
        %dma_start3A_174 = tpu.memref_slice %arg3[%add3A_170] : memref<1600000xi32, #tpu.memory_space<hbm>> -> memref<400xi32, #tpu.memory_space<hbm>>
        tpu.enqueue_dma source(%dma_start3A_174 : memref<400xi32, #tpu.memory_space<hbm>>) target(%arg11 : memref<400xi32, #tpu.memory_space<vmem>>) target_semaphore(%arg23 : memref<!tpu.dma_semaphore, #tpu.memory_space<semaphore_mem>>)
        %dma_start3A_175 = tpu.memref_slice %arg4[%add3A_170] : memref<1600000xi32, #tpu.memory_space<hbm>> -> memref<400xi32, #tpu.memory_space<hbm>>
        %dma_start3A_176 = tpu.memref_slice %arg4[%add3A_170] : memref<1600000xi32, #tpu.memory_space<hbm>> -> memref<400xi32, #tpu.memory_space<hbm>>
        tpu.enqueue_dma source(%dma_start3A_176 : memref<400xi32, #tpu.memory_space<hbm>>) target(%arg13 : memref<400xi32, #tpu.memory_space<vmem>>) target_semaphore(%arg23 : memref<!tpu.dma_semaphore, #tpu.memory_space<semaphore_mem>>)
        %dma_start3A_177 = tpu.memref_slice %arg6[%add3A_170] : memref<1600000xf32, #tpu.memory_space<hbm>> -> memref<400xf32, #tpu.memory_space<hbm>>
        %dma_start3A_178 = tpu.memref_slice %arg6[%add3A_170] : memref<1600000xf32, #tpu.memory_space<hbm>> -> memref<400xf32, #tpu.memory_space<hbm>>
        tpu.enqueue_dma source(%dma_start3A_178 : memref<400xf32, #tpu.memory_space<hbm>>) target(%arg17 : memref<400xf32, #tpu.memory_space<vmem>>) target_semaphore(%arg23 : memref<!tpu.dma_semaphore, #tpu.memory_space<semaphore_mem>>)
      } else {
      }
    }
    %scan3A_62 = arith.constant 62 : i32
    %dma_wait3A_63 = arith.constant 0 : i32
    %dma_wait3A_64 = arith.constant 0 : i32
    %dma_wait3A_65 = tpu.memref_slice %arg5[%dma_wait3A_63, %dma_wait3A_64] : memref<800000x8xf32, #tpu.memory_space<hbm>> -> memref<800000x8xf32, #tpu.memory_space<hbm>>
    tpu.wait_indirect_dma semaphore(%arg24 : memref<!tpu.dma_semaphore, #tpu.memory_space<semaphore_mem>>) src(%dma_wait3A_65 : memref<800000x8xf32, #tpu.memory_space<hbm>>) dst(%arg18 : memref<400x8xf32, #tpu.memory_space<vmem>>)
    %scan3A_66 = arith.constant 0 : i32
    %scan3A_67 = arith.constant 0 : i32
    %scan3A_68 = arith.constant 200 : i32
    %scan3A_69 = arith.addi %scan3A_67, %scan3A_68 : i32
    %scan3A_70 = arith.constant 1 : i32
    scf.for %scan3A_83 = %scan3A_67 to %scan3A_69 step %scan3A_70  : i32 {
      %mul3A_84 = arith.constant 2 : i32
      %mul3A_85 = arith.muli %scan3A_83, %mul3A_84 : i32
      %add3A_86 = vector.broadcast %mul3A_85 : i32 to vector<16xi32>
      %add3A_87 = arith.addi %add3A_86, %shift_right_arithmetic3A_8 : vector<16xi32>
      %gather3A = tpu.vector_load_idx %arg16[%add3A_87] : memref<400xf32, #tpu.memory_space<vmem>>[vector<16xi32>], vector<16xf32>,
      %gather3A_88 = tpu.vector_load_idx %arg18[%add3A_87, %and3A_6] : memref<400x8xf32, #tpu.memory_space<vmem>>[vector<16xi32>, vector<16xi32>], vector<16xf32>,
      %mul3A_89 = arith.mulf %gather3A_88, %gather3A : vector<16xf32>
      tpu.vector_store_idx %arg18[%add3A_87, %and3A_6], %mul3A_89 : memref<400x8xf32, #tpu.memory_space<vmem>>[vector<16xi32>, vector<16xi32>], vector<16xf32>,
    }
    %scan3A_71 = arith.constant 200 : i32
    "tpu.region"() ({
      %run_scoped3A = tpu.sem_alloc : memref<!tpu.dma_semaphore, #tpu.memory_space<semaphore_mem>>
      %dma_start3A_83 = arith.constant 0 : i32
      %dma_start3A_84 = arith.constant 0 : i32
      %dma_start3A_85 = tpu.memref_slice %arg21[%dma_start3A_83, %dma_start3A_84] : memref<50000x8xf32, #tpu.memory_space<vmem_shared>> -> memref<50000x8xf32, #tpu.memory_space<vmem_shared>>
      tpu.enqueue_indirect_dma source(%arg18 : memref<400x8xf32, #tpu.memory_space<vmem>>) target(%dma_start3A_85 : memref<50000x8xf32, #tpu.memory_space<vmem_shared>>) offsets(%arg10 : memref<400xi32, #tpu.memory_space<vmem>>) semaphore(%run_scoped3A : memref<!tpu.dma_semaphore, #tpu.memory_space<semaphore_mem>>) {add = true}
      %dma_wait3A_86 = arith.constant 0 : i32
      %dma_wait3A_87 = arith.constant 0 : i32
      %dma_wait3A_88 = tpu.memref_slice %arg21[%dma_wait3A_86, %dma_wait3A_87] : memref<50000x8xf32, #tpu.memory_space<vmem_shared>> -> memref<50000x8xf32, #tpu.memory_space<vmem_shared>>
      tpu.wait_indirect_dma semaphore(%run_scoped3A : memref<!tpu.dma_semaphore, #tpu.memory_space<semaphore_mem>>) src(%arg18 : memref<400x8xf32, #tpu.memory_space<vmem>>) dst(%dma_wait3A_88 : memref<50000x8xf32, #tpu.memory_space<vmem_shared>>)
      tpu.yield
    }) : () -> ()
    %barrier3A_72 = arith.constant 0 : index
    tpu.barrier barrier_id(%barrier3A_72)
    %lt3A_73 = arith.constant 15 : i32
    %lt3A_74 = arith.cmpi slt, %arg1, %lt3A_73 : i32
    %convert_element_type3A_75 = arith.extui %lt3A_74 : i1 to i32
    %cond3A_76 = arith.constant 0 : i32
    %cond3A_77 = arith.cmpi ne, %convert_element_type3A_75, %cond3A_76 : i32
    scf.if %cond3A_77 {
      "tpu.region"() ({
        %run_scoped3A = tpu.sem_alloc : memref<!tpu.dma_semaphore, #tpu.memory_space<semaphore_mem>>
        %dma_start3A_83 = arith.constant 0 : i32
        %dma_start3A_84 = tpu.memref_slice %arg21[%mul3A_4, %dma_start3A_83] : memref<50000x8xf32, #tpu.memory_space<vmem_shared>> -> memref<3128x8xf32, #tpu.memory_space<vmem_shared>>
        %dma_start3A_85 = arith.constant 0 : i32
        %dma_start3A_86 = tpu.memref_slice %arg21[%mul3A_4, %dma_start3A_85] : memref<50000x8xf32, #tpu.memory_space<vmem_shared>> -> memref<3128x8xf32, #tpu.memory_space<vmem_shared>>
        tpu.enqueue_dma source(%dma_start3A_86 : memref<3128x8xf32, #tpu.memory_space<vmem_shared>>) target(%arg20 : memref<3128x8xf32, #tpu.memory_space<vmem>>) target_semaphore(%run_scoped3A : memref<!tpu.dma_semaphore, #tpu.memory_space<semaphore_mem>>)
        %dma_wait3A_87 = arith.constant 0 : i32
        %dma_wait3A_88 = tpu.memref_slice %arg21[%mul3A_4, %dma_wait3A_87] : memref<50000x8xf32, #tpu.memory_space<vmem_shared>> -> memref<3128x8xf32, #tpu.memory_space<vmem_shared>>
        %dma_wait3A_89 = arith.constant 0 : i32
        %dma_wait3A_90 = tpu.memref_slice %arg21[%mul3A_4, %dma_wait3A_89] : memref<50000x8xf32, #tpu.memory_space<vmem_shared>> -> memref<3128x8xf32, #tpu.memory_space<vmem_shared>>
        tpu.wait_dma2 semaphore(%run_scoped3A : memref<!tpu.dma_semaphore, #tpu.memory_space<semaphore_mem>>) src(%dma_wait3A_90 : memref<3128x8xf32, #tpu.memory_space<vmem_shared>>) dst(%arg20 : memref<3128x8xf32, #tpu.memory_space<vmem>>)
        tpu.yield
      }) : () -> ()
      "tpu.region"() ({
        %run_scoped3A = tpu.sem_alloc : memref<!tpu.dma_semaphore, #tpu.memory_space<semaphore_mem>>
        %dma_start3A_83 = arith.constant 0 : i32
        %dma_start3A_84 = tpu.memref_slice %arg7[%arg0, %mul3A_4, %dma_start3A_83] : memref<2x50000x8xf32, #tpu.memory_space<hbm>> -> memref<1x3128x8xf32, #tpu.memory_space<hbm>>
        %dma_start3A_85 = tpu.memref_squeeze %dma_start3A_84 : memref<1x3128x8xf32, #tpu.memory_space<hbm>> -> memref<3128x8xf32, #tpu.memory_space<hbm>>
        %dma_start3A_86 = arith.constant 0 : i32
        %dma_start3A_87 = tpu.memref_slice %arg7[%arg0, %mul3A_4, %dma_start3A_86] : memref<2x50000x8xf32, #tpu.memory_space<hbm>> -> memref<1x3128x8xf32, #tpu.memory_space<hbm>>
        %dma_start3A_88 = tpu.memref_squeeze %dma_start3A_87 : memref<1x3128x8xf32, #tpu.memory_space<hbm>> -> memref<3128x8xf32, #tpu.memory_space<hbm>>
        tpu.enqueue_dma source(%arg20 : memref<3128x8xf32, #tpu.memory_space<vmem>>) target(%dma_start3A_88 : memref<3128x8xf32, #tpu.memory_space<hbm>>) target_semaphore(%run_scoped3A : memref<!tpu.dma_semaphore, #tpu.memory_space<semaphore_mem>>)
        %dma_wait3A_89 = arith.constant 0 : i32
        %dma_wait3A_90 = tpu.memref_slice %arg7[%arg0, %mul3A_4, %dma_wait3A_89] : memref<2x50000x8xf32, #tpu.memory_space<hbm>> -> memref<1x3128x8xf32, #tpu.memory_space<hbm>>
        %dma_wait3A_91 = tpu.memref_squeeze %dma_wait3A_90 : memref<1x3128x8xf32, #tpu.memory_space<hbm>> -> memref<3128x8xf32, #tpu.memory_space<hbm>>
        %dma_wait3A_92 = arith.constant 0 : i32
        %dma_wait3A_93 = tpu.memref_slice %arg7[%arg0, %mul3A_4, %dma_wait3A_92] : memref<2x50000x8xf32, #tpu.memory_space<hbm>> -> memref<1x3128x8xf32, #tpu.memory_space<hbm>>
        %dma_wait3A_94 = tpu.memref_squeeze %dma_wait3A_93 : memref<1x3128x8xf32, #tpu.memory_space<hbm>> -> memref<3128x8xf32, #tpu.memory_space<hbm>>
        tpu.wait_dma2 semaphore(%run_scoped3A : memref<!tpu.dma_semaphore, #tpu.memory_space<semaphore_mem>>) src(%arg20 : memref<3128x8xf32, #tpu.memory_space<vmem>>) dst(%dma_wait3A_94 : memref<3128x8xf32, #tpu.memory_space<hbm>>)
        tpu.yield
      }) : () -> ()
    } else {
    }
    %eq3A_78 = arith.constant 15 : i32
    %eq3A_79 = arith.cmpi eq, %arg1, %eq3A_78 : i32
    %convert_element_type3A_80 = arith.extui %eq3A_79 : i1 to i32
    %cond3A_81 = arith.constant 0 : i32
    %cond3A_82 = arith.cmpi ne, %convert_element_type3A_80, %cond3A_81 : i32
    scf.if %cond3A_82 {
      "tpu.region"() ({
        %run_scoped3A = tpu.sem_alloc : memref<!tpu.dma_semaphore, #tpu.memory_space<semaphore_mem>>
        %dma_start3A_83 = arith.constant 0 : i32
        %dma_start3A_84 = arith.constant 0 : i32
        %dma_start3A_85 = tpu.memref_slice %arg20[%dma_start3A_83, %dma_start3A_84] : memref<3128x8xf32, #tpu.memory_space<vmem>> -> memref<3080x8xf32, #tpu.memory_space<vmem>>
        %dma_start3A_86 = arith.constant 0 : i32
        %dma_start3A_87 = tpu.memref_slice %arg21[%mul3A_4, %dma_start3A_86] : memref<50000x8xf32, #tpu.memory_space<vmem_shared>> -> memref<3080x8xf32, #tpu.memory_space<vmem_shared>>
        %dma_start3A_88 = arith.constant 0 : i32
        %dma_start3A_89 = arith.constant 0 : i32
        %dma_start3A_90 = tpu.memref_slice %arg20[%dma_start3A_88, %dma_start3A_89] : memref<3128x8xf32, #tpu.memory_space<vmem>> -> memref<3080x8xf32, #tpu.memory_space<vmem>>
        %dma_start3A_91 = arith.constant 0 : i32
        %dma_start3A_92 = tpu.memref_slice %arg21[%mul3A_4, %dma_start3A_91] : memref<50000x8xf32, #tpu.memory_space<vmem_shared>> -> memref<3080x8xf32, #tpu.memory_space<vmem_shared>>
        tpu.enqueue_dma source(%dma_start3A_92 : memref<3080x8xf32, #tpu.memory_space<vmem_shared>>) target(%dma_start3A_90 : memref<3080x8xf32, #tpu.memory_space<vmem>>) target_semaphore(%run_scoped3A : memref<!tpu.dma_semaphore, #tpu.memory_space<semaphore_mem>>)
        %dma_wait3A_93 = arith.constant 0 : i32
        %dma_wait3A_94 = arith.constant 0 : i32
        %dma_wait3A_95 = tpu.memref_slice %arg20[%dma_wait3A_93, %dma_wait3A_94] : memref<3128x8xf32, #tpu.memory_space<vmem>> -> memref<3080x8xf32, #tpu.memory_space<vmem>>
        %dma_wait3A_96 = arith.constant 0 : i32
        %dma_wait3A_97 = tpu.memref_slice %arg21[%mul3A_4, %dma_wait3A_96] : memref<50000x8xf32, #tpu.memory_space<vmem_shared>> -> memref<3080x8xf32, #tpu.memory_space<vmem_shared>>
        %dma_wait3A_98 = arith.constant 0 : i32
        %dma_wait3A_99 = arith.constant 0 : i32
        %dma_wait3A_100 = tpu.memref_slice %arg20[%dma_wait3A_98, %dma_wait3A_99] : memref<3128x8xf32, #tpu.memory_space<vmem>> -> memref<3080x8xf32, #tpu.memory_space<vmem>>
        %dma_wait3A_101 = arith.constant 0 : i32
        %dma_wait3A_102 = tpu.memref_slice %arg21[%mul3A_4, %dma_wait3A_101] : memref<50000x8xf32, #tpu.memory_space<vmem_shared>> -> memref<3080x8xf32, #tpu.memory_space<vmem_shared>>
        tpu.wait_dma2 semaphore(%run_scoped3A : memref<!tpu.dma_semaphore, #tpu.memory_space<semaphore_mem>>) src(%dma_wait3A_102 : memref<3080x8xf32, #tpu.memory_space<vmem_shared>>) dst(%dma_wait3A_100 : memref<3080x8xf32, #tpu.memory_space<vmem>>)
        tpu.yield
      }) : () -> ()
      "tpu.region"() ({
        %run_scoped3A = tpu.sem_alloc : memref<!tpu.dma_semaphore, #tpu.memory_space<semaphore_mem>>
        %dma_start3A_83 = arith.constant 0 : i32
        %dma_start3A_84 = arith.constant 0 : i32
        %dma_start3A_85 = tpu.memref_slice %arg20[%dma_start3A_83, %dma_start3A_84] : memref<3128x8xf32, #tpu.memory_space<vmem>> -> memref<3080x8xf32, #tpu.memory_space<vmem>>
        %dma_start3A_86 = arith.constant 0 : i32
        %dma_start3A_87 = tpu.memref_slice %arg7[%arg0, %mul3A_4, %dma_start3A_86] : memref<2x50000x8xf32, #tpu.memory_space<hbm>> -> memref<1x3080x8xf32, #tpu.memory_space<hbm>>
        %dma_start3A_88 = tpu.memref_squeeze %dma_start3A_87 : memref<1x3080x8xf32, #tpu.memory_space<hbm>> -> memref<3080x8xf32, #tpu.memory_space<hbm>>
        %dma_start3A_89 = arith.constant 0 : i32
        %dma_start3A_90 = tpu.memref_slice %arg7[%arg0, %mul3A_4, %dma_start3A_89] : memref<2x50000x8xf32, #tpu.memory_space<hbm>> -> memref<1x3080x8xf32, #tpu.memory_space<hbm>>
        %dma_start3A_91 = tpu.memref_squeeze %dma_start3A_90 : memref<1x3080x8xf32, #tpu.memory_space<hbm>> -> memref<3080x8xf32, #tpu.memory_space<hbm>>
        %dma_start3A_92 = arith.constant 0 : i32
        %dma_start3A_93 = arith.constant 0 : i32
        %dma_start3A_94 = tpu.memref_slice %arg20[%dma_start3A_92, %dma_start3A_93] : memref<3128x8xf32, #tpu.memory_space<vmem>> -> memref<3080x8xf32, #tpu.memory_space<vmem>>
        tpu.enqueue_dma source(%dma_start3A_94 : memref<3080x8xf32, #tpu.memory_space<vmem>>) target(%dma_start3A_91 : memref<3080x8xf32, #tpu.memory_space<hbm>>) target_semaphore(%run_scoped3A : memref<!tpu.dma_semaphore, #tpu.memory_space<semaphore_mem>>)
        %dma_wait3A_95 = arith.constant 0 : i32
        %dma_wait3A_96 = arith.constant 0 : i32
        %dma_wait3A_97 = tpu.memref_slice %arg20[%dma_wait3A_95, %dma_wait3A_96] : memref<3128x8xf32, #tpu.memory_space<vmem>> -> memref<3080x8xf32, #tpu.memory_space<vmem>>
        %dma_wait3A_98 = arith.constant 0 : i32
        %dma_wait3A_99 = tpu.memref_slice %arg7[%arg0, %mul3A_4, %dma_wait3A_98] : memref<2x50000x8xf32, #tpu.memory_space<hbm>> -> memref<1x3080x8xf32, #tpu.memory_space<hbm>>
        %dma_wait3A_100 = tpu.memref_squeeze %dma_wait3A_99 : memref<1x3080x8xf32, #tpu.memory_space<hbm>> -> memref<3080x8xf32, #tpu.memory_space<hbm>>
        %dma_wait3A_101 = arith.constant 0 : i32
        %dma_wait3A_102 = tpu.memref_slice %arg7[%arg0, %mul3A_4, %dma_wait3A_101] : memref<2x50000x8xf32, #tpu.memory_space<hbm>> -> memref<1x3080x8xf32, #tpu.memory_space<hbm>>
        %dma_wait3A_103 = tpu.memref_squeeze %dma_wait3A_102 : memref<1x3080x8xf32, #tpu.memory_space<hbm>> -> memref<3080x8xf32, #tpu.memory_space<hbm>>
        %dma_wait3A_104 = arith.constant 0 : i32
        %dma_wait3A_105 = arith.constant 0 : i32
        %dma_wait3A_106 = tpu.memref_slice %arg20[%dma_wait3A_104, %dma_wait3A_105] : memref<3128x8xf32, #tpu.memory_space<vmem>> -> memref<3080x8xf32, #tpu.memory_space<vmem>>
        tpu.wait_dma2 semaphore(%run_scoped3A : memref<!tpu.dma_semaphore, #tpu.memory_space<semaphore_mem>>) src(%dma_wait3A_106 : memref<3080x8xf32, #tpu.memory_space<vmem>>) dst(%dma_wait3A_103 : memref<3080x8xf32, #tpu.memory_space<hbm>>)
        tpu.yield
      }) : () -> ()
    } else {
    }
    return
  }
}

module attributes {stable_mosaic.version = 14 : i64} {
  func.func @_w1_body(%arg0: i32, %arg1: memref<480x1280xf32, #tpu.memory_space<vmem>>, %arg2: memref<256x480xf32, #tpu.memory_space<vmem>>, %arg3: memref<1280x256xf32, #tpu.memory_space<vmem>>) attributes {dimension_semantics = [#tpu.dimension_semantics<arbitrary>], iteration_bounds = array<i64: 40>, scalar_prefetch = 0 : i64, scratch_operands = 0 : i64, tpu.core_type = #tpu.core_type<tc>, window_params = [{transform_indices = @transform_0, window_bounds = array<i64: 480, 1280>}, {pipeline_mode = #tpu.pipeline_mode<synchronous>, transform_indices = @transform_1, window_bounds = array<i64: 256, 480>}, {transform_indices = @transform_2, window_bounds = array<i64: 1280, 256>}]} {
    %get3A = arith.constant 0 : index
    %get3A_0 = arith.constant 0 : index
    %get3A_1 = vector.load %arg1[%get3A, %get3A_0] : memref<480x1280xf32, #tpu.memory_space<vmem>>, vector<480x1280xf32>
    %get3A_2 = arith.constant 0 : index
    %get3A_3 = arith.constant 0 : index
    %get3A_4 = vector.load %arg2[%get3A_2, %get3A_3] : memref<256x480xf32, #tpu.memory_space<vmem>>, vector<256x480xf32>
    %dot_general3A = arith.constant dense<0.000000e+00> : vector<1280x256xf32>
    %dot_general3A_5 = tpu.matmul %get3A_1, %get3A_4, %dot_general3A {dimension_numbers = #tpu.dot_dimension_numbers<[0], [1], [1], [0], [0, 1, 1, 0], [], []>, transpose_lhs_hint = false} : vector<480x1280xf32>, vector<256x480xf32>, vector<1280x256xf32> -> vector<1280x256xf32>
    %swap3A = arith.constant 0 : index
    %swap3A_6 = arith.constant 0 : index
    %swap3A_7 = vector.load %arg3[%swap3A, %swap3A_6] : memref<1280x256xf32, #tpu.memory_space<vmem>>, vector<1280x256xf32>
    tpu.vector_store %arg3[%swap3A, %swap3A_6], %dot_general3A_5 {strides = array<i32>} : memref<1280x256xf32, #tpu.memory_space<vmem>>, vector<1280x256xf32>,
    return
  }
  func.func @transform_0(%arg0: i32) -> (i32, i32) {
    %c0_i32 = arith.constant 0 : i32
    %c0_i32_0 = arith.constant 0 : i32
    return %c0_i32, %arg0 : i32, i32
  }
  func.func @transform_1(%arg0: i32) -> (i32, i32) {
    %c0_i32 = arith.constant 0 : i32
    %c0_i32_0 = arith.constant 0 : i32
    %c0_i32_1 = arith.constant 0 : i32
    return %c0_i32, %c0_i32_0 : i32, i32
  }
  func.func @transform_2(%arg0: i32) -> (i32, i32) {
    %c0_i32 = arith.constant 0 : i32
    %c0_i32_0 = arith.constant 0 : i32
    return %arg0, %c0_i32 : i32, i32
  }
}

module attributes {stable_mosaic.version = 14 : i64} {
  func.func @_invn_body(%arg0: i32, %arg1: memref<2x5000x8xf32, #tpu.memory_space<vmem>>, %arg2: memref<5000x16xf32, #tpu.memory_space<vmem>>) attributes {dimension_semantics = [#tpu.dimension_semantics<arbitrary>], iteration_bounds = array<i64: 10>, scalar_prefetch = 0 : i64, scratch_operands = 0 : i64, tpu.core_type = #tpu.core_type<tc>, window_params = [{transform_indices = @transform_0, window_bounds = array<i64: 2, 5000, 8>}, {transform_indices = @transform_1, window_bounds = array<i64: 5000, 16>}]} {
    %get3A = arith.constant 0 : index
    %get3A_0 = arith.constant 0 : index
    %get3A_1 = arith.constant 0 : index
    %get3A_2 = vector.load %arg1[%get3A, %get3A_0, %get3A_1] : memref<2x5000x8xf32, #tpu.memory_space<vmem>>, vector<1x5000x8xf32>
    %get3A_3 = vector.shape_cast %get3A_2 : vector<1x5000x8xf32> to vector<5000x8xf32>
    %max3A = arith.constant 1.000000e+00 : f32
    %max3A_4 = vector.broadcast %max3A : f32 to vector<5000x8xf32>
    %max3A_5 = arith.maximumf %get3A_3, %max3A_4 : vector<5000x8xf32>
    %div3A = arith.constant 1.000000e+00 : f32
    %div3A_6 = vector.broadcast %div3A : f32 to vector<5000x8xf32>
    %div3A_7 = arith.divf %div3A_6, %max3A_5 : vector<5000x8xf32>
    %get3A_8 = arith.constant 1 : index
    %get3A_9 = arith.constant 0 : index
    %get3A_10 = arith.constant 0 : index
    %get3A_11 = vector.load %arg1[%get3A_8, %get3A_9, %get3A_10] : memref<2x5000x8xf32, #tpu.memory_space<vmem>>, vector<1x5000x8xf32>
    %get3A_12 = vector.shape_cast %get3A_11 : vector<1x5000x8xf32> to vector<5000x8xf32>
    %max3A_13 = arith.constant 1.000000e+00 : f32
    %max3A_14 = vector.broadcast %max3A_13 : f32 to vector<5000x8xf32>
    %max3A_15 = arith.maximumf %get3A_12, %max3A_14 : vector<5000x8xf32>
    %div3A_16 = arith.constant 1.000000e+00 : f32
    %div3A_17 = vector.broadcast %div3A_16 : f32 to vector<5000x8xf32>
    %div3A_18 = arith.divf %div3A_17, %max3A_15 : vector<5000x8xf32>
    %concatenate3A = tpu.concatenate %div3A_7, %div3A_18 in 1 : vector<5000x8xf32>, vector<5000x8xf32> -> vector<5000x16xf32>
    %swap3A = arith.constant 0 : index
    %swap3A_19 = arith.constant 0 : index
    %swap3A_20 = vector.load %arg2[%swap3A, %swap3A_19] : memref<5000x16xf32, #tpu.memory_space<vmem>>, vector<5000x16xf32>
    tpu.vector_store %arg2[%swap3A, %swap3A_19], %concatenate3A {strides = array<i32>} : memref<5000x16xf32, #tpu.memory_space<vmem>>, vector<5000x16xf32>,
    return
  }
  func.func @transform_0(%arg0: i32) -> (i32, i32, i32) {
    %c0_i32 = arith.constant 0 : i32
    %c0_i32_0 = arith.constant 0 : i32
    %c0_i32_1 = arith.constant 0 : i32
    return %c0_i32, %arg0, %c0_i32_0 : i32, i32, i32
  }
  func.func @transform_1(%arg0: i32) -> (i32, i32) {
    %c0_i32 = arith.constant 0 : i32
    %c0_i32_0 = arith.constant 0 : i32
    return %arg0, %c0_i32 : i32, i32
  }
}

module attributes {stable_mosaic.version = 14 : i64} {
  func.func @_mid_body(%arg0: i32, %arg1: memref<2x2000x16xf32, #tpu.memory_space<vmem>>, %arg2: memref<2000x16xf32, #tpu.memory_space<vmem>>, %arg3: memref<1x16xf32, #tpu.memory_space<vmem>>, %arg4: memref<16x240xf32, #tpu.memory_space<vmem>>, %arg5: memref<240x128xf32, #tpu.memory_space<vmem>>, %arg6: memref<2000x16xf32, #tpu.memory_space<vmem>>, %arg7: memref<2000x128xf32, #tpu.memory_space<vmem>>) attributes {dimension_semantics = [#tpu.dimension_semantics<arbitrary>], iteration_bounds = array<i64: 25>, scalar_prefetch = 0 : i64, scratch_operands = 0 : i64, tpu.core_type = #tpu.core_type<tc>, window_params = [{transform_indices = @transform_0, window_bounds = array<i64: 2, 2000, 16>}, {transform_indices = @transform_1, window_bounds = array<i64: 2000, 16>}, {pipeline_mode = #tpu.pipeline_mode<synchronous>, transform_indices = @transform_2, window_bounds = array<i64: 1, 16>}, {pipeline_mode = #tpu.pipeline_mode<synchronous>, transform_indices = @transform_3, window_bounds = array<i64: 16, 240>}, {pipeline_mode = #tpu.pipeline_mode<synchronous>, transform_indices = @transform_4, window_bounds = array<i64: 240, 128>}, {transform_indices = @transform_5, window_bounds = array<i64: 2000, 16>}, {transform_indices = @transform_6, window_bounds = array<i64: 2000, 128>}]} {
    %get3A = arith.constant 0 : index
    %get3A_0 = arith.constant 0 : index
    %get3A_1 = arith.constant 0 : index
    %get3A_2 = vector.load %arg1[%get3A, %get3A_0, %get3A_1] : memref<2x2000x16xf32, #tpu.memory_space<vmem>>, vector<1x2000x16xf32>
    %get3A_3 = vector.shape_cast %get3A_2 : vector<1x2000x16xf32> to vector<2000x16xf32>
    %get3A_4 = arith.constant 1 : index
    %get3A_5 = arith.constant 0 : index
    %get3A_6 = arith.constant 0 : index
    %get3A_7 = vector.load %arg1[%get3A_4, %get3A_5, %get3A_6] : memref<2x2000x16xf32, #tpu.memory_space<vmem>>, vector<1x2000x16xf32>
    %get3A_8 = vector.shape_cast %get3A_7 : vector<1x2000x16xf32> to vector<2000x16xf32>
    %add3A = arith.addf %get3A_3, %get3A_8 : vector<2000x16xf32>
    %get3A_9 = arith.constant 0 : index
    %get3A_10 = arith.constant 0 : index
    %get3A_11 = vector.load %arg2[%get3A_9, %get3A_10] : memref<2000x16xf32, #tpu.memory_space<vmem>>, vector<2000x16xf32>
    %add3A_12 = arith.addf %add3A, %get3A_11 : vector<2000x16xf32>
    %get3A_13 = arith.constant 0 : index
    %get3A_14 = arith.constant 0 : index
    %get3A_15 = vector.load %arg3[%get3A_13, %get3A_14] : memref<1x16xf32, #tpu.memory_space<vmem>>, vector<1x16xf32>
    %add3A_16 = vector.broadcast %get3A_15 : vector<1x16xf32> to vector<2000x16xf32>
    %add3A_17 = arith.addf %add3A_12, %add3A_16 : vector<2000x16xf32>
    %max3A = arith.constant 0.000000e+00 : f32
    %max3A_18 = vector.broadcast %max3A : f32 to vector<2000x16xf32>
    %max3A_19 = arith.maximumf %add3A_17, %max3A_18 : vector<2000x16xf32>
    %swap3A = arith.constant 0 : index
    %swap3A_20 = arith.constant 0 : index
    %swap3A_21 = vector.load %arg6[%swap3A, %swap3A_20] : memref<2000x16xf32, #tpu.memory_space<vmem>>, vector<2000x16xf32>
    tpu.vector_store %arg6[%swap3A, %swap3A_20], %max3A_19 {strides = array<i32>} : memref<2000x16xf32, #tpu.memory_space<vmem>>, vector<2000x16xf32>,
    %get3A_22 = arith.constant 0 : index
    %get3A_23 = arith.constant 0 : index
    %get3A_24 = vector.load %arg4[%get3A_22, %get3A_23] : memref<16x240xf32, #tpu.memory_space<vmem>>, vector<16x240xf32>
    %dot_general3A = arith.constant dense<0.000000e+00> : vector<2000x240xf32>
    %dot_general3A_25 = tpu.matmul %max3A_19, %get3A_24, %dot_general3A {dimension_numbers = #tpu.dot_dimension_numbers<[1], [0], [0], [1], [0, 0, 1, 1], [], []>, transpose_lhs_hint = false} : vector<2000x16xf32>, vector<16x240xf32>, vector<2000x240xf32> -> vector<2000x240xf32>
    %get3A_26 = arith.constant 0 : index
    %get3A_27 = arith.constant 0 : index
    %get3A_28 = vector.load %arg5[%get3A_26, %get3A_27] : memref<240x128xf32, #tpu.memory_space<vmem>>, vector<240x128xf32>
    %dot_general3A_29 = arith.constant dense<0.000000e+00> : vector<2000x128xf32>
    %dot_general3A_30 = tpu.matmul %dot_general3A_25, %get3A_28, %dot_general3A_29 {dimension_numbers = #tpu.dot_dimension_numbers<[1], [0], [0], [1], [0, 0, 1, 1], [], []>, transpose_lhs_hint = false} : vector<2000x240xf32>, vector<240x128xf32>, vector<2000x128xf32> -> vector<2000x128xf32>
    %swap3A_31 = arith.constant 0 : index
    %swap3A_32 = arith.constant 0 : index
    %swap3A_33 = vector.load %arg7[%swap3A_31, %swap3A_32] : memref<2000x128xf32, #tpu.memory_space<vmem>>, vector<2000x128xf32>
    tpu.vector_store %arg7[%swap3A_31, %swap3A_32], %dot_general3A_30 {strides = array<i32>} : memref<2000x128xf32, #tpu.memory_space<vmem>>, vector<2000x128xf32>,
    return
  }
  func.func @transform_0(%arg0: i32) -> (i32, i32, i32) {
    %c0_i32 = arith.constant 0 : i32
    %c0_i32_0 = arith.constant 0 : i32
    %c0_i32_1 = arith.constant 0 : i32
    return %c0_i32, %arg0, %c0_i32_0 : i32, i32, i32
  }
  func.func @transform_1(%arg0: i32) -> (i32, i32) {
    %c0_i32 = arith.constant 0 : i32
    %c0_i32_0 = arith.constant 0 : i32
    return %arg0, %c0_i32 : i32, i32
  }
  func.func @transform_2(%arg0: i32) -> (i32, i32) {
    %c0_i32 = arith.constant 0 : i32
    %c0_i32_0 = arith.constant 0 : i32
    %c0_i32_1 = arith.constant 0 : i32
    return %c0_i32, %c0_i32_0 : i32, i32
  }
  func.func @transform_3(%arg0: i32) -> (i32, i32) {
    %c0_i32 = arith.constant 0 : i32
    %c0_i32_0 = arith.constant 0 : i32
    %c0_i32_1 = arith.constant 0 : i32
    return %c0_i32, %c0_i32_0 : i32, i32
  }
  func.func @transform_4(%arg0: i32) -> (i32, i32) {
    %c0_i32 = arith.constant 0 : i32
    %c0_i32_0 = arith.constant 0 : i32
    %c0_i32_1 = arith.constant 0 : i32
    return %c0_i32, %c0_i32_0 : i32, i32
  }
  func.func @transform_5(%arg0: i32) -> (i32, i32) {
    %c0_i32 = arith.constant 0 : i32
    %c0_i32_0 = arith.constant 0 : i32
    return %arg0, %c0_i32 : i32, i32
  }
  func.func @transform_6(%arg0: i32) -> (i32, i32) {
    %c0_i32 = arith.constant 0 : i32
    %c0_i32_0 = arith.constant 0 : i32
    return %arg0, %c0_i32 : i32, i32
  }
}

module attributes {stable_mosaic.version = 14 : i64} {
  func.func @_final_body(%arg0: i32, %arg1: memref<2x2000x8xf32, #tpu.memory_space<vmem>>, %arg2: memref<2000x16xf32, #tpu.memory_space<vmem>>, %arg3: memref<16x8xf32, #tpu.memory_space<vmem>>, %arg4: memref<1x8xf32, #tpu.memory_space<vmem>>, %arg5: memref<2000x8xf32, #tpu.memory_space<vmem>>) attributes {dimension_semantics = [#tpu.dimension_semantics<arbitrary>], iteration_bounds = array<i64: 25>, scalar_prefetch = 0 : i64, scratch_operands = 0 : i64, tpu.core_type = #tpu.core_type<tc>, window_params = [{transform_indices = @transform_0, window_bounds = array<i64: 2, 2000, 8>}, {transform_indices = @transform_1, window_bounds = array<i64: 2000, 16>}, {pipeline_mode = #tpu.pipeline_mode<synchronous>, transform_indices = @transform_2, window_bounds = array<i64: 16, 8>}, {pipeline_mode = #tpu.pipeline_mode<synchronous>, transform_indices = @transform_3, window_bounds = array<i64: 1, 8>}, {transform_indices = @transform_4, window_bounds = array<i64: 2000, 8>}]} {
    %get3A = arith.constant 0 : index
    %get3A_0 = arith.constant 0 : index
    %get3A_1 = arith.constant 0 : index
    %get3A_2 = vector.load %arg1[%get3A, %get3A_0, %get3A_1] : memref<2x2000x8xf32, #tpu.memory_space<vmem>>, vector<1x2000x8xf32>
    %get3A_3 = vector.shape_cast %get3A_2 : vector<1x2000x8xf32> to vector<2000x8xf32>
    %get3A_4 = arith.constant 1 : index
    %get3A_5 = arith.constant 0 : index
    %get3A_6 = arith.constant 0 : index
    %get3A_7 = vector.load %arg1[%get3A_4, %get3A_5, %get3A_6] : memref<2x2000x8xf32, #tpu.memory_space<vmem>>, vector<1x2000x8xf32>
    %get3A_8 = vector.shape_cast %get3A_7 : vector<1x2000x8xf32> to vector<2000x8xf32>
    %add3A = arith.addf %get3A_3, %get3A_8 : vector<2000x8xf32>
    %get3A_9 = arith.constant 0 : index
    %get3A_10 = arith.constant 0 : index
    %get3A_11 = vector.load %arg4[%get3A_9, %get3A_10] : memref<1x8xf32, #tpu.memory_space<vmem>>, vector<1x8xf32>
    %add3A_12 = vector.broadcast %get3A_11 : vector<1x8xf32> to vector<2000x8xf32>
    %add3A_13 = arith.addf %add3A, %add3A_12 : vector<2000x8xf32>
    %get3A_14 = arith.constant 0 : index
    %get3A_15 = arith.constant 0 : index
    %get3A_16 = vector.load %arg2[%get3A_14, %get3A_15] : memref<2000x16xf32, #tpu.memory_space<vmem>>, vector<2000x16xf32>
    %get3A_17 = arith.constant 0 : index
    %get3A_18 = arith.constant 0 : index
    %get3A_19 = vector.load %arg3[%get3A_17, %get3A_18] : memref<16x8xf32, #tpu.memory_space<vmem>>, vector<16x8xf32>
    %dot_general3A = arith.constant dense<0.000000e+00> : vector<2000x8xf32>
    %dot_general3A_20 = tpu.matmul %get3A_16, %get3A_19, %dot_general3A {dimension_numbers = #tpu.dot_dimension_numbers<[1], [0], [0], [1], [0, 0, 1, 1], [], []>, transpose_lhs_hint = false} : vector<2000x16xf32>, vector<16x8xf32>, vector<2000x8xf32> -> vector<2000x8xf32>
    %add3A_21 = arith.addf %add3A_13, %dot_general3A_20 : vector<2000x8xf32>
    %reduce_max3A = arith.constant dense<0xFF800000> : vector<2000xf32>
    %reduce_max3A_22 = vector.multi_reduction <maximumf>, %add3A_21, %reduce_max3A [1] : vector<2000x8xf32> to vector<2000xf32>
    %broadcast_in_dim3A = vector.shape_cast %reduce_max3A_22 : vector<2000xf32> to vector<2000x1xf32>
    %sub3A = vector.broadcast %broadcast_in_dim3A : vector<2000x1xf32> to vector<2000x8xf32>
    %sub3A_23 = arith.subf %add3A_21, %sub3A : vector<2000x8xf32>
    %exp3A = math.exp %sub3A_23 : vector<2000x8xf32>
    %reduce_sum3A = arith.constant dense<0.000000e+00> : vector<2000xf32>
    %reduce_sum3A_24 = vector.multi_reduction <add>, %exp3A, %reduce_sum3A [1] : vector<2000x8xf32> to vector<2000xf32>
    %broadcast_in_dim3A_25 = vector.shape_cast %reduce_sum3A_24 : vector<2000xf32> to vector<2000x1xf32>
    %log3A = math.log %broadcast_in_dim3A_25 : vector<2000x1xf32>
    %sub3A_26 = vector.broadcast %broadcast_in_dim3A : vector<2000x1xf32> to vector<2000x8xf32>
    %sub3A_27 = arith.subf %add3A_21, %sub3A_26 : vector<2000x8xf32>
    %sub3A_28 = vector.broadcast %log3A : vector<2000x1xf32> to vector<2000x8xf32>
    %sub3A_29 = arith.subf %sub3A_27, %sub3A_28 : vector<2000x8xf32>
    %swap3A = arith.constant 0 : index
    %swap3A_30 = arith.constant 0 : index
    %swap3A_31 = vector.load %arg5[%swap3A, %swap3A_30] : memref<2000x8xf32, #tpu.memory_space<vmem>>, vector<2000x8xf32>
    tpu.vector_store %arg5[%swap3A, %swap3A_30], %sub3A_29 {strides = array<i32>} : memref<2000x8xf32, #tpu.memory_space<vmem>>, vector<2000x8xf32>,
    return
  }
  func.func @transform_0(%arg0: i32) -> (i32, i32, i32) {
    %c0_i32 = arith.constant 0 : i32
    %c0_i32_0 = arith.constant 0 : i32
    %c0_i32_1 = arith.constant 0 : i32
    return %c0_i32, %arg0, %c0_i32_0 : i32, i32, i32
  }
  func.func @transform_1(%arg0: i32) -> (i32, i32) {
    %c0_i32 = arith.constant 0 : i32
    %c0_i32_0 = arith.constant 0 : i32
    return %arg0, %c0_i32 : i32, i32
  }
  func.func @transform_2(%arg0: i32) -> (i32, i32) {
    %c0_i32 = arith.constant 0 : i32
    %c0_i32_0 = arith.constant 0 : i32
    %c0_i32_1 = arith.constant 0 : i32
    return %c0_i32, %c0_i32_0 : i32, i32
  }
  func.func @transform_3(%arg0: i32) -> (i32, i32) {
    %c0_i32 = arith.constant 0 : i32
    %c0_i32_0 = arith.constant 0 : i32
    %c0_i32_1 = arith.constant 0 : i32
    return %c0_i32, %c0_i32_0 : i32, i32
  }
  func.func @transform_4(%arg0: i32) -> (i32, i32) {
    %c0_i32 = arith.constant 0 : i32
    %c0_i32_0 = arith.constant 0 : i32
    return %arg0, %c0_i32 : i32, i32
  }
}

</mosaic_0001>

<sc_bundles>
// kernel: kernel.12.cloned.1.call-start
scs
__scs_entry_jumppad:
0x0: {  	(pc) =	sbr.rel $0x88, $3  }
0x1: {  	(tag) =	ssettag $0x0;
	lr =	simm.s32 $0x1  }
0x2: {  	[smem:$0x3F97] =	sst lr;
	_ =	strace $0xD0000000  }
0x3: {  	_ = 	snop  }
0x4: {  	_ = 	snop  }
0x5: {  	_ = 	snop  }
0x6: {  	_ = 	snop  }
0x7: {  	_ = 	snop  }
__scs_overlays_trampoline_lowered:
0x8: {  	[smem:$0x3FA6] =	sst s0  }
0x9: {  	[smem:$0x3FA7] =	sst s1  }
0xa: {  	[smem:$0x3FA8] =	sst s2  }
0xb: {  	[smem:$0x3FA9] =	sst s3  }
0xc: {  	[smem:$0x3FAA] =	sst s4  }
0xd: {  	[smem:$0x3FAB] =	sst s5  }
0xe: {  	[smem:$0x3FAC] =	sst s6  }
0xf: {  	[smem:$0x3FAD] =	sst s7  }
0x10: {  	[smem:$0x3FAE] =	sst s8  }
0x11: {  	[smem:$0x3FAF] =	sst s9;
	s0 =	simm.s32 @!p0 $0x0  }
0x12: {  	s1 =	sld [smem:$0x3F95];
	s0 =	simm.s32 @p0 $0x1  }
0x13: {  	[smem:$0x3FB0] =	sst s0;
	s0 =	simm.s32 @!p1 $0x0  }
0x14: {  	s2 =	sld [smem:$0x3F94];
	s0 =	simm.s32 @p1 $0x1  }
0x15: {  	[smem:$0x3FB1] =	sst s0;
	s0 =	simm.s32 @!p2 $0x0  }
0x16: {  	s3 =	sld [smem:$0x3FDB];
	s0 =	simm.s32 @p2 $0x1  }
0x17: {  	s4 =	simm.s32 $0x1BF5;
	[smem:$0x3FB3] =	sst s0  }
0x18: {  	s0 =	sld [smem:$0x3F96];
	_ =	swait.ge [sflag:s4], $0x0  }
0x19: {  	s7 =	sld [smem:$0x3F97]  }
0x1a: {  	s8 =	sadd.s32 $0xFFFFE003, lr  }
0x1b: {  	s9 =	sadd.s32 $0xFFFFFEF7, lr;
	s5 =	simm.s32 $0xFFFFFFFF;
	p2 =	slt.u32 s8, $0xFFFFF086  }
0x1c: {  	p1 =	slt.u32 s9, $0xF7A;
	s5 =	simm.s32 @!p2 $0x0  }
0x1d: {  	s5 =	simm.s32 @p1 $0x1;
	p0 =	seq.s32 s7, s2  }
0x1e: {  	s7 =	smul.u32 @!p0 $0xF7A, s2;
	p2 =	seq.s32 @!p0 s5, $0x0  }
0x1f: {  	s9 =	smul.u32 $0xF7A, s1;
	s8 =	simm.s32 @!p0 $0x1BF5;
	p2 =	por !p2, p0  }
0x20: {  	[sflag:s8] =	ssyncset.s32 @!p0 $0xFFFFF086;
	s6 =	sadd.s32 @!p0 s3, s7;
	s7 =	simm.s32 @!p0 $0x108  }
0x21: {  	s3 =	sadd.s32 s3, s9;
	s6 =	sadd.s32 @!p0 $0x88, s6;
	s7 =	simm.s32 @p2 $0x1082  }
0x22: {  	[simem:s7], [sflag:s8] =	dma.local @!p0 [hbm:s6], $0xF7A  }
0x23: {  	s9 =	sor.u32 $0xD0000000, s2;
	s6 =	simm.s32 $0x108;
	_ =	swait.ge @!p0 [sflag:s8], $0x0  }
0x24: {  	s3 =	sadd.s32 $0x88, s3;
	s6 =	simm.s32 @!p1 $0x1082;
	[sflag:s4] =	ssyncset.s32 $0xFFFFF086  }
0x25: {  	[simem:s6], [sflag:s4] =	dma.local [hbm:s3], $0xF7A  }
0x26: {  	[smem:$0x3F97] =	sst s1;
	(tag) =	ssettag s2;
	_ =	strace s9  }
0x27: {  	s1 =	sld [smem:$0x3FA7]  }
0x28: {  	s2 =	sld [smem:$0x3FA8]  }
0x29: {  	s4 =	sld [smem:$0x3FAA]  }
0x2a: {  	p0 =	seq.s32 s5, $0x0;
	s5 =	sld [smem:$0x3FAB]  }
0x2b: {  	s6 =	sld [smem:$0x3FAC]  }
0x2c: {  	s7 =	sld [smem:$0x3FAD]  }
0x2d: {  	s3 =	simm.s32 $0x108;
	s8 =	sld [smem:$0x3FAE]  }
0x2e: {  	s3 =	simm.s32 @!p0 $0x1082;
	s9 =	sld [smem:$0x3FAF]  }
0x2f: {  	lr =	sadd.s32 s0, s3;
	s0 =	sld [smem:$0x3FA6]  }
0x30: {  	s3 =	sld [smem:$0x3FA9]  }
0x31: {  	[smem:$0x3FB2] =	sst s10  }
0x32: {  	s10 =	sld [smem:$0x3FB0];
	_ =	sdelay $0x3  }
0x33: {  	p0 =	seq.s32 s10, $0x1;
	s10 =	sld [smem:$0x3FB2];
	_ =	sdelay $0x3  }
0x34: {  	[smem:$0x3FB2] =	sst s10  }
0x35: {  	s10 =	sld [smem:$0x3FB1];
	_ =	sdelay $0x3  }
0x36: {  	p1 =	seq.s32 s10, $0x1;
	s10 =	sld [smem:$0x3FB2];
	_ =	sdelay $0x3  }
0x37: {  	[smem:$0x3FB2] =	sst s10  }
0x38: {  	s10 =	sld [smem:$0x3FB3]  }
0x39: {  	_ = 	snop;
	(pc) =	sbr.ind lr, $3  }
0x3a: {  	_ = 	snop  }
0x3b: {  	_ = 	snop  }
0x3c: {  	p2 =	seq.s32 s10, $0x1;
	s10 =	sld [smem:$0x3FB2]  }
0x3d: {  	_ =	shalt  }
0x3e: {  	_ =	shalt  }
0x3f: {  	_ =	shalt  }
0x40: {  	_ =	shalt  }
0x41: {  	_ =	shalt  }
0x42: {  	_ =	shalt  }
0x43: {  	_ =	shalt  }
0x44: {  	_ =	shalt  }
0x45: {  	_ =	shalt  }
0x46: {  	_ =	shalt  }
0x47: {  	_ =	shalt  }
0x48: {  	_ =	shalt  }
0x49: {  	_ =	shalt  }
0x4a: {  	_ =	shalt  }
0x4b: {  	_ =	shalt  }
0x4c: {  	_ =	shalt  }
0x4d: {  	_ =	shalt  }
0x4e: {  	_ =	shalt  }
0x4f: {  	_ =	shalt  }
0x50: {  	_ =	shalt  }
0x51: {  	_ =	shalt  }
0x52: {  	_ =	shalt  }
0x53: {  	_ =	shalt  }
0x54: {  	_ =	shalt  }
0x55: {  	_ =	shalt  }
0x56: {  	_ =	shalt  }
0x57: {  	_ =	shalt  }
0x58: {  	_ =	shalt  }
0x59: {  	_ =	shalt  }
0x5a: {  	_ =	shalt  }
0x5b: {  	_ =	shalt  }
0x5c: {  	_ =	shalt  }
0x5d: {  	_ =	shalt  }
0x5e: {  	_ =	shalt  }
0x5f: {  	_ =	shalt  }
0x60: {  	_ =	shalt  }
0x61: {  	_ =	shalt  }
0x62: {  	_ =	shalt  }
0x63: {  	_ =	shalt  }
0x64: {  	_ =	shalt  }
0x65: {  	_ =	shalt  }
0x66: {  	_ =	shalt  }
0x67: {  	_ =	shalt  }
0x68: {  	_ =	shalt  }
0x69: {  	_ =	shalt  }
0x6a: {  	_ =	shalt  }
0x6b: {  	_ =	shalt  }
0x6c: {  	_ =	shalt  }
0x6d: {  	_ =	shalt  }
0x6e: {  	_ =	shalt  }
0x6f: {  	_ =	shalt  }
0x70: {  	_ =	shalt  }
0x71: {  	_ =	shalt  }
0x72: {  	_ =	shalt  }
0x73: {  	_ =	shalt  }
0x74: {  	_ =	shalt  }
0x75: {  	_ =	shalt  }
0x76: {  	_ =	shalt  }
0x77: {  	_ =	shalt  }
0x78: {  	_ =	shalt  }
0x79: {  	_ =	shalt  }
0x7a: {  	_ =	shalt  }
0x7b: {  	_ =	shalt  }
0x7c: {  	_ =	shalt  }
0x7d: {  	_ =	shalt  }
0x7e: {  	_ =	shalt  }
0x7f: {  	_ =	shalt  }
0x80: {  	_ =	shalt  }
0x81: {  	_ =	shalt  }
0x82: {  	_ =	shalt  }
0x83: {  	_ =	shalt  }
0x84: {  	_ =	shalt  }
0x85: {  	_ =	shalt  }
0x86: {  	_ =	shalt  }
0x87: {  	_ =	shalt  }
.Lfunc_end0:
.L_simem_size_0:
called_computation.2_lowered:
.L_overlay_start_0:
0x88: {  	s2 =	sld [smem:$0x3FD9]  }
0x89: {  	s3 =	sld [smem:$0x3FFE];
	_ =	sdelay $0x1  }
0x8a: {  	s1 =	srdreg.scid  }
0x8b: {  	s0 =	sand.u32 $0x1, s1  }
0x8c: {  	s17 =	sshll.u32 s0, $0xA;
	s2 =	sadd.s32 s3, s2  }
0x8d: {  	s2 =	sadd.s32 s2, s17  }
0x8e: {  	[smem:$0x3FBE] =	sst s2  }
0x8f: {  	_ = 	snop  }
0x90: {  	s2 =	sld [smem:$0x3FC8];
	(tm) =	ssettm $0x1  }
0x91: {  	s18 =	sld [smem:$0x3FFB];
	_ =	sdelay $0x3  }
0x92: {  	_ =	strace s18  }
0x93: {  	s3 =	sld [smem:$0x3FFC];
	_ =	sdelay $0x3  }
0x94: {  	_ =	strace s3  }
0x95: {  	s3 =	sld [smem:$0x3FFD];
	_ =	sdelay $0x3  }
0x96: {  	_ =	strace s3  }
0x97: {  	_ =	strace $0x8FFFFFFF  }
0x98: {  	s19 =	sld [smem:$0x3FDB];
	_ =	sdelay $0x1  }
0x99: {  	s4 =	simm.s32 $_scs_section_size  }
0x9a: {  	s5 =	simm.s32 $_size__tile_overlayer_lowered;
	s6 =	simm.s32 $_tile_overlayer_lowered  }
0x9b: {  	s22 =	simm.s32 $0x1BFF;
	s21 =	sshll.u32 s6, $0x1;
	s3 =	sadd.s32 s4, s19  }
0x9c: {  	s7 =	simm.s32 $0x0;
	s20 =	sshll.u32 s5, $0x1;
	s5 =	sadd.s32 s21, s3  }
0x9d: {  	[timem:s7], [sflag:s22] =	dma.local [hbm:s5], s20  }
0x9e: {  	_ =	swait.ge [sflag:s22], s20  }
0x9f: {  	s4 =	ssub.s32 $0x0, s20;
	[sflag:s22] =	ssyncset.done $0x0  }
0xa0: {  	[sflag:s22] =	ssyncadd.s32 s4;
	_ =	sdelay $0x1  }
0xa1: {  	s23 =	simm.s32 $0x1B8B  }
0xa2: {  	_ =	swait.ge [sflag:s23], $0x1  }
0xa3: {  	[sflag:s23] =	ssyncset.done $0x0  }
0xa4: {  	s25 =	simm.s32 $0x1B8E;
	s24 =	sld [smem:$0x3FFE];
	[sflag:s23] =	ssyncadd.s32 $0xFFFFFFFF  }
0xa5: {  	s26 =	simm.s32 $execute0_lowered;
	[smem:$0x3FD2] =	sst s25  }
0xa6: {  	s5 =	sshll.u32 s26, $0x1;
	_ =	strace $0x8000004C;
	[dreg:$0x1] =	wrdreg $0xFFFFFFFF  }
0xa7: {  	s28 =	simm.s32 $_size_execute0_lowered;
	s3 =	sadd.s32 s3, s5;
	[dreg:$0x0] =	wrdreg $0x0  }
0xa8: {  	s5 =	sshll.u32 s28, $0x1;
	[dreg:$0x2] =	wrdreg s3  }
0xa9: {  	[dreg:$0x3] =	wrdreg s5  }
0xaa: {  	[dreg:$0x4] =	wrdreg $0xC0  }
0xab: {  	_ =	task [dreg:s7], $0x5FFFF  }
0xac: {  	[dreg:$0x1] =	wrdreg $0xFFFFFFFF  }
0xad: {  	[dreg:$0x0] =	wrdreg $0x60  }
0xae: {  	[dreg:$0x2] =	wrdreg s24  }
0xaf: {  	[dreg:$0x3] =	wrdreg s2  }
0xb0: {  	[dreg:$0x4] =	wrdreg $0x137200  }
0xb1: {  	[dreg:$0x5] =	wrdreg $0x9  }
0xb2: {  	_ =	task.clear_ibuf [dreg:s7], $0x6FFFF;
	_ =	strace $0x9000004C  }
0xb3: {  	s29 =	simm.s32 $0x9;
	_ =	strace $0x8000004E  }
0xb4: {  	_ =	swait.ge [sflag:s29], $0x1  }
0xb5: {  	[sflag:s29] =	ssyncadd.s32 $0xFFFFFFFF  }
0xb6: {  	_ =	strace $0x9000004E  }
0xb7: {  	_ =	sfence  }
0xb8: {  	s30 =	sld [smem:$0x0];
	_ =	sdelay $0x2  }
0xb9: {  	s31 =	sshll.u32 s1, $0xD;
	s1 =	sshrl.u32 s1, $0x2  }
0xba: {  	s3 =	sand.u32 $0x4000, s31;
	s1 =	sadd.s32 s1, s30  }
0xbb: {  	s0 =	sor.u32 s3, s0;
	s1 =	sshll.u32 s1, $0x11  }
0xbc: {  	s0 =	sor.u32 s1, s0  }
0xbd: {  	s0 =	sadd.s32 $0x8F2B, s0  }
0xbe: {  	[sflag:s0] =	ssyncadd.remote.s32 $0x1  }
0xbf: {  	_ =	sfence.sel $0xFFFF  }
0xc0: {  	[dreg:$0x0] =	wrdreg $0xFFFFFFFF;
	(pc) =	sbr.abs _section_cstart, $3  }
0xc1: {  	[dreg:$0x1] =	wrdreg $0xFFFFFFFF  }
0xc2: {  	_ =	task.clear_ibuf [dreg:s7], $0x2FFFF;
	_ =	strace $0x9FFFFFFF  }
0xc3: {  	(tm) =	ssettm $0x7FFFFFFF  }
tec
execute0_lowered:
.L_overlay_start_1:
0x0: {  	(tag) =	ssettag $0x1  }
0x1: {  	s0 =	rddreg [dreg:$0x0]  }
0x2: {  	s16 =	rddreg [dreg:$0x1]  }
0x3: {  	s2 =	rddreg [dreg:$0x2];
	s3 =	simm.s32 $0x0  }
0x4: {  	s6 =	srdreg.scid;
	s17 =	stileid.u32;
	s28 =	simm.s32 $0x320  }
0x5: {  	s30 =	simm.s32 $0x1;
	s31 =	simm.s32 $0x190;
	[smem:$0x7FF] =	sst s3  }
0x6: {  	s4 =	sadd.s32 $0x32A00, s0;
	s5 =	sadd.s32 $0x1C00, s0;
	s7 =	sadd.s32 $0x202A00, s0  }
0x7: {  	s8 =	sadd.s32 $0x63800, s0;
	s1 =	sadd.s32 $0x7C000, s0;
	s6 =	sand.u32 $0x1, s6  }
0x8: {  	s10 =	sshll.u32 s17, $0x1;
	s11 =	smul.u32 $0x30E00, s17;
	s9 =	sadd.s32 $0xACE00, s0  }
0x9: {  	s25 =	smul.u32 $0xC380, s17;
	s20 =	sadd.s32 $0xB7480, s2;
	s26 =	smov.u32 s16  }
0xa: {  	p0 =	seq.s32 s17, $0xF;
	s17 =	simm.s32 $0x3;
	_ =	strace $0x8000004D  }
0xb: {  	s24 =	ssub.s32 $0x2, s6;
	s10 =	sor.u32 s6, s10;
	s6 =	smul.u32 $0xC3500, s6  }
0xc: {  	[dreg:$0x5] =	wrdreg s20;
	s12 =	sshrl.u32 s24, $0x1;
	s11 =	sshrl.u32 s11, $0x2  }
0xd: {  	s10 =	smul.u32 $0xC350, s10;
	s0 =	ssub.s32 s24, s12;
	s11 =	sadd.s32 s11, s2  }
0xe: {  	s14 =	sadd.s32 s25, s6;
	s6 =	sshrl.u32 s6, $0x3;
	s25 =	sadd.s32 s25, s2  }
0xf: {  	s12 =	simm.s32 $0x6;
	[dreg:$0x4] =	wrdreg s11;
	s29 =	sshrl.u32 s10, $0x3  }
0x10: {  	s15 =	sadd.s32 $0x190, s10;
	[dreg:$0xe] =	wrdreg s25;
	s0 =	smax.u32 s0, $0x1  }
0x11: {  	s14 =	sshrl.u32 s14, $0x3;
	s13 =	sadd.s32 s4, s29;
	[dreg:$0x10] =	wrdreg s0  }
0x12: {  	s11 =	simm.s32 $0xC80;
	s18 =	sadd.s32 s5, s29;
	[dreg:$0x6] =	wrdreg s13  }
0x13: {  	s25 =	simm.s32 $0x4;
	s19 =	sadd.s32 s16, s29;
	[dreg:$0x7] =	wrdreg s18  }
0x14: {  	s21 =	sshrl.u32 s15, $0x3;
	s23 =	sadd.s32 s1, s14;
	[dreg:$0x8] =	wrdreg s19  }
0x15: {  	s24 =	sadd.s32 s9, s29;
	s29 =	sadd.s32 $0x4B0, s10;
	[dreg:$0xc] =	wrdreg s23  }
0x16: {  	s1 =	sadd.s32 s1, s6;
	s18 =	sadd.s32 s4, s21;
	[dreg:$0x11] =	wrdreg s29  }
0x17: {  	s0 =	simm.s32 $0x3E80;
	s22 =	sadd.s32 s5, s21;
	[dreg:$0x9] =	wrdreg s18  }
0x18: {  	s14 =	simm.s32 $0x0;
	s13 =	sadd.s32 s16, s21;
	[dreg:$0xa] =	wrdreg s22  }
0x19: {  	s21 =	sadd.s32 $0x320, s10;
	s6 =	sadd.s32 $0x1838, s24;
	[dreg:$0xb] =	wrdreg s13  }
0x1a: {  	s1 =	sadd.s32 $0x16E90, s1;
	s16 =	simm.s32 $0x2;
	[dreg:$0xd] =	wrdreg s6  }
0x1b: {  	v1 =	vlaneseq.u32;
	s19 =	simm.s32 $0x5780;
	s23 =	simm.s32 $0x7;
	[dreg:$0xf] =	wrdreg s1  }
0x1c: {  	v0 =	vimm.f32 $0.0e+00;
	v1 =	vmul.u32 $0x10, v1;
	s13 =	simm.s32 $0x4B0;
	s18 =	simm.s32 $0x5;
	s22 =	simm.s32 $0x2580  }
.LBB2_1:
0x1d: {  	[dreg:$0x12] =	wrdreg s14;
	s1 =	simm.s32 $0x40;
	s6 =	simm.s32 $0x0  }
.LBB2_2:
0x1e: {  	p1 =	sne.s32 s1, $0x30DC0;
	[tilespmem:s6+$0x73A0] =	vst v0;
	s6 =	smov.u32 s1;
	s1 =	sadd.s32 $0x40, s1  }
.Ltmp0:
0x1f: {  	(pc) =	sbr.rel @p1 .LBB2_2-.Ltmp0, $2  }
0x20: {  	_ =	sdelay $0x2  }
0x21: {  	s6 =	sshra.s32 s6, $0x2  }
0x22: {  	[tilespmem:s6+$0x73A0] =	vst v0;
	s1 =	simm.s32 @p0 $0x73A0  }
0x23: {  	[spmem:s20] =	stream.linear.scatter @p0 [tilespmem:s1], [sflag:$0x7], $0xC080, $0x38;
	[tilespmem:$0x1FA70] =	vst v63  }
0x24: {  	s1 =	simm.s32 @p0 $0x7  }
0x25: {  	_ =	swait.ge @p0 [sflag:s1], $0xC080  }
0x26: {  	[sflag:s1] =	ssyncset.done @p0 $0x0  }
0x27: {  	s6 =	rddreg [dreg:$0x4];
	[sflag:s1] =	ssyncadd.s32 @p0 $0xFFFF3F80;
	s1 =	simm.s32 @!p0 $0x73A0  }
0x28: {  	[spmem:s6] =	stream.linear.scatter @!p0 [tilespmem:s1], [sflag:$0x7], $0xC380, $0x38;
	[tilespmem:$0x1FA70] =	vst v63  }
0x29: {  	s1 =	simm.s32 @!p0 $0x7  }
0x2a: {  	_ =	swait.ge @!p0 [sflag:s1], $0xC380  }
0x2b: {  	[sflag:s1] =	ssyncset.done @!p0 $0x0  }
0x2c: {  	[sflag:s1] =	ssyncadd.s32 @!p0 $0xFFFF3C80  }
0x2d: {  	[bflag:$0x0] =	sbarrier.arrive $0xFFFF  }
0x2e: {  	s1 =	simm.s32 $0x0;
	s20 =	rddreg [dreg:$0x6]  }
0x2f: {  	[tilespmem:s1], [sflag:$0x1] =	stream.linear.gather [hbm4b:s20+s1], $0x190, $0x38;
	[tilespmem:$0x1FA70] =	vst v63  }
0x30: {  	s24 =	rddreg [dreg:$0x7]  }
0x31: {  	[tilespmem:s28], [sflag:$0x1] =	stream.linear.gather [hbm4b:s24+s1], $0x190, $0x38;
	[tilespmem:$0x1FA70] =	vst v63  }
0x32: {  	s14 =	simm.s32 $0x640;
	s29 =	rddreg [dreg:$0x8]  }
0x33: {  	[tilespmem:s14], [sflag:$0x1] =	stream.linear.gather [hbm4b:s29+s1], $0x190, $0x38;
	[tilespmem:$0x1FA70] =	vst v63  }
0x34: {  	_ =	swait.ge [sflag:s30], $0x190  }
0x35: {  	[sflag:s30] =	ssyncset.done $0x0  }
0x36: {  	[sflag:s30] =	ssyncadd.s32 $0xFFFFFE70  }
0x37: {  	_ =	swait.ge [sflag:s30], $0x190  }
0x38: {  	[sflag:s30] =	ssyncset.done $0x0  }
0x39: {  	[sflag:s30] =	ssyncadd.s32 $0xFFFFFE70  }
0x3a: {  	_ =	swait.ge [sflag:s30], $0x190  }
0x3b: {  	[sflag:s30] =	ssyncset.done $0x0  }
0x3c: {  	s1 =	simm.s32 $0x0;
	[sflag:s30] =	ssyncadd.s32 $0xFFFFFE70  }
0x3d: {  	v2 =	vld [tilespmem:s1+$0x0]  }
0x3e: {  	s6 =	simm.s32 $0x40;
	v3 =	vld [tilespmem:s1+$0x640]  }
.LBB2_4:
0x3f: {  	p1 =	sne.s32 s6, $0x600  }
.Ltmp1:
0x40: {  	_ = 	snop;
	(pc) =	sbr.rel @p1 .LBB2_4-.Ltmp1, $4  }
0x41: {  	_ = 	snop  }
0x42: {  	s14 =	sshra.s32 s6, $0x2;
	s6 =	sadd.s32 $0x40, s6;
	v4 =	vshll.u32 v2, $0x4  }
0x43: {  	v2 =	vld [tilespmem:s14+$0x0];
	v4 =	vadd.s32 v3, v4  }
0x44: {  	v3 =	vld [tilespmem:s14+$0x640];
	[tilespmem:s1+$0x960] =	vst v4;
	s1 =	smov.u32 s14  }
0x45: {  	_ =	sdelay $0x2  }
0x46: {  	v2 =	vshll.u32 v2, $0x4  }
0x47: {  	v2 =	vadd.s32 v3, v2  }
0x48: {  	[tilespmem:s1+$0x960] =	vst v2  }
0x49: {  	[tilespmem:s0], [sflag:$0x3] =	stream.indirect.gather [hbm4b:s8+s31], $0x10, s28, s31, $0xb8;
	[tilespmem:$0x1FA70] =	vst v63  }
0x4a: {  	s6 =	simm.s32 $0x960  }
0x4b: {  	[tilespmem:s11], [sflag:$0x5] =	stream.indirect.gather [hbm4b:s7+s31], $0x10, s6, s31, $0xb8;
	[tilespmem:$0x1FA70] =	vst v63  }
0x4c: {  	s20 =	simm.s32 $0x0;
	s14 =	rddreg [dreg:$0x9]  }
0x4d: {  	[tilespmem:s31], [sflag:$0x2] =	stream.linear.gather [hbm4b:s14+s20], $0x190, $0x38;
	[tilespmem:$0x1FA70] =	vst v63  }
0x4e: {  	s24 =	rddreg [dreg:$0xa]  }
0x4f: {  	[tilespmem:s13], [sflag:$0x2] =	stream.linear.gather [hbm4b:s24+s20], $0x190, $0x38;
	[tilespmem:$0x1FA70] =	vst v63  }
0x50: {  	s29 =	rddreg [dreg:$0xb];
	s6 =	simm.s32 $0x7D0  }
0x51: {  	[tilespmem:s6], [sflag:$0x2] =	stream.linear.gather [hbm4b:s29+s20], $0x190, $0x38;
	[tilespmem:$0x1FA70] =	vst v63  }
.LBB2_6:
0x52: {  	_ =	swait.ge [sflag:s16], $0x190  }
0x53: {  	[sflag:s16] =	ssyncset.done $0x0  }
0x54: {  	[sflag:s16] =	ssyncadd.s32 $0xFFFFFE70  }
0x55: {  	_ =	swait.ge [sflag:s16], $0x190  }
0x56: {  	[sflag:s16] =	ssyncset.done $0x0  }
0x57: {  	[sflag:s16] =	ssyncadd.s32 $0xFFFFFE70  }
0x58: {  	_ =	swait.ge [sflag:s16], $0x190  }
0x59: {  	[sflag:s16] =	ssyncset.done $0x0  }
0x5a: {  	s1 =	simm.s32 $0x0;
	[sflag:s16] =	ssyncadd.s32 $0xFFFFFE70  }
0x5b: {  	v2 =	vld [tilespmem:s1+$0x190]  }
0x5c: {  	s6 =	simm.s32 $0x40;
	v3 =	vld [tilespmem:s1+$0x7D0]  }
.LBB2_7:
0x5d: {  	p1 =	sne.s32 s6, $0x600  }
.Ltmp2:
0x5e: {  	_ = 	snop;
	(pc) =	sbr.rel @p1 .LBB2_7-.Ltmp2, $4  }
0x5f: {  	_ = 	snop  }
0x60: {  	s14 =	sshra.s32 s6, $0x2;
	s6 =	sadd.s32 $0x40, s6;
	v4 =	vshll.u32 v2, $0x4  }
0x61: {  	v2 =	vld [tilespmem:s14+$0x190];
	v4 =	vadd.s32 v3, v4  }
0x62: {  	v3 =	vld [tilespmem:s14+$0x7D0];
	[tilespmem:s1+$0xAF0] =	vst v4;
	s1 =	smov.u32 s14  }
0x63: {  	_ =	sdelay $0x2  }
0x64: {  	v2 =	vshll.u32 v2, $0x4  }
0x65: {  	v2 =	vadd.s32 v3, v2  }
0x66: {  	[tilespmem:s1+$0xAF0] =	vst v2  }
0x67: {  	_ =	swait.ge [sflag:s17], $0x1900  }
0x68: {  	[sflag:s17] =	ssyncset.done $0x0  }
0x69: {  	s14 =	simm.s32 $0x640;
	[sflag:s17] =	ssyncadd.s32 $0xFFFFE700  }
0x6a: {  	v2 =	vld [tilespmem:s14+$0x0];
	_ =	sdelay $0x1  }
0x6b: {  	s24 =	simm.s32 $0x0  }
0x6c: {  	v3 =	vmov s24  }
0x6d: {  	v3 =	vshll.u32 v3, $0x4  }
0x6e: {  	v3 =	vor.u32 v1, v3;
	v4 =	vand.u32 $0xFFFFFFF8, v2  }
0x6f: {  	v2 =	vand.u32 $0x7, v2;
	v3 =	vadd.s32 v3, v4  }
0x70: {  	v2 =	vor.u32 v2, v3;
	_ =	sdelay $0x4  }
0x71: {  	v2 =	vld.idx.msk [tilespmem:v2+s0+$0x0], $0xffff;
	_ =	sdelay $0x3  }
0x72: {  	s6 =	simm.s32 $0x7080  }
0x73: {  	s14 =	simm.s32 $0x650;
	[tilespmem:s6+$0x0] =	vst v2  }
0x74: {  	s29 =	simm.s32 $0x20;
	s24 =	simm.s32 $0x10;
	v2 =	vld [tilespmem:s14+$0x0]  }
.LBB2_9:
0x75: {  	p1 =	sne.s32 s29, $0x180;
	_ =	sdelay $0x1  }
0x76: {  	v3 =	vmov s24;
	s24 =	smov.u32 s29  }
0x77: {  	v3 =	vshll.u32 v3, $0x4  }
0x78: {  	v3 =	vor.u32 v1, v3;
	v4 =	vand.u32 $0xFFFFFFF8, v2  }
0x79: {  	v2 =	vand.u32 $0x7, v2;
	v3 =	vadd.s32 v3, v4  }
0x7a: {  	v2 =	vor.u32 v2, v3;
	_ =	sdelay $0x4  }
0x7b: {  	v2 =	vld.idx.msk [tilespmem:v2+s0+$0x0], $0xffff;
	_ =	sdelay $0x2  }
.Ltmp3:
0x7c: {  	(pc) =	sbr.rel @p1 .LBB2_9-.Ltmp3, $4  }
0x7d: {  	_ = 	snop  }
0x7e: {  	s6 =	sadd.s32 $0x10, s6  }
0x7f: {  	s14 =	sadd.s32 $0x10, s14;
	[tilespmem:s6+$0x0] =	vst v2  }
0x80: {  	s29 =	sadd.s32 $0x10, s29;
	v2 =	vld [tilespmem:s14+$0x0]  }
0x81: {  	_ =	sdelay $0x1  }
0x82: {  	v3 =	vmov s24  }
0x83: {  	v3 =	vshll.u32 v3, $0x4  }
0x84: {  	v3 =	vor.u32 v1, v3;
	v4 =	vand.u32 $0xFFFFFFF8, v2  }
0x85: {  	v2 =	vand.u32 $0x7, v2;
	v3 =	vadd.s32 v3, v4  }
0x86: {  	v2 =	vor.u32 v2, v3;
	_ =	sdelay $0x4  }
0x87: {  	v2 =	vld.idx.msk [tilespmem:v2+s0+$0x0], $0xffff;
	_ =	sdelay $0x3  }
0x88: {  	s1 =	sadd.s32 $0x10, s6  }
0x89: {  	[tilespmem:s1+$0x0] =	vst v2  }
0x8a: {  	_ =	swait.ge [sflag:s18], $0x1900  }
0x8b: {  	[sflag:s18] =	ssyncset.done $0x0  }
0x8c: {  	s14 =	simm.s32 $0xD00;
	[sflag:s18] =	ssyncadd.s32 $0xFFFFE700  }
0x8d: {  	s6 =	simm.s32 $0x40;
	s29 =	simm.s32 $0xD00;
	s1 =	simm.s32 $0x0;
	v2 =	vld [tilespmem:s14+$0xFFFFFFB0]  }
.LBB2_11:
0x8e: {  	p1 =	sne.s32 s6, $0x600;
	v3 =	vld [tilespmem:s1+$0x7080]  }
0x8f: {  	v4 =	vld [tilespmem:s14+$0xFFFFFF90]  }
0x90: {  	v5 =	vld [tilespmem:s14+$0xFFFFFF80]  }
0x91: {  	v6 =	vld [tilespmem:s14+$0xFFFFFFA0]  }
0x92: {  	v7 =	vld [tilespmem:s14+$0xFFFFFFF0]  }
0x93: {  	v8 =	vbroadcast v3, $0x0;
	v9 =	vbroadcast v3, $0x1;
	v10 =	vld [tilespmem:s14+$0xFFFFFFD0]  }
0x94: {  	v11 =	vbroadcast v3, $0x2;
	v12 =	vbroadcast v3, $0x3;
	v13 =	vld [tilespmem:s14+$0xFFFFFFC0]  }
0x95: {  	v5 =	vmul.f32 v8, v5;
	v4 =	vmul.f32 v4, v9;
	v8 =	vld [tilespmem:s14+$0xFFFFFFE0]  }
0x96: {  	v2 =	vmul.f32 v2, v12;
	v6 =	vmul.f32 v6, v11;
	v9 =	vld [tilespmem:s14+$0x30]  }
0x97: {  	v11 =	vbroadcast v3, $0x5;
	[tilespmem:s14+$0xFFFFFF80] =	vst v5;
	v5 =	vbroadcast v3, $0x4;
	v12 =	vld [tilespmem:s14+$0x10]  }
0x98: {  	v14 =	vbroadcast v3, $0x7;
	[tilespmem:s14+$0xFFFFFF90] =	vst v4;
	v4 =	vbroadcast v3, $0x6;
	v15 =	vld [tilespmem:s14+$0x0]  }
0x99: {  	[tilespmem:s14+$0xFFFFFFA0] =	vst v6;
	v5 =	vmul.f32 v13, v5;
	v6 =	vmul.f32 v10, v11;
	v10 =	vld [tilespmem:s14+$0x20]  }
0x9a: {  	[tilespmem:s14+$0xFFFFFFB0] =	vst v2;
	v2 =	vmul.f32 v8, v4;
	v4 =	vmul.f32 v7, v14;
	v7 =	vld [tilespmem:s14+$0x70]  }
0x9b: {  	v8 =	vbroadcast v3, $0x9;
	[tilespmem:s14+$0xFFFFFFC0] =	vst v5;
	v5 =	vbroadcast v3, $0x8;
	v11 =	vld [tilespmem:s14+$0x50]  }
0x9c: {  	v13 =	vbroadcast v3, $0xB;
	[tilespmem:s14+$0xFFFFFFD0] =	vst v6;
	v6 =	vbroadcast v3, $0xA;
	v14 =	vld [tilespmem:s14+$0x40]  }
0x9d: {  	[tilespmem:s14+$0xFFFFFFE0] =	vst v2;
	v2 =	vmul.f32 v15, v5;
	v5 =	vmul.f32 v12, v8;
	v8 =	vld [tilespmem:s14+$0x60]  }
0x9e: {  	[tilespmem:s14+$0xFFFFFFF0] =	vst v4;
	v4 =	vmul.f32 v10, v6;
	v6 =	vmul.f32 v9, v13  }
0x9f: {  	v9 =	vbroadcast v3, $0xD;
	[tilespmem:s14+$0x0] =	vst v2;
	v2 =	vbroadcast v3, $0xC  }
0xa0: {  	[tilespmem:s14+$0x10] =	vst v5;
	v5 =	vbroadcast v3, $0xE;
	v3 =	vbroadcast v3, $0xF  }
0xa1: {  	[tilespmem:s14+$0x20] =	vst v4;
	v2 =	vmul.f32 v14, v2;
	v4 =	vmul.f32 v11, v9  }
.Ltmp4:
0xa2: {  	[tilespmem:s14+$0x30] =	vst v6;
	v5 =	vmul.f32 v8, v5;
	v3 =	vmul.f32 v7, v3;
	(pc) =	sbr.rel @p1 .LBB2_11-.Ltmp4, $4  }
0xa3: {  	[tilespmem:s14+$0x40] =	vst v2  }
0xa4: {  	[tilespmem:s14+$0x50] =	vst v4  }
0xa5: {  	s14 =	sadd.s32 $0x100, s14;
	[tilespmem:s29+$0x60] =	vst v5  }
0xa6: {  	s1 =	sshra.s32 s6, $0x2;
	s6 =	sadd.s32 $0x40, s6;
	v2 =	vld [tilespmem:s14+$0xFFFFFFB0];
	[tilespmem:s29+$0x70] =	vst v3;
	s29 =	smov.u32 s14  }
0xa7: {  	v3 =	vld [tilespmem:s1+$0x7080];
	_ =	sdelay $0x1  }
0xa8: {  	v4 =	vld [tilespmem:s14+$0xFFFFFF80]  }
0xa9: {  	v5 =	vld [tilespmem:s14+$0xFFFFFF90]  }
0xaa: {  	v6 =	vld [tilespmem:s14+$0xFFFFFFA0]  }
0xab: {  	v7 =	vbroadcast v3, $0x0  }
0xac: {  	v9 =	vld [tilespmem:s14+$0xFFFFFFC0];
	v8 =	vbroadcast v3, $0x1  }
0xad: {  	v10 =	vld [tilespmem:s14+$0xFFFFFFD0];
	v11 =	vbroadcast v3, $0x2;
	v4 =	vmul.f32 v7, v4  }
0xae: {  	v51 =	vld [tilespmem:s14+$0xFFFFFFE0];
	v50 =	vbroadcast v3, $0x3;
	v5 =	vmul.f32 v5, v8  }
0xaf: {  	v53 =	vld [tilespmem:s14+$0x10];
	v6 =	vmul.f32 v6, v11;
	[tilespmem:s14+$0xFFFFFF80] =	vst v4;
	v4 =	vbroadcast v3, $0x4  }
0xb0: {  	v52 =	vbroadcast v3, $0x5;
	v2 =	vmul.f32 v2, v50;
	[tilespmem:s14+$0xFFFFFF90] =	vst v5;
	v5 =	vld [tilespmem:s14+$0x0]  }
0xb1: {  	v12 =	vld [tilespmem:s14+$0xFFFFFFF0];
	v13 =	vbroadcast v3, $0x6;
	[tilespmem:s14+$0xFFFFFFA0] =	vst v6;
	v4 =	vmul.f32 v9, v4  }
0xb2: {  	v55 =	vld [tilespmem:s14+$0x20];
	v56 =	vbroadcast v3, $0x9;
	v7 =	vmul.f32 v10, v52;
	[tilespmem:s14+$0xFFFFFFB0] =	vst v2  }
0xb3: {  	v8 =	vmul.f32 v51, v13;
	v2 =	vld [tilespmem:s14+$0x30];
	[tilespmem:s14+$0xFFFFFFC0] =	vst v4;
	v4 =	vbroadcast v3, $0x8  }
0xb4: {  	v57 =	vld [tilespmem:s14+$0x40];
	v54 =	vbroadcast v3, $0x7;
	v60 =	vmul.f32 v53, v56;
	[tilespmem:s14+$0xFFFFFFD0] =	vst v7  }
0xb5: {  	v58 =	vld [tilespmem:s14+$0x50];
	v59 =	vbroadcast v3, $0xA;
	[tilespmem:s14+$0xFFFFFFE0] =	vst v8;
	v4 =	vmul.f32 v5, v4  }
0xb6: {  	v61 =	vld [tilespmem:s14+$0x60];
	v6 =	vmul.f32 v12, v54;
	[tilespmem:s14+$0x10] =	vst v60;
	v5 =	vbroadcast v3, $0xB  }
0xb7: {  	v62 =	vld [tilespmem:s14+$0x70];
	v9 =	vmul.f32 v55, v59;
	[tilespmem:s14+$0x0] =	vst v4;
	v4 =	vbroadcast v3, $0xC  }
0xb8: {  	[tilespmem:s14+$0xFFFFFFF0] =	vst v6;
	v2 =	vmul.f32 v2, v5;
	v5 =	vbroadcast v3, $0xD  }
0xb9: {  	v63 =	vbroadcast v3, $0xE;
	[tilespmem:s14+$0x20] =	vst v9;
	v4 =	vmul.f32 v57, v4  }
0xba: {  	v3 =	vbroadcast v3, $0xF;
	v5 =	vmul.f32 v58, v5;
	[tilespmem:s14+$0x30] =	vst v2  }
0xbb: {  	v2 =	vmul.f32 v61, v63;
	[tilespmem:s14+$0x40] =	vst v4  }
0xbc: {  	v3 =	vmul.f32 v62, v3;
	[tilespmem:s14+$0x50] =	vst v5  }
0xbd: {  	[tilespmem:s29+$0x60] =	vst v2  }
0xbe: {  	[tilespmem:s29+$0x70] =	vst v3  }
0xbf: {  	[tilespmem:s19], [sflag:$0x4] =	stream.indirect.gather [hbm4b:s8+s31], $0x10, s13, s31, $0xb8;
	[tilespmem:$0x1FA70] =	vst v63  }
0xc0: {  	s29 =	simm.s32 $0xAF0  }
0xc1: {  	[tilespmem:s22], [sflag:$0x6] =	stream.indirect.gather [hbm4b:s7+s31], $0x10, s29, s31, $0xb8;
	[tilespmem:$0x1FA70] =	vst v63  }
0xc2: {  	s14 =	smul.u32 $0x320, s20  }
0xc3: {  	[spmem:s2] =	stream.indirect.scatter.add.f32 [tilespmem:s11], [sflag:$0x7], $0x10, s28, s31, $0xb8;
	[tilespmem:$0x1FA70] =	vst v63  }
0xc4: {  	s6 =	sadd.s32 s10, s14;
	_ =	swait.ge [sflag:s23], $0x1900  }
0xc5: {  	s24 =	simm.s32 $0x7080;
	s1 =	sshrl.u32 s6, $0x3;
	[sflag:s23] =	ssyncset.done $0x0  }
0xc6: {  	s6 =	simm.s32 $0x0;
	s1 =	sadd.s32 s9, s1;
	[sflag:s23] =	ssyncadd.s32 $0xFFFFE700  }
0xc7: {  	[hbm4b:s1+s6] =	stream.linear.scatter [tilespmem:s24], [sflag:$0x7], $0x190, $0x38;
	[tilespmem:$0x1FA70] =	vst v63  }
0xc8: {  	s24 =	sadd.s32 s14, s21;
	_ =	swait.ge [sflag:s23], $0x190  }
0xc9: {  	s1 =	sshrl.u32 s24, $0x3;
	[sflag:s23] =	ssyncset.done $0x0  }
0xca: {  	s29 =	sadd.s32 s4, s1;
	[sflag:s23] =	ssyncadd.s32 $0xFFFFFE70  }
0xcb: {  	[tilespmem:s6], [sflag:$0x1] =	stream.linear.gather [hbm4b:s29+s6], $0x190, $0x38;
	[tilespmem:$0x1FA70] =	vst v63  }
0xcc: {  	s29 =	sadd.s32 s5, s1  }
0xcd: {  	[tilespmem:s28], [sflag:$0x1] =	stream.linear.gather [hbm4b:s29+s6], $0x190, $0x38;
	[tilespmem:$0x1FA70] =	vst v63  }
0xce: {  	s1 =	sadd.s32 s26, s1;
	s29 =	simm.s32 $0x640  }
0xcf: {  	[tilespmem:s29], [sflag:$0x1] =	stream.linear.gather [hbm4b:s1+s6], $0x190, $0x38;
	[tilespmem:$0x1FA70] =	vst v63  }
0xd0: {  	_ =	swait.ge [sflag:s30], $0x190  }
0xd1: {  	[sflag:s30] =	ssyncset.done $0x0  }
0xd2: {  	[sflag:s30] =	ssyncadd.s32 $0xFFFFFE70  }
0xd3: {  	_ =	swait.ge [sflag:s30], $0x190  }
0xd4: {  	[sflag:s30] =	ssyncset.done $0x0  }
0xd5: {  	[sflag:s30] =	ssyncadd.s32 $0xFFFFFE70  }
0xd6: {  	_ =	swait.ge [sflag:s30], $0x190  }
0xd7: {  	[sflag:s30] =	ssyncset.done $0x0  }
0xd8: {  	s1 =	simm.s32 $0x0;
	[sflag:s30] =	ssyncadd.s32 $0xFFFFFE70  }
0xd9: {  	v2 =	vld [tilespmem:s1+$0x0]  }
0xda: {  	s6 =	simm.s32 $0x40;
	v3 =	vld [tilespmem:s1+$0x640]  }
.LBB2_13:
0xdb: {  	p1 =	sne.s32 s6, $0x600  }
.Ltmp5:
0xdc: {  	_ = 	snop;
	(pc) =	sbr.rel @p1 .LBB2_13-.Ltmp5, $4  }
0xdd: {  	_ = 	snop  }
0xde: {  	s24 =	sshra.s32 s6, $0x2;
	s6 =	sadd.s32 $0x40, s6;
	v4 =	vshll.u32 v2, $0x4  }
0xdf: {  	v2 =	vld [tilespmem:s24+$0x0];
	v4 =	vadd.s32 v3, v4  }
0xe0: {  	v3 =	vld [tilespmem:s24+$0x640];
	[tilespmem:s1+$0x960] =	vst v4;
	s1 =	smov.u32 s24  }
0xe1: {  	_ =	sdelay $0x2  }
0xe2: {  	v2 =	vshll.u32 v2, $0x4  }
0xe3: {  	v2 =	vadd.s32 v3, v2  }
0xe4: {  	[tilespmem:s1+$0x960] =	vst v2  }
0xe5: {  	_ =	swait.ge [sflag:s25], $0x1900  }
0xe6: {  	[sflag:s25] =	ssyncset.done $0x0  }
0xe7: {  	s6 =	simm.s32 $0x7D0;
	[sflag:s25] =	ssyncadd.s32 $0xFFFFE700  }
0xe8: {  	v2 =	vld [tilespmem:s6+$0x0];
	_ =	sdelay $0x1  }
0xe9: {  	s24 =	simm.s32 $0x0  }
0xea: {  	v3 =	vmov s24  }
0xeb: {  	v3 =	vshll.u32 v3, $0x4  }
0xec: {  	v3 =	vor.u32 v1, v3;
	v4 =	vand.u32 $0xFFFFFFF8, v2  }
0xed: {  	v2 =	vand.u32 $0x7, v2;
	v3 =	vadd.s32 v3, v4  }
0xee: {  	v2 =	vor.u32 v2, v3;
	_ =	sdelay $0x4  }
0xef: {  	v2 =	vld.idx.msk [tilespmem:v2+s19+$0x0], $0xffff;
	_ =	sdelay $0x3  }
0xf0: {  	s6 =	simm.s32 $0x7210  }
0xf1: {  	s24 =	simm.s32 $0x7E0;
	[tilespmem:s6+$0x0] =	vst v2  }
0xf2: {  	s29 =	simm.s32 $0x10;
	s1 =	simm.s32 $0x20;
	v2 =	vld [tilespmem:s24+$0x0]  }
.LBB2_15:
0xf3: {  	p1 =	sne.s32 s1, $0x180;
	_ =	sdelay $0x1  }
0xf4: {  	v3 =	vmov s29;
	s29 =	smov.u32 s1  }
0xf5: {  	v3 =	vshll.u32 v3, $0x4  }
0xf6: {  	v3 =	vor.u32 v1, v3;
	v4 =	vand.u32 $0xFFFFFFF8, v2  }
0xf7: {  	v2 =	vand.u32 $0x7, v2;
	v3 =	vadd.s32 v3, v4  }
0xf8: {  	v2 =	vor.u32 v2, v3;
	_ =	sdelay $0x4  }
0xf9: {  	v2 =	vld.idx.msk [tilespmem:v2+s19+$0x0], $0xffff;
	_ =	sdelay $0x2  }
.Ltmp6:
0xfa: {  	(pc) =	sbr.rel @p1 .LBB2_15-.Ltmp6, $4  }
0xfb: {  	_ = 	snop  }
0xfc: {  	s6 =	sadd.s32 $0x10, s6  }
0xfd: {  	s24 =	sadd.s32 $0x10, s24;
	[tilespmem:s6+$0x0] =	vst v2  }
0xfe: {  	s1 =	sadd.s32 $0x10, s1;
	v2 =	vld [tilespmem:s24+$0x0]  }
0xff: {  	_ =	sdelay $0x1  }
0x100: {  	v3 =	vmov s29  }
0x101: {  	v3 =	vshll.u32 v3, $0x4  }
0x102: {  	v3 =	vor.u32 v1, v3;
	v4 =	vand.u32 $0xFFFFFFF8, v2  }
0x103: {  	v2 =	vand.u32 $0x7, v2;
	v3 =	vadd.s32 v3, v4  }
0x104: {  	v2 =	vor.u32 v2, v3;
	_ =	sdelay $0x4  }
0x105: {  	v2 =	vld.idx.msk [tilespmem:v2+s19+$0x0], $0xffff;
	_ =	sdelay $0x3  }
0x106: {  	s1 =	sadd.s32 $0x10, s6  }
0x107: {  	[tilespmem:s1+$0x0] =	vst v2  }
0x108: {  	_ =	swait.ge [sflag:s12], $0x1900  }
0x109: {  	[sflag:s12] =	ssyncset.done $0x0  }
0x10a: {  	s29 =	simm.s32 $0x2600;
	[sflag:s12] =	ssyncadd.s32 $0xFFFFE700  }
0x10b: {  	s24 =	simm.s32 $0x40;
	s6 =	simm.s32 $0x2600;
	s1 =	simm.s32 $0x0;
	v2 =	vld [tilespmem:s29+$0xFFFFFFB0]  }
.LBB2_17:
0x10c: {  	p1 =	sne.s32 s24, $0x600;
	v3 =	vld [tilespmem:s1+$0x7210]  }
0x10d: {  	v4 =	vld [tilespmem:s29+$0xFFFFFF90]  }
0x10e: {  	v5 =	vld [tilespmem:s29+$0xFFFFFF80]  }
0x10f: {  	v6 =	vld [tilespmem:s29+$0xFFFFFFA0]  }
0x110: {  	v7 =	vld [tilespmem:s29+$0xFFFFFFF0]  }
0x111: {  	v8 =	vbroadcast v3, $0x0;
	v9 =	vbroadcast v3, $0x1;
	v10 =	vld [tilespmem:s29+$0xFFFFFFD0]  }
0x112: {  	v11 =	vbroadcast v3, $0x2;
	v12 =	vbroadcast v3, $0x3;
	v13 =	vld [tilespmem:s29+$0xFFFFFFC0]  }
0x113: {  	v5 =	vmul.f32 v8, v5;
	v4 =	vmul.f32 v4, v9;
	v8 =	vld [tilespmem:s29+$0xFFFFFFE0]  }
0x114: {  	v2 =	vmul.f32 v2, v12;
	v6 =	vmul.f32 v6, v11;
	v9 =	vld [tilespmem:s29+$0x30]  }
0x115: {  	v11 =	vbroadcast v3, $0x5;
	[tilespmem:s29+$0xFFFFFF80] =	vst v5;
	v5 =	vbroadcast v3, $0x4;
	v12 =	vld [tilespmem:s29+$0x10]  }
0x116: {  	v14 =	vbroadcast v3, $0x7;
	[tilespmem:s29+$0xFFFFFF90] =	vst v4;
	v4 =	vbroadcast v3, $0x6;
	v15 =	vld [tilespmem:s29+$0x0]  }
0x117: {  	[tilespmem:s29+$0xFFFFFFA0] =	vst v6;
	v5 =	vmul.f32 v13, v5;
	v6 =	vmul.f32 v10, v11;
	v10 =	vld [tilespmem:s29+$0x20]  }
0x118: {  	[tilespmem:s29+$0xFFFFFFB0] =	vst v2;
	v2 =	vmul.f32 v8, v4;
	v4 =	vmul.f32 v7, v14;
	v7 =	vld [tilespmem:s29+$0x70]  }
0x119: {  	v8 =	vbroadcast v3, $0x9;
	[tilespmem:s29+$0xFFFFFFC0] =	vst v5;
	v5 =	vbroadcast v3, $0x8;
	v11 =	vld [tilespmem:s29+$0x50]  }
0x11a: {  	v13 =	vbroadcast v3, $0xB;
	[tilespmem:s29+$0xFFFFFFD0] =	vst v6;
	v6 =	vbroadcast v3, $0xA;
	v14 =	vld [tilespmem:s29+$0x40]  }
0x11b: {  	[tilespmem:s29+$0xFFFFFFE0] =	vst v2;
	v2 =	vmul.f32 v15, v5;
	v5 =	vmul.f32 v12, v8;
	v8 =	vld [tilespmem:s29+$0x60]  }
0x11c: {  	[tilespmem:s29+$0xFFFFFFF0] =	vst v4;
	v4 =	vmul.f32 v10, v6;
	v6 =	vmul.f32 v9, v13  }
0x11d: {  	v9 =	vbroadcast v3, $0xD;
	[tilespmem:s29+$0x0] =	vst v2;
	v2 =	vbroadcast v3, $0xC  }
0x11e: {  	[tilespmem:s29+$0x10] =	vst v5;
	v5 =	vbroadcast v3, $0xE;
	v3 =	vbroadcast v3, $0xF  }
0x11f: {  	[tilespmem:s29+$0x20] =	vst v4;
	v2 =	vmul.f32 v14, v2;
	v4 =	vmul.f32 v11, v9  }
.Ltmp7:
0x120: {  	[tilespmem:s29+$0x30] =	vst v6;
	v5 =	vmul.f32 v8, v5;
	v3 =	vmul.f32 v7, v3;
	(pc) =	sbr.rel @p1 .LBB2_17-.Ltmp7, $4  }
0x121: {  	[tilespmem:s29+$0x40] =	vst v2  }
0x122: {  	[tilespmem:s29+$0x50] =	vst v4  }
0x123: {  	s29 =	sadd.s32 $0x100, s29;
	[tilespmem:s6+$0x60] =	vst v5  }
0x124: {  	s1 =	sshra.s32 s24, $0x2;
	s24 =	sadd.s32 $0x40, s24;
	v2 =	vld [tilespmem:s29+$0xFFFFFFB0];
	[tilespmem:s6+$0x70] =	vst v3;
	s6 =	smov.u32 s29  }
0x125: {  	v3 =	vld [tilespmem:s1+$0x7210];
	_ =	sdelay $0x1  }
0x126: {  	v4 =	vld [tilespmem:s29+$0xFFFFFF80]  }
0x127: {  	v5 =	vld [tilespmem:s29+$0xFFFFFF90]  }
0x128: {  	v6 =	vld [tilespmem:s29+$0xFFFFFFA0]  }
0x129: {  	v7 =	vbroadcast v3, $0x0  }
0x12a: {  	v10 =	vld [tilespmem:s29+$0xFFFFFFD0];
	v8 =	vbroadcast v3, $0x1;
	v11 =	vbroadcast v3, $0x2  }
0x12b: {  	v45 =	vld [tilespmem:s29+$0xFFFFFFE0];
	v44 =	vbroadcast v3, $0x3;
	v4 =	vmul.f32 v7, v4  }
0x12c: {  	v49 =	vld [tilespmem:s29+$0x10];
	v46 =	vbroadcast v3, $0x4;
	v5 =	vmul.f32 v5, v8  }
0x12d: {  	v9 =	vld [tilespmem:s29+$0xFFFFFFC0];
	v47 =	vbroadcast v3, $0x5;
	v6 =	vmul.f32 v6, v11;
	[tilespmem:s29+$0xFFFFFF80] =	vst v4  }
0x12e: {  	v12 =	vld [tilespmem:s29+$0xFFFFFFF0];
	v13 =	vbroadcast v3, $0x6;
	v2 =	vmul.f32 v2, v44;
	[tilespmem:s29+$0xFFFFFF90] =	vst v5  }
0x12f: {  	v51 =	vld [tilespmem:s29+$0x20];
	v53 =	vbroadcast v3, $0x9;
	v7 =	vmul.f32 v10, v47;
	[tilespmem:s29+$0xFFFFFFA0] =	vst v6  }
0x130: {  	v48 =	vld [tilespmem:s29+$0x0];
	v50 =	vbroadcast v3, $0x7;
	v8 =	vmul.f32 v45, v13;
	[tilespmem:s29+$0xFFFFFFB0] =	vst v2  }
0x131: {  	v55 =	vld [tilespmem:s29+$0x50];
	v52 =	vbroadcast v3, $0x8;
	v58 =	vmul.f32 v49, v53;
	[tilespmem:s29+$0xFFFFFFD0] =	vst v7  }
0x132: {  	v54 =	vld [tilespmem:s29+$0x40];
	v56 =	vbroadcast v3, $0xA;
	v4 =	vmul.f32 v9, v46;
	[tilespmem:s29+$0xFFFFFFE0] =	vst v8  }
0x133: {  	v57 =	vbroadcast v3, $0xB;
	v2 =	vld [tilespmem:s29+$0x30];
	v6 =	vmul.f32 v12, v50;
	[tilespmem:s29+$0x10] =	vst v58  }
0x134: {  	v60 =	vld [tilespmem:s29+$0x70];
	v62 =	vbroadcast v3, $0xD;
	v9 =	vmul.f32 v51, v56;
	[tilespmem:s29+$0xFFFFFFC0] =	vst v4  }
0x135: {  	v59 =	vld [tilespmem:s29+$0x60];
	v61 =	vbroadcast v3, $0xC;
	v4 =	vmul.f32 v48, v52;
	[tilespmem:s29+$0xFFFFFFF0] =	vst v6  }
0x136: {  	v63 =	vbroadcast v3, $0xE;
	v5 =	vmul.f32 v55, v62;
	[tilespmem:s29+$0x20] =	vst v9  }
0x137: {  	v3 =	vbroadcast v3, $0xF;
	[tilespmem:s29+$0x0] =	vst v4;
	v4 =	vmul.f32 v54, v61  }
0x138: {  	[tilespmem:s29+$0x50] =	vst v5;
	v2 =	vmul.f32 v2, v57  }
0x139: {  	v3 =	vmul.f32 v60, v3;
	[tilespmem:s29+$0x40] =	vst v4  }
0x13a: {  	[tilespmem:s29+$0x30] =	vst v2;
	v2 =	vmul.f32 v59, v63  }
0x13b: {  	[tilespmem:s6+$0x70] =	vst v3  }
0x13c: {  	[tilespmem:s6+$0x60] =	vst v2  }
0x13d: {  	[tilespmem:s0], [sflag:$0x3] =	stream.indirect.gather [hbm4b:s8+s31], $0x10, s28, s31, $0xb8;
	[tilespmem:$0x1FA70] =	vst v63  }
0x13e: {  	s6 =	simm.s32 $0x960  }
0x13f: {  	[tilespmem:s11], [sflag:$0x5] =	stream.indirect.gather [hbm4b:s7+s31], $0x10, s6, s31, $0xb8;
	[tilespmem:$0x1FA70] =	vst v63  }
0x140: {  	s24 =	sadd.s32 s14, s15  }
0x141: {  	[spmem:s2] =	stream.indirect.scatter.add.f32 [tilespmem:s22], [sflag:$0x7], $0x10, s13, s31, $0xb8;
	[tilespmem:$0x1FA70] =	vst v63  }
0x142: {  	s1 =	sshrl.u32 s24, $0x3;
	_ =	swait.ge [sflag:s23], $0x1900  }
0x143: {  	p1 =	seq.s32 s20, $0x3D;
	s1 =	sadd.s32 s9, s1;
	[sflag:s23] =	ssyncset.done $0x0  }
.Ltmp8:
0x144: {  	s29 =	simm.s32 $0x7210;
	[sflag:s23] =	ssyncadd.s32 $0xFFFFE700;
	(pc) =	sbr.rel @p1 .LBB2_20-.Ltmp8, $4  }
0x145: {  	[hbm4b:s1+s3] =	stream.linear.scatter [tilespmem:s29], [sflag:$0x7], $0x190, $0x38;
	[tilespmem:$0x1FA70] =	vst v63  }
0x146: {  	_ =	swait.ge [sflag:s23], $0x190  }
0x147: {  	[sflag:s23] =	ssyncset.done $0x0  }
0x148: {  	[sflag:s23] =	ssyncadd.s32 $0xFFFFFE70  }
0x149: {  	s1 =	rddreg [dreg:$0x11]  }
0x14a: {  	s1 =	sadd.s32 s14, s1  }
0x14b: {  	s1 =	sshrl.u32 s1, $0x3  }
0x14c: {  	s6 =	sadd.s32 s4, s1  }
0x14d: {  	[tilespmem:s31], [sflag:$0x2] =	stream.linear.gather [hbm4b:s6+s3], $0x190, $0x38;
	[tilespmem:$0x1FA70] =	vst v63  }
.Ltmp9:
0x14e: {  	_ = 	snop;
	(pc) =	sbr.rel .LBB2_6-.Ltmp9, $4  }
0x14f: {  	s24 =	sadd.s32 s5, s1  }
0x150: {  	[tilespmem:s13], [sflag:$0x2] =	stream.linear.gather [hbm4b:s24+s3], $0x190, $0x38;
	[tilespmem:$0x1FA70] =	vst v63  }
0x151: {  	s29 =	simm.s32 $0x7D0;
	s20 =	sadd.s32 $0x1, s20;
	s1 =	sadd.s32 s26, s1  }
0x152: {  	[tilespmem:s29], [sflag:$0x2] =	stream.linear.gather [hbm4b:s1+s3], $0x190, $0x38;
	[tilespmem:$0x1FA70] =	vst v63  }
.LBB2_20:
0x153: {  	_ =	swait.ge [sflag:s17], $0x1900  }
0x154: {  	[sflag:s17] =	ssyncset.done $0x0  }
0x155: {  	s1 =	simm.s32 $0x640;
	[sflag:s17] =	ssyncadd.s32 $0xFFFFE700  }
0x156: {  	v2 =	vld [tilespmem:s1+$0x0];
	_ =	sdelay $0x1  }
0x157: {  	s29 =	simm.s32 $0x0  }
0x158: {  	v3 =	vmov s29  }
0x159: {  	v3 =	vshll.u32 v3, $0x4  }
0x15a: {  	v3 =	vor.u32 v1, v3;
	v4 =	vand.u32 $0xFFFFFFF8, v2  }
0x15b: {  	v2 =	vand.u32 $0x7, v2;
	v3 =	vadd.s32 v3, v4  }
0x15c: {  	v2 =	vor.u32 v2, v3;
	_ =	sdelay $0x4  }
0x15d: {  	v2 =	vld.idx.msk [tilespmem:v2+s0+$0x0], $0xffff;
	_ =	sdelay $0x3  }
0x15e: {  	s6 =	simm.s32 $0x7080  }
0x15f: {  	s14 =	simm.s32 $0x650;
	[tilespmem:s6+$0x0] =	vst v2  }
0x160: {  	s20 =	simm.s32 $0x10;
	s1 =	simm.s32 $0x20;
	v2 =	vld [tilespmem:s14+$0x0]  }
.LBB2_21:
0x161: {  	p1 =	sne.s32 s1, $0x180;
	_ =	sdelay $0x1  }
0x162: {  	v3 =	vmov s20;
	s20 =	smov.u32 s1  }
0x163: {  	v3 =	vshll.u32 v3, $0x4  }
0x164: {  	v3 =	vor.u32 v1, v3;
	v4 =	vand.u32 $0xFFFFFFF8, v2  }
0x165: {  	v2 =	vand.u32 $0x7, v2;
	v3 =	vadd.s32 v3, v4  }
0x166: {  	v2 =	vor.u32 v2, v3;
	_ =	sdelay $0x4  }
0x167: {  	v2 =	vld.idx.msk [tilespmem:v2+s0+$0x0], $0xffff;
	_ =	sdelay $0x2  }
.Ltmp10:
0x168: {  	(pc) =	sbr.rel @p1 .LBB2_21-.Ltmp10, $4  }
0x169: {  	_ = 	snop  }
0x16a: {  	s6 =	sadd.s32 $0x10, s6  }
0x16b: {  	s14 =	sadd.s32 $0x10, s14;
	[tilespmem:s6+$0x0] =	vst v2  }
0x16c: {  	s1 =	sadd.s32 $0x10, s1;
	v2 =	vld [tilespmem:s14+$0x0]  }
0x16d: {  	_ =	sdelay $0x1  }
0x16e: {  	v3 =	vmov s20  }
0x16f: {  	v3 =	vshll.u32 v3, $0x4  }
0x170: {  	v3 =	vor.u32 v1, v3;
	v4 =	vand.u32 $0xFFFFFFF8, v2  }
0x171: {  	v2 =	vand.u32 $0x7, v2;
	v3 =	vadd.s32 v3, v4  }
0x172: {  	v2 =	vor.u32 v2, v3;
	_ =	sdelay $0x4  }
0x173: {  	v2 =	vld.idx.msk [tilespmem:v2+s0+$0x0], $0xffff;
	_ =	sdelay $0x3  }
0x174: {  	s1 =	sadd.s32 $0x10, s6  }
0x175: {  	[tilespmem:s1+$0x0] =	vst v2  }
0x176: {  	_ =	swait.ge [sflag:s18], $0x1900  }
0x177: {  	[sflag:s18] =	ssyncset.done $0x0  }
0x178: {  	s14 =	simm.s32 $0xD00;
	[sflag:s18] =	ssyncadd.s32 $0xFFFFE700  }
0x179: {  	s20 =	simm.s32 $0x40;
	s6 =	simm.s32 $0xD00;
	s1 =	simm.s32 $0x0;
	v2 =	vld [tilespmem:s14+$0xFFFFFFB0]  }
.LBB2_23:
0x17a: {  	p1 =	sne.s32 s20, $0x600;
	v3 =	vld [tilespmem:s1+$0x7080]  }
0x17b: {  	v4 =	vld [tilespmem:s14+$0xFFFFFF90]  }
0x17c: {  	v5 =	vld [tilespmem:s14+$0xFFFFFF80]  }
0x17d: {  	v6 =	vld [tilespmem:s14+$0xFFFFFFA0]  }
0x17e: {  	v7 =	vld [tilespmem:s14+$0xFFFFFFF0]  }
0x17f: {  	v8 =	vbroadcast v3, $0x0;
	v9 =	vbroadcast v3, $0x1;
	v10 =	vld [tilespmem:s14+$0xFFFFFFD0]  }
0x180: {  	v11 =	vbroadcast v3, $0x2;
	v12 =	vbroadcast v3, $0x3;
	v13 =	vld [tilespmem:s14+$0xFFFFFFC0]  }
0x181: {  	v5 =	vmul.f32 v8, v5;
	v4 =	vmul.f32 v4, v9;
	v8 =	vld [tilespmem:s14+$0xFFFFFFE0]  }
0x182: {  	v2 =	vmul.f32 v2, v12;
	v6 =	vmul.f32 v6, v11;
	v9 =	vld [tilespmem:s14+$0x30]  }
0x183: {  	v11 =	vbroadcast v3, $0x5;
	[tilespmem:s14+$0xFFFFFF80] =	vst v5;
	v5 =	vbroadcast v3, $0x4;
	v12 =	vld [tilespmem:s14+$0x10]  }
0x184: {  	v14 =	vbroadcast v3, $0x7;
	[tilespmem:s14+$0xFFFFFF90] =	vst v4;
	v4 =	vbroadcast v3, $0x6;
	v15 =	vld [tilespmem:s14+$0x0]  }
0x185: {  	[tilespmem:s14+$0xFFFFFFA0] =	vst v6;
	v5 =	vmul.f32 v13, v5;
	v6 =	vmul.f32 v10, v11;
	v10 =	vld [tilespmem:s14+$0x20]  }
0x186: {  	[tilespmem:s14+$0xFFFFFFB0] =	vst v2;
	v2 =	vmul.f32 v8, v4;
	v4 =	vmul.f32 v7, v14;
	v7 =	vld [tilespmem:s14+$0x70]  }
0x187: {  	v8 =	vbroadcast v3, $0x9;
	[tilespmem:s14+$0xFFFFFFC0] =	vst v5;
	v5 =	vbroadcast v3, $0x8;
	v11 =	vld [tilespmem:s14+$0x50]  }
0x188: {  	v13 =	vbroadcast v3, $0xB;
	[tilespmem:s14+$0xFFFFFFD0] =	vst v6;
	v6 =	vbroadcast v3, $0xA;
	v14 =	vld [tilespmem:s14+$0x40]  }
0x189: {  	[tilespmem:s14+$0xFFFFFFE0] =	vst v2;
	v2 =	vmul.f32 v15, v5;
	v5 =	vmul.f32 v12, v8;
	v8 =	vld [tilespmem:s14+$0x60]  }
0x18a: {  	[tilespmem:s14+$0xFFFFFFF0] =	vst v4;
	v4 =	vmul.f32 v10, v6;
	v6 =	vmul.f32 v9, v13  }
0x18b: {  	v9 =	vbroadcast v3, $0xD;
	[tilespmem:s14+$0x0] =	vst v2;
	v2 =	vbroadcast v3, $0xC  }
0x18c: {  	[tilespmem:s14+$0x10] =	vst v5;
	v5 =	vbroadcast v3, $0xE;
	v3 =	vbroadcast v3, $0xF  }
0x18d: {  	[tilespmem:s14+$0x20] =	vst v4;
	v2 =	vmul.f32 v14, v2;
	v4 =	vmul.f32 v11, v9  }
.Ltmp11:
0x18e: {  	[tilespmem:s14+$0x30] =	vst v6;
	v5 =	vmul.f32 v8, v5;
	v3 =	vmul.f32 v7, v3;
	(pc) =	sbr.rel @p1 .LBB2_23-.Ltmp11, $4  }
0x18f: {  	[tilespmem:s14+$0x40] =	vst v2  }
0x190: {  	[tilespmem:s14+$0x50] =	vst v4  }
0x191: {  	s14 =	sadd.s32 $0x100, s14;
	[tilespmem:s6+$0x60] =	vst v5  }
0x192: {  	s1 =	sshra.s32 s20, $0x2;
	s20 =	sadd.s32 $0x40, s20;
	v2 =	vld [tilespmem:s14+$0xFFFFFFB0];
	[tilespmem:s6+$0x70] =	vst v3;
	s6 =	smov.u32 s14  }
0x193: {  	v3 =	vld [tilespmem:s1+$0x7080];
	_ =	sdelay $0x1  }
0x194: {  	v4 =	vld [tilespmem:s14+$0xFFFFFF80]  }
0x195: {  	v5 =	vld [tilespmem:s14+$0xFFFFFF90]  }
0x196: {  	v6 =	vld [tilespmem:s14+$0xFFFFFFA0]  }
0x197: {  	v7 =	vbroadcast v3, $0x0  }
0x198: {  	v10 =	vld [tilespmem:s14+$0xFFFFFFD0];
	v8 =	vbroadcast v3, $0x1;
	v11 =	vbroadcast v3, $0x2  }
0x199: {  	v45 =	vld [tilespmem:s14+$0xFFFFFFE0];
	v44 =	vbroadcast v3, $0x3;
	v4 =	vmul.f32 v7, v4  }
0x19a: {  	v49 =	vld [tilespmem:s14+$0x10];
	v46 =	vbroadcast v3, $0x4;
	v5 =	vmul.f32 v5, v8  }
0x19b: {  	v9 =	vld [tilespmem:s14+$0xFFFFFFC0];
	v47 =	vbroadcast v3, $0x5;
	v6 =	vmul.f32 v6, v11;
	[tilespmem:s14+$0xFFFFFF80] =	vst v4  }
0x19c: {  	v12 =	vld [tilespmem:s14+$0xFFFFFFF0];
	v13 =	vbroadcast v3, $0x6;
	v2 =	vmul.f32 v2, v44;
	[tilespmem:s14+$0xFFFFFF90] =	vst v5  }
0x19d: {  	v51 =	vld [tilespmem:s14+$0x20];
	v53 =	vbroadcast v3, $0x9;
	v7 =	vmul.f32 v10, v47;
	[tilespmem:s14+$0xFFFFFFA0] =	vst v6  }
0x19e: {  	v48 =	vld [tilespmem:s14+$0x0];
	v50 =	vbroadcast v3, $0x7;
	v8 =	vmul.f32 v45, v13;
	[tilespmem:s14+$0xFFFFFFB0] =	vst v2  }
0x19f: {  	v55 =	vld [tilespmem:s14+$0x50];
	v52 =	vbroadcast v3, $0x8;
	v58 =	vmul.f32 v49, v53;
	[tilespmem:s14+$0xFFFFFFD0] =	vst v7  }
0x1a0: {  	v54 =	vld [tilespmem:s14+$0x40];
	v56 =	vbroadcast v3, $0xA;
	v4 =	vmul.f32 v9, v46;
	[tilespmem:s14+$0xFFFFFFE0] =	vst v8  }
0x1a1: {  	v57 =	vbroadcast v3, $0xB;
	v2 =	vld [tilespmem:s14+$0x30];
	v6 =	vmul.f32 v12, v50;
	[tilespmem:s14+$0x10] =	vst v58  }
0x1a2: {  	v60 =	vld [tilespmem:s14+$0x70];
	v62 =	vbroadcast v3, $0xD;
	v9 =	vmul.f32 v51, v56;
	[tilespmem:s14+$0xFFFFFFC0] =	vst v4  }
0x1a3: {  	v59 =	vld [tilespmem:s14+$0x60];
	v61 =	vbroadcast v3, $0xC;
	v4 =	vmul.f32 v48, v52;
	[tilespmem:s14+$0xFFFFFFF0] =	vst v6  }
0x1a4: {  	v63 =	vbroadcast v3, $0xE;
	v5 =	vmul.f32 v55, v62;
	[tilespmem:s14+$0x20] =	vst v9  }
0x1a5: {  	v3 =	vbroadcast v3, $0xF;
	[tilespmem:s14+$0x0] =	vst v4;
	v4 =	vmul.f32 v54, v61  }
0x1a6: {  	[tilespmem:s14+$0x50] =	vst v5;
	v2 =	vmul.f32 v2, v57  }
0x1a7: {  	v3 =	vmul.f32 v60, v3;
	[tilespmem:s14+$0x40] =	vst v4  }
0x1a8: {  	[tilespmem:s14+$0x30] =	vst v2;
	v2 =	vmul.f32 v59, v63  }
0x1a9: {  	[tilespmem:s6+$0x70] =	vst v3  }
0x1aa: {  	[tilespmem:s6+$0x60] =	vst v2  }
0x1ab: {  	[spmem:s2] =	stream.indirect.scatter.add.f32 [tilespmem:s11], [sflag:$0x7], $0x10, s28, s31, $0xb8;
	[tilespmem:$0x1FA70] =	vst v63  }
0x1ac: {  	_ =	swait.ge [sflag:s23], $0x1900  }
0x1ad: {  	[sflag:s23] =	ssyncset.done $0x0  }
0x1ae: {  	s20 =	simm.s32 $0x7080;
	s14 =	rddreg [dreg:$0xd];
	[sflag:s23] =	ssyncadd.s32 $0xFFFFE700  }
0x1af: {  	[hbm4b:s14+s3] =	stream.linear.scatter [tilespmem:s20], [sflag:$0x7], $0x190, $0x38;
	[tilespmem:$0x1FA70] =	vst v63  }
0x1b0: {  	_ =	swait.ge [sflag:s23], $0x190  }
0x1b1: {  	[sflag:s23] =	ssyncset.done $0x0  }
0x1b2: {  	[sflag:s23] =	ssyncadd.s32 $0xFFFFFE70  }
0x1b3: {  	[bflag:$0x0] =	sbarrier.arrive $0xFFFF  }
0x1b4: {  	s1 =	simm.s32 @p0 $0x73A0;
	s6 =	simm.s32 @p0 $0x7;
	s20 =	rddreg [dreg:$0x5]  }
0x1b5: {  	[tilespmem:s1], [sflag:$0x7] =	stream.linear.gather @p0 [spmem:s20], $0xC080, $0x38;
	[tilespmem:$0x1FA70] =	vst v63  }
0x1b6: {  	_ =	swait.ge @p0 [sflag:s6], $0xC080  }
0x1b7: {  	[sflag:s6] =	ssyncset.done @p0 $0x0  }
0x1b8: {  	s14 =	simm.s32 @p0 $0x0;
	s24 =	rddreg [dreg:$0xf];
	[sflag:s6] =	ssyncadd.s32 @p0 $0xFFFF3F80  }
0x1b9: {  	[hbm4b:s24+s14] =	stream.linear.scatter @p0 [tilespmem:s1], [sflag:$0x7], $0xC080, $0x38;
	[tilespmem:$0x1FA70] =	vst v63  }
0x1ba: {  	_ =	swait.ge @p0 [sflag:s6], $0xC080  }
0x1bb: {  	[sflag:s6] =	ssyncset.done @p0 $0x0  }
0x1bc: {  	s1 =	simm.s32 @!p0 $0x73A0;
	[sflag:s6] =	ssyncadd.s32 @p0 $0xFFFF3F80;
	s6 =	rddreg [dreg:$0xe]  }
0x1bd: {  	[tilespmem:s1], [sflag:$0x7] =	stream.linear.gather @!p0 [spmem:s6], $0xC380, $0x38;
	[tilespmem:$0x1FA70] =	vst v63  }
0x1be: {  	s6 =	simm.s32 @!p0 $0x7  }
0x1bf: {  	_ =	swait.ge @!p0 [sflag:s6], $0xC380  }
0x1c0: {  	[sflag:s6] =	ssyncset.done @!p0 $0x0  }
0x1c1: {  	s14 =	simm.s32 @!p0 $0x0;
	s24 =	rddreg [dreg:$0xc];
	[sflag:s6] =	ssyncadd.s32 @!p0 $0xFFFF3C80  }
0x1c2: {  	[hbm4b:s24+s14] =	stream.linear.scatter @!p0 [tilespmem:s1], [sflag:$0x7], $0xC380, $0x38;
	[tilespmem:$0x1FA70] =	vst v63  }
0x1c3: {  	_ =	swait.ge @!p0 [sflag:s6], $0xC380  }
0x1c4: {  	s24 =	rddreg [dreg:$0x12]  }
0x1c5: {  	s29 =	rddreg [dreg:$0x10];
	s14 =	sadd.s32 $0x1, s24  }
0x1c6: {  	p1 =	sne.s32 s14, s29  }
.Ltmp12:
0x1c7: {  	_ = 	snop;
	(pc) =	sbr.rel @p1 .LBB2_1-.Ltmp12, $3  }
0x1c8: {  	_ =	sdelay $0x1  }
0x1c9: {  	[sflag:s6] =	ssyncset.done @!p0 $0x0  }
0x1ca: {  	[sflag:s6] =	ssyncadd.s32 @!p0 $0xFFFF3C80  }
0x1cb: {  	_ =	sfence.sel $0x180000  }
0x1cc: {  	[bflag:$0x0] =	sbarrier.arrive $0xFFFF  }
0x1cd: {  	_ =	strace $0x9000004D  }
0x1ce: {  	s0 =	stileid.u32;
	[bflag:$0x2] =	sbarrier.arrive $0xFFFF  }
0x1cf: {  	p0 =	sne.s32 s0, $0x0;
	s0 =	rddreg [dreg:$0x3]  }
0x1d0: {  	s0 =	sadd.s32 @!p0 $0x100000, s0  }
0x1d1: {  	[sflag:s0] =	ssyncadd.tile.s32 @!p0 $0x1;
	_ =	shalt  }
.Lfunc_end2:
_tile_overlayer_lowered:
.L_overlay_start_2:
0x1d2: {  	(tag) =	ssettag $0x2  }
0x1d3: {  	s0 =	rddreg [dreg:$0x0];
	s2 =	stileid.u32  }
0x1d4: {  	s1 =	rddreg [dreg:$0x1];
	p0 =	sne.s32 s2, $0x0  }
0x1d5: {  	s3 =	rddreg [dreg:$0x2];
	[bflag:$0x3] =	sbarrier.arrive $0xFFFF;
	s2 =	simm.s32 @!p0 $0x1C07  }
0x1d6: {  	[timem:s3], [sflag:s2] =	dma.local @!p0 [hbm:s0], s1  }
0x1d7: {  	s0 =	simm.s32 @!p0 $0x7  }
0x1d8: {  	_ =	swait.ge @!p0 [sflag:s0], s1  }
0x1d9: {  	s1 =	ssub.s32 @!p0 $0x0, s1;
	[sflag:s0] =	ssyncset.done @!p0 $0x0  }
0x1da: {  	[sflag:s0] =	ssyncadd.s32 @!p0 s1  }
0x1db: {  	[bflag:$0x3] =	sbarrier.arrive $0xFFFF  }
0x1dc: {  	_ =	shalt  }

// kernel: kernel.15.cloned.1.call-start
scs
__scs_entry_jumppad:
0x0: {  	(pc) =	sbr.rel $0x88, $3  }
0x1: {  	(tag) =	ssettag $0x0;
	lr =	simm.s32 $0x1  }
0x2: {  	[smem:$0x3F97] =	sst lr;
	_ =	strace $0xD0000000  }
0x3: {  	_ = 	snop  }
0x4: {  	_ = 	snop  }
0x5: {  	_ = 	snop  }
0x6: {  	_ = 	snop  }
0x7: {  	_ = 	snop  }
__scs_overlays_trampoline_lowered:
0x8: {  	[smem:$0x3FA6] =	sst s0  }
0x9: {  	[smem:$0x3FA7] =	sst s1  }
0xa: {  	[smem:$0x3FA8] =	sst s2  }
0xb: {  	[smem:$0x3FA9] =	sst s3  }
0xc: {  	[smem:$0x3FAA] =	sst s4  }
0xd: {  	[smem:$0x3FAB] =	sst s5  }
0xe: {  	[smem:$0x3FAC] =	sst s6  }
0xf: {  	[smem:$0x3FAD] =	sst s7  }
0x10: {  	[smem:$0x3FAE] =	sst s8  }
0x11: {  	[smem:$0x3FAF] =	sst s9;
	s0 =	simm.s32 @!p0 $0x0  }
0x12: {  	s1 =	sld [smem:$0x3F95];
	s0 =	simm.s32 @p0 $0x1  }
0x13: {  	[smem:$0x3FB0] =	sst s0;
	s0 =	simm.s32 @!p1 $0x0  }
0x14: {  	s2 =	sld [smem:$0x3F94];
	s0 =	simm.s32 @p1 $0x1  }
0x15: {  	[smem:$0x3FB1] =	sst s0;
	s0 =	simm.s32 @!p2 $0x0  }
0x16: {  	s3 =	sld [smem:$0x3FDB];
	s0 =	simm.s32 @p2 $0x1  }
0x17: {  	s4 =	simm.s32 $0x1BF5;
	[smem:$0x3FB3] =	sst s0  }
0x18: {  	s0 =	sld [smem:$0x3F96];
	_ =	swait.ge [sflag:s4], $0x0  }
0x19: {  	s7 =	sld [smem:$0x3F97]  }
0x1a: {  	s8 =	sadd.s32 $0xFFFFE003, lr  }
0x1b: {  	s9 =	sadd.s32 $0xFFFFFEF7, lr;
	s5 =	simm.s32 $0xFFFFFFFF;
	p2 =	slt.u32 s8, $0xFFFFF086  }
0x1c: {  	p1 =	slt.u32 s9, $0xF7A;
	s5 =	simm.s32 @!p2 $0x0  }
0x1d: {  	s5 =	simm.s32 @p1 $0x1;
	p0 =	seq.s32 s7, s2  }
0x1e: {  	s7 =	smul.u32 @!p0 $0xF7A, s2;
	p2 =	seq.s32 @!p0 s5, $0x0  }
0x1f: {  	s9 =	smul.u32 $0xF7A, s1;
	s8 =	simm.s32 @!p0 $0x1BF5;
	p2 =	por !p2, p0  }
0x20: {  	[sflag:s8] =	ssyncset.s32 @!p0 $0xFFFFF086;
	s6 =	sadd.s32 @!p0 s3, s7;
	s7 =	simm.s32 @!p0 $0x108  }
0x21: {  	s3 =	sadd.s32 s3, s9;
	s6 =	sadd.s32 @!p0 $0x88, s6;
	s7 =	simm.s32 @p2 $0x1082  }
0x22: {  	[simem:s7], [sflag:s8] =	dma.local @!p0 [hbm:s6], $0xF7A  }
0x23: {  	s9 =	sor.u32 $0xD0000000, s2;
	s6 =	simm.s32 $0x108;
	_ =	swait.ge @!p0 [sflag:s8], $0x0  }
0x24: {  	s3 =	sadd.s32 $0x88, s3;
	s6 =	simm.s32 @!p1 $0x1082;
	[sflag:s4] =	ssyncset.s32 $0xFFFFF086  }
0x25: {  	[simem:s6], [sflag:s4] =	dma.local [hbm:s3], $0xF7A  }
0x26: {  	[smem:$0x3F97] =	sst s1;
	(tag) =	ssettag s2;
	_ =	strace s9  }
0x27: {  	s1 =	sld [smem:$0x3FA7]  }
0x28: {  	s2 =	sld [smem:$0x3FA8]  }
0x29: {  	s4 =	sld [smem:$0x3FAA]  }
0x2a: {  	p0 =	seq.s32 s5, $0x0;
	s5 =	sld [smem:$0x3FAB]  }
0x2b: {  	s6 =	sld [smem:$0x3FAC]  }
0x2c: {  	s7 =	sld [smem:$0x3FAD]  }
0x2d: {  	s3 =	simm.s32 $0x108;
	s8 =	sld [smem:$0x3FAE]  }
0x2e: {  	s3 =	simm.s32 @!p0 $0x1082;
	s9 =	sld [smem:$0x3FAF]  }
0x2f: {  	lr =	sadd.s32 s0, s3;
	s0 =	sld [smem:$0x3FA6]  }
0x30: {  	s3 =	sld [smem:$0x3FA9]  }
0x31: {  	[smem:$0x3FB2] =	sst s10  }
0x32: {  	s10 =	sld [smem:$0x3FB0];
	_ =	sdelay $0x3  }
0x33: {  	p0 =	seq.s32 s10, $0x1;
	s10 =	sld [smem:$0x3FB2];
	_ =	sdelay $0x3  }
0x34: {  	[smem:$0x3FB2] =	sst s10  }
0x35: {  	s10 =	sld [smem:$0x3FB1];
	_ =	sdelay $0x3  }
0x36: {  	p1 =	seq.s32 s10, $0x1;
	s10 =	sld [smem:$0x3FB2];
	_ =	sdelay $0x3  }
0x37: {  	[smem:$0x3FB2] =	sst s10  }
0x38: {  	s10 =	sld [smem:$0x3FB3]  }
0x39: {  	_ = 	snop;
	(pc) =	sbr.ind lr, $3  }
0x3a: {  	_ = 	snop  }
0x3b: {  	_ = 	snop  }
0x3c: {  	p2 =	seq.s32 s10, $0x1;
	s10 =	sld [smem:$0x3FB2]  }
0x3d: {  	_ =	shalt  }
0x3e: {  	_ =	shalt  }
0x3f: {  	_ =	shalt  }
0x40: {  	_ =	shalt  }
0x41: {  	_ =	shalt  }
0x42: {  	_ =	shalt  }
0x43: {  	_ =	shalt  }
0x44: {  	_ =	shalt  }
0x45: {  	_ =	shalt  }
0x46: {  	_ =	shalt  }
0x47: {  	_ =	shalt  }
0x48: {  	_ =	shalt  }
0x49: {  	_ =	shalt  }
0x4a: {  	_ =	shalt  }
0x4b: {  	_ =	shalt  }
0x4c: {  	_ =	shalt  }
0x4d: {  	_ =	shalt  }
0x4e: {  	_ =	shalt  }
0x4f: {  	_ =	shalt  }
0x50: {  	_ =	shalt  }
0x51: {  	_ =	shalt  }
0x52: {  	_ =	shalt  }
0x53: {  	_ =	shalt  }
0x54: {  	_ =	shalt  }
0x55: {  	_ =	shalt  }
0x56: {  	_ =	shalt  }
0x57: {  	_ =	shalt  }
0x58: {  	_ =	shalt  }
0x59: {  	_ =	shalt  }
0x5a: {  	_ =	shalt  }
0x5b: {  	_ =	shalt  }
0x5c: {  	_ =	shalt  }
0x5d: {  	_ =	shalt  }
0x5e: {  	_ =	shalt  }
0x5f: {  	_ =	shalt  }
0x60: {  	_ =	shalt  }
0x61: {  	_ =	shalt  }
0x62: {  	_ =	shalt  }
0x63: {  	_ =	shalt  }
0x64: {  	_ =	shalt  }
0x65: {  	_ =	shalt  }
0x66: {  	_ =	shalt  }
0x67: {  	_ =	shalt  }
0x68: {  	_ =	shalt  }
0x69: {  	_ =	shalt  }
0x6a: {  	_ =	shalt  }
0x6b: {  	_ =	shalt  }
0x6c: {  	_ =	shalt  }
0x6d: {  	_ =	shalt  }
0x6e: {  	_ =	shalt  }
0x6f: {  	_ =	shalt  }
0x70: {  	_ =	shalt  }
0x71: {  	_ =	shalt  }
0x72: {  	_ =	shalt  }
0x73: {  	_ =	shalt  }
0x74: {  	_ =	shalt  }
0x75: {  	_ =	shalt  }
0x76: {  	_ =	shalt  }
0x77: {  	_ =	shalt  }
0x78: {  	_ =	shalt  }
0x79: {  	_ =	shalt  }
0x7a: {  	_ =	shalt  }
0x7b: {  	_ =	shalt  }
0x7c: {  	_ =	shalt  }
0x7d: {  	_ =	shalt  }
0x7e: {  	_ =	shalt  }
0x7f: {  	_ =	shalt  }
0x80: {  	_ =	shalt  }
0x81: {  	_ =	shalt  }
0x82: {  	_ =	shalt  }
0x83: {  	_ =	shalt  }
0x84: {  	_ =	shalt  }
0x85: {  	_ =	shalt  }
0x86: {  	_ =	shalt  }
0x87: {  	_ =	shalt  }
.Lfunc_end0:
.L_simem_size_0:
called_computation.3_lowered:
.L_overlay_start_0:
0x88: {  	s2 =	sld [smem:$0x3FD9]  }
0x89: {  	s3 =	sld [smem:$0x3FFE];
	_ =	sdelay $0x1  }
0x8a: {  	s1 =	srdreg.scid  }
0x8b: {  	s0 =	sand.u32 $0x1, s1  }
0x8c: {  	s17 =	sshll.u32 s0, $0xA;
	s2 =	sadd.s32 s3, s2  }
0x8d: {  	s2 =	sadd.s32 s2, s17  }
0x8e: {  	[smem:$0x3FBE] =	sst s2  }
0x8f: {  	_ = 	snop  }
0x90: {  	s2 =	sld [smem:$0x3FC8];
	(tm) =	ssettm $0x1  }
0x91: {  	s18 =	sld [smem:$0x3FFB];
	_ =	sdelay $0x3  }
0x92: {  	_ =	strace s18  }
0x93: {  	s3 =	sld [smem:$0x3FFC];
	_ =	sdelay $0x3  }
0x94: {  	_ =	strace s3  }
0x95: {  	s3 =	sld [smem:$0x3FFD];
	_ =	sdelay $0x3  }
0x96: {  	_ =	strace s3  }
0x97: {  	_ =	strace $0x8FFFFFFF  }
0x98: {  	s19 =	sld [smem:$0x3FDB];
	_ =	sdelay $0x1  }
0x99: {  	s4 =	simm.s32 $_scs_section_size  }
0x9a: {  	s5 =	simm.s32 $_size__tile_overlayer_lowered;
	s6 =	simm.s32 $_tile_overlayer_lowered  }
0x9b: {  	s22 =	simm.s32 $0x1BFF;
	s21 =	sshll.u32 s6, $0x1;
	s3 =	sadd.s32 s4, s19  }
0x9c: {  	s7 =	simm.s32 $0x0;
	s20 =	sshll.u32 s5, $0x1;
	s5 =	sadd.s32 s21, s3  }
0x9d: {  	[timem:s7], [sflag:s22] =	dma.local [hbm:s5], s20  }
0x9e: {  	_ =	swait.ge [sflag:s22], s20  }
0x9f: {  	s4 =	ssub.s32 $0x0, s20;
	[sflag:s22] =	ssyncset.done $0x0  }
0xa0: {  	[sflag:s22] =	ssyncadd.s32 s4;
	_ =	sdelay $0x1  }
0xa1: {  	s23 =	simm.s32 $0x1B8B  }
0xa2: {  	_ =	swait.ge [sflag:s23], $0x1  }
0xa3: {  	[sflag:s23] =	ssyncset.done $0x0  }
0xa4: {  	s25 =	simm.s32 $0x1B8E;
	s24 =	sld [smem:$0x3FFE];
	[sflag:s23] =	ssyncadd.s32 $0xFFFFFFFF  }
0xa5: {  	s26 =	simm.s32 $execute0_lowered;
	[smem:$0x3FD2] =	sst s25  }
0xa6: {  	s5 =	sshll.u32 s26, $0x1;
	_ =	strace $0x8000004F;
	[dreg:$0x1] =	wrdreg $0xFFFFFFFF  }
0xa7: {  	s28 =	simm.s32 $_size_execute0_lowered;
	s3 =	sadd.s32 s3, s5;
	[dreg:$0x0] =	wrdreg $0x0  }
0xa8: {  	s5 =	sshll.u32 s28, $0x1;
	[dreg:$0x2] =	wrdreg s3  }
0xa9: {  	[dreg:$0x3] =	wrdreg s5  }
0xaa: {  	[dreg:$0x4] =	wrdreg $0xC0  }
0xab: {  	_ =	task [dreg:s7], $0x5FFFF  }
0xac: {  	[dreg:$0x1] =	wrdreg $0xFFFFFFFF  }
0xad: {  	[dreg:$0x0] =	wrdreg $0x60  }
0xae: {  	[dreg:$0x2] =	wrdreg s24  }
0xaf: {  	[dreg:$0x3] =	wrdreg s2  }
0xb0: {  	[dreg:$0x4] =	wrdreg $0x8A600  }
0xb1: {  	[dreg:$0x5] =	wrdreg $0x9  }
0xb2: {  	_ =	task.clear_ibuf [dreg:s7], $0x6FFFF;
	_ =	strace $0x9000004F  }
0xb3: {  	s29 =	simm.s32 $0x9;
	_ =	strace $0x80000051  }
0xb4: {  	_ =	swait.ge [sflag:s29], $0x1  }
0xb5: {  	[sflag:s29] =	ssyncadd.s32 $0xFFFFFFFF  }
0xb6: {  	_ =	strace $0x90000051  }
0xb7: {  	_ =	sfence  }
0xb8: {  	s30 =	sld [smem:$0x0];
	_ =	sdelay $0x2  }
0xb9: {  	s31 =	sshll.u32 s1, $0xD;
	s1 =	sshrl.u32 s1, $0x2  }
0xba: {  	s3 =	sand.u32 $0x4000, s31;
	s1 =	sadd.s32 s1, s30  }
0xbb: {  	s0 =	sor.u32 s3, s0;
	s1 =	sshll.u32 s1, $0x11  }
0xbc: {  	s0 =	sor.u32 s1, s0  }
0xbd: {  	s0 =	sadd.s32 $0x8F2B, s0  }
0xbe: {  	[sflag:s0] =	ssyncadd.remote.s32 $0x1  }
0xbf: {  	_ =	sfence.sel $0xFFFF  }
0xc0: {  	[dreg:$0x0] =	wrdreg $0xFFFFFFFF;
	(pc) =	sbr.abs _section_cstart, $3  }
0xc1: {  	[dreg:$0x1] =	wrdreg $0xFFFFFFFF  }
0xc2: {  	_ =	task.clear_ibuf [dreg:s7], $0x2FFFF;
	_ =	strace $0x9FFFFFFF  }
0xc3: {  	(tm) =	ssettm $0x7FFFFFFF  }
tec
execute0_lowered:
.L_overlay_start_1:
0x0: {  	(tag) =	ssettag $0x1  }
0x1: {  	s0 =	rddreg [dreg:$0x0]  }
0x2: {  	s1 =	rddreg [dreg:$0x1]  }
0x3: {  	s3 =	rddreg [dreg:$0x2];
	s4 =	simm.s32 $0x0  }
0x4: {  	s2 =	srdreg.scid;
	s13 =	stileid.u32;
	s28 =	simm.s32 $0x640  }
0x5: {  	s29 =	simm.s32 $0xC80;
	s30 =	simm.s32 $0x1;
	s31 =	simm.s32 $0x190  }
0x6: {  	[smem:$0x7FF] =	sst s4;
	s2 =	sand.u32 $0x1, s2;
	s5 =	sshll.u32 s13, $0x1  }
0x7: {  	s6 =	sadd.s32 $0x1C00, s0;
	s11 =	smul.u32 $0x18700, s13;
	s8 =	sadd.s32 $0xACE00, s0  }
0x8: {  	s23 =	sadd.s32 $0x5BA40, s3;
	s18 =	smul.u32 $0x61C0, s13;
	p0 =	seq.s32 s13, $0xF  }
0x9: {  	s13 =	simm.s32 $0x2;
	_ =	strace $0x80000050;
	s7 =	sor.u32 s2, s5  }
0xa: {  	s5 =	sadd.s32 $0x32A00, s0;
	s10 =	ssub.s32 $0x2, s2;
	s2 =	smul.u32 $0x61A80, s2  }
0xb: {  	[dreg:$0x5] =	wrdreg s23;
	s9 =	smul.u32 $0xC350, s7;
	s7 =	sadd.s32 $0x327C00, s0  }
0xc: {  	s0 =	sadd.s32 $0x63800, s0;
	s12 =	sshrl.u32 s10, $0x1;
	s11 =	sshrl.u32 s11, $0x2  }
0xd: {  	s10 =	ssub.s32 s10, s12;
	s11 =	sadd.s32 s11, s3;
	s24 =	sadd.s32 s18, s2  }
0xe: {  	s26 =	sshrl.u32 s9, $0x3;
	[dreg:$0x4] =	wrdreg s11;
	s11 =	sadd.s32 s18, s3  }
0xf: {  	s2 =	sshrl.u32 s2, $0x3;
	s15 =	sadd.s32 s5, s26;
	[dreg:$0xe] =	wrdreg s11  }
0x10: {  	s19 =	sadd.s32 $0x320, s9;
	s16 =	sadd.s32 s6, s26;
	[dreg:$0x6] =	wrdreg s15  }
0x11: {  	s25 =	sshrl.u32 s24, $0x3;
	s17 =	sadd.s32 s1, s26;
	[dreg:$0x7] =	wrdreg s16  }
0x12: {  	s18 =	simm.s32 $0x4;
	s14 =	sadd.s32 s8, s26;
	[dreg:$0x8] =	wrdreg s17  }
0x13: {  	s12 =	sadd.s32 $0x32, s26;
	s26 =	smax.u32 s10, $0x1;
	[dreg:$0x9] =	wrdreg s14  }
0x14: {  	s11 =	simm.s32 $0x7D0;
	s20 =	sadd.s32 s5, s12;
	[dreg:$0x11] =	wrdreg s26  }
0x15: {  	s21 =	sadd.s32 s6, s12;
	s22 =	sadd.s32 s1, s12;
	[dreg:$0xa] =	wrdreg s20  }
0x16: {  	s12 =	sadd.s32 s8, s12;
	s26 =	simm.s32 $0x320;
	[dreg:$0xb] =	wrdreg s21  }
0x17: {  	s14 =	simm.s32 $0x3;
	s15 =	simm.s32 $0xAF0;
	[dreg:$0xc] =	wrdreg s22  }
0x18: {  	s16 =	simm.s32 $0x1C20;
	s17 =	simm.s32 $0x5;
	[dreg:$0xd] =	wrdreg s12  }
0x19: {  	s20 =	sadd.s32 $0x4B0, s9;
	s9 =	sadd.s32 s0, s25;
	s0 =	sadd.s32 s0, s2  }
0x1a: {  	v2 =	vlaneseq.u32;
	s25 =	simm.s32 $0x28A0;
	s2 =	simm.s32 $0xFA0;
	s12 =	simm.s32 $0xE10  }
0x1b: {  	v0 =	vshrl.u32 v2, $0x3;
	s22 =	simm.s32 $0x0;
	[dreg:$0xf] =	wrdreg s9;
	s0 =	sadd.s32 $0xB748, s0  }
0x1c: {  	v3 =	vimm.f32 $0.0e+00;
	v2 =	vand.u32 $0x7, v2;
	v1 =	vmul.u32 $0x8, v0;
	s9 =	simm.s32 $0x4B0;
	[dreg:$0x10] =	wrdreg s0;
	s0 =	simm.s32 $0x960  }
.LBB2_1:
0x1d: {  	v4 =	vmov s4  }
0x1e: {  	v4 =	vshll.u32 v4, $0x3  }
0x1f: {  	v4 =	vor.u32 v1, v4  }
0x20: {  	[dreg:$0x12] =	wrdreg s22;
	s10 =	simm.s32 $0x2;
	v4 =	vor.u32 v2, v4  }
.LBB2_2:
0x21: {  	p1 =	sne.s32 s10, $0xC36  }
.Ltmp0:
0x22: {  	_ = 	snop;
	(pc) =	sbr.rel @p1 .LBB2_2-.Ltmp0, $4  }
0x23: {  	v5 =	vmov s10  }
0x24: {  	v5 =	vshll.u32 v5, $0x3  }
0x25: {  	v5 =	vor.u32 v1, v5  }
0x26: {  	s10 =	sadd.s32 $0x2, s10;
	[tilespmem:v4+s25+$0x0] =	vst.idx.msk $0xffff, v3;
	v4 =	vor.u32 v2, v5  }
0x27: {  	_ =	sdelay $0x3  }
0x28: {  	[tilespmem:v4+s25+$0x0] =	vst.idx.msk $0xffff, v3;
	s10 =	simm.s32 @p0 $0x28A0  }
0x29: {  	[spmem:s23] =	stream.linear.scatter @p0 [tilespmem:s10], [sflag:$0x5], $0x6040, $0x38;
	[tilespmem:$0xEC08] =	vst v63  }
0x2a: {  	s10 =	simm.s32 @p0 $0x5  }
0x2b: {  	_ =	swait.ge @p0 [sflag:s10], $0x6040  }
0x2c: {  	[sflag:s10] =	ssyncset.done @p0 $0x0  }
0x2d: {  	s21 =	rddreg [dreg:$0x4];
	[sflag:s10] =	ssyncadd.s32 @p0 $0xFFFF9FC0;
	s10 =	simm.s32 @!p0 $0x28A0  }
0x2e: {  	[spmem:s21] =	stream.linear.scatter @!p0 [tilespmem:s10], [sflag:$0x5], $0x61C0, $0x38;
	[tilespmem:$0xEC08] =	vst v63  }
0x2f: {  	s10 =	simm.s32 @!p0 $0x5  }
0x30: {  	_ =	swait.ge @!p0 [sflag:s10], $0x61C0  }
0x31: {  	[sflag:s10] =	ssyncset.done @!p0 $0x0  }
0x32: {  	[sflag:s10] =	ssyncadd.s32 @!p0 $0xFFFF9E40  }
0x33: {  	[bflag:$0x0] =	sbarrier.arrive $0xFFFF  }
0x34: {  	s10 =	simm.s32 $0x0;
	s24 =	rddreg [dreg:$0x6]  }
0x35: {  	[tilespmem:s10], [sflag:$0x1] =	stream.linear.gather [hbm4b:s24+s10], $0x190, $0x38;
	[tilespmem:$0xEC08] =	vst v63  }
0x36: {  	s22 =	rddreg [dreg:$0x7]  }
0x37: {  	[tilespmem:s26], [sflag:$0x1] =	stream.linear.gather [hbm4b:s22+s10], $0x190, $0x38;
	[tilespmem:$0xEC08] =	vst v63  }
0x38: {  	s23 =	rddreg [dreg:$0x8]  }
0x39: {  	[tilespmem:s28], [sflag:$0x1] =	stream.linear.gather [hbm4b:s23+s10], $0x190, $0x38;
	[tilespmem:$0xEC08] =	vst v63  }
0x3a: {  	s24 =	rddreg [dreg:$0x9]  }
0x3b: {  	[tilespmem:s29], [sflag:$0x1] =	stream.linear.gather [hbm4b:s24+s10], $0x190, $0x38;
	[tilespmem:$0xEC08] =	vst v63  }
0x3c: {  	_ =	swait.ge [sflag:s30], $0x190  }
0x3d: {  	[sflag:s30] =	ssyncset.done $0x0  }
0x3e: {  	[sflag:s30] =	ssyncadd.s32 $0xFFFFFE70  }
0x3f: {  	_ =	swait.ge [sflag:s30], $0x190  }
0x40: {  	[sflag:s30] =	ssyncset.done $0x0  }
0x41: {  	[sflag:s30] =	ssyncadd.s32 $0xFFFFFE70  }
0x42: {  	_ =	swait.ge [sflag:s30], $0x190  }
0x43: {  	[sflag:s30] =	ssyncset.done $0x0  }
0x44: {  	[sflag:s30] =	ssyncadd.s32 $0xFFFFFE70  }
0x45: {  	_ =	swait.ge [sflag:s30], $0x190  }
0x46: {  	[sflag:s30] =	ssyncset.done $0x0  }
0x47: {  	s22 =	simm.s32 $0x0;
	[sflag:s30] =	ssyncadd.s32 $0xFFFFFE70  }
0x48: {  	v4 =	vld [tilespmem:s22+$0x0]  }
0x49: {  	s23 =	simm.s32 $0x40;
	v5 =	vld [tilespmem:s22+$0x640]  }
.LBB2_4:
0x4a: {  	p1 =	sne.s32 s23, $0x600  }
.Ltmp1:
0x4b: {  	_ = 	snop;
	(pc) =	sbr.rel @p1 .LBB2_4-.Ltmp1, $4  }
0x4c: {  	_ = 	snop  }
0x4d: {  	s10 =	sshra.s32 s23, $0x2;
	s23 =	sadd.s32 $0x40, s23;
	v6 =	vshll.u32 v4, $0x4  }
0x4e: {  	v4 =	vld [tilespmem:s10+$0x0];
	v6 =	vadd.s32 v5, v6  }
0x4f: {  	v5 =	vld [tilespmem:s10+$0x640];
	[tilespmem:s22+$0x960] =	vst v6;
	s22 =	smov.u32 s10  }
0x50: {  	_ =	sdelay $0x2  }
0x51: {  	v4 =	vshll.u32 v4, $0x4  }
0x52: {  	v4 =	vadd.s32 v5, v4  }
0x53: {  	[tilespmem:s22+$0x960] =	vst v4  }
0x54: {  	[tilespmem:s2], [sflag:$0x3] =	stream.indirect.gather [hbm4b:s7+s31], $0x8, s0, s31, $0xb8;
	[tilespmem:$0xEC08] =	vst v63  }
0x55: {  	s10 =	rddreg [dreg:$0xa];
	s22 =	simm.s32 $0x0  }
0x56: {  	[tilespmem:s31], [sflag:$0x2] =	stream.linear.gather [hbm4b:s10+s22], $0x190, $0x38;
	[tilespmem:$0xEC08] =	vst v63  }
0x57: {  	s21 =	rddreg [dreg:$0xb]  }
0x58: {  	[tilespmem:s9], [sflag:$0x2] =	stream.linear.gather [hbm4b:s21+s22], $0x190, $0x38;
	[tilespmem:$0xEC08] =	vst v63  }
0x59: {  	s23 =	rddreg [dreg:$0xc]  }
0x5a: {  	[tilespmem:s11], [sflag:$0x2] =	stream.linear.gather [hbm4b:s23+s22], $0x190, $0x38;
	[tilespmem:$0xEC08] =	vst v63  }
0x5b: {  	s24 =	rddreg [dreg:$0xd]  }
0x5c: {  	[tilespmem:s12], [sflag:$0x2] =	stream.linear.gather [hbm4b:s24+s22], $0x190, $0x38;
	[tilespmem:$0xEC08] =	vst v63  }
.LBB2_6:
0x5d: {  	_ =	swait.ge [sflag:s13], $0x190  }
0x5e: {  	[sflag:s13] =	ssyncset.done $0x0  }
0x5f: {  	[sflag:s13] =	ssyncadd.s32 $0xFFFFFE70  }
0x60: {  	_ =	swait.ge [sflag:s13], $0x190  }
0x61: {  	[sflag:s13] =	ssyncset.done $0x0  }
0x62: {  	[sflag:s13] =	ssyncadd.s32 $0xFFFFFE70  }
0x63: {  	_ =	swait.ge [sflag:s13], $0x190  }
0x64: {  	[sflag:s13] =	ssyncset.done $0x0  }
0x65: {  	[sflag:s13] =	ssyncadd.s32 $0xFFFFFE70  }
0x66: {  	_ =	swait.ge [sflag:s13], $0x190  }
0x67: {  	[sflag:s13] =	ssyncset.done $0x0  }
0x68: {  	s23 =	simm.s32 $0x0;
	[sflag:s13] =	ssyncadd.s32 $0xFFFFFE70  }
0x69: {  	v4 =	vld [tilespmem:s23+$0x190]  }
0x6a: {  	s24 =	simm.s32 $0x40;
	v5 =	vld [tilespmem:s23+$0x7D0]  }
.LBB2_7:
0x6b: {  	p1 =	sne.s32 s24, $0x600  }
.Ltmp2:
0x6c: {  	_ = 	snop;
	(pc) =	sbr.rel @p1 .LBB2_7-.Ltmp2, $4  }
0x6d: {  	_ = 	snop  }
0x6e: {  	s10 =	sshra.s32 s24, $0x2;
	s24 =	sadd.s32 $0x40, s24;
	v6 =	vshll.u32 v4, $0x4  }
0x6f: {  	v4 =	vld [tilespmem:s10+$0x190];
	v6 =	vadd.s32 v5, v6  }
0x70: {  	v5 =	vld [tilespmem:s10+$0x7D0];
	[tilespmem:s23+$0xAF0] =	vst v6;
	s23 =	smov.u32 s10  }
0x71: {  	_ = 	snop  }
0x72: {  	s10 =	simm.s32 $0x0  }
0x73: {  	v7 =	vor.u32 s10, v0  }
0x74: {  	v6 =	vshll.u32 v7, $0x3;
	v4 =	vshll.u32 v4, $0x4  }
0x75: {  	v5 =	vadd.s32 v5, v4;
	v4 =	vor.u32 v2, v6  }
0x76: {  	[tilespmem:s23+$0xAF0] =	vst v5  }
0x77: {  	_ =	swait.ge [sflag:s14], $0xC80  }
0x78: {  	[sflag:s14] =	ssyncset.done $0x0  }
0x79: {  	[sflag:s14] =	ssyncadd.s32 $0xFFFFF380  }
0x7a: {  	v6 =	vld.idx.msk [tilespmem:v4+s2+$0x0], $0xffff  }
0x7b: {  	s24 =	simm.s32 $0x2;
	v7 =	vld.idx.msk [tilespmem:v7+s29+$0x0], $0xffff  }
0x7c: {  	v5 =	vor.u32 s24, v0  }
0x7d: {  	s23 =	simm.s32 $0x4;
	v8 =	vshll.u32 v5, $0x3  }
.LBB2_9:
0x7e: {  	p1 =	sne.s32 s23, $0x18E;
	v8 =	vor.u32 v2, v8;
	_ =	sdelay $0x1  }
0x7f: {  	v6 =	vmul.f32 v6, v7;
	_ =	sdelay $0x1  }
0x80: {  	[tilespmem:v4+s2+$0x0] =	vst.idx.msk $0xffff, v6;
	v4 =	vmov v8  }
.Ltmp3:
0x81: {  	v6 =	vld.idx.msk [tilespmem:v8+s2+$0x0], $0xffff;
	(pc) =	sbr.rel @p1 .LBB2_9-.Ltmp3, $3  }
0x82: {  	v7 =	vld.idx.msk [tilespmem:v5+s29+$0x0], $0xffff;
	_ =	sdelay $0x1  }
0x83: {  	v5 =	vor.u32 s23, v0  }
0x84: {  	s23 =	sadd.s32 $0x2, s23;
	v8 =	vshll.u32 v5, $0x3  }
0x85: {  	_ = 	snop  }
0x86: {  	v8 =	vor.u32 v2, v8  }
0x87: {  	v6 =	vmul.f32 v6, v7;
	_ =	sdelay $0x1  }
0x88: {  	[tilespmem:v4+s2+$0x0] =	vst.idx.msk $0xffff, v6  }
0x89: {  	v5 =	vld.idx.msk [tilespmem:v5+s29+$0x0], $0xffff  }
0x8a: {  	v4 =	vld.idx.msk [tilespmem:v8+s2+$0x0], $0xffff;
	_ =	sdelay $0x4  }
0x8b: {  	v4 =	vmul.f32 v4, v5;
	_ =	sdelay $0x1  }
0x8c: {  	[tilespmem:v8+s2+$0x0] =	vst.idx.msk $0xffff, v4  }
0x8d: {  	[tilespmem:s16], [sflag:$0x4] =	stream.indirect.gather [hbm4b:s7+s31], $0x8, s15, s31, $0xb8;
	[tilespmem:$0xEC08] =	vst v63  }
0x8e: {  	s23 =	smul.u32 $0x320, s22  }
0x8f: {  	[spmem:s3] =	stream.indirect.scatter.add.f32 [tilespmem:s2], [sflag:$0x5], $0x8, s26, s31, $0xb8;
	[tilespmem:$0xEC08] =	vst v63  }
0x90: {  	s10 =	sadd.s32 s23, s19;
	_ =	swait.ge [sflag:s17], $0xC80  }
0x91: {  	s10 =	sshrl.u32 s10, $0x3;
	[sflag:s17] =	ssyncset.done $0x0  }
0x92: {  	s21 =	simm.s32 $0x0;
	s24 =	sadd.s32 s5, s10;
	[sflag:s17] =	ssyncadd.s32 $0xFFFFF380  }
0x93: {  	[tilespmem:s21], [sflag:$0x1] =	stream.linear.gather [hbm4b:s24+s21], $0x190, $0x38;
	[tilespmem:$0xEC08] =	vst v63  }
0x94: {  	s24 =	sadd.s32 s6, s10  }
0x95: {  	[tilespmem:s26], [sflag:$0x1] =	stream.linear.gather [hbm4b:s24+s21], $0x190, $0x38;
	[tilespmem:$0xEC08] =	vst v63  }
0x96: {  	s24 =	sadd.s32 s1, s10  }
0x97: {  	[tilespmem:s28], [sflag:$0x1] =	stream.linear.gather [hbm4b:s24+s21], $0x190, $0x38;
	[tilespmem:$0xEC08] =	vst v63  }
0x98: {  	s10 =	sadd.s32 s8, s10  }
0x99: {  	[tilespmem:s29], [sflag:$0x1] =	stream.linear.gather [hbm4b:s10+s21], $0x190, $0x38;
	[tilespmem:$0xEC08] =	vst v63  }
0x9a: {  	_ =	swait.ge [sflag:s30], $0x190  }
0x9b: {  	[sflag:s30] =	ssyncset.done $0x0  }
0x9c: {  	[sflag:s30] =	ssyncadd.s32 $0xFFFFFE70  }
0x9d: {  	_ =	swait.ge [sflag:s30], $0x190  }
0x9e: {  	[sflag:s30] =	ssyncset.done $0x0  }
0x9f: {  	[sflag:s30] =	ssyncadd.s32 $0xFFFFFE70  }
0xa0: {  	_ =	swait.ge [sflag:s30], $0x190  }
0xa1: {  	[sflag:s30] =	ssyncset.done $0x0  }
0xa2: {  	[sflag:s30] =	ssyncadd.s32 $0xFFFFFE70  }
0xa3: {  	_ =	swait.ge [sflag:s30], $0x190  }
0xa4: {  	[sflag:s30] =	ssyncset.done $0x0  }
0xa5: {  	s24 =	simm.s32 $0x0;
	[sflag:s30] =	ssyncadd.s32 $0xFFFFFE70  }
0xa6: {  	v4 =	vld [tilespmem:s24+$0x0]  }
0xa7: {  	s10 =	simm.s32 $0x40;
	v5 =	vld [tilespmem:s24+$0x640]  }
.LBB2_11:
0xa8: {  	p1 =	sne.s32 s10, $0x600  }
.Ltmp4:
0xa9: {  	_ = 	snop;
	(pc) =	sbr.rel @p1 .LBB2_11-.Ltmp4, $4  }
0xaa: {  	_ = 	snop  }
0xab: {  	s21 =	sshra.s32 s10, $0x2;
	s10 =	sadd.s32 $0x40, s10;
	v6 =	vshll.u32 v4, $0x4  }
0xac: {  	v4 =	vld [tilespmem:s21+$0x0];
	v6 =	vadd.s32 v5, v6  }
0xad: {  	v5 =	vld [tilespmem:s21+$0x640];
	[tilespmem:s24+$0x960] =	vst v6;
	s24 =	smov.u32 s21  }
0xae: {  	_ = 	snop  }
0xaf: {  	s10 =	simm.s32 $0x0  }
0xb0: {  	v7 =	vor.u32 s10, v0  }
0xb1: {  	v6 =	vshll.u32 v7, $0x3;
	v4 =	vshll.u32 v4, $0x4  }
0xb2: {  	v5 =	vadd.s32 v5, v4;
	v4 =	vor.u32 v2, v6  }
0xb3: {  	[tilespmem:s24+$0x960] =	vst v5  }
0xb4: {  	_ =	swait.ge [sflag:s18], $0xC80  }
0xb5: {  	[sflag:s18] =	ssyncset.done $0x0  }
0xb6: {  	[sflag:s18] =	ssyncadd.s32 $0xFFFFF380  }
0xb7: {  	v6 =	vld.idx.msk [tilespmem:v4+s16+$0x0], $0xffff  }
0xb8: {  	s24 =	simm.s32 $0x2;
	v7 =	vld.idx.msk [tilespmem:v7+s12+$0x0], $0xffff  }
0xb9: {  	v5 =	vor.u32 s24, v0  }
0xba: {  	s24 =	simm.s32 $0x4;
	v8 =	vshll.u32 v5, $0x3  }
.LBB2_13:
0xbb: {  	p1 =	sne.s32 s24, $0x18E;
	v8 =	vor.u32 v2, v8;
	_ =	sdelay $0x1  }
0xbc: {  	v6 =	vmul.f32 v6, v7;
	_ =	sdelay $0x1  }
0xbd: {  	[tilespmem:v4+s16+$0x0] =	vst.idx.msk $0xffff, v6;
	v4 =	vmov v8  }
.Ltmp5:
0xbe: {  	v6 =	vld.idx.msk [tilespmem:v8+s16+$0x0], $0xffff;
	(pc) =	sbr.rel @p1 .LBB2_13-.Ltmp5, $3  }
0xbf: {  	v7 =	vld.idx.msk [tilespmem:v5+s12+$0x0], $0xffff;
	_ =	sdelay $0x1  }
0xc0: {  	v5 =	vor.u32 s24, v0  }
0xc1: {  	s24 =	sadd.s32 $0x2, s24;
	v8 =	vshll.u32 v5, $0x3  }
0xc2: {  	_ = 	snop  }
0xc3: {  	v8 =	vor.u32 v2, v8  }
0xc4: {  	v6 =	vmul.f32 v6, v7;
	_ =	sdelay $0x1  }
0xc5: {  	[tilespmem:v4+s16+$0x0] =	vst.idx.msk $0xffff, v6  }
0xc6: {  	v5 =	vld.idx.msk [tilespmem:v5+s12+$0x0], $0xffff  }
0xc7: {  	v4 =	vld.idx.msk [tilespmem:v8+s16+$0x0], $0xffff;
	_ =	sdelay $0x4  }
0xc8: {  	v4 =	vmul.f32 v4, v5;
	_ =	sdelay $0x1  }
0xc9: {  	p1 =	seq.s32 s22, $0x3D;
	[tilespmem:v8+s16+$0x0] =	vst.idx.msk $0xffff, v4  }
0xca: {  	[tilespmem:s2], [sflag:$0x3] =	stream.indirect.gather [hbm4b:s7+s31], $0x8, s0, s31, $0xb8;
	[tilespmem:$0xEC08] =	vst v63  }
.Ltmp6:
0xcb: {  	_ = 	snop;
	(pc) =	sbr.rel @p1 .LBB2_16-.Ltmp6, $4  }
0xcc: {  	[spmem:s3] =	stream.indirect.scatter.add.f32 [tilespmem:s16], [sflag:$0x5], $0x8, s9, s31, $0xb8;
	[tilespmem:$0xEC08] =	vst v63  }
0xcd: {  	_ =	swait.ge [sflag:s17], $0xC80  }
0xce: {  	[sflag:s17] =	ssyncset.done $0x0  }
0xcf: {  	[sflag:s17] =	ssyncadd.s32 $0xFFFFF380  }
0xd0: {  	s10 =	sadd.s32 s23, s20  }
0xd1: {  	s10 =	sshrl.u32 s10, $0x3  }
0xd2: {  	s21 =	sadd.s32 s5, s10  }
0xd3: {  	[tilespmem:s31], [sflag:$0x2] =	stream.linear.gather [hbm4b:s21+s4], $0x190, $0x38;
	[tilespmem:$0xEC08] =	vst v63  }
0xd4: {  	s23 =	sadd.s32 s6, s10  }
0xd5: {  	[tilespmem:s9], [sflag:$0x2] =	stream.linear.gather [hbm4b:s23+s4], $0x190, $0x38;
	[tilespmem:$0xEC08] =	vst v63  }
.Ltmp7:
0xd6: {  	_ = 	snop;
	(pc) =	sbr.rel .LBB2_6-.Ltmp7, $4  }
0xd7: {  	s24 =	sadd.s32 s1, s10  }
0xd8: {  	[tilespmem:s11], [sflag:$0x2] =	stream.linear.gather [hbm4b:s24+s4], $0x190, $0x38;
	[tilespmem:$0xEC08] =	vst v63  }
0xd9: {  	s22 =	sadd.s32 $0x1, s22;
	s10 =	sadd.s32 s8, s10  }
0xda: {  	[tilespmem:s12], [sflag:$0x2] =	stream.linear.gather [hbm4b:s10+s4], $0x190, $0x38;
	[tilespmem:$0xEC08] =	vst v63  }
.LBB2_16:
0xdb: {  	s10 =	simm.s32 $0x0  }
0xdc: {  	v7 =	vor.u32 s10, v0  }
0xdd: {  	v4 =	vshll.u32 v7, $0x3  }
0xde: {  	v4 =	vor.u32 v2, v4  }
0xdf: {  	_ =	swait.ge [sflag:s14], $0xC80  }
0xe0: {  	[sflag:s14] =	ssyncset.done $0x0  }
0xe1: {  	[sflag:s14] =	ssyncadd.s32 $0xFFFFF380  }
0xe2: {  	v7 =	vld.idx.msk [tilespmem:v7+s29+$0x0], $0xffff  }
0xe3: {  	s24 =	simm.s32 $0x2;
	v6 =	vld.idx.msk [tilespmem:v4+s2+$0x0], $0xffff  }
0xe4: {  	v5 =	vor.u32 s24, v0  }
0xe5: {  	s22 =	simm.s32 $0x4;
	v8 =	vshll.u32 v5, $0x3  }
.LBB2_17:
0xe6: {  	p1 =	sne.s32 s22, $0x18E;
	v8 =	vor.u32 v2, v8;
	_ =	sdelay $0x1  }
0xe7: {  	v6 =	vmul.f32 v6, v7;
	_ =	sdelay $0x1  }
0xe8: {  	[tilespmem:v4+s2+$0x0] =	vst.idx.msk $0xffff, v6;
	v4 =	vmov v8  }
.Ltmp8:
0xe9: {  	v6 =	vld.idx.msk [tilespmem:v8+s2+$0x0], $0xffff;
	(pc) =	sbr.rel @p1 .LBB2_17-.Ltmp8, $3  }
0xea: {  	v7 =	vld.idx.msk [tilespmem:v5+s29+$0x0], $0xffff;
	_ =	sdelay $0x1  }
0xeb: {  	v5 =	vor.u32 s22, v0  }
0xec: {  	s22 =	sadd.s32 $0x2, s22;
	v8 =	vshll.u32 v5, $0x3  }
0xed: {  	_ = 	snop  }
0xee: {  	v8 =	vor.u32 v2, v8  }
0xef: {  	v6 =	vmul.f32 v6, v7;
	_ =	sdelay $0x1  }
0xf0: {  	[tilespmem:v4+s2+$0x0] =	vst.idx.msk $0xffff, v6  }
0xf1: {  	v5 =	vld.idx.msk [tilespmem:v5+s29+$0x0], $0xffff  }
0xf2: {  	v4 =	vld.idx.msk [tilespmem:v8+s2+$0x0], $0xffff;
	_ =	sdelay $0x4  }
0xf3: {  	v4 =	vmul.f32 v4, v5;
	_ =	sdelay $0x1  }
0xf4: {  	[tilespmem:v8+s2+$0x0] =	vst.idx.msk $0xffff, v4  }
0xf5: {  	[spmem:s3] =	stream.indirect.scatter.add.f32 [tilespmem:s2], [sflag:$0x5], $0x8, s26, s31, $0xb8;
	[tilespmem:$0xEC08] =	vst v63  }
0xf6: {  	_ =	swait.ge [sflag:s17], $0xC80  }
0xf7: {  	[sflag:s17] =	ssyncset.done $0x0  }
0xf8: {  	[sflag:s17] =	ssyncadd.s32 $0xFFFFF380  }
0xf9: {  	[bflag:$0x0] =	sbarrier.arrive $0xFFFF  }
0xfa: {  	s10 =	simm.s32 @p0 $0x28A0;
	s21 =	simm.s32 @p0 $0x5;
	s23 =	rddreg [dreg:$0x5]  }
0xfb: {  	[tilespmem:s10], [sflag:$0x5] =	stream.linear.gather @p0 [spmem:s23], $0x6040, $0x38;
	[tilespmem:$0xEC08] =	vst v63  }
0xfc: {  	_ =	swait.ge @p0 [sflag:s21], $0x6040  }
0xfd: {  	[sflag:s21] =	ssyncset.done @p0 $0x0  }
0xfe: {  	s22 =	simm.s32 @p0 $0x0;
	s24 =	rddreg [dreg:$0x10];
	[sflag:s21] =	ssyncadd.s32 @p0 $0xFFFF9FC0  }
0xff: {  	[hbm4b:s24+s22] =	stream.linear.scatter @p0 [tilespmem:s10], [sflag:$0x5], $0x6040, $0x38;
	[tilespmem:$0xEC08] =	vst v63  }
0x100: {  	_ =	swait.ge @p0 [sflag:s21], $0x6040  }
0x101: {  	[sflag:s21] =	ssyncset.done @p0 $0x0  }
0x102: {  	s10 =	simm.s32 @!p0 $0x28A0;
	[sflag:s21] =	ssyncadd.s32 @p0 $0xFFFF9FC0;
	s21 =	rddreg [dreg:$0xe]  }
0x103: {  	[tilespmem:s10], [sflag:$0x5] =	stream.linear.gather @!p0 [spmem:s21], $0x61C0, $0x38;
	[tilespmem:$0xEC08] =	vst v63  }
0x104: {  	s21 =	simm.s32 @!p0 $0x5  }
0x105: {  	_ =	swait.ge @!p0 [sflag:s21], $0x61C0  }
0x106: {  	[sflag:s21] =	ssyncset.done @!p0 $0x0  }
0x107: {  	s22 =	simm.s32 @!p0 $0x0;
	s24 =	rddreg [dreg:$0xf];
	[sflag:s21] =	ssyncadd.s32 @!p0 $0xFFFF9E40  }
0x108: {  	[hbm4b:s24+s22] =	stream.linear.scatter @!p0 [tilespmem:s10], [sflag:$0x5], $0x61C0, $0x38;
	[tilespmem:$0xEC08] =	vst v63  }
0x109: {  	_ =	swait.ge @!p0 [sflag:s21], $0x61C0  }
0x10a: {  	s10 =	rddreg [dreg:$0x12]  }
0x10b: {  	s24 =	rddreg [dreg:$0x11];
	s22 =	sadd.s32 $0x1, s10  }
0x10c: {  	p1 =	sne.s32 s22, s24  }
.Ltmp9:
0x10d: {  	_ = 	snop;
	(pc) =	sbr.rel @p1 .LBB2_1-.Ltmp9, $3  }
0x10e: {  	_ =	sdelay $0x1  }
0x10f: {  	[sflag:s21] =	ssyncset.done @!p0 $0x0  }
0x110: {  	[sflag:s21] =	ssyncadd.s32 @!p0 $0xFFFF9E40  }
0x111: {  	_ =	sfence.sel $0x180000  }
0x112: {  	[bflag:$0x0] =	sbarrier.arrive $0xFFFF  }
0x113: {  	_ =	strace $0x90000050  }
0x114: {  	s0 =	stileid.u32;
	[bflag:$0x2] =	sbarrier.arrive $0xFFFF  }
0x115: {  	p0 =	sne.s32 s0, $0x0;
	s0 =	rddreg [dreg:$0x3]  }
0x116: {  	s0 =	sadd.s32 @!p0 $0x100000, s0  }
0x117: {  	[sflag:s0] =	ssyncadd.tile.s32 @!p0 $0x1;
	_ =	shalt  }
.Lfunc_end2:
_tile_overlayer_lowered:
.L_overlay_start_2:
0x118: {  	(tag) =	ssettag $0x2  }
0x119: {  	s0 =	rddreg [dreg:$0x0];
	s2 =	stileid.u32  }
0x11a: {  	s1 =	rddreg [dreg:$0x1];
	p0 =	sne.s32 s2, $0x0  }
0x11b: {  	s3 =	rddreg [dreg:$0x2];
	[bflag:$0x3] =	sbarrier.arrive $0xFFFF;
	s2 =	simm.s32 @!p0 $0x1C05  }
0x11c: {  	[timem:s3], [sflag:s2] =	dma.local @!p0 [hbm:s0], s1  }
0x11d: {  	s0 =	simm.s32 @!p0 $0x5  }
0x11e: {  	_ =	swait.ge @!p0 [sflag:s0], s1  }
0x11f: {  	s1 =	ssub.s32 @!p0 $0x0, s1;
	[sflag:s0] =	ssyncset.done @!p0 $0x0  }
0x120: {  	[sflag:s0] =	ssyncadd.s32 @!p0 s1  }
0x121: {  	[bflag:$0x3] =	sbarrier.arrive $0xFFFF  }
0x122: {  	_ =	shalt  }

// kernel: kernel.9.cloned.1.call-start
scs
__scs_entry_jumppad:
0x0: {  	(pc) =	sbr.rel $0x88, $3  }
0x1: {  	(tag) =	ssettag $0x0;
	lr =	simm.s32 $0x1  }
0x2: {  	[smem:$0x3F97] =	sst lr;
	_ =	strace $0xD0000000  }
0x3: {  	_ = 	snop  }
0x4: {  	_ = 	snop  }
0x5: {  	_ = 	snop  }
0x6: {  	_ = 	snop  }
0x7: {  	_ = 	snop  }
__scs_overlays_trampoline_lowered:
0x8: {  	[smem:$0x3FA6] =	sst s0  }
0x9: {  	[smem:$0x3FA7] =	sst s1  }
0xa: {  	[smem:$0x3FA8] =	sst s2  }
0xb: {  	[smem:$0x3FA9] =	sst s3  }
0xc: {  	[smem:$0x3FAA] =	sst s4  }
0xd: {  	[smem:$0x3FAB] =	sst s5  }
0xe: {  	[smem:$0x3FAC] =	sst s6  }
0xf: {  	[smem:$0x3FAD] =	sst s7  }
0x10: {  	[smem:$0x3FAE] =	sst s8  }
0x11: {  	[smem:$0x3FAF] =	sst s9;
	s0 =	simm.s32 @!p0 $0x0  }
0x12: {  	s1 =	sld [smem:$0x3F95];
	s0 =	simm.s32 @p0 $0x1  }
0x13: {  	[smem:$0x3FB0] =	sst s0;
	s0 =	simm.s32 @!p1 $0x0  }
0x14: {  	s2 =	sld [smem:$0x3F94];
	s0 =	simm.s32 @p1 $0x1  }
0x15: {  	[smem:$0x3FB1] =	sst s0;
	s0 =	simm.s32 @!p2 $0x0  }
0x16: {  	s3 =	sld [smem:$0x3FDB];
	s0 =	simm.s32 @p2 $0x1  }
0x17: {  	s4 =	simm.s32 $0x1BF5;
	[smem:$0x3FB3] =	sst s0  }
0x18: {  	s0 =	sld [smem:$0x3F96];
	_ =	swait.ge [sflag:s4], $0x0  }
0x19: {  	s7 =	sld [smem:$0x3F97]  }
0x1a: {  	s8 =	sadd.s32 $0xFFFFE003, lr  }
0x1b: {  	s9 =	sadd.s32 $0xFFFFFEF7, lr;
	s5 =	simm.s32 $0xFFFFFFFF;
	p2 =	slt.u32 s8, $0xFFFFF086  }
0x1c: {  	p1 =	slt.u32 s9, $0xF7A;
	s5 =	simm.s32 @!p2 $0x0  }
0x1d: {  	s5 =	simm.s32 @p1 $0x1;
	p0 =	seq.s32 s7, s2  }
0x1e: {  	s7 =	smul.u32 @!p0 $0xF7A, s2;
	p2 =	seq.s32 @!p0 s5, $0x0  }
0x1f: {  	s9 =	smul.u32 $0xF7A, s1;
	s8 =	simm.s32 @!p0 $0x1BF5;
	p2 =	por !p2, p0  }
0x20: {  	[sflag:s8] =	ssyncset.s32 @!p0 $0xFFFFF086;
	s6 =	sadd.s32 @!p0 s3, s7;
	s7 =	simm.s32 @!p0 $0x108  }
0x21: {  	s3 =	sadd.s32 s3, s9;
	s6 =	sadd.s32 @!p0 $0x88, s6;
	s7 =	simm.s32 @p2 $0x1082  }
0x22: {  	[simem:s7], [sflag:s8] =	dma.local @!p0 [hbm:s6], $0xF7A  }
0x23: {  	s9 =	sor.u32 $0xD0000000, s2;
	s6 =	simm.s32 $0x108;
	_ =	swait.ge @!p0 [sflag:s8], $0x0  }
0x24: {  	s3 =	sadd.s32 $0x88, s3;
	s6 =	simm.s32 @!p1 $0x1082;
	[sflag:s4] =	ssyncset.s32 $0xFFFFF086  }
0x25: {  	[simem:s6], [sflag:s4] =	dma.local [hbm:s3], $0xF7A  }
0x26: {  	[smem:$0x3F97] =	sst s1;
	(tag) =	ssettag s2;
	_ =	strace s9  }
0x27: {  	s1 =	sld [smem:$0x3FA7]  }
0x28: {  	s2 =	sld [smem:$0x3FA8]  }
0x29: {  	s4 =	sld [smem:$0x3FAA]  }
0x2a: {  	p0 =	seq.s32 s5, $0x0;
	s5 =	sld [smem:$0x3FAB]  }
0x2b: {  	s6 =	sld [smem:$0x3FAC]  }
0x2c: {  	s7 =	sld [smem:$0x3FAD]  }
0x2d: {  	s3 =	simm.s32 $0x108;
	s8 =	sld [smem:$0x3FAE]  }
0x2e: {  	s3 =	simm.s32 @!p0 $0x1082;
	s9 =	sld [smem:$0x3FAF]  }
0x2f: {  	lr =	sadd.s32 s0, s3;
	s0 =	sld [smem:$0x3FA6]  }
0x30: {  	s3 =	sld [smem:$0x3FA9]  }
0x31: {  	[smem:$0x3FB2] =	sst s10  }
0x32: {  	s10 =	sld [smem:$0x3FB0];
	_ =	sdelay $0x3  }
0x33: {  	p0 =	seq.s32 s10, $0x1;
	s10 =	sld [smem:$0x3FB2];
	_ =	sdelay $0x3  }
0x34: {  	[smem:$0x3FB2] =	sst s10  }
0x35: {  	s10 =	sld [smem:$0x3FB1];
	_ =	sdelay $0x3  }
0x36: {  	p1 =	seq.s32 s10, $0x1;
	s10 =	sld [smem:$0x3FB2];
	_ =	sdelay $0x3  }
0x37: {  	[smem:$0x3FB2] =	sst s10  }
0x38: {  	s10 =	sld [smem:$0x3FB3]  }
0x39: {  	_ = 	snop;
	(pc) =	sbr.ind lr, $3  }
0x3a: {  	_ = 	snop  }
0x3b: {  	_ = 	snop  }
0x3c: {  	p2 =	seq.s32 s10, $0x1;
	s10 =	sld [smem:$0x3FB2]  }
0x3d: {  	_ =	shalt  }
0x3e: {  	_ =	shalt  }
0x3f: {  	_ =	shalt  }
0x40: {  	_ =	shalt  }
0x41: {  	_ =	shalt  }
0x42: {  	_ =	shalt  }
0x43: {  	_ =	shalt  }
0x44: {  	_ =	shalt  }
0x45: {  	_ =	shalt  }
0x46: {  	_ =	shalt  }
0x47: {  	_ =	shalt  }
0x48: {  	_ =	shalt  }
0x49: {  	_ =	shalt  }
0x4a: {  	_ =	shalt  }
0x4b: {  	_ =	shalt  }
0x4c: {  	_ =	shalt  }
0x4d: {  	_ =	shalt  }
0x4e: {  	_ =	shalt  }
0x4f: {  	_ =	shalt  }
0x50: {  	_ =	shalt  }
0x51: {  	_ =	shalt  }
0x52: {  	_ =	shalt  }
0x53: {  	_ =	shalt  }
0x54: {  	_ =	shalt  }
0x55: {  	_ =	shalt  }
0x56: {  	_ =	shalt  }
0x57: {  	_ =	shalt  }
0x58: {  	_ =	shalt  }
0x59: {  	_ =	shalt  }
0x5a: {  	_ =	shalt  }
0x5b: {  	_ =	shalt  }
0x5c: {  	_ =	shalt  }
0x5d: {  	_ =	shalt  }
0x5e: {  	_ =	shalt  }
0x5f: {  	_ =	shalt  }
0x60: {  	_ =	shalt  }
0x61: {  	_ =	shalt  }
0x62: {  	_ =	shalt  }
0x63: {  	_ =	shalt  }
0x64: {  	_ =	shalt  }
0x65: {  	_ =	shalt  }
0x66: {  	_ =	shalt  }
0x67: {  	_ =	shalt  }
0x68: {  	_ =	shalt  }
0x69: {  	_ =	shalt  }
0x6a: {  	_ =	shalt  }
0x6b: {  	_ =	shalt  }
0x6c: {  	_ =	shalt  }
0x6d: {  	_ =	shalt  }
0x6e: {  	_ =	shalt  }
0x6f: {  	_ =	shalt  }
0x70: {  	_ =	shalt  }
0x71: {  	_ =	shalt  }
0x72: {  	_ =	shalt  }
0x73: {  	_ =	shalt  }
0x74: {  	_ =	shalt  }
0x75: {  	_ =	shalt  }
0x76: {  	_ =	shalt  }
0x77: {  	_ =	shalt  }
0x78: {  	_ =	shalt  }
0x79: {  	_ =	shalt  }
0x7a: {  	_ =	shalt  }
0x7b: {  	_ =	shalt  }
0x7c: {  	_ =	shalt  }
0x7d: {  	_ =	shalt  }
0x7e: {  	_ =	shalt  }
0x7f: {  	_ =	shalt  }
0x80: {  	_ =	shalt  }
0x81: {  	_ =	shalt  }
0x82: {  	_ =	shalt  }
0x83: {  	_ =	shalt  }
0x84: {  	_ =	shalt  }
0x85: {  	_ =	shalt  }
0x86: {  	_ =	shalt  }
0x87: {  	_ =	shalt  }
.Lfunc_end0:
.L_simem_size_0:
called_computation.1_lowered:
.L_overlay_start_0:
0x88: {  	s2 =	sld [smem:$0x3FD9]  }
0x89: {  	s3 =	sld [smem:$0x3FFE];
	_ =	sdelay $0x1  }
0x8a: {  	s1 =	srdreg.scid  }
0x8b: {  	s0 =	sand.u32 $0x1, s1  }
0x8c: {  	s17 =	sshll.u32 s0, $0xA;
	s2 =	sadd.s32 s3, s2  }
0x8d: {  	s2 =	sadd.s32 s2, s17  }
0x8e: {  	[smem:$0x3FBE] =	sst s2  }
0x8f: {  	_ = 	snop  }
0x90: {  	s2 =	sld [smem:$0x3FC8];
	(tm) =	ssettm $0x1  }
0x91: {  	s18 =	sld [smem:$0x3FFB];
	_ =	sdelay $0x3  }
0x92: {  	_ =	strace s18  }
0x93: {  	s3 =	sld [smem:$0x3FFC];
	_ =	sdelay $0x3  }
0x94: {  	_ =	strace s3  }
0x95: {  	s3 =	sld [smem:$0x3FFD];
	_ =	sdelay $0x3  }
0x96: {  	_ =	strace s3  }
0x97: {  	_ =	strace $0x8FFFFFFF  }
0x98: {  	s19 =	sld [smem:$0x3FDB];
	_ =	sdelay $0x1  }
0x99: {  	s4 =	simm.s32 $_scs_section_size  }
0x9a: {  	s5 =	simm.s32 $_size__tile_overlayer_lowered;
	s6 =	simm.s32 $_tile_overlayer_lowered  }
0x9b: {  	s22 =	simm.s32 $0x1BFF;
	s21 =	sshll.u32 s6, $0x1;
	s3 =	sadd.s32 s4, s19  }
0x9c: {  	s7 =	simm.s32 $0x0;
	s20 =	sshll.u32 s5, $0x1;
	s5 =	sadd.s32 s21, s3  }
0x9d: {  	[timem:s7], [sflag:s22] =	dma.local [hbm:s5], s20  }
0x9e: {  	_ =	swait.ge [sflag:s22], s20  }
0x9f: {  	s4 =	ssub.s32 $0x0, s20;
	[sflag:s22] =	ssyncset.done $0x0  }
0xa0: {  	[sflag:s22] =	ssyncadd.s32 s4;
	_ =	sdelay $0x1  }
0xa1: {  	s23 =	simm.s32 $0x1B8B  }
0xa2: {  	_ =	swait.ge [sflag:s23], $0x1  }
0xa3: {  	[sflag:s23] =	ssyncset.done $0x0  }
0xa4: {  	s25 =	simm.s32 $0x1B8E;
	s24 =	sld [smem:$0x3FFE];
	[sflag:s23] =	ssyncadd.s32 $0xFFFFFFFF  }
0xa5: {  	s26 =	simm.s32 $execute0_lowered;
	[smem:$0x3FD2] =	sst s25  }
0xa6: {  	s5 =	sshll.u32 s26, $0x1;
	_ =	strace $0x80000046;
	[dreg:$0x1] =	wrdreg $0xFFFFFFFF  }
0xa7: {  	s28 =	simm.s32 $_size_execute0_lowered;
	s3 =	sadd.s32 s3, s5;
	[dreg:$0x0] =	wrdreg $0x0  }
0xa8: {  	s5 =	sshll.u32 s28, $0x1;
	[dreg:$0x2] =	wrdreg s3  }
0xa9: {  	[dreg:$0x3] =	wrdreg s5  }
0xaa: {  	[dreg:$0x4] =	wrdreg $0xC0  }
0xab: {  	_ =	task [dreg:s7], $0x5FFFF  }
0xac: {  	[dreg:$0x1] =	wrdreg $0xFFFFFFFF  }
0xad: {  	[dreg:$0x0] =	wrdreg $0x60  }
0xae: {  	[dreg:$0x2] =	wrdreg s24  }
0xaf: {  	[dreg:$0x3] =	wrdreg s2  }
0xb0: {  	[dreg:$0x4] =	wrdreg $0x83400  }
0xb1: {  	[dreg:$0x5] =	wrdreg $0xA  }
0xb2: {  	_ =	task.clear_ibuf [dreg:s7], $0x6FFFF;
	_ =	strace $0x90000046  }
0xb3: {  	s29 =	simm.s32 $0xA;
	_ =	strace $0x80000048  }
0xb4: {  	_ =	swait.ge [sflag:s29], $0x1  }
0xb5: {  	[sflag:s29] =	ssyncadd.s32 $0xFFFFFFFF  }
0xb6: {  	_ =	strace $0x90000048  }
0xb7: {  	_ =	sfence  }
0xb8: {  	s30 =	sld [smem:$0x0];
	_ =	sdelay $0x2  }
0xb9: {  	s31 =	sshll.u32 s1, $0xD;
	s1 =	sshrl.u32 s1, $0x2  }
0xba: {  	s3 =	sand.u32 $0x4000, s31;
	s1 =	sadd.s32 s1, s30  }
0xbb: {  	s0 =	sor.u32 s3, s0;
	s1 =	sshll.u32 s1, $0x11  }
0xbc: {  	s0 =	sor.u32 s1, s0  }
0xbd: {  	s0 =	sadd.s32 $0x8F2B, s0  }
0xbe: {  	[sflag:s0] =	ssyncadd.remote.s32 $0x1  }
0xbf: {  	_ =	sfence.sel $0xFFFF  }
0xc0: {  	[dreg:$0x0] =	wrdreg $0xFFFFFFFF;
	(pc) =	sbr.abs _section_cstart, $3  }
0xc1: {  	[dreg:$0x1] =	wrdreg $0xFFFFFFFF  }
0xc2: {  	_ =	task.clear_ibuf [dreg:s7], $0x2FFFF;
	_ =	strace $0x9FFFFFFF  }
0xc3: {  	(tm) =	ssettm $0x7FFFFFFF  }
tec
execute0_lowered:
.L_overlay_start_1:
0x0: {  	(tag) =	ssettag $0x1  }
0x1: {  	s6 =	rddreg [dreg:$0x0]  }
0x2: {  	s2 =	rddreg [dreg:$0x1];
	s1 =	srdreg.scid  }
0x3: {  	s0 =	stileid.u32;
	s3 =	rddreg [dreg:$0x2]  }
0x4: {  	s4 =	simm.s32 $0x0;
	s12 =	simm.s32 $0x7D0;
	s13 =	simm.s32 $0x1  }
0x5: {  	s14 =	simm.s32 $0x2;
	s16 =	simm.s32 $0x1770;
	s17 =	simm.s32 $0x0  }
0x6: {  	s8 =	sand.u32 $0x1, s1;
	s7 =	smul.u32 $0x61A8, s0;
	s1 =	rddreg [dreg:$0x3]  }
0x7: {  	[smem:$0x7FF] =	sst s4;
	s5 =	smul.u32 $0x61A80, s8;
	s10 =	ssub.s32 $0x2, s8  }
0x8: {  	_ =	strace $0x80000047;
	s15 =	sshll.u32 s8, $0x3;
	s11 =	sshrl.u32 s10, $0x1  }
0x9: {  	v0 =	vmov s15;
	s15 =	simm.s32 $0xFA0;
	s9 =	sadd.s32 s7, s5;
	s5 =	sadd.s32 $0x1C00, s6  }
0xa: {  	s10 =	ssub.s32 s10, s11;
	s7 =	sadd.s32 s7, s3;
	s9 =	sshrl.u32 s9, $0x3  }
0xb: {  	s11 =	simm.s32 $0x3;
	s9 =	sadd.s32 s9, s6;
	s6 =	smul.u32 $0x186A0, s0  }
0xc: {  	v1 =	vimm.f32 $0.0e+00;
	v2 =	vimm.f32 $1.000000000e+00;
	s8 =	sadd.s32 $0x63800, s9;
	s9 =	smax.u32 s10, $0x1;
	s10 =	simm.s32 $0x1F40  }
.LBB2_1:
0xd: {  	s18 =	simm.s32 $0x0  }
.LBB2_2:
0xe: {  	p0 =	sne.s32 s18, $0x18FC0  }
.Ltmp0:
0xf: {  	_ = 	snop;
	(pc) =	sbr.rel @p0 .LBB2_2-.Ltmp0, $3  }
0x10: {  	_ =	sdelay $0x1  }
0x11: {  	s19 =	sshra.s32 s18, $0x2  }
0x12: {  	s18 =	sadd.s32 $0x40, s18;
	[tilespmem:s19+$0x1F40] =	vst v1  }
0x13: {  	s18 =	simm.s32 $0x40;
	s19 =	simm.s32 $0x0  }
.LBB2_4:
0x14: {  	p0 =	sne.s32 s18, $0x1F00;
	[tilespmem:s19+$0x1770] =	vst v2;
	s19 =	smov.u32 s18;
	s18 =	sadd.s32 $0x40, s18  }
.Ltmp1:
0x15: {  	(pc) =	sbr.rel @p0 .LBB2_4-.Ltmp1, $2  }
0x16: {  	_ =	sdelay $0x2  }
0x17: {  	s19 =	sshra.s32 s19, $0x2  }
0x18: {  	[tilespmem:s19+$0x1770] =	vst v2  }
0x19: {  	[spmem:s7] =	stream.linear.scatter [tilespmem:s10], [sflag:$0x3], $0x61A8, $0x38;
	[tilespmem:$0xE4E8] =	vst v63  }
0x1a: {  	_ =	swait.ge [sflag:s11], $0x61A8  }
0x1b: {  	[sflag:s11] =	ssyncset.done $0x0  }
0x1c: {  	[sflag:s11] =	ssyncadd.s32 $0xFFFF9E58  }
0x1d: {  	s18 =	simm.s32 $0x0;
	s19 =	simm.s32 $0x0;
	[bflag:$0x0] =	sbarrier.arrive $0xFFFF  }
.LBB2_6:
0x1e: {  	s20 =	smul.u32 $0x7D0, s19;
	_ =	sdelay $0x1  }
0x1f: {  	s20 =	sadd.s32 s6, s20  }
0x20: {  	s20 =	sshrl.u32 s20, $0x3  }
0x21: {  	s21 =	sadd.s32 s5, s20  }
0x22: {  	[tilespmem:s18], [sflag:$0x1] =	stream.linear.gather [hbm4b:s21+s18], $0x7D0, $0x38;
	[tilespmem:$0xE4E8] =	vst v63  }
0x23: {  	s20 =	sadd.s32 s2, s20  }
0x24: {  	[tilespmem:s12], [sflag:$0x2] =	stream.linear.gather [hbm4b:s20+s18], $0x7D0, $0x38;
	[tilespmem:$0xE4E8] =	vst v63  }
0x25: {  	_ =	swait.ge [sflag:s13], $0x7D0  }
0x26: {  	[sflag:s13] =	ssyncset.done $0x0  }
0x27: {  	[sflag:s13] =	ssyncadd.s32 $0xFFFFF830  }
0x28: {  	_ =	swait.ge [sflag:s14], $0x7D0  }
0x29: {  	[sflag:s14] =	ssyncset.done $0x0  }
0x2a: {  	s20 =	simm.s32 $0x0;
	[sflag:s14] =	ssyncadd.s32 $0xFFFFF830  }
0x2b: {  	v3 =	vld [tilespmem:s20+$0x0]  }
0x2c: {  	v4 =	vld [tilespmem:s20+$0x7D0];
	_ =	sdelay $0x1  }
0x2d: {  	s21 =	simm.s32 $0x40  }
.LBB2_7:
0x2e: {  	p0 =	sne.s32 s21, $0x1F00  }
.Ltmp2:
0x2f: {  	s22 =	sshra.s32 s21, $0x2;
	(pc) =	sbr.rel @p0 .LBB2_7-.Ltmp2, $4  }
0x30: {  	s21 =	sadd.s32 $0x40, s21;
	v6 =	vshll.u32 v3, $0x3;
	v3 =	vld [tilespmem:s22+$0x0];
	v5 =	vsub.s32 v4, v0  }
0x31: {  	v4 =	vld [tilespmem:s22+$0x7D0];
	vm0 =	vlt.u32 v5, $0x8;
	v5 =	vadd.s32 v6, v5  }
0x32: {  	v5 =	vnsel vm0, $0xFFFFFFFF, v5  }
0x33: {  	[tilespmem:s20+$0xFA0] =	vst v5;
	s20 =	smov.u32 s22  }
0x34: {  	_ =	sdelay $0x1  }
0x35: {  	v3 =	vshll.u32 v3, $0x3;
	v4 =	vsub.s32 v4, v0  }
0x36: {  	s19 =	sadd.s32 $0x1, s19;
	vm0 =	vlt.u32 v4, $0x8;
	v3 =	vadd.s32 v3, v4  }
0x37: {  	p0 =	sne.s32 s19, $0x32;
	v3 =	vnsel vm0, $0xFFFFFFFF, v3  }
.Ltmp3:
0x38: {  	[tilespmem:s20+$0xFA0] =	vst v3;
	(ifvalue) =	ssetifvalue $0xFFFFFFFF;
	(pc) =	sbr.rel @p0 .LBB2_6-.Ltmp3, $4  }
0x39: {  	[spmem:s3] =	stream.indirect.scatter.add.f32 [tilespmem:s16], [sflag:$0x3], $0x1, s15, s12, $0x40b8;
	[tilespmem:$0xE4E8] =	vst v63  }
0x3a: {  	_ =	swait.ge [sflag:s11], $0x7D0  }
0x3b: {  	[sflag:s11] =	ssyncset.done $0x0  }
0x3c: {  	[sflag:s11] =	ssyncadd.s32 $0xFFFFF830  }
0x3d: {  	[bflag:$0x0] =	sbarrier.arrive $0xFFFF  }
0x3e: {  	[tilespmem:s10], [sflag:$0x3] =	stream.linear.gather [spmem:s7], $0x61A8, $0x38;
	[tilespmem:$0xE4E8] =	vst v63  }
0x3f: {  	s17 =	sadd.s32 $0x1, s17;
	_ =	swait.ge [sflag:s11], $0x61A8  }
0x40: {  	p0 =	sne.s32 s17, s9;
	[sflag:s11] =	ssyncset.done $0x0  }
.Ltmp4:
0x41: {  	[sflag:s11] =	ssyncadd.s32 $0xFFFF9E58;
	(pc) =	sbr.rel @p0 .LBB2_1-.Ltmp4, $4  }
0x42: {  	[hbm4b:s8+s4] =	stream.linear.scatter [tilespmem:s10], [sflag:$0x3], $0x61A8, $0x38;
	[tilespmem:$0xE4E8] =	vst v63  }
0x43: {  	_ =	swait.ge [sflag:s11], $0x61A8  }
0x44: {  	[sflag:s11] =	ssyncset.done $0x0  }
0x45: {  	[sflag:s11] =	ssyncadd.s32 $0xFFFF9E58  }
0x46: {  	_ =	sfence.sel $0x180000  }
0x47: {  	[bflag:$0x0] =	sbarrier.arrive $0xFFFF  }
0x48: {  	p0 =	sne.s32 s0, $0x0;
	_ =	strace $0x90000047  }
0x49: {  	s0 =	sadd.s32 @!p0 $0x100000, s1;
	[bflag:$0x2] =	sbarrier.arrive $0xFFFF  }
0x4a: {  	[sflag:s0] =	ssyncadd.tile.s32 @!p0 $0x1;
	_ =	shalt  }
.Lfunc_end2:
_tile_overlayer_lowered:
.L_overlay_start_2:
0x4b: {  	(tag) =	ssettag $0x2  }
0x4c: {  	s0 =	rddreg [dreg:$0x0];
	s2 =	stileid.u32  }
0x4d: {  	s1 =	rddreg [dreg:$0x1];
	p0 =	sne.s32 s2, $0x0  }
0x4e: {  	s3 =	rddreg [dreg:$0x2];
	[bflag:$0x3] =	sbarrier.arrive $0xFFFF;
	s2 =	simm.s32 @!p0 $0x1C03  }
0x4f: {  	[timem:s3], [sflag:s2] =	dma.local @!p0 [hbm:s0], s1  }
0x50: {  	s0 =	simm.s32 @!p0 $0x3  }
0x51: {  	_ =	swait.ge @!p0 [sflag:s0], s1  }
0x52: {  	s1 =	ssub.s32 @!p0 $0x0, s1;
	[sflag:s0] =	ssyncset.done @!p0 $0x0  }
0x53: {  	[sflag:s0] =	ssyncadd.s32 @!p0 s1  }
0x54: {  	[bflag:$0x3] =	sbarrier.arrive $0xFFFF  }
0x55: {  	_ =	shalt  }

// kernel: sparse-core-data-format-call.cloned.1.call-start
scs
called_computation_lowered:
.L_overlay_start_0:
0x0: {  	s2 =	sld [smem:$0x3FD9]  }
0x1: {  	s3 =	sld [smem:$0x3FFE];
	_ =	sdelay $0x1  }
0x2: {  	s1 =	srdreg.scid  }
0x3: {  	s0 =	sand.u32 $0x1, s1  }
0x4: {  	s18 =	sshll.u32 s0, $0xA;
	s2 =	sadd.s32 s3, s2  }
0x5: {  	s2 =	sadd.s32 s2, s18  }
0x6: {  	[smem:$0x3FBE] =	sst s2  }
0x7: {  	_ = 	snop  }
0x8: {  	(tm) =	ssettm $0x1  }
0x9: {  	s19 =	sld [smem:$0x3FFB];
	_ =	sdelay $0x3  }
0xa: {  	_ =	strace s19  }
0xb: {  	s2 =	sld [smem:$0x3FFC];
	_ =	sdelay $0x3  }
0xc: {  	_ =	strace s2  }
0xd: {  	s2 =	sld [smem:$0x3FFD];
	_ =	sdelay $0x3  }
0xe: {  	_ =	strace s2  }
0xf: {  	_ =	strace $0x8FFFFFFF  }
0x10: {  	s20 =	sld [smem:$0x3FDB];
	_ =	sdelay $0x1  }
0x11: {  	s21 =	simm.s32 $_scs_section_size  }
0x12: {  	s4 =	simm.s32 $_size__tile_overlayer_lowered;
	s5 =	simm.s32 $_tile_overlayer_lowered  }
0x13: {  	s6 =	simm.s32 $0x1BFF;
	s22 =	sshll.u32 s5, $0x1;
	s3 =	sadd.s32 s21, s20  }
0x14: {  	s23 =	simm.s32 $0x0;
	s4 =	sshll.u32 s4, $0x1;
	s5 =	sadd.s32 s22, s3  }
0x15: {  	[timem:s23], [sflag:s6] =	dma.local [hbm:s5], s4  }
0x16: {  	_ =	swait.ge [sflag:s6], s4  }
0x17: {  	s4 =	ssub.s32 $0x0, s4;
	[sflag:s6] =	ssyncset.done $0x0  }
0x18: {  	[sflag:s6] =	ssyncadd.s32 s4;
	_ =	sdelay $0x1  }
0x19: {  	s24 =	simm.s32 $0x1B8B  }
0x1a: {  	_ =	swait.ge [sflag:s24], $0x1  }
0x1b: {  	[sflag:s24] =	ssyncset.done $0x0  }
0x1c: {  	[sflag:s24] =	ssyncadd.s32 $0xFFFFFFFF  }
0x1d: {  	s4 =	sld [smem:$0x0]  }
0x1e: {  	s5 =	sand.u32 $0xFFFFFFFE, s1  }
0x1f: {  	p0 =	sne.s32 s1, s5  }
0x20: {  	s5 =	sshll.u32 @p0 s5, $0xE  }
0x21: {  	s5 =	sadd.s32 @p0 $0x11B8D, s5;
	s6 =	sshll.u32 @p0 s4, $0x11  }
0x22: {  	s5 =	sor.u32 @p0 s6, s5  }
0x23: {  	[sflag:s5] =	ssyncadd.remote.s32 @p0 $0x1;
	_ =	sdelay $0x1  }
0x24: {  	s5 =	simm.s32 @p0 $0x1B8D  }
0x25: {  	_ =	swait.eq @p0 [sflag:s5], $0x1  }
0x26: {  	[sflag:s5] =	ssyncadd.s32 @p0 $0xFFFFFFFF  }
0x27: {  	s6 =	sshll.u32 @!p0 s1, $0xE  }
0x28: {  	s6 =	sor.u32 @!p0 $0x4000, s6;
	s5 =	simm.s32 @!p0 $0x1B8D  }
0x29: {  	s4 =	sshll.u32 @!p0 s4, $0x11;
	s6 =	sadd.s32 @!p0 $0x11B8D, s6;
	_ =	swait.eq @!p0 [sflag:s5], $0x1  }
0x2a: {  	s4 =	sor.u32 @!p0 s4, s6;
	[sflag:s5] =	ssyncadd.s32 @!p0 $0xFFFFFFFF  }
0x2b: {  	s26 =	simm.s32 $0x1B8E;
	s25 =	sld [smem:$0x3FFE];
	[sflag:s4] =	ssyncadd.remote.s32 @!p0 $0x1  }
0x2c: {  	s27 =	simm.s32 $execute0_lowered;
	[smem:$0x3FD2] =	sst s26  }
0x2d: {  	s5 =	sshll.u32 s27, $0x1;
	_ =	strace $0x80000049;
	[dreg:$0x1] =	wrdreg $0xFFFFFFFF  }
0x2e: {  	s28 =	simm.s32 $_size_execute0_lowered;
	s3 =	sadd.s32 s3, s5;
	[dreg:$0x0] =	wrdreg $0x0  }
0x2f: {  	s5 =	sshll.u32 s28, $0x1;
	[dreg:$0x2] =	wrdreg s3  }
0x30: {  	[dreg:$0x3] =	wrdreg s5  }
0x31: {  	[dreg:$0x4] =	wrdreg $0xC0  }
0x32: {  	_ =	task [dreg:s23], $0x5FFFF  }
0x33: {  	[dreg:$0x1] =	wrdreg $0xFFFFFFFF  }
0x34: {  	[dreg:$0x0] =	wrdreg $0x60  }
0x35: {  	[dreg:$0x2] =	wrdreg s25  }
0x36: {  	[dreg:$0x3] =	wrdreg $0x9  }
0x37: {  	_ =	task.clear_ibuf [dreg:s23], $0x4FFFF;
	_ =	strace $0x90000049  }
0x38: {  	s29 =	simm.s32 $0x9;
	_ =	strace $0x8000004B  }
0x39: {  	_ =	swait.ge [sflag:s29], $0x1  }
0x3a: {  	[sflag:s29] =	ssyncadd.s32 $0xFFFFFFFF  }
0x3b: {  	_ =	strace $0x9000004B  }
0x3c: {  	_ =	sfence  }
0x3d: {  	s30 =	sld [smem:$0x0];
	_ =	sdelay $0x2  }
0x3e: {  	s31 =	sshll.u32 s1, $0xD;
	s1 =	sshrl.u32 s1, $0x2  }
0x3f: {  	s4 =	sand.u32 $0x4000, s31;
	s1 =	sadd.s32 s1, s30  }
0x40: {  	s0 =	sor.u32 s4, s0;
	s1 =	sshll.u32 s1, $0x11  }
0x41: {  	s0 =	sor.u32 s1, s0  }
0x42: {  	s0 =	sadd.s32 $0x8F2B, s0  }
0x43: {  	[sflag:s0] =	ssyncadd.remote.s32 $0x1  }
0x44: {  	_ =	sfence.sel $0xFFFF  }
0x45: {  	[dreg:$0x0] =	wrdreg $0xFFFFFFFF;
	(pc) =	sbr.abs _section_cstart, $3  }
0x46: {  	[dreg:$0x1] =	wrdreg $0xFFFFFFFF  }
0x47: {  	_ =	task.clear_ibuf [dreg:s23], $0x2FFFF;
	_ =	strace $0x9FFFFFFF  }
0x48: {  	(tm) =	ssettm $0x7FFFFFFF  }
0x49: {  	_ =	shalt  }
tec
execute0_lowered:
.L_overlay_start_1:
0x0: {  	(tag) =	ssettag $0x1  }
0x1: {  	s0 =	srdreg.scid  }
0x2: {  	s5 =	rddreg [dreg:$0x0];
	s1 =	stileid.u32;
	s4 =	simm.s32 $0x1  }
0x3: {  	s6 =	simm.s32 $0x2;
	s8 =	simm.s32 $0x0;
	s2 =	sshll.u32 s0, $0x4  }
0x4: {  	s9 =	simm.s32 $0x0;
	s13 =	simm.s32 $0x0;
	s2 =	sand.u32 $0x10, s2  }
.Ltmp0:
0x5: {  	s10 =	simm.s32 $0x0;
	s3 =	sor.u32 s1, s2;
	(pc) =	sbr.rel .LBB1_1-.Ltmp0, $4  }
0x6: {  	s0 =	rddreg [dreg:$0x1];
	_ =	strace $0x8000004A;
	s3 =	sshll.u32 s3, $0x3  }
0x7: {  	s12 =	simm.s32 $0x0;
	[sflag:s4] =	ssyncpa.u1 $0x0;
	s7 =	ssub.s32 $0x1868, s3  }
0x8: {  	s2 =	sadd.s32 $0x7C000, s5;
	[sflag:s6] =	ssyncpa.u1 $0x0;
	s6 =	sshrl.u32 s7, $0x8  }
0x9: {  	s5 =	sadd.s32 $0x202A00, s5;
	s11 =	smov.u32 s3;
	s7 =	sadd.s32 $0x2, s6  }
.LBB1_9:
0xa: {  	s15 =	sshll.u32 s12, $0xE  }
0xb: {  	s16 =	sshll.u32 s10, $0x8;
	s15 =	sand.u32 $0x4000, s15  }
0xc: {  	s16 =	sadd.s32 s5, s16;
	s15 =	sor.u32 $0x8000, s15  }
0xd: {  	[hbm4b:s16+s8] =	stream.linear.scatter [tilespmem:s15], [sflag:$0x2], s14, $0x38;
	[tilespmem:$0x10000] =	vst v63  }
.LBB1_10:
0xe: {  	p0 =	slt.u32 s12, $0x2  }
0xf: {  	p1 =	sgt.s32 @!p0 s13, $0x1862  }
0x10: {  	s14 =	smov.u32 s13;
	s15 =	sshra.s32 @!p0 s13, $0x1F;
	p1 =	por !p1, p0  }
0x11: {  	s13 =	sand.u32 @!p0 s15, s13;
	s14 =	simm.s32 @p1 $0x1862  }
0x12: {  	s13 =	ssub.s32 @!p0 s14, s13  }
0x13: {  	s13 =	sadd.s32 @!p0 $0xFFFFE79E, s13  }
0x14: {  	s14 =	sshll.u32 @!p0 s13, $0xD  }
0x15: {  	p1 =	sgt.s32 @!p0 s13, $0x7;
	s13 =	ssub.s32 @!p0 $0x10000, s14  }
0x16: {  	s15 =	sadd.s32 $0x100, s11;
	p1 =	por !p1, p0;
	s13 =	sshrl.u32 @!p0 s13, $0x2  }
0x17: {  	s13 =	simm.s32 @!p1 $0x0;
	p1 =	sgt.s32 s15, $0x1869  }
0x18: {  	s15 =	smov.u32 @p1 s3;
	p1 =	sne.s32 s12, s7  }
.Ltmp1:
0x19: {  	_ = 	snop;
	(pc) =	sbr.rel @!p1 .LBB1_11-.Ltmp1, $4  }
0x1a: {  	s14 =	simm.s32 @!p0 $0x2  }
0x1b: {  	s9 =	sadd.s32 $0x4000, s9;
	_ =	swait.ge @!p0 [sflag:s14], s13;
	s16 =	ssub.s32 @!p0 $0x0, s13  }
0x1c: {  	s13 =	smov.u32 s10;
	s12 =	sadd.s32 $0x1, s12;
	[sflag:s14] =	ssyncset.done @!p0 $0x0  }
0x1d: {  	s10 =	smov.u32 s11;
	s11 =	smov.u32 s15;
	[sflag:s14] =	ssyncadd.s32 @!p0 s16  }
.LBB1_1:
0x1e: {  	p0 =	sgt.u32 s12, s6  }
0x1f: {  	p1 =	sgt.s32 @!p0 s11, $0x1862  }
0x20: {  	s14 =	smov.u32 s11;
	s15 =	sshra.s32 @!p0 s11, $0x1F;
	p1 =	por !p1, p0  }
0x21: {  	s15 =	sand.u32 @!p0 s15, s11;
	s14 =	simm.s32 @p1 $0x1862  }
0x22: {  	s14 =	ssub.s32 @!p0 s14, s15  }
0x23: {  	s14 =	sadd.s32 @!p0 $0xFFFFE79E, s14  }
0x24: {  	s17 =	simm.s32 @!p0 $0x0;
	s15 =	sxor.u32 @!p0 $0xFFFFFFFF, s12;
	s16 =	sshll.u32 @!p0 s14, $0xD  }
0x25: {  	s15 =	sshll.u32 @!p0 s15, $0xE;
	p1 =	sgt.s32 @!p0 s14, $0x7;
	s14 =	ssub.s32 @!p0 $0x10000, s16  }
0x26: {  	p1 =	por !p1, p0;
	s16 =	sshll.u32 @!p0 s11, $0x8;
	s14 =	sshrl.u32 @!p0 s14, $0x2  }
0x27: {  	s15 =	sand.u32 @!p0 $0x4000, s15;
	s16 =	sadd.s32 @!p0 s2, s16;
	s14 =	simm.s32 @!p1 $0x0  }
0x28: {  	[tilespmem:s15], [sflag:$0x1] =	stream.linear.gather @!p0 [hbm4b:s16+s17], s14, $0x38;
	[tilespmem:$0x10000] =	vst v63  }
0x29: {  	p0 =	seq.s32 s12, $0x0  }
0x2a: {  	p1 =	sge.u32 @!p0 s12, s7  }
0x2b: {  	p0 =	por p0, p1  }
.Ltmp2:
0x2c: {  	_ = 	snop;
	(pc) =	sbr.rel @p0 .LBB1_10-.Ltmp2, $1  }
0x2d: {  	_ =	sdelay $0x3  }
0x2e: {  	p0 =	sgt.s32 s10, $0x1862;
	s14 =	smov.u32 s10;
	s15 =	sshra.s32 s10, $0x1F  }
0x2f: {  	s14 =	simm.s32 @!p0 $0x1862;
	s15 =	sand.u32 s15, s10  }
0x30: {  	s14 =	ssub.s32 s14, s15  }
0x31: {  	s16 =	sadd.s32 $0x8, s10;
	s14 =	sadd.s32 $0xFFFFE79E, s14  }
0x32: {  	p1 =	slt.s32 s16, $0x186A;
	s30 =	sshll.u32 s14, $0xD  }
0x33: {  	s16 =	simm.s32 @!p1 $0x186A;
	s15 =	ssub.s32 $0x10000, s30  }
0x34: {  	p0 =	sgt.s32 s14, $0x7;
	s14 =	sshrl.u32 s15, $0x2;
	s15 =	ssub.s32 s16, s10  }
0x35: {  	s14 =	simm.s32 @p0 $0x0;
	p0 =	slt.s32 s15, $0x1  }
.Ltmp3:
0x36: {  	_ = 	snop;
	(pc) =	sbr.rel @p0 .LBB1_9-.Ltmp3, $4  }
0x37: {  	_ = 	snop  }
0x38: {  	_ =	swait.ge [sflag:s4], s14  }
0x39: {  	s31 =	ssub.s32 $0x0, s14;
	[sflag:s4] =	ssyncset.done $0x0  }
0x3a: {  	[sflag:s4] =	ssyncadd.s32 s31  }
0x3b: {  	s16 =	sshll.u32 s9, $0x2  }
0x3c: {  	s16 =	sand.u32 $0x10000, s16  }
0x3d: {  	s16 =	sshrl.u32 s16, $0x2  }
0x3e: {  	s18 =	simm.s32 $0x0;
	s19 =	simm.s32 $0x0;
	s17 =	sor.u32 $0x8000, s16  }
.LBB1_4:
0x3f: {  	s20 =	sshra.s32 s18, $0x2  }
0x40: {  	v0 =	vmov s20;
	_ =	sdelay $0x3  }
0x41: {  	p1 =	por $0x1, $0x1;
	s20 =	simm.s32 $0x0  }
.LBB1_5:
0x42: {  	_ = 	snop  }
0x43: {  	s21 =	sshll.u32 s20, $0xA  }
0x44: {  	s21 =	sand.u32 $0x3FFFFC00, s21  }
0x45: {  	s21 =	sadd.s32 s21, s16  }
0x46: {  	v5 =	vld.idx.msk [tilespmem:v0+s21+$0x70 ss:$0x1], $0xffff  }
0x47: {  	v6 =	vld.idx.msk [tilespmem:v0+s21+$0x10 ss:$0x1], $0xffff  }
0x48: {  	v7 =	vld.idx.msk [tilespmem:v0+s21+$0x20 ss:$0x1], $0xffff  }
0x49: {  	s31 =	sshll.u32 s20, $0x7;
	v1 =	vld.idx.msk [tilespmem:v0+s21+$0x30 ss:$0x1], $0xffff  }
0x4a: {  	s20 =	sand.u32 $0x3FFFFF80, s31;
	v2 =	vld.idx.msk [tilespmem:v0+s21+$0x40 ss:$0x1], $0xffff  }
0x4b: {  	s20 =	sadd.s32 s20, s17;
	v3 =	vld.idx.msk [tilespmem:v0+s21+$0x50 ss:$0x1], $0xffff  }
0x4c: {  	v4 =	vld.idx.msk [tilespmem:v0+s21+$0x60 ss:$0x1], $0xffff;
	[tilespmem:v0+s20+$0x70 ss:$0x1] =	vst.idx.msk $0xffff, v5  }
0x4d: {  	v5 =	vld.idx.msk [tilespmem:v0+s21+$0x0 ss:$0x1], $0xffff;
	[tilespmem:v0+s20+$0x10 ss:$0x1] =	vst.idx.msk $0xffff, v6;
	s21 =	sadd.s32 $0x80, s21  }
0x4e: {  	p0 =	por p1, p1;
	s22 =	simm.s32 $0x6;
	[tilespmem:v0+s20+$0x20 ss:$0x1] =	vst.idx.msk $0xffff, v7;
	v6 =	vld.idx.msk [tilespmem:v0+s21+$0x70 ss:$0x1], $0xffff  }
.LBB1_6:
0x4f: {  	p1 =	sne.s32 s22, $0x1;
	v7 =	vld.idx.msk [tilespmem:v0+s21+$0x10 ss:$0x1], $0xffff;
	[tilespmem:v0+s20+$0x30 ss:$0x1] =	vst.idx.msk $0xffff, v1  }
0x50: {  	v8 =	vld.idx.msk [tilespmem:v0+s21+$0x20 ss:$0x1], $0xffff;
	[tilespmem:v0+s20+$0x40 ss:$0x1] =	vst.idx.msk $0xffff, v2  }
0x51: {  	v1 =	vld.idx.msk [tilespmem:v0+s21+$0x30 ss:$0x1], $0xffff;
	[tilespmem:v0+s20+$0x50 ss:$0x1] =	vst.idx.msk $0xffff, v3  }
.Ltmp4:
0x52: {  	v2 =	vld.idx.msk [tilespmem:v0+s21+$0x40 ss:$0x1], $0xffff;
	[tilespmem:v0+s20+$0x60 ss:$0x1] =	vst.idx.msk $0xffff, v4;
	(pc) =	sbr.rel @p1 .LBB1_6-.Ltmp4, $4  }
0x53: {  	v3 =	vld.idx.msk [tilespmem:v0+s21+$0x50 ss:$0x1], $0xffff;
	[tilespmem:v0+s20+$0x0 ss:$0x1] =	vst.idx.msk $0xffff, v5;
	s20 =	sadd.s32 $0x100, s20  }
0x54: {  	v4 =	vld.idx.msk [tilespmem:v0+s21+$0x60 ss:$0x1], $0xffff;
	[tilespmem:v0+s20+$0x70 ss:$0x1] =	vst.idx.msk $0xffff, v6  }
0x55: {  	v5 =	vld.idx.msk [tilespmem:v0+s21+$0x0 ss:$0x1], $0xffff;
	[tilespmem:v0+s20+$0x10 ss:$0x1] =	vst.idx.msk $0xffff, v7;
	s21 =	sadd.s32 $0x80, s21  }
0x56: {  	s22 =	sadd.s32 $0xFFFFFFFF, s22;
	v6 =	vld.idx.msk [tilespmem:v0+s21+$0x70 ss:$0x1], $0xffff;
	[tilespmem:v0+s20+$0x20 ss:$0x1] =	vst.idx.msk $0xffff, v8  }
0x57: {  	_ =	sdelay $0x3  }
0x58: {  	[tilespmem:v0+s20+$0x30 ss:$0x1] =	vst.idx.msk $0xffff, v1  }
0x59: {  	v1 =	vld.idx.msk [tilespmem:v0+s21+$0x10 ss:$0x1], $0xffff;
	[tilespmem:v0+s20+$0x40 ss:$0x1] =	vst.idx.msk $0xffff, v2  }
0x5a: {  	v2 =	vld.idx.msk [tilespmem:v0+s21+$0x20 ss:$0x1], $0xffff;
	[tilespmem:v0+s20+$0x50 ss:$0x1] =	vst.idx.msk $0xffff, v3  }
0x5b: {  	v61 =	vld.idx.msk [tilespmem:v0+s21+$0x40 ss:$0x1], $0xffff;
	[tilespmem:v0+s20+$0x60 ss:$0x1] =	vst.idx.msk $0xffff, v4  }
0x5c: {  	s31 =	sadd.s32 $0x100, s20;
	v62 =	vld.idx.msk [tilespmem:v0+s21+$0x50 ss:$0x1], $0xffff;
	[tilespmem:v0+s20+$0x0 ss:$0x1] =	vst.idx.msk $0xffff, v5  }
0x5d: {  	v63 =	vld.idx.msk [tilespmem:v0+s21+$0x60 ss:$0x1], $0xffff;
	[tilespmem:v0+s31+$0x70 ss:$0x1] =	vst.idx.msk $0xffff, v6  }
0x5e: {  	v3 =	vld.idx.msk [tilespmem:v0+s21+$0x30 ss:$0x1], $0xffff;
	[tilespmem:v0+s31+$0x10 ss:$0x1] =	vst.idx.msk $0xffff, v1  }
0x5f: {  	v1 =	vld.idx.msk [tilespmem:v0+s21+$0x0 ss:$0x1], $0xffff;
	[tilespmem:v0+s31+$0x20 ss:$0x1] =	vst.idx.msk $0xffff, v2  }
.Ltmp5:
0x60: {  	[tilespmem:v0+s31+$0x40 ss:$0x1] =	vst.idx.msk $0xffff, v61;
	(pc) =	sbr.rel @p0 .LBB1_5-.Ltmp5, $4  }
0x61: {  	[tilespmem:v0+s31+$0x50 ss:$0x1] =	vst.idx.msk $0xffff, v62  }
0x62: {  	[tilespmem:v0+s31+$0x60 ss:$0x1] =	vst.idx.msk $0xffff, v63  }
0x63: {  	[tilespmem:v0+s31+$0x30 ss:$0x1] =	vst.idx.msk $0xffff, v3  }
0x64: {  	p1 =	por $0x0, $0x0;
	s20 =	simm.s32 $0x1;
	[tilespmem:v0+s31+$0x0 ss:$0x1] =	vst.idx.msk $0xffff, v1  }
0x65: {  	s19 =	sadd.s32 $0x1, s19  }
0x66: {  	p0 =	sne.s32 s19, s15  }
.Ltmp6:
0x67: {  	_ = 	snop;
	(pc) =	sbr.rel @p0 .LBB1_4-.Ltmp6, $4  }
.Ltmp7:
0x68: {  	_ = 	snop;
	(pc) =	sbr.rel @!p0 .LBB1_9-.Ltmp7, $4  }
0x69: {  	_ = 	snop  }
0x6a: {  	_ = 	snop  }
0x6b: {  	s18 =	sadd.s32 $0x2000, s18  }
0x6c: {  	_ = 	snop  }
.LBB1_11:
0x6d: {  	_ =	sfence.sel $0x180000  }
0x6e: {  	s2 =	simm.s32 $0x1;
	[bflag:$0x0] =	sbarrier.arrive $0xFFFF  }
0x6f: {  	s31 =	simm.s32 $0x2;
	[sflag:s2] =	ssyncpa.u1 $0x1  }
0x70: {  	[sflag:s31] =	ssyncpa.u1 $0x1  }
0x71: {  	p0 =	sne.s32 s1, $0x0;
	_ =	strace $0x9000004A  }
0x72: {  	s0 =	sadd.s32 @!p0 $0x100000, s0;
	[bflag:$0x2] =	sbarrier.arrive $0xFFFF  }
0x73: {  	[sflag:s0] =	ssyncadd.tile.s32 @!p0 $0x1;
	_ =	shalt  }
.Lfunc_end1:
_tile_overlayer_lowered:
.L_overlay_start_2:
0x74: {  	(tag) =	ssettag $0x2  }
0x75: {  	s0 =	rddreg [dreg:$0x0];
	s2 =	stileid.u32  }
0x76: {  	s1 =	rddreg [dreg:$0x1];
	p0 =	sne.s32 s2, $0x0  }
0x77: {  	s3 =	rddreg [dreg:$0x2];
	[bflag:$0x3] =	sbarrier.arrive $0xFFFF;
	s2 =	simm.s32 @!p0 $0x1C01  }
0x78: {  	[timem:s3], [sflag:s2] =	dma.local @!p0 [hbm:s0], s1  }
0x79: {  	s0 =	simm.s32 @!p0 $0x1  }
0x7a: {  	_ =	swait.ge @!p0 [sflag:s0], s1  }
0x7b: {  	s1 =	ssub.s32 @!p0 $0x0, s1;
	[sflag:s0] =	ssyncset.done @!p0 $0x0  }
0x7c: {  	[sflag:s0] =	ssyncadd.s32 @!p0 s1  }
0x7d: {  	[bflag:$0x3] =	sbarrier.arrive $0xFFFF  }
0x7e: {  	_ =	shalt  }

</sc_bundles>
